<compile_context>
chip_gen: v7x
topology: tpu7x:2x2x1
jax: 0.10.2.dev20260603
libtpu: 0.0.44.dev20260713+nightly
codegen_flags: <defaults>
</compile_context>

<pallas_src>
import functools

import jax
import jax.numpy as jnp
from jax import lax
from jax.experimental import pallas as pl
from jax.experimental.pallas import tpu as pltpu
from jax.experimental.pallas import tpu_sc as plsc

P = 128
N = 10000
NA = 10240
E = 320000
EP = 327680
NW = 32
EPW = EP // NW
FCH = 128
SCH = 32
CHH = 32
RPS = NA // 16
G = 16
BN = 2048
T = 4



def _segsum_body(mu_hbm, src_hbm, dst_hbm, z_hbm, out_hbm,
                 src_v, dst_v, rows_v, acc_sh, sem):
    cid = lax.axis_index("c")
    sid = lax.axis_index("s")
    lo = sid * RPS

    def _phase(pbase):
        pltpu.sync_copy(src_hbm.at[pl.ds(pbase, CHH)], src_v)
        pltpu.sync_copy(dst_hbm.at[pl.ds(pbase, CHH)], dst_v)
        pltpu.async_copy(mu_hbm.at[src_v.at[0]], rows_v.at[0], sem.at[0])

        @pl.loop(0, CHH)
        def _chunk(c):
            b = lax.rem(c, 2)
            nb = 1 - b

            @pl.when(c + 1 < CHH)
            def _():
                pltpu.async_copy(mu_hbm.at[src_v.at[c + 1]], rows_v.at[nb],
                                 sem.at[nb])

            pltpu.make_async_copy(mu_hbm.at[src_v.at[c]], rows_v.at[b],
                                  sem.at[b]).wait()
            pltpu.sync_copy(rows_v.at[b], acc_sh.at[dst_v.at[c]], add=True)

    pltpu.sync_copy(z_hbm.at[pl.ds(lo, RPS)], acc_sh.at[pl.ds(lo, RPS)])
    plsc.subcore_barrier()

    base_w = jnp.where(cid == 0, sid * FCH, 16 * FCH + sid * SCH)
    _phase(base_w)
    for ph in range(1, FCH // CHH):
        @pl.when(cid == 0)
        def _():
            _phase(base_w + ph * CHH)

    plsc.subcore_barrier()
    pltpu.sync_copy(acc_sh.at[pl.ds(lo, RPS)], out_hbm.at[cid, pl.ds(lo, RPS)])


@functools.lru_cache(maxsize=1)
def _sc_kernels():
    mesh = plsc.VectorSubcoreMesh(core_axis_name="c", subcore_axis_name="s",
                                  num_cores=2, num_subcores=16)
    segsum = pl.kernel(
        _segsum_body,
        out_type=jax.ShapeDtypeStruct((2, NA, P), jnp.float32),
        mesh=mesh,
        scratch_types=[
            pltpu.VMEM((CHH, 128), jnp.int32),
            pltpu.VMEM((CHH, 128), jnp.int32),
            pltpu.VMEM((2, 128, P), jnp.float32),
            pltpu.VMEM_SHARED((NA, P), jnp.float32),
            pltpu.SemaphoreType.DMA((2,)),
        ],
    )
    return segsum




HI = NA // 128
BE = 4000


def _trunc(v):
    return v.astype(jnp.bfloat16).astype(jnp.float32)


def _deg_body(w_ref, dst_ref, out_ref):
    d = dst_ref[...]
    hi = d // 128
    lo = d % 128
    oh_hi = (hi == lax.broadcasted_iota(jnp.int32, (1, HI), 1)
             ).astype(jnp.float32)
    oh_lo = (lo == lax.broadcasted_iota(jnp.int32, (1, 128), 1)
             ).astype(jnp.float32)
    w = w_ref[...]
    apn = jnp.concatenate([oh_lo * jnp.maximum(w, 0.0),
                           oh_lo * jnp.maximum(-w, 0.0)], axis=1)
    dims = (((0,), (0,)), ((), ()))
    acc = jnp.zeros((HI, 2 * 128), jnp.float32)
    for _ in range(3):
        h = _trunc(apn)
        acc += lax.dot_general(oh_hi, h, dims,
                               preferred_element_type=jnp.float32)
        apn = apn - h

    @pl.when(pl.program_id(0) == 0)
    def _():
        out_ref[...] = jnp.zeros_like(out_ref)

    out_ref[0] += acc[:, :128]
    out_ref[1] += acc[:, 128:]


def _dotT(a, b):
    return lax.dot_general(_trunc(a), _trunc(b), (((1,), (1,)), ((), ())),
                           preferred_element_type=jnp.float32,
                           precision=lax.Precision.HIGHEST)


def _parts13(x_blk, deg_ref, w1_ref, w3_ref, w4_ref):
    part1 = x_blk * w1_ref[...][:, 0][None, :]
    w4 = w4_ref[...][:, 0]
    r4p = jnp.maximum(w4, 0.0)
    r4n = jnp.maximum(-w4, 0.0)
    dp = deg_ref[...][:, 0]
    dn = deg_ref[...][:, 1]
    agg_w = dp[:, None] * r4p[None, :] + dn[:, None] * r4n[None, :]
    part3 = _dotT(agg_w, w3_ref[...])
    return part1, part3


def _round0_body(x_ref, deg_ref, w1_ref, w3_ref, w4_ref, mu_ref):
    part1, part3 = _parts13(x_ref[...], deg_ref, w1_ref, w3_ref, w4_ref)
    mu_ref[...] = jnp.maximum(part1 + part3, 0.0)


def _round_body(acc_ref, x_ref, deg_ref, w1_ref, w2_ref, w3_ref, w4_ref, mu_ref):
    p2 = _dotT(acc_ref[0] + acc_ref[1], w2_ref[...])
    part1, part3 = _parts13(x_ref[...], deg_ref, w1_ref, w3_ref, w4_ref)
    mu_ref[...] = jnp.maximum((part1 + p2) + part3, 0.0)


def _pool_body(bid_ref, mu_ref, out_ref):
    oh = (bid_ref[...] == lax.broadcasted_iota(jnp.int32, (1, G), 1)
          ).astype(jnp.float32)
    part = lax.dot_general(oh, mu_ref[...], (((0,), (0,)), ((), ())),
                           preferred_element_type=jnp.float32, precision=lax.Precision.HIGHEST)

    @pl.when(pl.program_id(0) == 0)
    def _():
        out_ref[...] = jnp.zeros_like(out_ref)

    out_ref[...] += part


def _head_body(pool_ref, bid_ref, mu_ref, w6_ref, w7_ref, w5_ref, out_ref):
    gp = _dotT(pool_ref[...], w6_ref[...])
    oh = (bid_ref[...] == lax.broadcasted_iota(jnp.int32, (1, G), 1)
          ).astype(jnp.float32)
    prep = lax.dot_general(oh, gp, (((1,), (0,)), ((), ())),
                           preferred_element_type=jnp.float32,
                           precision=lax.Precision.HIGHEST)
    h2 = _dotT(mu_ref[...], w7_ref[...])
    w5 = _trunc(w5_ref[...])
    va = w5[0, :P]
    vb = w5[0, P:]
    outa = lax.dot_general(_trunc(jnp.maximum(prep, 0.0)), va,
                           (((1,), (0,)), ((), ())),
                           preferred_element_type=jnp.float32,
                           precision=lax.Precision.HIGHEST)
    outb = lax.dot_general(_trunc(jnp.maximum(h2, 0.0)), vb,
                           (((1,), (0,)), ((), ())),
                           preferred_element_type=jnp.float32,
                           precision=lax.Precision.HIGHEST)
    out_ref[...] = (outa + outb)[:, None]


def _full(shape):
    return pl.BlockSpec(shape, lambda i: tuple(0 for _ in shape))


_ROW = lambda c: pl.BlockSpec((BN, c), lambda i: (i, 0))

_deg_call = pl.pallas_call(
    _deg_body,
    grid=(E // BE,),
    in_specs=[pl.BlockSpec((BE, 1), lambda i: (i, 0)),
              pl.BlockSpec((BE, 1), lambda i: (i, 0))],
    out_specs=_full((2, HI, 128)),
    out_shape=jax.ShapeDtypeStruct((2, HI, 128), jnp.float32),
)

_round0_call = pl.pallas_call(
    _round0_body,
    grid=(NA // BN,),
    in_specs=[_ROW(1), _ROW(2),
              _full((P, 1)), _full((P, P)), _full((P, 1))],
    out_specs=_ROW(P),
    out_shape=jax.ShapeDtypeStruct((NA, P), jnp.float32),
)

_round_call = pl.pallas_call(
    _round_body,
    grid=(NA // BN,),
    in_specs=[pl.BlockSpec((2, BN, P), lambda i: (0, i, 0)), _ROW(1), _ROW(2),
              _full((P, 1)), _full((P, P)), _full((P, P)), _full((P, 1))],
    out_specs=_ROW(P),
    out_shape=jax.ShapeDtypeStruct((NA, P), jnp.float32),
)

_pool_call = pl.pallas_call(
    _pool_body,
    grid=(NA // BN,),
    in_specs=[_ROW(1), _ROW(P)],
    out_specs=_full((G, P)),
    out_shape=jax.ShapeDtypeStruct((G, P), jnp.float32),
)

_head_call = pl.pallas_call(
    _head_body,
    grid=(NA // BN,),
    in_specs=[_full((G, P)), _ROW(1), _ROW(P),
              _full((P, P)), _full((P, P)), _full((1, 2 * P))],
    out_specs=_ROW(1),
    out_shape=jax.ShapeDtypeStruct((NA, 1), jnp.float32),
)


def kernel(x, mu, weight, edge_index, batch_ids, W1s, W2s, W3s, W4s, W5, W6, W7):
    src = edge_index[0].astype(jnp.int32)
    dst = edge_index[1].astype(jnp.int32)
    pad_e = EP - E
    src2d = jnp.concatenate([src, jnp.zeros((pad_e,), jnp.int32)]
                            ).reshape(EP // 128, 128)
    dst2d = jnp.concatenate([dst, jnp.full((pad_e,), N, jnp.int32)]
                            ).reshape(EP // 128, 128)
    bid2d = jnp.concatenate([batch_ids.astype(jnp.int32),
                             jnp.full((NA - N,), G, jnp.int32)]).reshape(NA, 1)
    xp = jnp.concatenate([x, jnp.zeros((NA - N, 1), jnp.float32)])
    zeros = jnp.zeros((NA, P), jnp.float32)

    segsum_call = _sc_kernels()
    deg3d = _deg_call(weight, dst.reshape(E, 1))
    deg = deg3d.reshape(2, NA).T
    mu_c = _round0_call(xp, deg, W1s[0], W3s[0], W4s[0])
    for t in range(1, T):
        acc = segsum_call(mu_c, src2d, dst2d, zeros)
        mu_c = _round_call(acc, xp, deg, W1s[t], W2s[t], W3s[t], W4s[t])
    pool = _pool_call(bid2d, mu_c)
    out = _head_call(pool, bid2d, mu_c, W6, W7, W5)
    return out[:N]

# --- scband reference (transcript-rebuilt; emitter-appended) ---
"""Pipeline reference for scband-q-s2v-45105746542765 (READ-ONLY COPY).

The authoritative reference and input builder live on the scoring server;
editing this copy changes nothing except your own understanding.
"""

import jax, jax.numpy as jnp
import numpy as np

P_DIM = 128
T = 4
N = 10000
E = 320000
G = 16


def setup_inputs(seed: int = 0) -> dict:
    key = jax.random.key(seed)
    ks = jax.random.split(key, 12)
    x = jax.random.uniform(ks[0], (N, 1), dtype=jnp.float32)
    mu = jnp.zeros((N, P_DIM), dtype=jnp.float32)
    weight = jax.random.uniform(ks[1], (E, 1), dtype=jnp.float32)
    edge_index = jax.random.randint(ks[2], (2, E), 0, N, dtype=jnp.int64)
    batch_ids = jnp.sort(jax.random.randint(ks[3], (N,), 0, G, dtype=jnp.int64))
    # learned parameters: per-layer s2v weights stacked over T, plus Q-head weights
    s = 1.0 / np.sqrt(P_DIM)
    W1s = jax.random.normal(ks[4], (T, P_DIM, 1), dtype=jnp.float32) * 1.0
    W2s = jax.random.normal(ks[5], (T, P_DIM, P_DIM), dtype=jnp.float32) * s
    W3s = jax.random.normal(ks[6], (T, P_DIM, P_DIM), dtype=jnp.float32) * s
    W4s = jax.random.normal(ks[7], (T, P_DIM, 1), dtype=jnp.float32) * 1.0
    W5 = jax.random.normal(ks[8], (1, 2 * P_DIM), dtype=jnp.float32) * (1.0 / np.sqrt(2 * P_DIM))
    W6 = jax.random.normal(ks[9], (P_DIM, P_DIM), dtype=jnp.float32) * s
    W7 = jax.random.normal(ks[10], (P_DIM, P_DIM), dtype=jnp.float32) * s
    return {"x": x, "mu": mu, "weight": weight, "edge_index": edge_index,
            "batch_ids": batch_ids, "W1s": W1s, "W2s": W2s, "W3s": W3s,
            "W4s": W4s, "W5": W5, "W6": W6, "W7": W7}


def reference(x, mu, weight, edge_index, batch_ids, W1s, W2s, W3s, W4s, W5, W6, W7):
    src = edge_index[0]
    dst = edge_index[1]
    # T rounds of structure2vec message passing (s2v submodules)
    for t in range(T):
        part1 = x @ W1s[t].T                                    # theta1(x)
        agg_mu = jax.ops.segment_sum(mu[src], dst, num_segments=N)
        part2 = agg_mu @ W2s[t].T                               # theta2(scatter_add(mu[src], dst))
        w = jax.nn.relu(weight @ W4s[t].T)                      # relu(theta4(edge_weight))
        agg_w = jax.ops.segment_sum(w, dst, num_segments=N)
        part3 = agg_w @ W3s[t].T                                # theta3(scatter_add(w, dst))
        mu = jax.nn.relu(part1 + part2 + part3)
    # global add pool per graph -> theta6 -> repeat back to nodes
    graph_pool = jax.ops.segment_sum(mu, batch_ids, num_segments=G) @ W6.T
    pool_rep = graph_pool[batch_ids]
    cat = jax.nn.relu(jnp.concatenate([pool_rep, mu @ W7.T], axis=1))
    return cat @ W5.T

if __name__ == "__main__":
    import jax
    _d = setup_inputs()
    print(jax.jit(kernel)(*tuple(_d.values())))

</pallas_src>

<mosaic_0001>
#map = affine_map<(d0, d1) -> (0, 0)>
#map1 = affine_map<(d0, d1) -> (0, 0, 0)>
module attributes {stable_mosaic.version = 14 : i64} {
  func.func @_segsum_body(%arg0: i32, %arg1: i32, %arg2: memref<10240x128xf32, #tpu.memory_space<hbm>>, %arg3: memref<2560x128xi32, #tpu.memory_space<hbm>>, %arg4: memref<2560x128xi32, #tpu.memory_space<hbm>>, %arg5: memref<10240x128xf32, #tpu.memory_space<hbm>>, %arg6: memref<2x10240x128xf32, #tpu.memory_space<hbm>>, %arg7: memref<32x128xi32, #tpu.memory_space<vmem>>, %arg8: memref<32x128xi32, #tpu.memory_space<vmem>>, %arg9: memref<2x128x128xf32, #tpu.memory_space<vmem>>, %arg10: memref<10240x128xf32, #tpu.memory_space<vmem_shared>>, %arg11: memref<2x!tpu.dma_semaphore, #tpu.memory_space<semaphore_mem>>) attributes {dimension_semantics = [#tpu.dimension_semantics<core_parallel>, #tpu.dimension_semantics<subcore_parallel>], iteration_bounds = array<i64: 2, 16>, scalar_prefetch = 0 : i64, scratch_operands = 5 : i64, tpu.core_type = #tpu.core_type<sc_vector_subcore>, window_params = [{transform_indices = #map}, {transform_indices = #map}, {transform_indices = #map}, {transform_indices = #map}, {transform_indices = #map1}]} {
    %mul3A = arith.constant 640 : i32
    %mul3A_0 = arith.muli %arg1, %mul3A : i32
    "tpu.region"() ({
      %run_scoped3A = tpu.sem_alloc : memref<!tpu.dma_semaphore, #tpu.memory_space<semaphore_mem>>
      %dma_start3A_39 = arith.constant 0 : i32
      %dma_start3A_40 = tpu.memref_slice %arg10[%mul3A_0, %dma_start3A_39] : memref<10240x128xf32, #tpu.memory_space<vmem_shared>> -> memref<640x128xf32, #tpu.memory_space<vmem_shared>>
      %dma_start3A_41 = arith.constant 0 : i32
      %dma_start3A_42 = tpu.memref_slice %arg5[%mul3A_0, %dma_start3A_41] : memref<10240x128xf32, #tpu.memory_space<hbm>> -> memref<640x128xf32, #tpu.memory_space<hbm>>
      tpu.enqueue_dma source(%dma_start3A_42 : memref<640x128xf32, #tpu.memory_space<hbm>>) target(%dma_start3A_40 : memref<640x128xf32, #tpu.memory_space<vmem_shared>>) target_semaphore(%run_scoped3A : memref<!tpu.dma_semaphore, #tpu.memory_space<semaphore_mem>>)
      %dma_wait3A = arith.constant 0 : i32
      %dma_wait3A_43 = tpu.memref_slice %arg10[%mul3A_0, %dma_wait3A] : memref<10240x128xf32, #tpu.memory_space<vmem_shared>> -> memref<640x128xf32, #tpu.memory_space<vmem_shared>>
      %dma_wait3A_44 = arith.constant 0 : i32
      %dma_wait3A_45 = tpu.memref_slice %arg5[%mul3A_0, %dma_wait3A_44] : memref<10240x128xf32, #tpu.memory_space<hbm>> -> memref<640x128xf32, #tpu.memory_space<hbm>>
      tpu.wait_dma2 semaphore(%run_scoped3A : memref<!tpu.dma_semaphore, #tpu.memory_space<semaphore_mem>>) src(%dma_wait3A_45 : memref<640x128xf32, #tpu.memory_space<hbm>>) dst(%dma_wait3A_43 : memref<640x128xf32, #tpu.memory_space<vmem_shared>>)
      tpu.yield
    }) : () -> ()
    %barrier3A = arith.constant 0 : index
    tpu.barrier barrier_id(%barrier3A)
    %eq3A = arith.constant 0 : i32
    %eq3A_1 = arith.cmpi eq, %arg0, %eq3A : i32
    %mul3A_2 = arith.constant 128 : i32
    %mul3A_3 = arith.muli %arg1, %mul3A_2 : i32
    %mul3A_4 = arith.constant 32 : i32
    %mul3A_5 = arith.muli %arg1, %mul3A_4 : i32
    %add3A = arith.constant 2048 : i32
    %add3A_6 = arith.addi %add3A, %mul3A_5 : i32
    %select_n3A = arith.select %eq3A_1, %mul3A_3, %add3A_6 : i32
    "tpu.region"() ({
      %run_scoped3A = tpu.sem_alloc : memref<!tpu.dma_semaphore, #tpu.memory_space<semaphore_mem>>
      %dma_start3A_39 = arith.constant 0 : i32
      %dma_start3A_40 = tpu.memref_slice %arg3[%select_n3A, %dma_start3A_39] : memref<2560x128xi32, #tpu.memory_space<hbm>> -> memref<32x128xi32, #tpu.memory_space<hbm>>
      %dma_start3A_41 = arith.constant 0 : i32
      %dma_start3A_42 = tpu.memref_slice %arg3[%select_n3A, %dma_start3A_41] : memref<2560x128xi32, #tpu.memory_space<hbm>> -> memref<32x128xi32, #tpu.memory_space<hbm>>
      tpu.enqueue_dma source(%dma_start3A_42 : memref<32x128xi32, #tpu.memory_space<hbm>>) target(%arg7 : memref<32x128xi32, #tpu.memory_space<vmem>>) target_semaphore(%run_scoped3A : memref<!tpu.dma_semaphore, #tpu.memory_space<semaphore_mem>>)
      %dma_wait3A = arith.constant 0 : i32
      %dma_wait3A_43 = tpu.memref_slice %arg3[%select_n3A, %dma_wait3A] : memref<2560x128xi32, #tpu.memory_space<hbm>> -> memref<32x128xi32, #tpu.memory_space<hbm>>
      %dma_wait3A_44 = arith.constant 0 : i32
      %dma_wait3A_45 = tpu.memref_slice %arg3[%select_n3A, %dma_wait3A_44] : memref<2560x128xi32, #tpu.memory_space<hbm>> -> memref<32x128xi32, #tpu.memory_space<hbm>>
      tpu.wait_dma2 semaphore(%run_scoped3A : memref<!tpu.dma_semaphore, #tpu.memory_space<semaphore_mem>>) src(%dma_wait3A_45 : memref<32x128xi32, #tpu.memory_space<hbm>>) dst(%arg7 : memref<32x128xi32, #tpu.memory_space<vmem>>)
      tpu.yield
    }) : () -> ()
    "tpu.region"() ({
      %run_scoped3A = tpu.sem_alloc : memref<!tpu.dma_semaphore, #tpu.memory_space<semaphore_mem>>
      %dma_start3A_39 = arith.constant 0 : i32
      %dma_start3A_40 = tpu.memref_slice %arg4[%select_n3A, %dma_start3A_39] : memref<2560x128xi32, #tpu.memory_space<hbm>> -> memref<32x128xi32, #tpu.memory_space<hbm>>
      %dma_start3A_41 = arith.constant 0 : i32
      %dma_start3A_42 = tpu.memref_slice %arg4[%select_n3A, %dma_start3A_41] : memref<2560x128xi32, #tpu.memory_space<hbm>> -> memref<32x128xi32, #tpu.memory_space<hbm>>
      tpu.enqueue_dma source(%dma_start3A_42 : memref<32x128xi32, #tpu.memory_space<hbm>>) target(%arg8 : memref<32x128xi32, #tpu.memory_space<vmem>>) target_semaphore(%run_scoped3A : memref<!tpu.dma_semaphore, #tpu.memory_space<semaphore_mem>>)
      %dma_wait3A = arith.constant 0 : i32
      %dma_wait3A_43 = tpu.memref_slice %arg4[%select_n3A, %dma_wait3A] : memref<2560x128xi32, #tpu.memory_space<hbm>> -> memref<32x128xi32, #tpu.memory_space<hbm>>
      %dma_wait3A_44 = arith.constant 0 : i32
      %dma_wait3A_45 = tpu.memref_slice %arg4[%select_n3A, %dma_wait3A_44] : memref<2560x128xi32, #tpu.memory_space<hbm>> -> memref<32x128xi32, #tpu.memory_space<hbm>>
      tpu.wait_dma2 semaphore(%run_scoped3A : memref<!tpu.dma_semaphore, #tpu.memory_space<semaphore_mem>>) src(%dma_wait3A_45 : memref<32x128xi32, #tpu.memory_space<hbm>>) dst(%arg8 : memref<32x128xi32, #tpu.memory_space<vmem>>)
      tpu.yield
    }) : () -> ()
    %dma_start3A = arith.constant 0 : i32
    %dma_start3A_7 = arith.constant 0 : i32
    %dma_start3A_8 = arith.constant 0 : i32
    %dma_start3A_9 = arith.constant 0 : i32
    %dma_start3A_10 = arith.constant 0 : i32
    %dma_start3A_11 = tpu.memref_slice %arg9[%dma_start3A_7, %dma_start3A_9, %dma_start3A_10] : memref<2x128x128xf32, #tpu.memory_space<vmem>> -> memref<1x128x128xf32, #tpu.memory_space<vmem>>
    %dma_start3A_12 = tpu.memref_squeeze %dma_start3A_11 : memref<1x128x128xf32, #tpu.memory_space<vmem>> -> memref<128x128xf32, #tpu.memory_space<vmem>>
    %dma_start3A_13 = arith.constant 0 : i32
    %dma_start3A_14 = tpu.memref_slice %arg7[%dma_start3A, %dma_start3A_13] : memref<32x128xi32, #tpu.memory_space<vmem>> -> memref<1x128xi32, #tpu.memory_space<vmem>>
    %dma_start3A_15 = tpu.memref_squeeze %dma_start3A_14 : memref<1x128xi32, #tpu.memory_space<vmem>> -> memref<128xi32, #tpu.memory_space<vmem>>
    %dma_start3A_16 = arith.constant 0 : i32
    %dma_start3A_17 = arith.constant 0 : i32
    %dma_start3A_18 = tpu.memref_slice %arg2[%dma_start3A_16, %dma_start3A_17] : memref<10240x128xf32, #tpu.memory_space<hbm>> -> memref<10240x128xf32, #tpu.memory_space<hbm>>
    %dma_start3A_19 = tpu.memref_slice %arg11[%dma_start3A_8] : memref<2x!tpu.dma_semaphore, #tpu.memory_space<semaphore_mem>> -> memref<1x!tpu.dma_semaphore, #tpu.memory_space<semaphore_mem>>
    %dma_start3A_20 = tpu.memref_squeeze %dma_start3A_19 : memref<1x!tpu.dma_semaphore, #tpu.memory_space<semaphore_mem>> -> memref<!tpu.dma_semaphore, #tpu.memory_space<semaphore_mem>>
    tpu.enqueue_indirect_dma source(%dma_start3A_18 : memref<10240x128xf32, #tpu.memory_space<hbm>>) target(%dma_start3A_12 : memref<128x128xf32, #tpu.memory_space<vmem>>) offsets(%dma_start3A_15 : memref<128xi32, #tpu.memory_space<vmem>>) semaphore(%dma_start3A_20 : memref<!tpu.dma_semaphore, #tpu.memory_space<semaphore_mem>>)
    %scan3A = arith.constant 0 : i32
    %scan3A_21 = arith.constant 32 : i32
    %scan3A_22 = arith.addi %scan3A, %scan3A_21 : i32
    %scan3A_23 = arith.constant 1 : i32
    scf.for %scan3A_39 = %scan3A to %scan3A_22 step %scan3A_23  : i32 {
      %mul3A_40 = arith.constant 1 : i32
      %mul3A_41 = arith.muli %scan3A_39, %mul3A_40 : i32
      %add3A_42 = arith.constant 0 : i32
      %add3A_43 = arith.addi %add3A_42, %mul3A_41 : i32
      %rem3A = arith.constant 2 : i32
      %rem3A_44 = arith.remsi %add3A_43, %rem3A : i32
      %sub3A = arith.constant 1 : i32
      %sub3A_45 = arith.subi %sub3A, %rem3A_44 : i32
      %add3A_46 = arith.constant 1 : i32
      %add3A_47 = arith.addi %add3A_43, %add3A_46 : i32
      %lt3A = arith.constant 32 : i32
      %lt3A_48 = arith.cmpi slt, %add3A_47, %lt3A : i32
      %convert_element_type3A_49 = arith.extui %lt3A_48 : i1 to i32
      %cond3A_50 = arith.constant 0 : i32
      %cond3A_51 = arith.cmpi ne, %convert_element_type3A_49, %cond3A_50 : i32
      scf.if %cond3A_51 {
        %add3A_63 = arith.constant 1 : i32
        %add3A_64 = arith.addi %add3A_43, %add3A_63 : i32
        %dma_start3A_65 = arith.constant 0 : i32
        %dma_start3A_66 = arith.constant 0 : i32
        %dma_start3A_67 = tpu.memref_slice %arg9[%sub3A_45, %dma_start3A_65, %dma_start3A_66] : memref<2x128x128xf32, #tpu.memory_space<vmem>> -> memref<1x128x128xf32, #tpu.memory_space<vmem>>
        %dma_start3A_68 = tpu.memref_squeeze %dma_start3A_67 : memref<1x128x128xf32, #tpu.memory_space<vmem>> -> memref<128x128xf32, #tpu.memory_space<vmem>>
        %dma_start3A_69 = arith.constant 0 : i32
        %dma_start3A_70 = tpu.memref_slice %arg7[%add3A_64, %dma_start3A_69] : memref<32x128xi32, #tpu.memory_space<vmem>> -> memref<1x128xi32, #tpu.memory_space<vmem>>
        %dma_start3A_71 = tpu.memref_squeeze %dma_start3A_70 : memref<1x128xi32, #tpu.memory_space<vmem>> -> memref<128xi32, #tpu.memory_space<vmem>>
        %dma_start3A_72 = arith.constant 0 : i32
        %dma_start3A_73 = arith.constant 0 : i32
        %dma_start3A_74 = tpu.memref_slice %arg2[%dma_start3A_72, %dma_start3A_73] : memref<10240x128xf32, #tpu.memory_space<hbm>> -> memref<10240x128xf32, #tpu.memory_space<hbm>>
        %dma_start3A_75 = tpu.memref_slice %arg11[%sub3A_45] : memref<2x!tpu.dma_semaphore, #tpu.memory_space<semaphore_mem>> -> memref<1x!tpu.dma_semaphore, #tpu.memory_space<semaphore_mem>>
        %dma_start3A_76 = tpu.memref_squeeze %dma_start3A_75 : memref<1x!tpu.dma_semaphore, #tpu.memory_space<semaphore_mem>> -> memref<!tpu.dma_semaphore, #tpu.memory_space<semaphore_mem>>
        tpu.enqueue_indirect_dma source(%dma_start3A_74 : memref<10240x128xf32, #tpu.memory_space<hbm>>) target(%dma_start3A_68 : memref<128x128xf32, #tpu.memory_space<vmem>>) offsets(%dma_start3A_71 : memref<128xi32, #tpu.memory_space<vmem>>) semaphore(%dma_start3A_76 : memref<!tpu.dma_semaphore, #tpu.memory_space<semaphore_mem>>)
      } else {
      }
      %dma_wait3A = arith.constant 0 : i32
      %dma_wait3A_52 = arith.constant 0 : i32
      %dma_wait3A_53 = tpu.memref_slice %arg9[%rem3A_44, %dma_wait3A, %dma_wait3A_52] : memref<2x128x128xf32, #tpu.memory_space<vmem>> -> memref<1x128x128xf32, #tpu.memory_space<vmem>>
      %dma_wait3A_54 = tpu.memref_squeeze %dma_wait3A_53 : memref<1x128x128xf32, #tpu.memory_space<vmem>> -> memref<128x128xf32, #tpu.memory_space<vmem>>
      %dma_wait3A_55 = arith.constant 0 : i32
      %dma_wait3A_56 = tpu.memref_slice %arg7[%add3A_43, %dma_wait3A_55] : memref<32x128xi32, #tpu.memory_space<vmem>> -> memref<1x128xi32, #tpu.memory_space<vmem>>
      %dma_wait3A_57 = tpu.memref_squeeze %dma_wait3A_56 : memref<1x128xi32, #tpu.memory_space<vmem>> -> memref<128xi32, #tpu.memory_space<vmem>>
      %dma_wait3A_58 = arith.constant 0 : i32
      %dma_wait3A_59 = arith.constant 0 : i32
      %dma_wait3A_60 = tpu.memref_slice %arg2[%dma_wait3A_58, %dma_wait3A_59] : memref<10240x128xf32, #tpu.memory_space<hbm>> -> memref<10240x128xf32, #tpu.memory_space<hbm>>
      %dma_wait3A_61 = tpu.memref_slice %arg11[%rem3A_44] : memref<2x!tpu.dma_semaphore, #tpu.memory_space<semaphore_mem>> -> memref<1x!tpu.dma_semaphore, #tpu.memory_space<semaphore_mem>>
      %dma_wait3A_62 = tpu.memref_squeeze %dma_wait3A_61 : memref<1x!tpu.dma_semaphore, #tpu.memory_space<semaphore_mem>> -> memref<!tpu.dma_semaphore, #tpu.memory_space<semaphore_mem>>
      tpu.wait_indirect_dma semaphore(%dma_wait3A_62 : memref<!tpu.dma_semaphore, #tpu.memory_space<semaphore_mem>>) src(%dma_wait3A_60 : memref<10240x128xf32, #tpu.memory_space<hbm>>) dst(%dma_wait3A_54 : memref<128x128xf32, #tpu.memory_space<vmem>>)
      "tpu.region"() ({
        %run_scoped3A = tpu.sem_alloc : memref<!tpu.dma_semaphore, #tpu.memory_space<semaphore_mem>>
        %dma_start3A_63 = arith.constant 0 : i32
        %dma_start3A_64 = arith.constant 0 : i32
        %dma_start3A_65 = tpu.memref_slice %arg9[%rem3A_44, %dma_start3A_63, %dma_start3A_64] : memref<2x128x128xf32, #tpu.memory_space<vmem>> -> memref<1x128x128xf32, #tpu.memory_space<vmem>>
        %dma_start3A_66 = tpu.memref_squeeze %dma_start3A_65 : memref<1x128x128xf32, #tpu.memory_space<vmem>> -> memref<128x128xf32, #tpu.memory_space<vmem>>
        %dma_start3A_67 = arith.constant 0 : i32
        %dma_start3A_68 = tpu.memref_slice %arg8[%add3A_43, %dma_start3A_67] : memref<32x128xi32, #tpu.memory_space<vmem>> -> memref<1x128xi32, #tpu.memory_space<vmem>>
        %dma_start3A_69 = tpu.memref_squeeze %dma_start3A_68 : memref<1x128xi32, #tpu.memory_space<vmem>> -> memref<128xi32, #tpu.memory_space<vmem>>
        %dma_start3A_70 = arith.constant 0 : i32
        %dma_start3A_71 = arith.constant 0 : i32
        %dma_start3A_72 = tpu.memref_slice %arg10[%dma_start3A_70, %dma_start3A_71] : memref<10240x128xf32, #tpu.memory_space<vmem_shared>> -> memref<10240x128xf32, #tpu.memory_space<vmem_shared>>
        tpu.enqueue_indirect_dma source(%dma_start3A_66 : memref<128x128xf32, #tpu.memory_space<vmem>>) target(%dma_start3A_72 : memref<10240x128xf32, #tpu.memory_space<vmem_shared>>) offsets(%dma_start3A_69 : memref<128xi32, #tpu.memory_space<vmem>>) semaphore(%run_scoped3A : memref<!tpu.dma_semaphore, #tpu.memory_space<semaphore_mem>>) {add = true}
        %dma_wait3A_73 = arith.constant 0 : i32
        %dma_wait3A_74 = arith.constant 0 : i32
        %dma_wait3A_75 = tpu.memref_slice %arg9[%rem3A_44, %dma_wait3A_73, %dma_wait3A_74] : memref<2x128x128xf32, #tpu.memory_space<vmem>> -> memref<1x128x128xf32, #tpu.memory_space<vmem>>
        %dma_wait3A_76 = tpu.memref_squeeze %dma_wait3A_75 : memref<1x128x128xf32, #tpu.memory_space<vmem>> -> memref<128x128xf32, #tpu.memory_space<vmem>>
        %dma_wait3A_77 = arith.constant 0 : i32
        %dma_wait3A_78 = tpu.memref_slice %arg8[%add3A_43, %dma_wait3A_77] : memref<32x128xi32, #tpu.memory_space<vmem>> -> memref<1x128xi32, #tpu.memory_space<vmem>>
        %dma_wait3A_79 = tpu.memref_squeeze %dma_wait3A_78 : memref<1x128xi32, #tpu.memory_space<vmem>> -> memref<128xi32, #tpu.memory_space<vmem>>
        %dma_wait3A_80 = arith.constant 0 : i32
        %dma_wait3A_81 = arith.constant 0 : i32
        %dma_wait3A_82 = tpu.memref_slice %arg10[%dma_wait3A_80, %dma_wait3A_81] : memref<10240x128xf32, #tpu.memory_space<vmem_shared>> -> memref<10240x128xf32, #tpu.memory_space<vmem_shared>>
        tpu.wait_indirect_dma semaphore(%run_scoped3A : memref<!tpu.dma_semaphore, #tpu.memory_space<semaphore_mem>>) src(%dma_wait3A_76 : memref<128x128xf32, #tpu.memory_space<vmem>>) dst(%dma_wait3A_82 : memref<10240x128xf32, #tpu.memory_space<vmem_shared>>)
        tpu.yield
      }) : () -> ()
    }
    %scan3A_24 = arith.constant 32 : i32
    %eq3A_25 = arith.constant 0 : i32
    %eq3A_26 = arith.cmpi eq, %arg0, %eq3A_25 : i32
    %convert_element_type3A = arith.extui %eq3A_26 : i1 to i32
    %cond3A = arith.constant 0 : i32
    %cond3A_27 = arith.cmpi ne, %convert_element_type3A, %cond3A : i32
    scf.if %cond3A_27 {
      %add3A_39 = arith.constant 32 : i32
      %add3A_40 = arith.addi %select_n3A, %add3A_39 : i32
      "tpu.region"() ({
        %run_scoped3A = tpu.sem_alloc : memref<!tpu.dma_semaphore, #tpu.memory_space<semaphore_mem>>
        %dma_start3A_61 = arith.constant 0 : i32
        %dma_start3A_62 = tpu.memref_slice %arg3[%add3A_40, %dma_start3A_61] : memref<2560x128xi32, #tpu.memory_space<hbm>> -> memref<32x128xi32, #tpu.memory_space<hbm>>
        %dma_start3A_63 = arith.constant 0 : i32
        %dma_start3A_64 = tpu.memref_slice %arg3[%add3A_40, %dma_start3A_63] : memref<2560x128xi32, #tpu.memory_space<hbm>> -> memref<32x128xi32, #tpu.memory_space<hbm>>
        tpu.enqueue_dma source(%dma_start3A_64 : memref<32x128xi32, #tpu.memory_space<hbm>>) target(%arg7 : memref<32x128xi32, #tpu.memory_space<vmem>>) target_semaphore(%run_scoped3A : memref<!tpu.dma_semaphore, #tpu.memory_space<semaphore_mem>>)
        %dma_wait3A = arith.constant 0 : i32
        %dma_wait3A_65 = tpu.memref_slice %arg3[%add3A_40, %dma_wait3A] : memref<2560x128xi32, #tpu.memory_space<hbm>> -> memref<32x128xi32, #tpu.memory_space<hbm>>
        %dma_wait3A_66 = arith.constant 0 : i32
        %dma_wait3A_67 = tpu.memref_slice %arg3[%add3A_40, %dma_wait3A_66] : memref<2560x128xi32, #tpu.memory_space<hbm>> -> memref<32x128xi32, #tpu.memory_space<hbm>>
        tpu.wait_dma2 semaphore(%run_scoped3A : memref<!tpu.dma_semaphore, #tpu.memory_space<semaphore_mem>>) src(%dma_wait3A_67 : memref<32x128xi32, #tpu.memory_space<hbm>>) dst(%arg7 : memref<32x128xi32, #tpu.memory_space<vmem>>)
        tpu.yield
      }) : () -> ()
      "tpu.region"() ({
        %run_scoped3A = tpu.sem_alloc : memref<!tpu.dma_semaphore, #tpu.memory_space<semaphore_mem>>
        %dma_start3A_61 = arith.constant 0 : i32
        %dma_start3A_62 = tpu.memref_slice %arg4[%add3A_40, %dma_start3A_61] : memref<2560x128xi32, #tpu.memory_space<hbm>> -> memref<32x128xi32, #tpu.memory_space<hbm>>
        %dma_start3A_63 = arith.constant 0 : i32
        %dma_start3A_64 = tpu.memref_slice %arg4[%add3A_40, %dma_start3A_63] : memref<2560x128xi32, #tpu.memory_space<hbm>> -> memref<32x128xi32, #tpu.memory_space<hbm>>
        tpu.enqueue_dma source(%dma_start3A_64 : memref<32x128xi32, #tpu.memory_space<hbm>>) target(%arg8 : memref<32x128xi32, #tpu.memory_space<vmem>>) target_semaphore(%run_scoped3A : memref<!tpu.dma_semaphore, #tpu.memory_space<semaphore_mem>>)
        %dma_wait3A = arith.constant 0 : i32
        %dma_wait3A_65 = tpu.memref_slice %arg4[%add3A_40, %dma_wait3A] : memref<2560x128xi32, #tpu.memory_space<hbm>> -> memref<32x128xi32, #tpu.memory_space<hbm>>
        %dma_wait3A_66 = arith.constant 0 : i32
        %dma_wait3A_67 = tpu.memref_slice %arg4[%add3A_40, %dma_wait3A_66] : memref<2560x128xi32, #tpu.memory_space<hbm>> -> memref<32x128xi32, #tpu.memory_space<hbm>>
        tpu.wait_dma2 semaphore(%run_scoped3A : memref<!tpu.dma_semaphore, #tpu.memory_space<semaphore_mem>>) src(%dma_wait3A_67 : memref<32x128xi32, #tpu.memory_space<hbm>>) dst(%arg8 : memref<32x128xi32, #tpu.memory_space<vmem>>)
        tpu.yield
      }) : () -> ()
      %dma_start3A_41 = arith.constant 0 : i32
      %dma_start3A_42 = arith.constant 0 : i32
      %dma_start3A_43 = arith.constant 0 : i32
      %dma_start3A_44 = arith.constant 0 : i32
      %dma_start3A_45 = arith.constant 0 : i32
      %dma_start3A_46 = tpu.memref_slice %arg9[%dma_start3A_42, %dma_start3A_44, %dma_start3A_45] : memref<2x128x128xf32, #tpu.memory_space<vmem>> -> memref<1x128x128xf32, #tpu.memory_space<vmem>>
      %dma_start3A_47 = tpu.memref_squeeze %dma_start3A_46 : memref<1x128x128xf32, #tpu.memory_space<vmem>> -> memref<128x128xf32, #tpu.memory_space<vmem>>
      %dma_start3A_48 = arith.constant 0 : i32
      %dma_start3A_49 = tpu.memref_slice %arg7[%dma_start3A_41, %dma_start3A_48] : memref<32x128xi32, #tpu.memory_space<vmem>> -> memref<1x128xi32, #tpu.memory_space<vmem>>
      %dma_start3A_50 = tpu.memref_squeeze %dma_start3A_49 : memref<1x128xi32, #tpu.memory_space<vmem>> -> memref<128xi32, #tpu.memory_space<vmem>>
      %dma_start3A_51 = arith.constant 0 : i32
      %dma_start3A_52 = arith.constant 0 : i32
      %dma_start3A_53 = tpu.memref_slice %arg2[%dma_start3A_51, %dma_start3A_52] : memref<10240x128xf32, #tpu.memory_space<hbm>> -> memref<10240x128xf32, #tpu.memory_space<hbm>>
      %dma_start3A_54 = tpu.memref_slice %arg11[%dma_start3A_43] : memref<2x!tpu.dma_semaphore, #tpu.memory_space<semaphore_mem>> -> memref<1x!tpu.dma_semaphore, #tpu.memory_space<semaphore_mem>>
      %dma_start3A_55 = tpu.memref_squeeze %dma_start3A_54 : memref<1x!tpu.dma_semaphore, #tpu.memory_space<semaphore_mem>> -> memref<!tpu.dma_semaphore, #tpu.memory_space<semaphore_mem>>
      tpu.enqueue_indirect_dma source(%dma_start3A_53 : memref<10240x128xf32, #tpu.memory_space<hbm>>) target(%dma_start3A_47 : memref<128x128xf32, #tpu.memory_space<vmem>>) offsets(%dma_start3A_50 : memref<128xi32, #tpu.memory_space<vmem>>) semaphore(%dma_start3A_55 : memref<!tpu.dma_semaphore, #tpu.memory_space<semaphore_mem>>)
      %scan3A_56 = arith.constant 0 : i32
      %scan3A_57 = arith.constant 32 : i32
      %scan3A_58 = arith.addi %scan3A_56, %scan3A_57 : i32
      %scan3A_59 = arith.constant 1 : i32
      scf.for %scan3A_61 = %scan3A_56 to %scan3A_58 step %scan3A_59  : i32 {
        %mul3A_62 = arith.constant 1 : i32
        %mul3A_63 = arith.muli %scan3A_61, %mul3A_62 : i32
        %add3A_64 = arith.constant 0 : i32
        %add3A_65 = arith.addi %add3A_64, %mul3A_63 : i32
        %rem3A = arith.constant 2 : i32
        %rem3A_66 = arith.remsi %add3A_65, %rem3A : i32
        %sub3A = arith.constant 1 : i32
        %sub3A_67 = arith.subi %sub3A, %rem3A_66 : i32
        %add3A_68 = arith.constant 1 : i32
        %add3A_69 = arith.addi %add3A_65, %add3A_68 : i32
        %lt3A = arith.constant 32 : i32
        %lt3A_70 = arith.cmpi slt, %add3A_69, %lt3A : i32
        %convert_element_type3A_71 = arith.extui %lt3A_70 : i1 to i32
        %cond3A_72 = arith.constant 0 : i32
        %cond3A_73 = arith.cmpi ne, %convert_element_type3A_71, %cond3A_72 : i32
        scf.if %cond3A_73 {
          %add3A_85 = arith.constant 1 : i32
          %add3A_86 = arith.addi %add3A_65, %add3A_85 : i32
          %dma_start3A_87 = arith.constant 0 : i32
          %dma_start3A_88 = arith.constant 0 : i32
          %dma_start3A_89 = tpu.memref_slice %arg9[%sub3A_67, %dma_start3A_87, %dma_start3A_88] : memref<2x128x128xf32, #tpu.memory_space<vmem>> -> memref<1x128x128xf32, #tpu.memory_space<vmem>>
          %dma_start3A_90 = tpu.memref_squeeze %dma_start3A_89 : memref<1x128x128xf32, #tpu.memory_space<vmem>> -> memref<128x128xf32, #tpu.memory_space<vmem>>
          %dma_start3A_91 = arith.constant 0 : i32
          %dma_start3A_92 = tpu.memref_slice %arg7[%add3A_86, %dma_start3A_91] : memref<32x128xi32, #tpu.memory_space<vmem>> -> memref<1x128xi32, #tpu.memory_space<vmem>>
          %dma_start3A_93 = tpu.memref_squeeze %dma_start3A_92 : memref<1x128xi32, #tpu.memory_space<vmem>> -> memref<128xi32, #tpu.memory_space<vmem>>
          %dma_start3A_94 = arith.constant 0 : i32
          %dma_start3A_95 = arith.constant 0 : i32
          %dma_start3A_96 = tpu.memref_slice %arg2[%dma_start3A_94, %dma_start3A_95] : memref<10240x128xf32, #tpu.memory_space<hbm>> -> memref<10240x128xf32, #tpu.memory_space<hbm>>
          %dma_start3A_97 = tpu.memref_slice %arg11[%sub3A_67] : memref<2x!tpu.dma_semaphore, #tpu.memory_space<semaphore_mem>> -> memref<1x!tpu.dma_semaphore, #tpu.memory_space<semaphore_mem>>
          %dma_start3A_98 = tpu.memref_squeeze %dma_start3A_97 : memref<1x!tpu.dma_semaphore, #tpu.memory_space<semaphore_mem>> -> memref<!tpu.dma_semaphore, #tpu.memory_space<semaphore_mem>>
          tpu.enqueue_indirect_dma source(%dma_start3A_96 : memref<10240x128xf32, #tpu.memory_space<hbm>>) target(%dma_start3A_90 : memref<128x128xf32, #tpu.memory_space<vmem>>) offsets(%dma_start3A_93 : memref<128xi32, #tpu.memory_space<vmem>>) semaphore(%dma_start3A_98 : memref<!tpu.dma_semaphore, #tpu.memory_space<semaphore_mem>>)
        } else {
        }
        %dma_wait3A = arith.constant 0 : i32
        %dma_wait3A_74 = arith.constant 0 : i32
        %dma_wait3A_75 = tpu.memref_slice %arg9[%rem3A_66, %dma_wait3A, %dma_wait3A_74] : memref<2x128x128xf32, #tpu.memory_space<vmem>> -> memref<1x128x128xf32, #tpu.memory_space<vmem>>
        %dma_wait3A_76 = tpu.memref_squeeze %dma_wait3A_75 : memref<1x128x128xf32, #tpu.memory_space<vmem>> -> memref<128x128xf32, #tpu.memory_space<vmem>>
        %dma_wait3A_77 = arith.constant 0 : i32
        %dma_wait3A_78 = tpu.memref_slice %arg7[%add3A_65, %dma_wait3A_77] : memref<32x128xi32, #tpu.memory_space<vmem>> -> memref<1x128xi32, #tpu.memory_space<vmem>>
        %dma_wait3A_79 = tpu.memref_squeeze %dma_wait3A_78 : memref<1x128xi32, #tpu.memory_space<vmem>> -> memref<128xi32, #tpu.memory_space<vmem>>
        %dma_wait3A_80 = arith.constant 0 : i32
        %dma_wait3A_81 = arith.constant 0 : i32
        %dma_wait3A_82 = tpu.memref_slice %arg2[%dma_wait3A_80, %dma_wait3A_81] : memref<10240x128xf32, #tpu.memory_space<hbm>> -> memref<10240x128xf32, #tpu.memory_space<hbm>>
        %dma_wait3A_83 = tpu.memref_slice %arg11[%rem3A_66] : memref<2x!tpu.dma_semaphore, #tpu.memory_space<semaphore_mem>> -> memref<1x!tpu.dma_semaphore, #tpu.memory_space<semaphore_mem>>
        %dma_wait3A_84 = tpu.memref_squeeze %dma_wait3A_83 : memref<1x!tpu.dma_semaphore, #tpu.memory_space<semaphore_mem>> -> memref<!tpu.dma_semaphore, #tpu.memory_space<semaphore_mem>>
        tpu.wait_indirect_dma semaphore(%dma_wait3A_84 : memref<!tpu.dma_semaphore, #tpu.memory_space<semaphore_mem>>) src(%dma_wait3A_82 : memref<10240x128xf32, #tpu.memory_space<hbm>>) dst(%dma_wait3A_76 : memref<128x128xf32, #tpu.memory_space<vmem>>)
        "tpu.region"() ({
          %run_scoped3A = tpu.sem_alloc : memref<!tpu.dma_semaphore, #tpu.memory_space<semaphore_mem>>
          %dma_start3A_85 = arith.constant 0 : i32
          %dma_start3A_86 = arith.constant 0 : i32
          %dma_start3A_87 = tpu.memref_slice %arg9[%rem3A_66, %dma_start3A_85, %dma_start3A_86] : memref<2x128x128xf32, #tpu.memory_space<vmem>> -> memref<1x128x128xf32, #tpu.memory_space<vmem>>
          %dma_start3A_88 = tpu.memref_squeeze %dma_start3A_87 : memref<1x128x128xf32, #tpu.memory_space<vmem>> -> memref<128x128xf32, #tpu.memory_space<vmem>>
          %dma_start3A_89 = arith.constant 0 : i32
          %dma_start3A_90 = tpu.memref_slice %arg8[%add3A_65, %dma_start3A_89] : memref<32x128xi32, #tpu.memory_space<vmem>> -> memref<1x128xi32, #tpu.memory_space<vmem>>
          %dma_start3A_91 = tpu.memref_squeeze %dma_start3A_90 : memref<1x128xi32, #tpu.memory_space<vmem>> -> memref<128xi32, #tpu.memory_space<vmem>>
          %dma_start3A_92 = arith.constant 0 : i32
          %dma_start3A_93 = arith.constant 0 : i32
          %dma_start3A_94 = tpu.memref_slice %arg10[%dma_start3A_92, %dma_start3A_93] : memref<10240x128xf32, #tpu.memory_space<vmem_shared>> -> memref<10240x128xf32, #tpu.memory_space<vmem_shared>>
          tpu.enqueue_indirect_dma source(%dma_start3A_88 : memref<128x128xf32, #tpu.memory_space<vmem>>) target(%dma_start3A_94 : memref<10240x128xf32, #tpu.memory_space<vmem_shared>>) offsets(%dma_start3A_91 : memref<128xi32, #tpu.memory_space<vmem>>) semaphore(%run_scoped3A : memref<!tpu.dma_semaphore, #tpu.memory_space<semaphore_mem>>) {add = true}
          %dma_wait3A_95 = arith.constant 0 : i32
          %dma_wait3A_96 = arith.constant 0 : i32
          %dma_wait3A_97 = tpu.memref_slice %arg9[%rem3A_66, %dma_wait3A_95, %dma_wait3A_96] : memref<2x128x128xf32, #tpu.memory_space<vmem>> -> memref<1x128x128xf32, #tpu.memory_space<vmem>>
          %dma_wait3A_98 = tpu.memref_squeeze %dma_wait3A_97 : memref<1x128x128xf32, #tpu.memory_space<vmem>> -> memref<128x128xf32, #tpu.memory_space<vmem>>
          %dma_wait3A_99 = arith.constant 0 : i32
          %dma_wait3A_100 = tpu.memref_slice %arg8[%add3A_65, %dma_wait3A_99] : memref<32x128xi32, #tpu.memory_space<vmem>> -> memref<1x128xi32, #tpu.memory_space<vmem>>
          %dma_wait3A_101 = tpu.memref_squeeze %dma_wait3A_100 : memref<1x128xi32, #tpu.memory_space<vmem>> -> memref<128xi32, #tpu.memory_space<vmem>>
          %dma_wait3A_102 = arith.constant 0 : i32
          %dma_wait3A_103 = arith.constant 0 : i32
          %dma_wait3A_104 = tpu.memref_slice %arg10[%dma_wait3A_102, %dma_wait3A_103] : memref<10240x128xf32, #tpu.memory_space<vmem_shared>> -> memref<10240x128xf32, #tpu.memory_space<vmem_shared>>
          tpu.wait_indirect_dma semaphore(%run_scoped3A : memref<!tpu.dma_semaphore, #tpu.memory_space<semaphore_mem>>) src(%dma_wait3A_98 : memref<128x128xf32, #tpu.memory_space<vmem>>) dst(%dma_wait3A_104 : memref<10240x128xf32, #tpu.memory_space<vmem_shared>>)
          tpu.yield
        }) : () -> ()
      }
      %scan3A_60 = arith.constant 32 : i32
    } else {
    }
    %eq3A_28 = arith.constant 0 : i32
    %eq3A_29 = arith.cmpi eq, %arg0, %eq3A_28 : i32
    %convert_element_type3A_30 = arith.extui %eq3A_29 : i1 to i32
    %cond3A_31 = arith.constant 0 : i32
    %cond3A_32 = arith.cmpi ne, %convert_element_type3A_30, %cond3A_31 : i32
    scf.if %cond3A_32 {
      %add3A_39 = arith.constant 64 : i32
      %add3A_40 = arith.addi %select_n3A, %add3A_39 : i32
      "tpu.region"() ({
        %run_scoped3A = tpu.sem_alloc : memref<!tpu.dma_semaphore, #tpu.memory_space<semaphore_mem>>
        %dma_start3A_61 = arith.constant 0 : i32
        %dma_start3A_62 = tpu.memref_slice %arg3[%add3A_40, %dma_start3A_61] : memref<2560x128xi32, #tpu.memory_space<hbm>> -> memref<32x128xi32, #tpu.memory_space<hbm>>
        %dma_start3A_63 = arith.constant 0 : i32
        %dma_start3A_64 = tpu.memref_slice %arg3[%add3A_40, %dma_start3A_63] : memref<2560x128xi32, #tpu.memory_space<hbm>> -> memref<32x128xi32, #tpu.memory_space<hbm>>
        tpu.enqueue_dma source(%dma_start3A_64 : memref<32x128xi32, #tpu.memory_space<hbm>>) target(%arg7 : memref<32x128xi32, #tpu.memory_space<vmem>>) target_semaphore(%run_scoped3A : memref<!tpu.dma_semaphore, #tpu.memory_space<semaphore_mem>>)
        %dma_wait3A = arith.constant 0 : i32
        %dma_wait3A_65 = tpu.memref_slice %arg3[%add3A_40, %dma_wait3A] : memref<2560x128xi32, #tpu.memory_space<hbm>> -> memref<32x128xi32, #tpu.memory_space<hbm>>
        %dma_wait3A_66 = arith.constant 0 : i32
        %dma_wait3A_67 = tpu.memref_slice %arg3[%add3A_40, %dma_wait3A_66] : memref<2560x128xi32, #tpu.memory_space<hbm>> -> memref<32x128xi32, #tpu.memory_space<hbm>>
        tpu.wait_dma2 semaphore(%run_scoped3A : memref<!tpu.dma_semaphore, #tpu.memory_space<semaphore_mem>>) src(%dma_wait3A_67 : memref<32x128xi32, #tpu.memory_space<hbm>>) dst(%arg7 : memref<32x128xi32, #tpu.memory_space<vmem>>)
        tpu.yield
      }) : () -> ()
      "tpu.region"() ({
        %run_scoped3A = tpu.sem_alloc : memref<!tpu.dma_semaphore, #tpu.memory_space<semaphore_mem>>
        %dma_start3A_61 = arith.constant 0 : i32
        %dma_start3A_62 = tpu.memref_slice %arg4[%add3A_40, %dma_start3A_61] : memref<2560x128xi32, #tpu.memory_space<hbm>> -> memref<32x128xi32, #tpu.memory_space<hbm>>
        %dma_start3A_63 = arith.constant 0 : i32
        %dma_start3A_64 = tpu.memref_slice %arg4[%add3A_40, %dma_start3A_63] : memref<2560x128xi32, #tpu.memory_space<hbm>> -> memref<32x128xi32, #tpu.memory_space<hbm>>
        tpu.enqueue_dma source(%dma_start3A_64 : memref<32x128xi32, #tpu.memory_space<hbm>>) target(%arg8 : memref<32x128xi32, #tpu.memory_space<vmem>>) target_semaphore(%run_scoped3A : memref<!tpu.dma_semaphore, #tpu.memory_space<semaphore_mem>>)
        %dma_wait3A = arith.constant 0 : i32
        %dma_wait3A_65 = tpu.memref_slice %arg4[%add3A_40, %dma_wait3A] : memref<2560x128xi32, #tpu.memory_space<hbm>> -> memref<32x128xi32, #tpu.memory_space<hbm>>
        %dma_wait3A_66 = arith.constant 0 : i32
        %dma_wait3A_67 = tpu.memref_slice %arg4[%add3A_40, %dma_wait3A_66] : memref<2560x128xi32, #tpu.memory_space<hbm>> -> memref<32x128xi32, #tpu.memory_space<hbm>>
        tpu.wait_dma2 semaphore(%run_scoped3A : memref<!tpu.dma_semaphore, #tpu.memory_space<semaphore_mem>>) src(%dma_wait3A_67 : memref<32x128xi32, #tpu.memory_space<hbm>>) dst(%arg8 : memref<32x128xi32, #tpu.memory_space<vmem>>)
        tpu.yield
      }) : () -> ()
      %dma_start3A_41 = arith.constant 0 : i32
      %dma_start3A_42 = arith.constant 0 : i32
      %dma_start3A_43 = arith.constant 0 : i32
      %dma_start3A_44 = arith.constant 0 : i32
      %dma_start3A_45 = arith.constant 0 : i32
      %dma_start3A_46 = tpu.memref_slice %arg9[%dma_start3A_42, %dma_start3A_44, %dma_start3A_45] : memref<2x128x128xf32, #tpu.memory_space<vmem>> -> memref<1x128x128xf32, #tpu.memory_space<vmem>>
      %dma_start3A_47 = tpu.memref_squeeze %dma_start3A_46 : memref<1x128x128xf32, #tpu.memory_space<vmem>> -> memref<128x128xf32, #tpu.memory_space<vmem>>
      %dma_start3A_48 = arith.constant 0 : i32
      %dma_start3A_49 = tpu.memref_slice %arg7[%dma_start3A_41, %dma_start3A_48] : memref<32x128xi32, #tpu.memory_space<vmem>> -> memref<1x128xi32, #tpu.memory_space<vmem>>
      %dma_start3A_50 = tpu.memref_squeeze %dma_start3A_49 : memref<1x128xi32, #tpu.memory_space<vmem>> -> memref<128xi32, #tpu.memory_space<vmem>>
      %dma_start3A_51 = arith.constant 0 : i32
      %dma_start3A_52 = arith.constant 0 : i32
      %dma_start3A_53 = tpu.memref_slice %arg2[%dma_start3A_51, %dma_start3A_52] : memref<10240x128xf32, #tpu.memory_space<hbm>> -> memref<10240x128xf32, #tpu.memory_space<hbm>>
      %dma_start3A_54 = tpu.memref_slice %arg11[%dma_start3A_43] : memref<2x!tpu.dma_semaphore, #tpu.memory_space<semaphore_mem>> -> memref<1x!tpu.dma_semaphore, #tpu.memory_space<semaphore_mem>>
      %dma_start3A_55 = tpu.memref_squeeze %dma_start3A_54 : memref<1x!tpu.dma_semaphore, #tpu.memory_space<semaphore_mem>> -> memref<!tpu.dma_semaphore, #tpu.memory_space<semaphore_mem>>
      tpu.enqueue_indirect_dma source(%dma_start3A_53 : memref<10240x128xf32, #tpu.memory_space<hbm>>) target(%dma_start3A_47 : memref<128x128xf32, #tpu.memory_space<vmem>>) offsets(%dma_start3A_50 : memref<128xi32, #tpu.memory_space<vmem>>) semaphore(%dma_start3A_55 : memref<!tpu.dma_semaphore, #tpu.memory_space<semaphore_mem>>)
      %scan3A_56 = arith.constant 0 : i32
      %scan3A_57 = arith.constant 32 : i32
      %scan3A_58 = arith.addi %scan3A_56, %scan3A_57 : i32
      %scan3A_59 = arith.constant 1 : i32
      scf.for %scan3A_61 = %scan3A_56 to %scan3A_58 step %scan3A_59  : i32 {
        %mul3A_62 = arith.constant 1 : i32
        %mul3A_63 = arith.muli %scan3A_61, %mul3A_62 : i32
        %add3A_64 = arith.constant 0 : i32
        %add3A_65 = arith.addi %add3A_64, %mul3A_63 : i32
        %rem3A = arith.constant 2 : i32
        %rem3A_66 = arith.remsi %add3A_65, %rem3A : i32
        %sub3A = arith.constant 1 : i32
        %sub3A_67 = arith.subi %sub3A, %rem3A_66 : i32
        %add3A_68 = arith.constant 1 : i32
        %add3A_69 = arith.addi %add3A_65, %add3A_68 : i32
        %lt3A = arith.constant 32 : i32
        %lt3A_70 = arith.cmpi slt, %add3A_69, %lt3A : i32
        %convert_element_type3A_71 = arith.extui %lt3A_70 : i1 to i32
        %cond3A_72 = arith.constant 0 : i32
        %cond3A_73 = arith.cmpi ne, %convert_element_type3A_71, %cond3A_72 : i32
        scf.if %cond3A_73 {
          %add3A_85 = arith.constant 1 : i32
          %add3A_86 = arith.addi %add3A_65, %add3A_85 : i32
          %dma_start3A_87 = arith.constant 0 : i32
          %dma_start3A_88 = arith.constant 0 : i32
          %dma_start3A_89 = tpu.memref_slice %arg9[%sub3A_67, %dma_start3A_87, %dma_start3A_88] : memref<2x128x128xf32, #tpu.memory_space<vmem>> -> memref<1x128x128xf32, #tpu.memory_space<vmem>>
          %dma_start3A_90 = tpu.memref_squeeze %dma_start3A_89 : memref<1x128x128xf32, #tpu.memory_space<vmem>> -> memref<128x128xf32, #tpu.memory_space<vmem>>
          %dma_start3A_91 = arith.constant 0 : i32
          %dma_start3A_92 = tpu.memref_slice %arg7[%add3A_86, %dma_start3A_91] : memref<32x128xi32, #tpu.memory_space<vmem>> -> memref<1x128xi32, #tpu.memory_space<vmem>>
          %dma_start3A_93 = tpu.memref_squeeze %dma_start3A_92 : memref<1x128xi32, #tpu.memory_space<vmem>> -> memref<128xi32, #tpu.memory_space<vmem>>
          %dma_start3A_94 = arith.constant 0 : i32
          %dma_start3A_95 = arith.constant 0 : i32
          %dma_start3A_96 = tpu.memref_slice %arg2[%dma_start3A_94, %dma_start3A_95] : memref<10240x128xf32, #tpu.memory_space<hbm>> -> memref<10240x128xf32, #tpu.memory_space<hbm>>
          %dma_start3A_97 = tpu.memref_slice %arg11[%sub3A_67] : memref<2x!tpu.dma_semaphore, #tpu.memory_space<semaphore_mem>> -> memref<1x!tpu.dma_semaphore, #tpu.memory_space<semaphore_mem>>
          %dma_start3A_98 = tpu.memref_squeeze %dma_start3A_97 : memref<1x!tpu.dma_semaphore, #tpu.memory_space<semaphore_mem>> -> memref<!tpu.dma_semaphore, #tpu.memory_space<semaphore_mem>>
          tpu.enqueue_indirect_dma source(%dma_start3A_96 : memref<10240x128xf32, #tpu.memory_space<hbm>>) target(%dma_start3A_90 : memref<128x128xf32, #tpu.memory_space<vmem>>) offsets(%dma_start3A_93 : memref<128xi32, #tpu.memory_space<vmem>>) semaphore(%dma_start3A_98 : memref<!tpu.dma_semaphore, #tpu.memory_space<semaphore_mem>>)
        } else {
        }
        %dma_wait3A = arith.constant 0 : i32
        %dma_wait3A_74 = arith.constant 0 : i32
        %dma_wait3A_75 = tpu.memref_slice %arg9[%rem3A_66, %dma_wait3A, %dma_wait3A_74] : memref<2x128x128xf32, #tpu.memory_space<vmem>> -> memref<1x128x128xf32, #tpu.memory_space<vmem>>
        %dma_wait3A_76 = tpu.memref_squeeze %dma_wait3A_75 : memref<1x128x128xf32, #tpu.memory_space<vmem>> -> memref<128x128xf32, #tpu.memory_space<vmem>>
        %dma_wait3A_77 = arith.constant 0 : i32
        %dma_wait3A_78 = tpu.memref_slice %arg7[%add3A_65, %dma_wait3A_77] : memref<32x128xi32, #tpu.memory_space<vmem>> -> memref<1x128xi32, #tpu.memory_space<vmem>>
        %dma_wait3A_79 = tpu.memref_squeeze %dma_wait3A_78 : memref<1x128xi32, #tpu.memory_space<vmem>> -> memref<128xi32, #tpu.memory_space<vmem>>
        %dma_wait3A_80 = arith.constant 0 : i32
        %dma_wait3A_81 = arith.constant 0 : i32
        %dma_wait3A_82 = tpu.memref_slice %arg2[%dma_wait3A_80, %dma_wait3A_81] : memref<10240x128xf32, #tpu.memory_space<hbm>> -> memref<10240x128xf32, #tpu.memory_space<hbm>>
        %dma_wait3A_83 = tpu.memref_slice %arg11[%rem3A_66] : memref<2x!tpu.dma_semaphore, #tpu.memory_space<semaphore_mem>> -> memref<1x!tpu.dma_semaphore, #tpu.memory_space<semaphore_mem>>
        %dma_wait3A_84 = tpu.memref_squeeze %dma_wait3A_83 : memref<1x!tpu.dma_semaphore, #tpu.memory_space<semaphore_mem>> -> memref<!tpu.dma_semaphore, #tpu.memory_space<semaphore_mem>>
        tpu.wait_indirect_dma semaphore(%dma_wait3A_84 : memref<!tpu.dma_semaphore, #tpu.memory_space<semaphore_mem>>) src(%dma_wait3A_82 : memref<10240x128xf32, #tpu.memory_space<hbm>>) dst(%dma_wait3A_76 : memref<128x128xf32, #tpu.memory_space<vmem>>)
        "tpu.region"() ({
          %run_scoped3A = tpu.sem_alloc : memref<!tpu.dma_semaphore, #tpu.memory_space<semaphore_mem>>
          %dma_start3A_85 = arith.constant 0 : i32
          %dma_start3A_86 = arith.constant 0 : i32
          %dma_start3A_87 = tpu.memref_slice %arg9[%rem3A_66, %dma_start3A_85, %dma_start3A_86] : memref<2x128x128xf32, #tpu.memory_space<vmem>> -> memref<1x128x128xf32, #tpu.memory_space<vmem>>
          %dma_start3A_88 = tpu.memref_squeeze %dma_start3A_87 : memref<1x128x128xf32, #tpu.memory_space<vmem>> -> memref<128x128xf32, #tpu.memory_space<vmem>>
          %dma_start3A_89 = arith.constant 0 : i32
          %dma_start3A_90 = tpu.memref_slice %arg8[%add3A_65, %dma_start3A_89] : memref<32x128xi32, #tpu.memory_space<vmem>> -> memref<1x128xi32, #tpu.memory_space<vmem>>
          %dma_start3A_91 = tpu.memref_squeeze %dma_start3A_90 : memref<1x128xi32, #tpu.memory_space<vmem>> -> memref<128xi32, #tpu.memory_space<vmem>>
          %dma_start3A_92 = arith.constant 0 : i32
          %dma_start3A_93 = arith.constant 0 : i32
          %dma_start3A_94 = tpu.memref_slice %arg10[%dma_start3A_92, %dma_start3A_93] : memref<10240x128xf32, #tpu.memory_space<vmem_shared>> -> memref<10240x128xf32, #tpu.memory_space<vmem_shared>>
          tpu.enqueue_indirect_dma source(%dma_start3A_88 : memref<128x128xf32, #tpu.memory_space<vmem>>) target(%dma_start3A_94 : memref<10240x128xf32, #tpu.memory_space<vmem_shared>>) offsets(%dma_start3A_91 : memref<128xi32, #tpu.memory_space<vmem>>) semaphore(%run_scoped3A : memref<!tpu.dma_semaphore, #tpu.memory_space<semaphore_mem>>) {add = true}
          %dma_wait3A_95 = arith.constant 0 : i32
          %dma_wait3A_96 = arith.constant 0 : i32
          %dma_wait3A_97 = tpu.memref_slice %arg9[%rem3A_66, %dma_wait3A_95, %dma_wait3A_96] : memref<2x128x128xf32, #tpu.memory_space<vmem>> -> memref<1x128x128xf32, #tpu.memory_space<vmem>>
          %dma_wait3A_98 = tpu.memref_squeeze %dma_wait3A_97 : memref<1x128x128xf32, #tpu.memory_space<vmem>> -> memref<128x128xf32, #tpu.memory_space<vmem>>
          %dma_wait3A_99 = arith.constant 0 : i32
          %dma_wait3A_100 = tpu.memref_slice %arg8[%add3A_65, %dma_wait3A_99] : memref<32x128xi32, #tpu.memory_space<vmem>> -> memref<1x128xi32, #tpu.memory_space<vmem>>
          %dma_wait3A_101 = tpu.memref_squeeze %dma_wait3A_100 : memref<1x128xi32, #tpu.memory_space<vmem>> -> memref<128xi32, #tpu.memory_space<vmem>>
          %dma_wait3A_102 = arith.constant 0 : i32
          %dma_wait3A_103 = arith.constant 0 : i32
          %dma_wait3A_104 = tpu.memref_slice %arg10[%dma_wait3A_102, %dma_wait3A_103] : memref<10240x128xf32, #tpu.memory_space<vmem_shared>> -> memref<10240x128xf32, #tpu.memory_space<vmem_shared>>
          tpu.wait_indirect_dma semaphore(%run_scoped3A : memref<!tpu.dma_semaphore, #tpu.memory_space<semaphore_mem>>) src(%dma_wait3A_98 : memref<128x128xf32, #tpu.memory_space<vmem>>) dst(%dma_wait3A_104 : memref<10240x128xf32, #tpu.memory_space<vmem_shared>>)
          tpu.yield
        }) : () -> ()
      }
      %scan3A_60 = arith.constant 32 : i32
    } else {
    }
    %eq3A_33 = arith.constant 0 : i32
    %eq3A_34 = arith.cmpi eq, %arg0, %eq3A_33 : i32
    %convert_element_type3A_35 = arith.extui %eq3A_34 : i1 to i32
    %cond3A_36 = arith.constant 0 : i32
    %cond3A_37 = arith.cmpi ne, %convert_element_type3A_35, %cond3A_36 : i32
    scf.if %cond3A_37 {
      %add3A_39 = arith.constant 96 : i32
      %add3A_40 = arith.addi %select_n3A, %add3A_39 : i32
      "tpu.region"() ({
        %run_scoped3A = tpu.sem_alloc : memref<!tpu.dma_semaphore, #tpu.memory_space<semaphore_mem>>
        %dma_start3A_61 = arith.constant 0 : i32
        %dma_start3A_62 = tpu.memref_slice %arg3[%add3A_40, %dma_start3A_61] : memref<2560x128xi32, #tpu.memory_space<hbm>> -> memref<32x128xi32, #tpu.memory_space<hbm>>
        %dma_start3A_63 = arith.constant 0 : i32
        %dma_start3A_64 = tpu.memref_slice %arg3[%add3A_40, %dma_start3A_63] : memref<2560x128xi32, #tpu.memory_space<hbm>> -> memref<32x128xi32, #tpu.memory_space<hbm>>
        tpu.enqueue_dma source(%dma_start3A_64 : memref<32x128xi32, #tpu.memory_space<hbm>>) target(%arg7 : memref<32x128xi32, #tpu.memory_space<vmem>>) target_semaphore(%run_scoped3A : memref<!tpu.dma_semaphore, #tpu.memory_space<semaphore_mem>>)
        %dma_wait3A = arith.constant 0 : i32
        %dma_wait3A_65 = tpu.memref_slice %arg3[%add3A_40, %dma_wait3A] : memref<2560x128xi32, #tpu.memory_space<hbm>> -> memref<32x128xi32, #tpu.memory_space<hbm>>
        %dma_wait3A_66 = arith.constant 0 : i32
        %dma_wait3A_67 = tpu.memref_slice %arg3[%add3A_40, %dma_wait3A_66] : memref<2560x128xi32, #tpu.memory_space<hbm>> -> memref<32x128xi32, #tpu.memory_space<hbm>>
        tpu.wait_dma2 semaphore(%run_scoped3A : memref<!tpu.dma_semaphore, #tpu.memory_space<semaphore_mem>>) src(%dma_wait3A_67 : memref<32x128xi32, #tpu.memory_space<hbm>>) dst(%arg7 : memref<32x128xi32, #tpu.memory_space<vmem>>)
        tpu.yield
      }) : () -> ()
      "tpu.region"() ({
        %run_scoped3A = tpu.sem_alloc : memref<!tpu.dma_semaphore, #tpu.memory_space<semaphore_mem>>
        %dma_start3A_61 = arith.constant 0 : i32
        %dma_start3A_62 = tpu.memref_slice %arg4[%add3A_40, %dma_start3A_61] : memref<2560x128xi32, #tpu.memory_space<hbm>> -> memref<32x128xi32, #tpu.memory_space<hbm>>
        %dma_start3A_63 = arith.constant 0 : i32
        %dma_start3A_64 = tpu.memref_slice %arg4[%add3A_40, %dma_start3A_63] : memref<2560x128xi32, #tpu.memory_space<hbm>> -> memref<32x128xi32, #tpu.memory_space<hbm>>
        tpu.enqueue_dma source(%dma_start3A_64 : memref<32x128xi32, #tpu.memory_space<hbm>>) target(%arg8 : memref<32x128xi32, #tpu.memory_space<vmem>>) target_semaphore(%run_scoped3A : memref<!tpu.dma_semaphore, #tpu.memory_space<semaphore_mem>>)
        %dma_wait3A = arith.constant 0 : i32
        %dma_wait3A_65 = tpu.memref_slice %arg4[%add3A_40, %dma_wait3A] : memref<2560x128xi32, #tpu.memory_space<hbm>> -> memref<32x128xi32, #tpu.memory_space<hbm>>
        %dma_wait3A_66 = arith.constant 0 : i32
        %dma_wait3A_67 = tpu.memref_slice %arg4[%add3A_40, %dma_wait3A_66] : memref<2560x128xi32, #tpu.memory_space<hbm>> -> memref<32x128xi32, #tpu.memory_space<hbm>>
        tpu.wait_dma2 semaphore(%run_scoped3A : memref<!tpu.dma_semaphore, #tpu.memory_space<semaphore_mem>>) src(%dma_wait3A_67 : memref<32x128xi32, #tpu.memory_space<hbm>>) dst(%arg8 : memref<32x128xi32, #tpu.memory_space<vmem>>)
        tpu.yield
      }) : () -> ()
      %dma_start3A_41 = arith.constant 0 : i32
      %dma_start3A_42 = arith.constant 0 : i32
      %dma_start3A_43 = arith.constant 0 : i32
      %dma_start3A_44 = arith.constant 0 : i32
      %dma_start3A_45 = arith.constant 0 : i32
      %dma_start3A_46 = tpu.memref_slice %arg9[%dma_start3A_42, %dma_start3A_44, %dma_start3A_45] : memref<2x128x128xf32, #tpu.memory_space<vmem>> -> memref<1x128x128xf32, #tpu.memory_space<vmem>>
      %dma_start3A_47 = tpu.memref_squeeze %dma_start3A_46 : memref<1x128x128xf32, #tpu.memory_space<vmem>> -> memref<128x128xf32, #tpu.memory_space<vmem>>
      %dma_start3A_48 = arith.constant 0 : i32
      %dma_start3A_49 = tpu.memref_slice %arg7[%dma_start3A_41, %dma_start3A_48] : memref<32x128xi32, #tpu.memory_space<vmem>> -> memref<1x128xi32, #tpu.memory_space<vmem>>
      %dma_start3A_50 = tpu.memref_squeeze %dma_start3A_49 : memref<1x128xi32, #tpu.memory_space<vmem>> -> memref<128xi32, #tpu.memory_space<vmem>>
      %dma_start3A_51 = arith.constant 0 : i32
      %dma_start3A_52 = arith.constant 0 : i32
      %dma_start3A_53 = tpu.memref_slice %arg2[%dma_start3A_51, %dma_start3A_52] : memref<10240x128xf32, #tpu.memory_space<hbm>> -> memref<10240x128xf32, #tpu.memory_space<hbm>>
      %dma_start3A_54 = tpu.memref_slice %arg11[%dma_start3A_43] : memref<2x!tpu.dma_semaphore, #tpu.memory_space<semaphore_mem>> -> memref<1x!tpu.dma_semaphore, #tpu.memory_space<semaphore_mem>>
      %dma_start3A_55 = tpu.memref_squeeze %dma_start3A_54 : memref<1x!tpu.dma_semaphore, #tpu.memory_space<semaphore_mem>> -> memref<!tpu.dma_semaphore, #tpu.memory_space<semaphore_mem>>
      tpu.enqueue_indirect_dma source(%dma_start3A_53 : memref<10240x128xf32, #tpu.memory_space<hbm>>) target(%dma_start3A_47 : memref<128x128xf32, #tpu.memory_space<vmem>>) offsets(%dma_start3A_50 : memref<128xi32, #tpu.memory_space<vmem>>) semaphore(%dma_start3A_55 : memref<!tpu.dma_semaphore, #tpu.memory_space<semaphore_mem>>)
      %scan3A_56 = arith.constant 0 : i32
      %scan3A_57 = arith.constant 32 : i32
      %scan3A_58 = arith.addi %scan3A_56, %scan3A_57 : i32
      %scan3A_59 = arith.constant 1 : i32
      scf.for %scan3A_61 = %scan3A_56 to %scan3A_58 step %scan3A_59  : i32 {
        %mul3A_62 = arith.constant 1 : i32
        %mul3A_63 = arith.muli %scan3A_61, %mul3A_62 : i32
        %add3A_64 = arith.constant 0 : i32
        %add3A_65 = arith.addi %add3A_64, %mul3A_63 : i32
        %rem3A = arith.constant 2 : i32
        %rem3A_66 = arith.remsi %add3A_65, %rem3A : i32
        %sub3A = arith.constant 1 : i32
        %sub3A_67 = arith.subi %sub3A, %rem3A_66 : i32
        %add3A_68 = arith.constant 1 : i32
        %add3A_69 = arith.addi %add3A_65, %add3A_68 : i32
        %lt3A = arith.constant 32 : i32
        %lt3A_70 = arith.cmpi slt, %add3A_69, %lt3A : i32
        %convert_element_type3A_71 = arith.extui %lt3A_70 : i1 to i32
        %cond3A_72 = arith.constant 0 : i32
        %cond3A_73 = arith.cmpi ne, %convert_element_type3A_71, %cond3A_72 : i32
        scf.if %cond3A_73 {
          %add3A_85 = arith.constant 1 : i32
          %add3A_86 = arith.addi %add3A_65, %add3A_85 : i32
          %dma_start3A_87 = arith.constant 0 : i32
          %dma_start3A_88 = arith.constant 0 : i32
          %dma_start3A_89 = tpu.memref_slice %arg9[%sub3A_67, %dma_start3A_87, %dma_start3A_88] : memref<2x128x128xf32, #tpu.memory_space<vmem>> -> memref<1x128x128xf32, #tpu.memory_space<vmem>>
          %dma_start3A_90 = tpu.memref_squeeze %dma_start3A_89 : memref<1x128x128xf32, #tpu.memory_space<vmem>> -> memref<128x128xf32, #tpu.memory_space<vmem>>
          %dma_start3A_91 = arith.constant 0 : i32
          %dma_start3A_92 = tpu.memref_slice %arg7[%add3A_86, %dma_start3A_91] : memref<32x128xi32, #tpu.memory_space<vmem>> -> memref<1x128xi32, #tpu.memory_space<vmem>>
          %dma_start3A_93 = tpu.memref_squeeze %dma_start3A_92 : memref<1x128xi32, #tpu.memory_space<vmem>> -> memref<128xi32, #tpu.memory_space<vmem>>
          %dma_start3A_94 = arith.constant 0 : i32
          %dma_start3A_95 = arith.constant 0 : i32
          %dma_start3A_96 = tpu.memref_slice %arg2[%dma_start3A_94, %dma_start3A_95] : memref<10240x128xf32, #tpu.memory_space<hbm>> -> memref<10240x128xf32, #tpu.memory_space<hbm>>
          %dma_start3A_97 = tpu.memref_slice %arg11[%sub3A_67] : memref<2x!tpu.dma_semaphore, #tpu.memory_space<semaphore_mem>> -> memref<1x!tpu.dma_semaphore, #tpu.memory_space<semaphore_mem>>
          %dma_start3A_98 = tpu.memref_squeeze %dma_start3A_97 : memref<1x!tpu.dma_semaphore, #tpu.memory_space<semaphore_mem>> -> memref<!tpu.dma_semaphore, #tpu.memory_space<semaphore_mem>>
          tpu.enqueue_indirect_dma source(%dma_start3A_96 : memref<10240x128xf32, #tpu.memory_space<hbm>>) target(%dma_start3A_90 : memref<128x128xf32, #tpu.memory_space<vmem>>) offsets(%dma_start3A_93 : memref<128xi32, #tpu.memory_space<vmem>>) semaphore(%dma_start3A_98 : memref<!tpu.dma_semaphore, #tpu.memory_space<semaphore_mem>>)
        } else {
        }
        %dma_wait3A = arith.constant 0 : i32
        %dma_wait3A_74 = arith.constant 0 : i32
        %dma_wait3A_75 = tpu.memref_slice %arg9[%rem3A_66, %dma_wait3A, %dma_wait3A_74] : memref<2x128x128xf32, #tpu.memory_space<vmem>> -> memref<1x128x128xf32, #tpu.memory_space<vmem>>
        %dma_wait3A_76 = tpu.memref_squeeze %dma_wait3A_75 : memref<1x128x128xf32, #tpu.memory_space<vmem>> -> memref<128x128xf32, #tpu.memory_space<vmem>>
        %dma_wait3A_77 = arith.constant 0 : i32
        %dma_wait3A_78 = tpu.memref_slice %arg7[%add3A_65, %dma_wait3A_77] : memref<32x128xi32, #tpu.memory_space<vmem>> -> memref<1x128xi32, #tpu.memory_space<vmem>>
        %dma_wait3A_79 = tpu.memref_squeeze %dma_wait3A_78 : memref<1x128xi32, #tpu.memory_space<vmem>> -> memref<128xi32, #tpu.memory_space<vmem>>
        %dma_wait3A_80 = arith.constant 0 : i32
        %dma_wait3A_81 = arith.constant 0 : i32
        %dma_wait3A_82 = tpu.memref_slice %arg2[%dma_wait3A_80, %dma_wait3A_81] : memref<10240x128xf32, #tpu.memory_space<hbm>> -> memref<10240x128xf32, #tpu.memory_space<hbm>>
        %dma_wait3A_83 = tpu.memref_slice %arg11[%rem3A_66] : memref<2x!tpu.dma_semaphore, #tpu.memory_space<semaphore_mem>> -> memref<1x!tpu.dma_semaphore, #tpu.memory_space<semaphore_mem>>
        %dma_wait3A_84 = tpu.memref_squeeze %dma_wait3A_83 : memref<1x!tpu.dma_semaphore, #tpu.memory_space<semaphore_mem>> -> memref<!tpu.dma_semaphore, #tpu.memory_space<semaphore_mem>>
        tpu.wait_indirect_dma semaphore(%dma_wait3A_84 : memref<!tpu.dma_semaphore, #tpu.memory_space<semaphore_mem>>) src(%dma_wait3A_82 : memref<10240x128xf32, #tpu.memory_space<hbm>>) dst(%dma_wait3A_76 : memref<128x128xf32, #tpu.memory_space<vmem>>)
        "tpu.region"() ({
          %run_scoped3A = tpu.sem_alloc : memref<!tpu.dma_semaphore, #tpu.memory_space<semaphore_mem>>
          %dma_start3A_85 = arith.constant 0 : i32
          %dma_start3A_86 = arith.constant 0 : i32
          %dma_start3A_87 = tpu.memref_slice %arg9[%rem3A_66, %dma_start3A_85, %dma_start3A_86] : memref<2x128x128xf32, #tpu.memory_space<vmem>> -> memref<1x128x128xf32, #tpu.memory_space<vmem>>
          %dma_start3A_88 = tpu.memref_squeeze %dma_start3A_87 : memref<1x128x128xf32, #tpu.memory_space<vmem>> -> memref<128x128xf32, #tpu.memory_space<vmem>>
          %dma_start3A_89 = arith.constant 0 : i32
          %dma_start3A_90 = tpu.memref_slice %arg8[%add3A_65, %dma_start3A_89] : memref<32x128xi32, #tpu.memory_space<vmem>> -> memref<1x128xi32, #tpu.memory_space<vmem>>
          %dma_start3A_91 = tpu.memref_squeeze %dma_start3A_90 : memref<1x128xi32, #tpu.memory_space<vmem>> -> memref<128xi32, #tpu.memory_space<vmem>>
          %dma_start3A_92 = arith.constant 0 : i32
          %dma_start3A_93 = arith.constant 0 : i32
          %dma_start3A_94 = tpu.memref_slice %arg10[%dma_start3A_92, %dma_start3A_93] : memref<10240x128xf32, #tpu.memory_space<vmem_shared>> -> memref<10240x128xf32, #tpu.memory_space<vmem_shared>>
          tpu.enqueue_indirect_dma source(%dma_start3A_88 : memref<128x128xf32, #tpu.memory_space<vmem>>) target(%dma_start3A_94 : memref<10240x128xf32, #tpu.memory_space<vmem_shared>>) offsets(%dma_start3A_91 : memref<128xi32, #tpu.memory_space<vmem>>) semaphore(%run_scoped3A : memref<!tpu.dma_semaphore, #tpu.memory_space<semaphore_mem>>) {add = true}
          %dma_wait3A_95 = arith.constant 0 : i32
          %dma_wait3A_96 = arith.constant 0 : i32
          %dma_wait3A_97 = tpu.memref_slice %arg9[%rem3A_66, %dma_wait3A_95, %dma_wait3A_96] : memref<2x128x128xf32, #tpu.memory_space<vmem>> -> memref<1x128x128xf32, #tpu.memory_space<vmem>>
          %dma_wait3A_98 = tpu.memref_squeeze %dma_wait3A_97 : memref<1x128x128xf32, #tpu.memory_space<vmem>> -> memref<128x128xf32, #tpu.memory_space<vmem>>
          %dma_wait3A_99 = arith.constant 0 : i32
          %dma_wait3A_100 = tpu.memref_slice %arg8[%add3A_65, %dma_wait3A_99] : memref<32x128xi32, #tpu.memory_space<vmem>> -> memref<1x128xi32, #tpu.memory_space<vmem>>
          %dma_wait3A_101 = tpu.memref_squeeze %dma_wait3A_100 : memref<1x128xi32, #tpu.memory_space<vmem>> -> memref<128xi32, #tpu.memory_space<vmem>>
          %dma_wait3A_102 = arith.constant 0 : i32
          %dma_wait3A_103 = arith.constant 0 : i32
          %dma_wait3A_104 = tpu.memref_slice %arg10[%dma_wait3A_102, %dma_wait3A_103] : memref<10240x128xf32, #tpu.memory_space<vmem_shared>> -> memref<10240x128xf32, #tpu.memory_space<vmem_shared>>
          tpu.wait_indirect_dma semaphore(%run_scoped3A : memref<!tpu.dma_semaphore, #tpu.memory_space<semaphore_mem>>) src(%dma_wait3A_98 : memref<128x128xf32, #tpu.memory_space<vmem>>) dst(%dma_wait3A_104 : memref<10240x128xf32, #tpu.memory_space<vmem_shared>>)
          tpu.yield
        }) : () -> ()
      }
      %scan3A_60 = arith.constant 32 : i32
    } else {
    }
    %barrier3A_38 = arith.constant 0 : index
    tpu.barrier barrier_id(%barrier3A_38)
    "tpu.region"() ({
      %run_scoped3A = tpu.sem_alloc : memref<!tpu.dma_semaphore, #tpu.memory_space<semaphore_mem>>
      %dma_start3A_39 = arith.constant 0 : i32
      %dma_start3A_40 = tpu.memref_slice %arg6[%arg0, %mul3A_0, %dma_start3A_39] : memref<2x10240x128xf32, #tpu.memory_space<hbm>> -> memref<1x640x128xf32, #tpu.memory_space<hbm>>
      %dma_start3A_41 = tpu.memref_squeeze %dma_start3A_40 : memref<1x640x128xf32, #tpu.memory_space<hbm>> -> memref<640x128xf32, #tpu.memory_space<hbm>>
      %dma_start3A_42 = arith.constant 0 : i32
      %dma_start3A_43 = tpu.memref_slice %arg10[%mul3A_0, %dma_start3A_42] : memref<10240x128xf32, #tpu.memory_space<vmem_shared>> -> memref<640x128xf32, #tpu.memory_space<vmem_shared>>
      tpu.enqueue_dma source(%dma_start3A_43 : memref<640x128xf32, #tpu.memory_space<vmem_shared>>) target(%dma_start3A_41 : memref<640x128xf32, #tpu.memory_space<hbm>>) target_semaphore(%run_scoped3A : memref<!tpu.dma_semaphore, #tpu.memory_space<semaphore_mem>>)
      %dma_wait3A = arith.constant 0 : i32
      %dma_wait3A_44 = tpu.memref_slice %arg6[%arg0, %mul3A_0, %dma_wait3A] : memref<2x10240x128xf32, #tpu.memory_space<hbm>> -> memref<1x640x128xf32, #tpu.memory_space<hbm>>
      %dma_wait3A_45 = tpu.memref_squeeze %dma_wait3A_44 : memref<1x640x128xf32, #tpu.memory_space<hbm>> -> memref<640x128xf32, #tpu.memory_space<hbm>>
      %dma_wait3A_46 = arith.constant 0 : i32
      %dma_wait3A_47 = tpu.memref_slice %arg10[%mul3A_0, %dma_wait3A_46] : memref<10240x128xf32, #tpu.memory_space<vmem_shared>> -> memref<640x128xf32, #tpu.memory_space<vmem_shared>>
      tpu.wait_dma2 semaphore(%run_scoped3A : memref<!tpu.dma_semaphore, #tpu.memory_space<semaphore_mem>>) src(%dma_wait3A_47 : memref<640x128xf32, #tpu.memory_space<vmem_shared>>) dst(%dma_wait3A_45 : memref<640x128xf32, #tpu.memory_space<hbm>>)
      tpu.yield
    }) : () -> ()
    return
  }
}

#map = affine_map<(d0, d1) -> (0, 0)>
#map1 = affine_map<(d0, d1) -> (0, 0, 0)>
module attributes {stable_mosaic.version = 14 : i64} {
  func.func @_segsum_body(%arg0: i32, %arg1: i32, %arg2: memref<10240x128xf32, #tpu.memory_space<hbm>>, %arg3: memref<2560x128xi32, #tpu.memory_space<hbm>>, %arg4: memref<2560x128xi32, #tpu.memory_space<hbm>>, %arg5: memref<10240x128xf32, #tpu.memory_space<hbm>>, %arg6: memref<2x10240x128xf32, #tpu.memory_space<hbm>>, %arg7: memref<32x128xi32, #tpu.memory_space<vmem>>, %arg8: memref<32x128xi32, #tpu.memory_space<vmem>>, %arg9: memref<2x128x128xf32, #tpu.memory_space<vmem>>, %arg10: memref<10240x128xf32, #tpu.memory_space<vmem_shared>>, %arg11: memref<2x!tpu.dma_semaphore, #tpu.memory_space<semaphore_mem>>) attributes {dimension_semantics = [#tpu.dimension_semantics<core_parallel>, #tpu.dimension_semantics<subcore_parallel>], iteration_bounds = array<i64: 2, 16>, scalar_prefetch = 0 : i64, scratch_operands = 5 : i64, tpu.core_type = #tpu.core_type<sc_vector_subcore>, window_params = [{transform_indices = #map}, {transform_indices = #map}, {transform_indices = #map}, {transform_indices = #map}, {transform_indices = #map1}]} {
    %mul3A = arith.constant 640 : i32
    %mul3A_0 = arith.muli %arg1, %mul3A : i32
    "tpu.region"() ({
      %run_scoped3A = tpu.sem_alloc : memref<!tpu.dma_semaphore, #tpu.memory_space<semaphore_mem>>
      %dma_start3A_39 = arith.constant 0 : i32
      %dma_start3A_40 = tpu.memref_slice %arg10[%mul3A_0, %dma_start3A_39] : memref<10240x128xf32, #tpu.memory_space<vmem_shared>> -> memref<640x128xf32, #tpu.memory_space<vmem_shared>>
      %dma_start3A_41 = arith.constant 0 : i32
      %dma_start3A_42 = tpu.memref_slice %arg5[%mul3A_0, %dma_start3A_41] : memref<10240x128xf32, #tpu.memory_space<hbm>> -> memref<640x128xf32, #tpu.memory_space<hbm>>
      tpu.enqueue_dma source(%dma_start3A_42 : memref<640x128xf32, #tpu.memory_space<hbm>>) target(%dma_start3A_40 : memref<640x128xf32, #tpu.memory_space<vmem_shared>>) target_semaphore(%run_scoped3A : memref<!tpu.dma_semaphore, #tpu.memory_space<semaphore_mem>>)
      %dma_wait3A = arith.constant 0 : i32
      %dma_wait3A_43 = tpu.memref_slice %arg10[%mul3A_0, %dma_wait3A] : memref<10240x128xf32, #tpu.memory_space<vmem_shared>> -> memref<640x128xf32, #tpu.memory_space<vmem_shared>>
      %dma_wait3A_44 = arith.constant 0 : i32
      %dma_wait3A_45 = tpu.memref_slice %arg5[%mul3A_0, %dma_wait3A_44] : memref<10240x128xf32, #tpu.memory_space<hbm>> -> memref<640x128xf32, #tpu.memory_space<hbm>>
      tpu.wait_dma2 semaphore(%run_scoped3A : memref<!tpu.dma_semaphore, #tpu.memory_space<semaphore_mem>>) src(%dma_wait3A_45 : memref<640x128xf32, #tpu.memory_space<hbm>>) dst(%dma_wait3A_43 : memref<640x128xf32, #tpu.memory_space<vmem_shared>>)
      tpu.yield
    }) : () -> ()
    %barrier3A = arith.constant 0 : index
    tpu.barrier barrier_id(%barrier3A)
    %eq3A = arith.constant 0 : i32
    %eq3A_1 = arith.cmpi eq, %arg0, %eq3A : i32
    %mul3A_2 = arith.constant 128 : i32
    %mul3A_3 = arith.muli %arg1, %mul3A_2 : i32
    %mul3A_4 = arith.constant 32 : i32
    %mul3A_5 = arith.muli %arg1, %mul3A_4 : i32
    %add3A = arith.constant 2048 : i32
    %add3A_6 = arith.addi %add3A, %mul3A_5 : i32
    %select_n3A = arith.select %eq3A_1, %mul3A_3, %add3A_6 : i32
    "tpu.region"() ({
      %run_scoped3A = tpu.sem_alloc : memref<!tpu.dma_semaphore, #tpu.memory_space<semaphore_mem>>
      %dma_start3A_39 = arith.constant 0 : i32
      %dma_start3A_40 = tpu.memref_slice %arg3[%select_n3A, %dma_start3A_39] : memref<2560x128xi32, #tpu.memory_space<hbm>> -> memref<32x128xi32, #tpu.memory_space<hbm>>
      %dma_start3A_41 = arith.constant 0 : i32
      %dma_start3A_42 = tpu.memref_slice %arg3[%select_n3A, %dma_start3A_41] : memref<2560x128xi32, #tpu.memory_space<hbm>> -> memref<32x128xi32, #tpu.memory_space<hbm>>
      tpu.enqueue_dma source(%dma_start3A_42 : memref<32x128xi32, #tpu.memory_space<hbm>>) target(%arg7 : memref<32x128xi32, #tpu.memory_space<vmem>>) target_semaphore(%run_scoped3A : memref<!tpu.dma_semaphore, #tpu.memory_space<semaphore_mem>>)
      %dma_wait3A = arith.constant 0 : i32
      %dma_wait3A_43 = tpu.memref_slice %arg3[%select_n3A, %dma_wait3A] : memref<2560x128xi32, #tpu.memory_space<hbm>> -> memref<32x128xi32, #tpu.memory_space<hbm>>
      %dma_wait3A_44 = arith.constant 0 : i32
      %dma_wait3A_45 = tpu.memref_slice %arg3[%select_n3A, %dma_wait3A_44] : memref<2560x128xi32, #tpu.memory_space<hbm>> -> memref<32x128xi32, #tpu.memory_space<hbm>>
      tpu.wait_dma2 semaphore(%run_scoped3A : memref<!tpu.dma_semaphore, #tpu.memory_space<semaphore_mem>>) src(%dma_wait3A_45 : memref<32x128xi32, #tpu.memory_space<hbm>>) dst(%arg7 : memref<32x128xi32, #tpu.memory_space<vmem>>)
      tpu.yield
    }) : () -> ()
    "tpu.region"() ({
      %run_scoped3A = tpu.sem_alloc : memref<!tpu.dma_semaphore, #tpu.memory_space<semaphore_mem>>
      %dma_start3A_39 = arith.constant 0 : i32
      %dma_start3A_40 = tpu.memref_slice %arg4[%select_n3A, %dma_start3A_39] : memref<2560x128xi32, #tpu.memory_space<hbm>> -> memref<32x128xi32, #tpu.memory_space<hbm>>
      %dma_start3A_41 = arith.constant 0 : i32
      %dma_start3A_42 = tpu.memref_slice %arg4[%select_n3A, %dma_start3A_41] : memref<2560x128xi32, #tpu.memory_space<hbm>> -> memref<32x128xi32, #tpu.memory_space<hbm>>
      tpu.enqueue_dma source(%dma_start3A_42 : memref<32x128xi32, #tpu.memory_space<hbm>>) target(%arg8 : memref<32x128xi32, #tpu.memory_space<vmem>>) target_semaphore(%run_scoped3A : memref<!tpu.dma_semaphore, #tpu.memory_space<semaphore_mem>>)
      %dma_wait3A = arith.constant 0 : i32
      %dma_wait3A_43 = tpu.memref_slice %arg4[%select_n3A, %dma_wait3A] : memref<2560x128xi32, #tpu.memory_space<hbm>> -> memref<32x128xi32, #tpu.memory_space<hbm>>
      %dma_wait3A_44 = arith.constant 0 : i32
      %dma_wait3A_45 = tpu.memref_slice %arg4[%select_n3A, %dma_wait3A_44] : memref<2560x128xi32, #tpu.memory_space<hbm>> -> memref<32x128xi32, #tpu.memory_space<hbm>>
      tpu.wait_dma2 semaphore(%run_scoped3A : memref<!tpu.dma_semaphore, #tpu.memory_space<semaphore_mem>>) src(%dma_wait3A_45 : memref<32x128xi32, #tpu.memory_space<hbm>>) dst(%arg8 : memref<32x128xi32, #tpu.memory_space<vmem>>)
      tpu.yield
    }) : () -> ()
    %dma_start3A = arith.constant 0 : i32
    %dma_start3A_7 = arith.constant 0 : i32
    %dma_start3A_8 = arith.constant 0 : i32
    %dma_start3A_9 = arith.constant 0 : i32
    %dma_start3A_10 = arith.constant 0 : i32
    %dma_start3A_11 = tpu.memref_slice %arg9[%dma_start3A_7, %dma_start3A_9, %dma_start3A_10] : memref<2x128x128xf32, #tpu.memory_space<vmem>> -> memref<1x128x128xf32, #tpu.memory_space<vmem>>
    %dma_start3A_12 = tpu.memref_squeeze %dma_start3A_11 : memref<1x128x128xf32, #tpu.memory_space<vmem>> -> memref<128x128xf32, #tpu.memory_space<vmem>>
    %dma_start3A_13 = arith.constant 0 : i32
    %dma_start3A_14 = tpu.memref_slice %arg7[%dma_start3A, %dma_start3A_13] : memref<32x128xi32, #tpu.memory_space<vmem>> -> memref<1x128xi32, #tpu.memory_space<vmem>>
    %dma_start3A_15 = tpu.memref_squeeze %dma_start3A_14 : memref<1x128xi32, #tpu.memory_space<vmem>> -> memref<128xi32, #tpu.memory_space<vmem>>
    %dma_start3A_16 = arith.constant 0 : i32
    %dma_start3A_17 = arith.constant 0 : i32
    %dma_start3A_18 = tpu.memref_slice %arg2[%dma_start3A_16, %dma_start3A_17] : memref<10240x128xf32, #tpu.memory_space<hbm>> -> memref<10240x128xf32, #tpu.memory_space<hbm>>
    %dma_start3A_19 = tpu.memref_slice %arg11[%dma_start3A_8] : memref<2x!tpu.dma_semaphore, #tpu.memory_space<semaphore_mem>> -> memref<1x!tpu.dma_semaphore, #tpu.memory_space<semaphore_mem>>
    %dma_start3A_20 = tpu.memref_squeeze %dma_start3A_19 : memref<1x!tpu.dma_semaphore, #tpu.memory_space<semaphore_mem>> -> memref<!tpu.dma_semaphore, #tpu.memory_space<semaphore_mem>>
    tpu.enqueue_indirect_dma source(%dma_start3A_18 : memref<10240x128xf32, #tpu.memory_space<hbm>>) target(%dma_start3A_12 : memref<128x128xf32, #tpu.memory_space<vmem>>) offsets(%dma_start3A_15 : memref<128xi32, #tpu.memory_space<vmem>>) semaphore(%dma_start3A_20 : memref<!tpu.dma_semaphore, #tpu.memory_space<semaphore_mem>>)
    %scan3A = arith.constant 0 : i32
    %scan3A_21 = arith.constant 32 : i32
    %scan3A_22 = arith.addi %scan3A, %scan3A_21 : i32
    %scan3A_23 = arith.constant 1 : i32
    scf.for %scan3A_39 = %scan3A to %scan3A_22 step %scan3A_23  : i32 {
      %mul3A_40 = arith.constant 1 : i32
      %mul3A_41 = arith.muli %scan3A_39, %mul3A_40 : i32
      %add3A_42 = arith.constant 0 : i32
      %add3A_43 = arith.addi %add3A_42, %mul3A_41 : i32
      %rem3A = arith.constant 2 : i32
      %rem3A_44 = arith.remsi %add3A_43, %rem3A : i32
      %sub3A = arith.constant 1 : i32
      %sub3A_45 = arith.subi %sub3A, %rem3A_44 : i32
      %add3A_46 = arith.constant 1 : i32
      %add3A_47 = arith.addi %add3A_43, %add3A_46 : i32
      %lt3A = arith.constant 32 : i32
      %lt3A_48 = arith.cmpi slt, %add3A_47, %lt3A : i32
      %convert_element_type3A_49 = arith.extui %lt3A_48 : i1 to i32
      %cond3A_50 = arith.constant 0 : i32
      %cond3A_51 = arith.cmpi ne, %convert_element_type3A_49, %cond3A_50 : i32
      scf.if %cond3A_51 {
        %add3A_63 = arith.constant 1 : i32
        %add3A_64 = arith.addi %add3A_43, %add3A_63 : i32
        %dma_start3A_65 = arith.constant 0 : i32
        %dma_start3A_66 = arith.constant 0 : i32
        %dma_start3A_67 = tpu.memref_slice %arg9[%sub3A_45, %dma_start3A_65, %dma_start3A_66] : memref<2x128x128xf32, #tpu.memory_space<vmem>> -> memref<1x128x128xf32, #tpu.memory_space<vmem>>
        %dma_start3A_68 = tpu.memref_squeeze %dma_start3A_67 : memref<1x128x128xf32, #tpu.memory_space<vmem>> -> memref<128x128xf32, #tpu.memory_space<vmem>>
        %dma_start3A_69 = arith.constant 0 : i32
        %dma_start3A_70 = tpu.memref_slice %arg7[%add3A_64, %dma_start3A_69] : memref<32x128xi32, #tpu.memory_space<vmem>> -> memref<1x128xi32, #tpu.memory_space<vmem>>
        %dma_start3A_71 = tpu.memref_squeeze %dma_start3A_70 : memref<1x128xi32, #tpu.memory_space<vmem>> -> memref<128xi32, #tpu.memory_space<vmem>>
        %dma_start3A_72 = arith.constant 0 : i32
        %dma_start3A_73 = arith.constant 0 : i32
        %dma_start3A_74 = tpu.memref_slice %arg2[%dma_start3A_72, %dma_start3A_73] : memref<10240x128xf32, #tpu.memory_space<hbm>> -> memref<10240x128xf32, #tpu.memory_space<hbm>>
        %dma_start3A_75 = tpu.memref_slice %arg11[%sub3A_45] : memref<2x!tpu.dma_semaphore, #tpu.memory_space<semaphore_mem>> -> memref<1x!tpu.dma_semaphore, #tpu.memory_space<semaphore_mem>>
        %dma_start3A_76 = tpu.memref_squeeze %dma_start3A_75 : memref<1x!tpu.dma_semaphore, #tpu.memory_space<semaphore_mem>> -> memref<!tpu.dma_semaphore, #tpu.memory_space<semaphore_mem>>
        tpu.enqueue_indirect_dma source(%dma_start3A_74 : memref<10240x128xf32, #tpu.memory_space<hbm>>) target(%dma_start3A_68 : memref<128x128xf32, #tpu.memory_space<vmem>>) offsets(%dma_start3A_71 : memref<128xi32, #tpu.memory_space<vmem>>) semaphore(%dma_start3A_76 : memref<!tpu.dma_semaphore, #tpu.memory_space<semaphore_mem>>)
      } else {
      }
      %dma_wait3A = arith.constant 0 : i32
      %dma_wait3A_52 = arith.constant 0 : i32
      %dma_wait3A_53 = tpu.memref_slice %arg9[%rem3A_44, %dma_wait3A, %dma_wait3A_52] : memref<2x128x128xf32, #tpu.memory_space<vmem>> -> memref<1x128x128xf32, #tpu.memory_space<vmem>>
      %dma_wait3A_54 = tpu.memref_squeeze %dma_wait3A_53 : memref<1x128x128xf32, #tpu.memory_space<vmem>> -> memref<128x128xf32, #tpu.memory_space<vmem>>
      %dma_wait3A_55 = arith.constant 0 : i32
      %dma_wait3A_56 = tpu.memref_slice %arg7[%add3A_43, %dma_wait3A_55] : memref<32x128xi32, #tpu.memory_space<vmem>> -> memref<1x128xi32, #tpu.memory_space<vmem>>
      %dma_wait3A_57 = tpu.memref_squeeze %dma_wait3A_56 : memref<1x128xi32, #tpu.memory_space<vmem>> -> memref<128xi32, #tpu.memory_space<vmem>>
      %dma_wait3A_58 = arith.constant 0 : i32
      %dma_wait3A_59 = arith.constant 0 : i32
      %dma_wait3A_60 = tpu.memref_slice %arg2[%dma_wait3A_58, %dma_wait3A_59] : memref<10240x128xf32, #tpu.memory_space<hbm>> -> memref<10240x128xf32, #tpu.memory_space<hbm>>
      %dma_wait3A_61 = tpu.memref_slice %arg11[%rem3A_44] : memref<2x!tpu.dma_semaphore, #tpu.memory_space<semaphore_mem>> -> memref<1x!tpu.dma_semaphore, #tpu.memory_space<semaphore_mem>>
      %dma_wait3A_62 = tpu.memref_squeeze %dma_wait3A_61 : memref<1x!tpu.dma_semaphore, #tpu.memory_space<semaphore_mem>> -> memref<!tpu.dma_semaphore, #tpu.memory_space<semaphore_mem>>
      tpu.wait_indirect_dma semaphore(%dma_wait3A_62 : memref<!tpu.dma_semaphore, #tpu.memory_space<semaphore_mem>>) src(%dma_wait3A_60 : memref<10240x128xf32, #tpu.memory_space<hbm>>) dst(%dma_wait3A_54 : memref<128x128xf32, #tpu.memory_space<vmem>>)
      "tpu.region"() ({
        %run_scoped3A = tpu.sem_alloc : memref<!tpu.dma_semaphore, #tpu.memory_space<semaphore_mem>>
        %dma_start3A_63 = arith.constant 0 : i32
        %dma_start3A_64 = arith.constant 0 : i32
        %dma_start3A_65 = tpu.memref_slice %arg9[%rem3A_44, %dma_start3A_63, %dma_start3A_64] : memref<2x128x128xf32, #tpu.memory_space<vmem>> -> memref<1x128x128xf32, #tpu.memory_space<vmem>>
        %dma_start3A_66 = tpu.memref_squeeze %dma_start3A_65 : memref<1x128x128xf32, #tpu.memory_space<vmem>> -> memref<128x128xf32, #tpu.memory_space<vmem>>
        %dma_start3A_67 = arith.constant 0 : i32
        %dma_start3A_68 = tpu.memref_slice %arg8[%add3A_43, %dma_start3A_67] : memref<32x128xi32, #tpu.memory_space<vmem>> -> memref<1x128xi32, #tpu.memory_space<vmem>>
        %dma_start3A_69 = tpu.memref_squeeze %dma_start3A_68 : memref<1x128xi32, #tpu.memory_space<vmem>> -> memref<128xi32, #tpu.memory_space<vmem>>
        %dma_start3A_70 = arith.constant 0 : i32
        %dma_start3A_71 = arith.constant 0 : i32
        %dma_start3A_72 = tpu.memref_slice %arg10[%dma_start3A_70, %dma_start3A_71] : memref<10240x128xf32, #tpu.memory_space<vmem_shared>> -> memref<10240x128xf32, #tpu.memory_space<vmem_shared>>
        tpu.enqueue_indirect_dma source(%dma_start3A_66 : memref<128x128xf32, #tpu.memory_space<vmem>>) target(%dma_start3A_72 : memref<10240x128xf32, #tpu.memory_space<vmem_shared>>) offsets(%dma_start3A_69 : memref<128xi32, #tpu.memory_space<vmem>>) semaphore(%run_scoped3A : memref<!tpu.dma_semaphore, #tpu.memory_space<semaphore_mem>>) {add = true}
        %dma_wait3A_73 = arith.constant 0 : i32
        %dma_wait3A_74 = arith.constant 0 : i32
        %dma_wait3A_75 = tpu.memref_slice %arg9[%rem3A_44, %dma_wait3A_73, %dma_wait3A_74] : memref<2x128x128xf32, #tpu.memory_space<vmem>> -> memref<1x128x128xf32, #tpu.memory_space<vmem>>
        %dma_wait3A_76 = tpu.memref_squeeze %dma_wait3A_75 : memref<1x128x128xf32, #tpu.memory_space<vmem>> -> memref<128x128xf32, #tpu.memory_space<vmem>>
        %dma_wait3A_77 = arith.constant 0 : i32
        %dma_wait3A_78 = tpu.memref_slice %arg8[%add3A_43, %dma_wait3A_77] : memref<32x128xi32, #tpu.memory_space<vmem>> -> memref<1x128xi32, #tpu.memory_space<vmem>>
        %dma_wait3A_79 = tpu.memref_squeeze %dma_wait3A_78 : memref<1x128xi32, #tpu.memory_space<vmem>> -> memref<128xi32, #tpu.memory_space<vmem>>
        %dma_wait3A_80 = arith.constant 0 : i32
        %dma_wait3A_81 = arith.constant 0 : i32
        %dma_wait3A_82 = tpu.memref_slice %arg10[%dma_wait3A_80, %dma_wait3A_81] : memref<10240x128xf32, #tpu.memory_space<vmem_shared>> -> memref<10240x128xf32, #tpu.memory_space<vmem_shared>>
        tpu.wait_indirect_dma semaphore(%run_scoped3A : memref<!tpu.dma_semaphore, #tpu.memory_space<semaphore_mem>>) src(%dma_wait3A_76 : memref<128x128xf32, #tpu.memory_space<vmem>>) dst(%dma_wait3A_82 : memref<10240x128xf32, #tpu.memory_space<vmem_shared>>)
        tpu.yield
      }) : () -> ()
    }
    %scan3A_24 = arith.constant 32 : i32
    %eq3A_25 = arith.constant 0 : i32
    %eq3A_26 = arith.cmpi eq, %arg0, %eq3A_25 : i32
    %convert_element_type3A = arith.extui %eq3A_26 : i1 to i32
    %cond3A = arith.constant 0 : i32
    %cond3A_27 = arith.cmpi ne, %convert_element_type3A, %cond3A : i32
    scf.if %cond3A_27 {
      %add3A_39 = arith.constant 32 : i32
      %add3A_40 = arith.addi %select_n3A, %add3A_39 : i32
      "tpu.region"() ({
        %run_scoped3A = tpu.sem_alloc : memref<!tpu.dma_semaphore, #tpu.memory_space<semaphore_mem>>
        %dma_start3A_61 = arith.constant 0 : i32
        %dma_start3A_62 = tpu.memref_slice %arg3[%add3A_40, %dma_start3A_61] : memref<2560x128xi32, #tpu.memory_space<hbm>> -> memref<32x128xi32, #tpu.memory_space<hbm>>
        %dma_start3A_63 = arith.constant 0 : i32
        %dma_start3A_64 = tpu.memref_slice %arg3[%add3A_40, %dma_start3A_63] : memref<2560x128xi32, #tpu.memory_space<hbm>> -> memref<32x128xi32, #tpu.memory_space<hbm>>
        tpu.enqueue_dma source(%dma_start3A_64 : memref<32x128xi32, #tpu.memory_space<hbm>>) target(%arg7 : memref<32x128xi32, #tpu.memory_space<vmem>>) target_semaphore(%run_scoped3A : memref<!tpu.dma_semaphore, #tpu.memory_space<semaphore_mem>>)
        %dma_wait3A = arith.constant 0 : i32
        %dma_wait3A_65 = tpu.memref_slice %arg3[%add3A_40, %dma_wait3A] : memref<2560x128xi32, #tpu.memory_space<hbm>> -> memref<32x128xi32, #tpu.memory_space<hbm>>
        %dma_wait3A_66 = arith.constant 0 : i32
        %dma_wait3A_67 = tpu.memref_slice %arg3[%add3A_40, %dma_wait3A_66] : memref<2560x128xi32, #tpu.memory_space<hbm>> -> memref<32x128xi32, #tpu.memory_space<hbm>>
        tpu.wait_dma2 semaphore(%run_scoped3A : memref<!tpu.dma_semaphore, #tpu.memory_space<semaphore_mem>>) src(%dma_wait3A_67 : memref<32x128xi32, #tpu.memory_space<hbm>>) dst(%arg7 : memref<32x128xi32, #tpu.memory_space<vmem>>)
        tpu.yield
      }) : () -> ()
      "tpu.region"() ({
        %run_scoped3A = tpu.sem_alloc : memref<!tpu.dma_semaphore, #tpu.memory_space<semaphore_mem>>
        %dma_start3A_61 = arith.constant 0 : i32
        %dma_start3A_62 = tpu.memref_slice %arg4[%add3A_40, %dma_start3A_61] : memref<2560x128xi32, #tpu.memory_space<hbm>> -> memref<32x128xi32, #tpu.memory_space<hbm>>
        %dma_start3A_63 = arith.constant 0 : i32
        %dma_start3A_64 = tpu.memref_slice %arg4[%add3A_40, %dma_start3A_63] : memref<2560x128xi32, #tpu.memory_space<hbm>> -> memref<32x128xi32, #tpu.memory_space<hbm>>
        tpu.enqueue_dma source(%dma_start3A_64 : memref<32x128xi32, #tpu.memory_space<hbm>>) target(%arg8 : memref<32x128xi32, #tpu.memory_space<vmem>>) target_semaphore(%run_scoped3A : memref<!tpu.dma_semaphore, #tpu.memory_space<semaphore_mem>>)
        %dma_wait3A = arith.constant 0 : i32
        %dma_wait3A_65 = tpu.memref_slice %arg4[%add3A_40, %dma_wait3A] : memref<2560x128xi32, #tpu.memory_space<hbm>> -> memref<32x128xi32, #tpu.memory_space<hbm>>
        %dma_wait3A_66 = arith.constant 0 : i32
        %dma_wait3A_67 = tpu.memref_slice %arg4[%add3A_40, %dma_wait3A_66] : memref<2560x128xi32, #tpu.memory_space<hbm>> -> memref<32x128xi32, #tpu.memory_space<hbm>>
        tpu.wait_dma2 semaphore(%run_scoped3A : memref<!tpu.dma_semaphore, #tpu.memory_space<semaphore_mem>>) src(%dma_wait3A_67 : memref<32x128xi32, #tpu.memory_space<hbm>>) dst(%arg8 : memref<32x128xi32, #tpu.memory_space<vmem>>)
        tpu.yield
      }) : () -> ()
      %dma_start3A_41 = arith.constant 0 : i32
      %dma_start3A_42 = arith.constant 0 : i32
      %dma_start3A_43 = arith.constant 0 : i32
      %dma_start3A_44 = arith.constant 0 : i32
      %dma_start3A_45 = arith.constant 0 : i32
      %dma_start3A_46 = tpu.memref_slice %arg9[%dma_start3A_42, %dma_start3A_44, %dma_start3A_45] : memref<2x128x128xf32, #tpu.memory_space<vmem>> -> memref<1x128x128xf32, #tpu.memory_space<vmem>>
      %dma_start3A_47 = tpu.memref_squeeze %dma_start3A_46 : memref<1x128x128xf32, #tpu.memory_space<vmem>> -> memref<128x128xf32, #tpu.memory_space<vmem>>
      %dma_start3A_48 = arith.constant 0 : i32
      %dma_start3A_49 = tpu.memref_slice %arg7[%dma_start3A_41, %dma_start3A_48] : memref<32x128xi32, #tpu.memory_space<vmem>> -> memref<1x128xi32, #tpu.memory_space<vmem>>
      %dma_start3A_50 = tpu.memref_squeeze %dma_start3A_49 : memref<1x128xi32, #tpu.memory_space<vmem>> -> memref<128xi32, #tpu.memory_space<vmem>>
      %dma_start3A_51 = arith.constant 0 : i32
      %dma_start3A_52 = arith.constant 0 : i32
      %dma_start3A_53 = tpu.memref_slice %arg2[%dma_start3A_51, %dma_start3A_52] : memref<10240x128xf32, #tpu.memory_space<hbm>> -> memref<10240x128xf32, #tpu.memory_space<hbm>>
      %dma_start3A_54 = tpu.memref_slice %arg11[%dma_start3A_43] : memref<2x!tpu.dma_semaphore, #tpu.memory_space<semaphore_mem>> -> memref<1x!tpu.dma_semaphore, #tpu.memory_space<semaphore_mem>>
      %dma_start3A_55 = tpu.memref_squeeze %dma_start3A_54 : memref<1x!tpu.dma_semaphore, #tpu.memory_space<semaphore_mem>> -> memref<!tpu.dma_semaphore, #tpu.memory_space<semaphore_mem>>
      tpu.enqueue_indirect_dma source(%dma_start3A_53 : memref<10240x128xf32, #tpu.memory_space<hbm>>) target(%dma_start3A_47 : memref<128x128xf32, #tpu.memory_space<vmem>>) offsets(%dma_start3A_50 : memref<128xi32, #tpu.memory_space<vmem>>) semaphore(%dma_start3A_55 : memref<!tpu.dma_semaphore, #tpu.memory_space<semaphore_mem>>)
      %scan3A_56 = arith.constant 0 : i32
      %scan3A_57 = arith.constant 32 : i32
      %scan3A_58 = arith.addi %scan3A_56, %scan3A_57 : i32
      %scan3A_59 = arith.constant 1 : i32
      scf.for %scan3A_61 = %scan3A_56 to %scan3A_58 step %scan3A_59  : i32 {
        %mul3A_62 = arith.constant 1 : i32
        %mul3A_63 = arith.muli %scan3A_61, %mul3A_62 : i32
        %add3A_64 = arith.constant 0 : i32
        %add3A_65 = arith.addi %add3A_64, %mul3A_63 : i32
        %rem3A = arith.constant 2 : i32
        %rem3A_66 = arith.remsi %add3A_65, %rem3A : i32
        %sub3A = arith.constant 1 : i32
        %sub3A_67 = arith.subi %sub3A, %rem3A_66 : i32
        %add3A_68 = arith.constant 1 : i32
        %add3A_69 = arith.addi %add3A_65, %add3A_68 : i32
        %lt3A = arith.constant 32 : i32
        %lt3A_70 = arith.cmpi slt, %add3A_69, %lt3A : i32
        %convert_element_type3A_71 = arith.extui %lt3A_70 : i1 to i32
        %cond3A_72 = arith.constant 0 : i32
        %cond3A_73 = arith.cmpi ne, %convert_element_type3A_71, %cond3A_72 : i32
        scf.if %cond3A_73 {
          %add3A_85 = arith.constant 1 : i32
          %add3A_86 = arith.addi %add3A_65, %add3A_85 : i32
          %dma_start3A_87 = arith.constant 0 : i32
          %dma_start3A_88 = arith.constant 0 : i32
          %dma_start3A_89 = tpu.memref_slice %arg9[%sub3A_67, %dma_start3A_87, %dma_start3A_88] : memref<2x128x128xf32, #tpu.memory_space<vmem>> -> memref<1x128x128xf32, #tpu.memory_space<vmem>>
          %dma_start3A_90 = tpu.memref_squeeze %dma_start3A_89 : memref<1x128x128xf32, #tpu.memory_space<vmem>> -> memref<128x128xf32, #tpu.memory_space<vmem>>
          %dma_start3A_91 = arith.constant 0 : i32
          %dma_start3A_92 = tpu.memref_slice %arg7[%add3A_86, %dma_start3A_91] : memref<32x128xi32, #tpu.memory_space<vmem>> -> memref<1x128xi32, #tpu.memory_space<vmem>>
          %dma_start3A_93 = tpu.memref_squeeze %dma_start3A_92 : memref<1x128xi32, #tpu.memory_space<vmem>> -> memref<128xi32, #tpu.memory_space<vmem>>
          %dma_start3A_94 = arith.constant 0 : i32
          %dma_start3A_95 = arith.constant 0 : i32
          %dma_start3A_96 = tpu.memref_slice %arg2[%dma_start3A_94, %dma_start3A_95] : memref<10240x128xf32, #tpu.memory_space<hbm>> -> memref<10240x128xf32, #tpu.memory_space<hbm>>
          %dma_start3A_97 = tpu.memref_slice %arg11[%sub3A_67] : memref<2x!tpu.dma_semaphore, #tpu.memory_space<semaphore_mem>> -> memref<1x!tpu.dma_semaphore, #tpu.memory_space<semaphore_mem>>
          %dma_start3A_98 = tpu.memref_squeeze %dma_start3A_97 : memref<1x!tpu.dma_semaphore, #tpu.memory_space<semaphore_mem>> -> memref<!tpu.dma_semaphore, #tpu.memory_space<semaphore_mem>>
          tpu.enqueue_indirect_dma source(%dma_start3A_96 : memref<10240x128xf32, #tpu.memory_space<hbm>>) target(%dma_start3A_90 : memref<128x128xf32, #tpu.memory_space<vmem>>) offsets(%dma_start3A_93 : memref<128xi32, #tpu.memory_space<vmem>>) semaphore(%dma_start3A_98 : memref<!tpu.dma_semaphore, #tpu.memory_space<semaphore_mem>>)
        } else {
        }
        %dma_wait3A = arith.constant 0 : i32
        %dma_wait3A_74 = arith.constant 0 : i32
        %dma_wait3A_75 = tpu.memref_slice %arg9[%rem3A_66, %dma_wait3A, %dma_wait3A_74] : memref<2x128x128xf32, #tpu.memory_space<vmem>> -> memref<1x128x128xf32, #tpu.memory_space<vmem>>
        %dma_wait3A_76 = tpu.memref_squeeze %dma_wait3A_75 : memref<1x128x128xf32, #tpu.memory_space<vmem>> -> memref<128x128xf32, #tpu.memory_space<vmem>>
        %dma_wait3A_77 = arith.constant 0 : i32
        %dma_wait3A_78 = tpu.memref_slice %arg7[%add3A_65, %dma_wait3A_77] : memref<32x128xi32, #tpu.memory_space<vmem>> -> memref<1x128xi32, #tpu.memory_space<vmem>>
        %dma_wait3A_79 = tpu.memref_squeeze %dma_wait3A_78 : memref<1x128xi32, #tpu.memory_space<vmem>> -> memref<128xi32, #tpu.memory_space<vmem>>
        %dma_wait3A_80 = arith.constant 0 : i32
        %dma_wait3A_81 = arith.constant 0 : i32
        %dma_wait3A_82 = tpu.memref_slice %arg2[%dma_wait3A_80, %dma_wait3A_81] : memref<10240x128xf32, #tpu.memory_space<hbm>> -> memref<10240x128xf32, #tpu.memory_space<hbm>>
        %dma_wait3A_83 = tpu.memref_slice %arg11[%rem3A_66] : memref<2x!tpu.dma_semaphore, #tpu.memory_space<semaphore_mem>> -> memref<1x!tpu.dma_semaphore, #tpu.memory_space<semaphore_mem>>
        %dma_wait3A_84 = tpu.memref_squeeze %dma_wait3A_83 : memref<1x!tpu.dma_semaphore, #tpu.memory_space<semaphore_mem>> -> memref<!tpu.dma_semaphore, #tpu.memory_space<semaphore_mem>>
        tpu.wait_indirect_dma semaphore(%dma_wait3A_84 : memref<!tpu.dma_semaphore, #tpu.memory_space<semaphore_mem>>) src(%dma_wait3A_82 : memref<10240x128xf32, #tpu.memory_space<hbm>>) dst(%dma_wait3A_76 : memref<128x128xf32, #tpu.memory_space<vmem>>)
        "tpu.region"() ({
          %run_scoped3A = tpu.sem_alloc : memref<!tpu.dma_semaphore, #tpu.memory_space<semaphore_mem>>
          %dma_start3A_85 = arith.constant 0 : i32
          %dma_start3A_86 = arith.constant 0 : i32
          %dma_start3A_87 = tpu.memref_slice %arg9[%rem3A_66, %dma_start3A_85, %dma_start3A_86] : memref<2x128x128xf32, #tpu.memory_space<vmem>> -> memref<1x128x128xf32, #tpu.memory_space<vmem>>
          %dma_start3A_88 = tpu.memref_squeeze %dma_start3A_87 : memref<1x128x128xf32, #tpu.memory_space<vmem>> -> memref<128x128xf32, #tpu.memory_space<vmem>>
          %dma_start3A_89 = arith.constant 0 : i32
          %dma_start3A_90 = tpu.memref_slice %arg8[%add3A_65, %dma_start3A_89] : memref<32x128xi32, #tpu.memory_space<vmem>> -> memref<1x128xi32, #tpu.memory_space<vmem>>
          %dma_start3A_91 = tpu.memref_squeeze %dma_start3A_90 : memref<1x128xi32, #tpu.memory_space<vmem>> -> memref<128xi32, #tpu.memory_space<vmem>>
          %dma_start3A_92 = arith.constant 0 : i32
          %dma_start3A_93 = arith.constant 0 : i32
          %dma_start3A_94 = tpu.memref_slice %arg10[%dma_start3A_92, %dma_start3A_93] : memref<10240x128xf32, #tpu.memory_space<vmem_shared>> -> memref<10240x128xf32, #tpu.memory_space<vmem_shared>>
          tpu.enqueue_indirect_dma source(%dma_start3A_88 : memref<128x128xf32, #tpu.memory_space<vmem>>) target(%dma_start3A_94 : memref<10240x128xf32, #tpu.memory_space<vmem_shared>>) offsets(%dma_start3A_91 : memref<128xi32, #tpu.memory_space<vmem>>) semaphore(%run_scoped3A : memref<!tpu.dma_semaphore, #tpu.memory_space<semaphore_mem>>) {add = true}
          %dma_wait3A_95 = arith.constant 0 : i32
          %dma_wait3A_96 = arith.constant 0 : i32
          %dma_wait3A_97 = tpu.memref_slice %arg9[%rem3A_66, %dma_wait3A_95, %dma_wait3A_96] : memref<2x128x128xf32, #tpu.memory_space<vmem>> -> memref<1x128x128xf32, #tpu.memory_space<vmem>>
          %dma_wait3A_98 = tpu.memref_squeeze %dma_wait3A_97 : memref<1x128x128xf32, #tpu.memory_space<vmem>> -> memref<128x128xf32, #tpu.memory_space<vmem>>
          %dma_wait3A_99 = arith.constant 0 : i32
          %dma_wait3A_100 = tpu.memref_slice %arg8[%add3A_65, %dma_wait3A_99] : memref<32x128xi32, #tpu.memory_space<vmem>> -> memref<1x128xi32, #tpu.memory_space<vmem>>
          %dma_wait3A_101 = tpu.memref_squeeze %dma_wait3A_100 : memref<1x128xi32, #tpu.memory_space<vmem>> -> memref<128xi32, #tpu.memory_space<vmem>>
          %dma_wait3A_102 = arith.constant 0 : i32
          %dma_wait3A_103 = arith.constant 0 : i32
          %dma_wait3A_104 = tpu.memref_slice %arg10[%dma_wait3A_102, %dma_wait3A_103] : memref<10240x128xf32, #tpu.memory_space<vmem_shared>> -> memref<10240x128xf32, #tpu.memory_space<vmem_shared>>
          tpu.wait_indirect_dma semaphore(%run_scoped3A : memref<!tpu.dma_semaphore, #tpu.memory_space<semaphore_mem>>) src(%dma_wait3A_98 : memref<128x128xf32, #tpu.memory_space<vmem>>) dst(%dma_wait3A_104 : memref<10240x128xf32, #tpu.memory_space<vmem_shared>>)
          tpu.yield
        }) : () -> ()
      }
      %scan3A_60 = arith.constant 32 : i32
    } else {
    }
    %eq3A_28 = arith.constant 0 : i32
    %eq3A_29 = arith.cmpi eq, %arg0, %eq3A_28 : i32
    %convert_element_type3A_30 = arith.extui %eq3A_29 : i1 to i32
    %cond3A_31 = arith.constant 0 : i32
    %cond3A_32 = arith.cmpi ne, %convert_element_type3A_30, %cond3A_31 : i32
    scf.if %cond3A_32 {
      %add3A_39 = arith.constant 64 : i32
      %add3A_40 = arith.addi %select_n3A, %add3A_39 : i32
      "tpu.region"() ({
        %run_scoped3A = tpu.sem_alloc : memref<!tpu.dma_semaphore, #tpu.memory_space<semaphore_mem>>
        %dma_start3A_61 = arith.constant 0 : i32
        %dma_start3A_62 = tpu.memref_slice %arg3[%add3A_40, %dma_start3A_61] : memref<2560x128xi32, #tpu.memory_space<hbm>> -> memref<32x128xi32, #tpu.memory_space<hbm>>
        %dma_start3A_63 = arith.constant 0 : i32
        %dma_start3A_64 = tpu.memref_slice %arg3[%add3A_40, %dma_start3A_63] : memref<2560x128xi32, #tpu.memory_space<hbm>> -> memref<32x128xi32, #tpu.memory_space<hbm>>
        tpu.enqueue_dma source(%dma_start3A_64 : memref<32x128xi32, #tpu.memory_space<hbm>>) target(%arg7 : memref<32x128xi32, #tpu.memory_space<vmem>>) target_semaphore(%run_scoped3A : memref<!tpu.dma_semaphore, #tpu.memory_space<semaphore_mem>>)
        %dma_wait3A = arith.constant 0 : i32
        %dma_wait3A_65 = tpu.memref_slice %arg3[%add3A_40, %dma_wait3A] : memref<2560x128xi32, #tpu.memory_space<hbm>> -> memref<32x128xi32, #tpu.memory_space<hbm>>
        %dma_wait3A_66 = arith.constant 0 : i32
        %dma_wait3A_67 = tpu.memref_slice %arg3[%add3A_40, %dma_wait3A_66] : memref<2560x128xi32, #tpu.memory_space<hbm>> -> memref<32x128xi32, #tpu.memory_space<hbm>>
        tpu.wait_dma2 semaphore(%run_scoped3A : memref<!tpu.dma_semaphore, #tpu.memory_space<semaphore_mem>>) src(%dma_wait3A_67 : memref<32x128xi32, #tpu.memory_space<hbm>>) dst(%arg7 : memref<32x128xi32, #tpu.memory_space<vmem>>)
        tpu.yield
      }) : () -> ()
      "tpu.region"() ({
        %run_scoped3A = tpu.sem_alloc : memref<!tpu.dma_semaphore, #tpu.memory_space<semaphore_mem>>
        %dma_start3A_61 = arith.constant 0 : i32
        %dma_start3A_62 = tpu.memref_slice %arg4[%add3A_40, %dma_start3A_61] : memref<2560x128xi32, #tpu.memory_space<hbm>> -> memref<32x128xi32, #tpu.memory_space<hbm>>
        %dma_start3A_63 = arith.constant 0 : i32
        %dma_start3A_64 = tpu.memref_slice %arg4[%add3A_40, %dma_start3A_63] : memref<2560x128xi32, #tpu.memory_space<hbm>> -> memref<32x128xi32, #tpu.memory_space<hbm>>
        tpu.enqueue_dma source(%dma_start3A_64 : memref<32x128xi32, #tpu.memory_space<hbm>>) target(%arg8 : memref<32x128xi32, #tpu.memory_space<vmem>>) target_semaphore(%run_scoped3A : memref<!tpu.dma_semaphore, #tpu.memory_space<semaphore_mem>>)
        %dma_wait3A = arith.constant 0 : i32
        %dma_wait3A_65 = tpu.memref_slice %arg4[%add3A_40, %dma_wait3A] : memref<2560x128xi32, #tpu.memory_space<hbm>> -> memref<32x128xi32, #tpu.memory_space<hbm>>
        %dma_wait3A_66 = arith.constant 0 : i32
        %dma_wait3A_67 = tpu.memref_slice %arg4[%add3A_40, %dma_wait3A_66] : memref<2560x128xi32, #tpu.memory_space<hbm>> -> memref<32x128xi32, #tpu.memory_space<hbm>>
        tpu.wait_dma2 semaphore(%run_scoped3A : memref<!tpu.dma_semaphore, #tpu.memory_space<semaphore_mem>>) src(%dma_wait3A_67 : memref<32x128xi32, #tpu.memory_space<hbm>>) dst(%arg8 : memref<32x128xi32, #tpu.memory_space<vmem>>)
        tpu.yield
      }) : () -> ()
      %dma_start3A_41 = arith.constant 0 : i32
      %dma_start3A_42 = arith.constant 0 : i32
      %dma_start3A_43 = arith.constant 0 : i32
      %dma_start3A_44 = arith.constant 0 : i32
      %dma_start3A_45 = arith.constant 0 : i32
      %dma_start3A_46 = tpu.memref_slice %arg9[%dma_start3A_42, %dma_start3A_44, %dma_start3A_45] : memref<2x128x128xf32, #tpu.memory_space<vmem>> -> memref<1x128x128xf32, #tpu.memory_space<vmem>>
      %dma_start3A_47 = tpu.memref_squeeze %dma_start3A_46 : memref<1x128x128xf32, #tpu.memory_space<vmem>> -> memref<128x128xf32, #tpu.memory_space<vmem>>
      %dma_start3A_48 = arith.constant 0 : i32
      %dma_start3A_49 = tpu.memref_slice %arg7[%dma_start3A_41, %dma_start3A_48] : memref<32x128xi32, #tpu.memory_space<vmem>> -> memref<1x128xi32, #tpu.memory_space<vmem>>
      %dma_start3A_50 = tpu.memref_squeeze %dma_start3A_49 : memref<1x128xi32, #tpu.memory_space<vmem>> -> memref<128xi32, #tpu.memory_space<vmem>>
      %dma_start3A_51 = arith.constant 0 : i32
      %dma_start3A_52 = arith.constant 0 : i32
      %dma_start3A_53 = tpu.memref_slice %arg2[%dma_start3A_51, %dma_start3A_52] : memref<10240x128xf32, #tpu.memory_space<hbm>> -> memref<10240x128xf32, #tpu.memory_space<hbm>>
      %dma_start3A_54 = tpu.memref_slice %arg11[%dma_start3A_43] : memref<2x!tpu.dma_semaphore, #tpu.memory_space<semaphore_mem>> -> memref<1x!tpu.dma_semaphore, #tpu.memory_space<semaphore_mem>>
      %dma_start3A_55 = tpu.memref_squeeze %dma_start3A_54 : memref<1x!tpu.dma_semaphore, #tpu.memory_space<semaphore_mem>> -> memref<!tpu.dma_semaphore, #tpu.memory_space<semaphore_mem>>
      tpu.enqueue_indirect_dma source(%dma_start3A_53 : memref<10240x128xf32, #tpu.memory_space<hbm>>) target(%dma_start3A_47 : memref<128x128xf32, #tpu.memory_space<vmem>>) offsets(%dma_start3A_50 : memref<128xi32, #tpu.memory_space<vmem>>) semaphore(%dma_start3A_55 : memref<!tpu.dma_semaphore, #tpu.memory_space<semaphore_mem>>)
      %scan3A_56 = arith.constant 0 : i32
      %scan3A_57 = arith.constant 32 : i32
      %scan3A_58 = arith.addi %scan3A_56, %scan3A_57 : i32
      %scan3A_59 = arith.constant 1 : i32
      scf.for %scan3A_61 = %scan3A_56 to %scan3A_58 step %scan3A_59  : i32 {
        %mul3A_62 = arith.constant 1 : i32
        %mul3A_63 = arith.muli %scan3A_61, %mul3A_62 : i32
        %add3A_64 = arith.constant 0 : i32
        %add3A_65 = arith.addi %add3A_64, %mul3A_63 : i32
        %rem3A = arith.constant 2 : i32
        %rem3A_66 = arith.remsi %add3A_65, %rem3A : i32
        %sub3A = arith.constant 1 : i32
        %sub3A_67 = arith.subi %sub3A, %rem3A_66 : i32
        %add3A_68 = arith.constant 1 : i32
        %add3A_69 = arith.addi %add3A_65, %add3A_68 : i32
        %lt3A = arith.constant 32 : i32
        %lt3A_70 = arith.cmpi slt, %add3A_69, %lt3A : i32
        %convert_element_type3A_71 = arith.extui %lt3A_70 : i1 to i32
        %cond3A_72 = arith.constant 0 : i32
        %cond3A_73 = arith.cmpi ne, %convert_element_type3A_71, %cond3A_72 : i32
        scf.if %cond3A_73 {
          %add3A_85 = arith.constant 1 : i32
          %add3A_86 = arith.addi %add3A_65, %add3A_85 : i32
          %dma_start3A_87 = arith.constant 0 : i32
          %dma_start3A_88 = arith.constant 0 : i32
          %dma_start3A_89 = tpu.memref_slice %arg9[%sub3A_67, %dma_start3A_87, %dma_start3A_88] : memref<2x128x128xf32, #tpu.memory_space<vmem>> -> memref<1x128x128xf32, #tpu.memory_space<vmem>>
          %dma_start3A_90 = tpu.memref_squeeze %dma_start3A_89 : memref<1x128x128xf32, #tpu.memory_space<vmem>> -> memref<128x128xf32, #tpu.memory_space<vmem>>
          %dma_start3A_91 = arith.constant 0 : i32
          %dma_start3A_92 = tpu.memref_slice %arg7[%add3A_86, %dma_start3A_91] : memref<32x128xi32, #tpu.memory_space<vmem>> -> memref<1x128xi32, #tpu.memory_space<vmem>>
          %dma_start3A_93 = tpu.memref_squeeze %dma_start3A_92 : memref<1x128xi32, #tpu.memory_space<vmem>> -> memref<128xi32, #tpu.memory_space<vmem>>
          %dma_start3A_94 = arith.constant 0 : i32
          %dma_start3A_95 = arith.constant 0 : i32
          %dma_start3A_96 = tpu.memref_slice %arg2[%dma_start3A_94, %dma_start3A_95] : memref<10240x128xf32, #tpu.memory_space<hbm>> -> memref<10240x128xf32, #tpu.memory_space<hbm>>
          %dma_start3A_97 = tpu.memref_slice %arg11[%sub3A_67] : memref<2x!tpu.dma_semaphore, #tpu.memory_space<semaphore_mem>> -> memref<1x!tpu.dma_semaphore, #tpu.memory_space<semaphore_mem>>
          %dma_start3A_98 = tpu.memref_squeeze %dma_start3A_97 : memref<1x!tpu.dma_semaphore, #tpu.memory_space<semaphore_mem>> -> memref<!tpu.dma_semaphore, #tpu.memory_space<semaphore_mem>>
          tpu.enqueue_indirect_dma source(%dma_start3A_96 : memref<10240x128xf32, #tpu.memory_space<hbm>>) target(%dma_start3A_90 : memref<128x128xf32, #tpu.memory_space<vmem>>) offsets(%dma_start3A_93 : memref<128xi32, #tpu.memory_space<vmem>>) semaphore(%dma_start3A_98 : memref<!tpu.dma_semaphore, #tpu.memory_space<semaphore_mem>>)
        } else {
        }
        %dma_wait3A = arith.constant 0 : i32
        %dma_wait3A_74 = arith.constant 0 : i32
        %dma_wait3A_75 = tpu.memref_slice %arg9[%rem3A_66, %dma_wait3A, %dma_wait3A_74] : memref<2x128x128xf32, #tpu.memory_space<vmem>> -> memref<1x128x128xf32, #tpu.memory_space<vmem>>
        %dma_wait3A_76 = tpu.memref_squeeze %dma_wait3A_75 : memref<1x128x128xf32, #tpu.memory_space<vmem>> -> memref<128x128xf32, #tpu.memory_space<vmem>>
        %dma_wait3A_77 = arith.constant 0 : i32
        %dma_wait3A_78 = tpu.memref_slice %arg7[%add3A_65, %dma_wait3A_77] : memref<32x128xi32, #tpu.memory_space<vmem>> -> memref<1x128xi32, #tpu.memory_space<vmem>>
        %dma_wait3A_79 = tpu.memref_squeeze %dma_wait3A_78 : memref<1x128xi32, #tpu.memory_space<vmem>> -> memref<128xi32, #tpu.memory_space<vmem>>
        %dma_wait3A_80 = arith.constant 0 : i32
        %dma_wait3A_81 = arith.constant 0 : i32
        %dma_wait3A_82 = tpu.memref_slice %arg2[%dma_wait3A_80, %dma_wait3A_81] : memref<10240x128xf32, #tpu.memory_space<hbm>> -> memref<10240x128xf32, #tpu.memory_space<hbm>>
        %dma_wait3A_83 = tpu.memref_slice %arg11[%rem3A_66] : memref<2x!tpu.dma_semaphore, #tpu.memory_space<semaphore_mem>> -> memref<1x!tpu.dma_semaphore, #tpu.memory_space<semaphore_mem>>
        %dma_wait3A_84 = tpu.memref_squeeze %dma_wait3A_83 : memref<1x!tpu.dma_semaphore, #tpu.memory_space<semaphore_mem>> -> memref<!tpu.dma_semaphore, #tpu.memory_space<semaphore_mem>>
        tpu.wait_indirect_dma semaphore(%dma_wait3A_84 : memref<!tpu.dma_semaphore, #tpu.memory_space<semaphore_mem>>) src(%dma_wait3A_82 : memref<10240x128xf32, #tpu.memory_space<hbm>>) dst(%dma_wait3A_76 : memref<128x128xf32, #tpu.memory_space<vmem>>)
        "tpu.region"() ({
          %run_scoped3A = tpu.sem_alloc : memref<!tpu.dma_semaphore, #tpu.memory_space<semaphore_mem>>
          %dma_start3A_85 = arith.constant 0 : i32
          %dma_start3A_86 = arith.constant 0 : i32
          %dma_start3A_87 = tpu.memref_slice %arg9[%rem3A_66, %dma_start3A_85, %dma_start3A_86] : memref<2x128x128xf32, #tpu.memory_space<vmem>> -> memref<1x128x128xf32, #tpu.memory_space<vmem>>
          %dma_start3A_88 = tpu.memref_squeeze %dma_start3A_87 : memref<1x128x128xf32, #tpu.memory_space<vmem>> -> memref<128x128xf32, #tpu.memory_space<vmem>>
          %dma_start3A_89 = arith.constant 0 : i32
          %dma_start3A_90 = tpu.memref_slice %arg8[%add3A_65, %dma_start3A_89] : memref<32x128xi32, #tpu.memory_space<vmem>> -> memref<1x128xi32, #tpu.memory_space<vmem>>
          %dma_start3A_91 = tpu.memref_squeeze %dma_start3A_90 : memref<1x128xi32, #tpu.memory_space<vmem>> -> memref<128xi32, #tpu.memory_space<vmem>>
          %dma_start3A_92 = arith.constant 0 : i32
          %dma_start3A_93 = arith.constant 0 : i32
          %dma_start3A_94 = tpu.memref_slice %arg10[%dma_start3A_92, %dma_start3A_93] : memref<10240x128xf32, #tpu.memory_space<vmem_shared>> -> memref<10240x128xf32, #tpu.memory_space<vmem_shared>>
          tpu.enqueue_indirect_dma source(%dma_start3A_88 : memref<128x128xf32, #tpu.memory_space<vmem>>) target(%dma_start3A_94 : memref<10240x128xf32, #tpu.memory_space<vmem_shared>>) offsets(%dma_start3A_91 : memref<128xi32, #tpu.memory_space<vmem>>) semaphore(%run_scoped3A : memref<!tpu.dma_semaphore, #tpu.memory_space<semaphore_mem>>) {add = true}
          %dma_wait3A_95 = arith.constant 0 : i32
          %dma_wait3A_96 = arith.constant 0 : i32
          %dma_wait3A_97 = tpu.memref_slice %arg9[%rem3A_66, %dma_wait3A_95, %dma_wait3A_96] : memref<2x128x128xf32, #tpu.memory_space<vmem>> -> memref<1x128x128xf32, #tpu.memory_space<vmem>>
          %dma_wait3A_98 = tpu.memref_squeeze %dma_wait3A_97 : memref<1x128x128xf32, #tpu.memory_space<vmem>> -> memref<128x128xf32, #tpu.memory_space<vmem>>
          %dma_wait3A_99 = arith.constant 0 : i32
          %dma_wait3A_100 = tpu.memref_slice %arg8[%add3A_65, %dma_wait3A_99] : memref<32x128xi32, #tpu.memory_space<vmem>> -> memref<1x128xi32, #tpu.memory_space<vmem>>
          %dma_wait3A_101 = tpu.memref_squeeze %dma_wait3A_100 : memref<1x128xi32, #tpu.memory_space<vmem>> -> memref<128xi32, #tpu.memory_space<vmem>>
          %dma_wait3A_102 = arith.constant 0 : i32
          %dma_wait3A_103 = arith.constant 0 : i32
          %dma_wait3A_104 = tpu.memref_slice %arg10[%dma_wait3A_102, %dma_wait3A_103] : memref<10240x128xf32, #tpu.memory_space<vmem_shared>> -> memref<10240x128xf32, #tpu.memory_space<vmem_shared>>
          tpu.wait_indirect_dma semaphore(%run_scoped3A : memref<!tpu.dma_semaphore, #tpu.memory_space<semaphore_mem>>) src(%dma_wait3A_98 : memref<128x128xf32, #tpu.memory_space<vmem>>) dst(%dma_wait3A_104 : memref<10240x128xf32, #tpu.memory_space<vmem_shared>>)
          tpu.yield
        }) : () -> ()
      }
      %scan3A_60 = arith.constant 32 : i32
    } else {
    }
    %eq3A_33 = arith.constant 0 : i32
    %eq3A_34 = arith.cmpi eq, %arg0, %eq3A_33 : i32
    %convert_element_type3A_35 = arith.extui %eq3A_34 : i1 to i32
    %cond3A_36 = arith.constant 0 : i32
    %cond3A_37 = arith.cmpi ne, %convert_element_type3A_35, %cond3A_36 : i32
    scf.if %cond3A_37 {
      %add3A_39 = arith.constant 96 : i32
      %add3A_40 = arith.addi %select_n3A, %add3A_39 : i32
      "tpu.region"() ({
        %run_scoped3A = tpu.sem_alloc : memref<!tpu.dma_semaphore, #tpu.memory_space<semaphore_mem>>
        %dma_start3A_61 = arith.constant 0 : i32
        %dma_start3A_62 = tpu.memref_slice %arg3[%add3A_40, %dma_start3A_61] : memref<2560x128xi32, #tpu.memory_space<hbm>> -> memref<32x128xi32, #tpu.memory_space<hbm>>
        %dma_start3A_63 = arith.constant 0 : i32
        %dma_start3A_64 = tpu.memref_slice %arg3[%add3A_40, %dma_start3A_63] : memref<2560x128xi32, #tpu.memory_space<hbm>> -> memref<32x128xi32, #tpu.memory_space<hbm>>
        tpu.enqueue_dma source(%dma_start3A_64 : memref<32x128xi32, #tpu.memory_space<hbm>>) target(%arg7 : memref<32x128xi32, #tpu.memory_space<vmem>>) target_semaphore(%run_scoped3A : memref<!tpu.dma_semaphore, #tpu.memory_space<semaphore_mem>>)
        %dma_wait3A = arith.constant 0 : i32
        %dma_wait3A_65 = tpu.memref_slice %arg3[%add3A_40, %dma_wait3A] : memref<2560x128xi32, #tpu.memory_space<hbm>> -> memref<32x128xi32, #tpu.memory_space<hbm>>
        %dma_wait3A_66 = arith.constant 0 : i32
        %dma_wait3A_67 = tpu.memref_slice %arg3[%add3A_40, %dma_wait3A_66] : memref<2560x128xi32, #tpu.memory_space<hbm>> -> memref<32x128xi32, #tpu.memory_space<hbm>>
        tpu.wait_dma2 semaphore(%run_scoped3A : memref<!tpu.dma_semaphore, #tpu.memory_space<semaphore_mem>>) src(%dma_wait3A_67 : memref<32x128xi32, #tpu.memory_space<hbm>>) dst(%arg7 : memref<32x128xi32, #tpu.memory_space<vmem>>)
        tpu.yield
      }) : () -> ()
      "tpu.region"() ({
        %run_scoped3A = tpu.sem_alloc : memref<!tpu.dma_semaphore, #tpu.memory_space<semaphore_mem>>
        %dma_start3A_61 = arith.constant 0 : i32
        %dma_start3A_62 = tpu.memref_slice %arg4[%add3A_40, %dma_start3A_61] : memref<2560x128xi32, #tpu.memory_space<hbm>> -> memref<32x128xi32, #tpu.memory_space<hbm>>
        %dma_start3A_63 = arith.constant 0 : i32
        %dma_start3A_64 = tpu.memref_slice %arg4[%add3A_40, %dma_start3A_63] : memref<2560x128xi32, #tpu.memory_space<hbm>> -> memref<32x128xi32, #tpu.memory_space<hbm>>
        tpu.enqueue_dma source(%dma_start3A_64 : memref<32x128xi32, #tpu.memory_space<hbm>>) target(%arg8 : memref<32x128xi32, #tpu.memory_space<vmem>>) target_semaphore(%run_scoped3A : memref<!tpu.dma_semaphore, #tpu.memory_space<semaphore_mem>>)
        %dma_wait3A = arith.constant 0 : i32
        %dma_wait3A_65 = tpu.memref_slice %arg4[%add3A_40, %dma_wait3A] : memref<2560x128xi32, #tpu.memory_space<hbm>> -> memref<32x128xi32, #tpu.memory_space<hbm>>
        %dma_wait3A_66 = arith.constant 0 : i32
        %dma_wait3A_67 = tpu.memref_slice %arg4[%add3A_40, %dma_wait3A_66] : memref<2560x128xi32, #tpu.memory_space<hbm>> -> memref<32x128xi32, #tpu.memory_space<hbm>>
        tpu.wait_dma2 semaphore(%run_scoped3A : memref<!tpu.dma_semaphore, #tpu.memory_space<semaphore_mem>>) src(%dma_wait3A_67 : memref<32x128xi32, #tpu.memory_space<hbm>>) dst(%arg8 : memref<32x128xi32, #tpu.memory_space<vmem>>)
        tpu.yield
      }) : () -> ()
      %dma_start3A_41 = arith.constant 0 : i32
      %dma_start3A_42 = arith.constant 0 : i32
      %dma_start3A_43 = arith.constant 0 : i32
      %dma_start3A_44 = arith.constant 0 : i32
      %dma_start3A_45 = arith.constant 0 : i32
      %dma_start3A_46 = tpu.memref_slice %arg9[%dma_start3A_42, %dma_start3A_44, %dma_start3A_45] : memref<2x128x128xf32, #tpu.memory_space<vmem>> -> memref<1x128x128xf32, #tpu.memory_space<vmem>>
      %dma_start3A_47 = tpu.memref_squeeze %dma_start3A_46 : memref<1x128x128xf32, #tpu.memory_space<vmem>> -> memref<128x128xf32, #tpu.memory_space<vmem>>
      %dma_start3A_48 = arith.constant 0 : i32
      %dma_start3A_49 = tpu.memref_slice %arg7[%dma_start3A_41, %dma_start3A_48] : memref<32x128xi32, #tpu.memory_space<vmem>> -> memref<1x128xi32, #tpu.memory_space<vmem>>
      %dma_start3A_50 = tpu.memref_squeeze %dma_start3A_49 : memref<1x128xi32, #tpu.memory_space<vmem>> -> memref<128xi32, #tpu.memory_space<vmem>>
      %dma_start3A_51 = arith.constant 0 : i32
      %dma_start3A_52 = arith.constant 0 : i32
      %dma_start3A_53 = tpu.memref_slice %arg2[%dma_start3A_51, %dma_start3A_52] : memref<10240x128xf32, #tpu.memory_space<hbm>> -> memref<10240x128xf32, #tpu.memory_space<hbm>>
      %dma_start3A_54 = tpu.memref_slice %arg11[%dma_start3A_43] : memref<2x!tpu.dma_semaphore, #tpu.memory_space<semaphore_mem>> -> memref<1x!tpu.dma_semaphore, #tpu.memory_space<semaphore_mem>>
      %dma_start3A_55 = tpu.memref_squeeze %dma_start3A_54 : memref<1x!tpu.dma_semaphore, #tpu.memory_space<semaphore_mem>> -> memref<!tpu.dma_semaphore, #tpu.memory_space<semaphore_mem>>
      tpu.enqueue_indirect_dma source(%dma_start3A_53 : memref<10240x128xf32, #tpu.memory_space<hbm>>) target(%dma_start3A_47 : memref<128x128xf32, #tpu.memory_space<vmem>>) offsets(%dma_start3A_50 : memref<128xi32, #tpu.memory_space<vmem>>) semaphore(%dma_start3A_55 : memref<!tpu.dma_semaphore, #tpu.memory_space<semaphore_mem>>)
      %scan3A_56 = arith.constant 0 : i32
      %scan3A_57 = arith.constant 32 : i32
      %scan3A_58 = arith.addi %scan3A_56, %scan3A_57 : i32
      %scan3A_59 = arith.constant 1 : i32
      scf.for %scan3A_61 = %scan3A_56 to %scan3A_58 step %scan3A_59  : i32 {
        %mul3A_62 = arith.constant 1 : i32
        %mul3A_63 = arith.muli %scan3A_61, %mul3A_62 : i32
        %add3A_64 = arith.constant 0 : i32
        %add3A_65 = arith.addi %add3A_64, %mul3A_63 : i32
        %rem3A = arith.constant 2 : i32
        %rem3A_66 = arith.remsi %add3A_65, %rem3A : i32
        %sub3A = arith.constant 1 : i32
        %sub3A_67 = arith.subi %sub3A, %rem3A_66 : i32
        %add3A_68 = arith.constant 1 : i32
        %add3A_69 = arith.addi %add3A_65, %add3A_68 : i32
        %lt3A = arith.constant 32 : i32
        %lt3A_70 = arith.cmpi slt, %add3A_69, %lt3A : i32
        %convert_element_type3A_71 = arith.extui %lt3A_70 : i1 to i32
        %cond3A_72 = arith.constant 0 : i32
        %cond3A_73 = arith.cmpi ne, %convert_element_type3A_71, %cond3A_72 : i32
        scf.if %cond3A_73 {
          %add3A_85 = arith.constant 1 : i32
          %add3A_86 = arith.addi %add3A_65, %add3A_85 : i32
          %dma_start3A_87 = arith.constant 0 : i32
          %dma_start3A_88 = arith.constant 0 : i32
          %dma_start3A_89 = tpu.memref_slice %arg9[%sub3A_67, %dma_start3A_87, %dma_start3A_88] : memref<2x128x128xf32, #tpu.memory_space<vmem>> -> memref<1x128x128xf32, #tpu.memory_space<vmem>>
          %dma_start3A_90 = tpu.memref_squeeze %dma_start3A_89 : memref<1x128x128xf32, #tpu.memory_space<vmem>> -> memref<128x128xf32, #tpu.memory_space<vmem>>
          %dma_start3A_91 = arith.constant 0 : i32
          %dma_start3A_92 = tpu.memref_slice %arg7[%add3A_86, %dma_start3A_91] : memref<32x128xi32, #tpu.memory_space<vmem>> -> memref<1x128xi32, #tpu.memory_space<vmem>>
          %dma_start3A_93 = tpu.memref_squeeze %dma_start3A_92 : memref<1x128xi32, #tpu.memory_space<vmem>> -> memref<128xi32, #tpu.memory_space<vmem>>
          %dma_start3A_94 = arith.constant 0 : i32
          %dma_start3A_95 = arith.constant 0 : i32
          %dma_start3A_96 = tpu.memref_slice %arg2[%dma_start3A_94, %dma_start3A_95] : memref<10240x128xf32, #tpu.memory_space<hbm>> -> memref<10240x128xf32, #tpu.memory_space<hbm>>
          %dma_start3A_97 = tpu.memref_slice %arg11[%sub3A_67] : memref<2x!tpu.dma_semaphore, #tpu.memory_space<semaphore_mem>> -> memref<1x!tpu.dma_semaphore, #tpu.memory_space<semaphore_mem>>
          %dma_start3A_98 = tpu.memref_squeeze %dma_start3A_97 : memref<1x!tpu.dma_semaphore, #tpu.memory_space<semaphore_mem>> -> memref<!tpu.dma_semaphore, #tpu.memory_space<semaphore_mem>>
          tpu.enqueue_indirect_dma source(%dma_start3A_96 : memref<10240x128xf32, #tpu.memory_space<hbm>>) target(%dma_start3A_90 : memref<128x128xf32, #tpu.memory_space<vmem>>) offsets(%dma_start3A_93 : memref<128xi32, #tpu.memory_space<vmem>>) semaphore(%dma_start3A_98 : memref<!tpu.dma_semaphore, #tpu.memory_space<semaphore_mem>>)
        } else {
        }
        %dma_wait3A = arith.constant 0 : i32
        %dma_wait3A_74 = arith.constant 0 : i32
        %dma_wait3A_75 = tpu.memref_slice %arg9[%rem3A_66, %dma_wait3A, %dma_wait3A_74] : memref<2x128x128xf32, #tpu.memory_space<vmem>> -> memref<1x128x128xf32, #tpu.memory_space<vmem>>
        %dma_wait3A_76 = tpu.memref_squeeze %dma_wait3A_75 : memref<1x128x128xf32, #tpu.memory_space<vmem>> -> memref<128x128xf32, #tpu.memory_space<vmem>>
        %dma_wait3A_77 = arith.constant 0 : i32
        %dma_wait3A_78 = tpu.memref_slice %arg7[%add3A_65, %dma_wait3A_77] : memref<32x128xi32, #tpu.memory_space<vmem>> -> memref<1x128xi32, #tpu.memory_space<vmem>>
        %dma_wait3A_79 = tpu.memref_squeeze %dma_wait3A_78 : memref<1x128xi32, #tpu.memory_space<vmem>> -> memref<128xi32, #tpu.memory_space<vmem>>
        %dma_wait3A_80 = arith.constant 0 : i32
        %dma_wait3A_81 = arith.constant 0 : i32
        %dma_wait3A_82 = tpu.memref_slice %arg2[%dma_wait3A_80, %dma_wait3A_81] : memref<10240x128xf32, #tpu.memory_space<hbm>> -> memref<10240x128xf32, #tpu.memory_space<hbm>>
        %dma_wait3A_83 = tpu.memref_slice %arg11[%rem3A_66] : memref<2x!tpu.dma_semaphore, #tpu.memory_space<semaphore_mem>> -> memref<1x!tpu.dma_semaphore, #tpu.memory_space<semaphore_mem>>
        %dma_wait3A_84 = tpu.memref_squeeze %dma_wait3A_83 : memref<1x!tpu.dma_semaphore, #tpu.memory_space<semaphore_mem>> -> memref<!tpu.dma_semaphore, #tpu.memory_space<semaphore_mem>>
        tpu.wait_indirect_dma semaphore(%dma_wait3A_84 : memref<!tpu.dma_semaphore, #tpu.memory_space<semaphore_mem>>) src(%dma_wait3A_82 : memref<10240x128xf32, #tpu.memory_space<hbm>>) dst(%dma_wait3A_76 : memref<128x128xf32, #tpu.memory_space<vmem>>)
        "tpu.region"() ({
          %run_scoped3A = tpu.sem_alloc : memref<!tpu.dma_semaphore, #tpu.memory_space<semaphore_mem>>
          %dma_start3A_85 = arith.constant 0 : i32
          %dma_start3A_86 = arith.constant 0 : i32
          %dma_start3A_87 = tpu.memref_slice %arg9[%rem3A_66, %dma_start3A_85, %dma_start3A_86] : memref<2x128x128xf32, #tpu.memory_space<vmem>> -> memref<1x128x128xf32, #tpu.memory_space<vmem>>
          %dma_start3A_88 = tpu.memref_squeeze %dma_start3A_87 : memref<1x128x128xf32, #tpu.memory_space<vmem>> -> memref<128x128xf32, #tpu.memory_space<vmem>>
          %dma_start3A_89 = arith.constant 0 : i32
          %dma_start3A_90 = tpu.memref_slice %arg8[%add3A_65, %dma_start3A_89] : memref<32x128xi32, #tpu.memory_space<vmem>> -> memref<1x128xi32, #tpu.memory_space<vmem>>
          %dma_start3A_91 = tpu.memref_squeeze %dma_start3A_90 : memref<1x128xi32, #tpu.memory_space<vmem>> -> memref<128xi32, #tpu.memory_space<vmem>>
          %dma_start3A_92 = arith.constant 0 : i32
          %dma_start3A_93 = arith.constant 0 : i32
          %dma_start3A_94 = tpu.memref_slice %arg10[%dma_start3A_92, %dma_start3A_93] : memref<10240x128xf32, #tpu.memory_space<vmem_shared>> -> memref<10240x128xf32, #tpu.memory_space<vmem_shared>>
          tpu.enqueue_indirect_dma source(%dma_start3A_88 : memref<128x128xf32, #tpu.memory_space<vmem>>) target(%dma_start3A_94 : memref<10240x128xf32, #tpu.memory_space<vmem_shared>>) offsets(%dma_start3A_91 : memref<128xi32, #tpu.memory_space<vmem>>) semaphore(%run_scoped3A : memref<!tpu.dma_semaphore, #tpu.memory_space<semaphore_mem>>) {add = true}
          %dma_wait3A_95 = arith.constant 0 : i32
          %dma_wait3A_96 = arith.constant 0 : i32
          %dma_wait3A_97 = tpu.memref_slice %arg9[%rem3A_66, %dma_wait3A_95, %dma_wait3A_96] : memref<2x128x128xf32, #tpu.memory_space<vmem>> -> memref<1x128x128xf32, #tpu.memory_space<vmem>>
          %dma_wait3A_98 = tpu.memref_squeeze %dma_wait3A_97 : memref<1x128x128xf32, #tpu.memory_space<vmem>> -> memref<128x128xf32, #tpu.memory_space<vmem>>
          %dma_wait3A_99 = arith.constant 0 : i32
          %dma_wait3A_100 = tpu.memref_slice %arg8[%add3A_65, %dma_wait3A_99] : memref<32x128xi32, #tpu.memory_space<vmem>> -> memref<1x128xi32, #tpu.memory_space<vmem>>
          %dma_wait3A_101 = tpu.memref_squeeze %dma_wait3A_100 : memref<1x128xi32, #tpu.memory_space<vmem>> -> memref<128xi32, #tpu.memory_space<vmem>>
          %dma_wait3A_102 = arith.constant 0 : i32
          %dma_wait3A_103 = arith.constant 0 : i32
          %dma_wait3A_104 = tpu.memref_slice %arg10[%dma_wait3A_102, %dma_wait3A_103] : memref<10240x128xf32, #tpu.memory_space<vmem_shared>> -> memref<10240x128xf32, #tpu.memory_space<vmem_shared>>
          tpu.wait_indirect_dma semaphore(%run_scoped3A : memref<!tpu.dma_semaphore, #tpu.memory_space<semaphore_mem>>) src(%dma_wait3A_98 : memref<128x128xf32, #tpu.memory_space<vmem>>) dst(%dma_wait3A_104 : memref<10240x128xf32, #tpu.memory_space<vmem_shared>>)
          tpu.yield
        }) : () -> ()
      }
      %scan3A_60 = arith.constant 32 : i32
    } else {
    }
    %barrier3A_38 = arith.constant 0 : index
    tpu.barrier barrier_id(%barrier3A_38)
    "tpu.region"() ({
      %run_scoped3A = tpu.sem_alloc : memref<!tpu.dma_semaphore, #tpu.memory_space<semaphore_mem>>
      %dma_start3A_39 = arith.constant 0 : i32
      %dma_start3A_40 = tpu.memref_slice %arg6[%arg0, %mul3A_0, %dma_start3A_39] : memref<2x10240x128xf32, #tpu.memory_space<hbm>> -> memref<1x640x128xf32, #tpu.memory_space<hbm>>
      %dma_start3A_41 = tpu.memref_squeeze %dma_start3A_40 : memref<1x640x128xf32, #tpu.memory_space<hbm>> -> memref<640x128xf32, #tpu.memory_space<hbm>>
      %dma_start3A_42 = arith.constant 0 : i32
      %dma_start3A_43 = tpu.memref_slice %arg10[%mul3A_0, %dma_start3A_42] : memref<10240x128xf32, #tpu.memory_space<vmem_shared>> -> memref<640x128xf32, #tpu.memory_space<vmem_shared>>
      tpu.enqueue_dma source(%dma_start3A_43 : memref<640x128xf32, #tpu.memory_space<vmem_shared>>) target(%dma_start3A_41 : memref<640x128xf32, #tpu.memory_space<hbm>>) target_semaphore(%run_scoped3A : memref<!tpu.dma_semaphore, #tpu.memory_space<semaphore_mem>>)
      %dma_wait3A = arith.constant 0 : i32
      %dma_wait3A_44 = tpu.memref_slice %arg6[%arg0, %mul3A_0, %dma_wait3A] : memref<2x10240x128xf32, #tpu.memory_space<hbm>> -> memref<1x640x128xf32, #tpu.memory_space<hbm>>
      %dma_wait3A_45 = tpu.memref_squeeze %dma_wait3A_44 : memref<1x640x128xf32, #tpu.memory_space<hbm>> -> memref<640x128xf32, #tpu.memory_space<hbm>>
      %dma_wait3A_46 = arith.constant 0 : i32
      %dma_wait3A_47 = tpu.memref_slice %arg10[%mul3A_0, %dma_wait3A_46] : memref<10240x128xf32, #tpu.memory_space<vmem_shared>> -> memref<640x128xf32, #tpu.memory_space<vmem_shared>>
      tpu.wait_dma2 semaphore(%run_scoped3A : memref<!tpu.dma_semaphore, #tpu.memory_space<semaphore_mem>>) src(%dma_wait3A_47 : memref<640x128xf32, #tpu.memory_space<vmem_shared>>) dst(%dma_wait3A_45 : memref<640x128xf32, #tpu.memory_space<hbm>>)
      tpu.yield
    }) : () -> ()
    return
  }
}

#map = affine_map<(d0, d1) -> (0, 0)>
#map1 = affine_map<(d0, d1) -> (0, 0, 0)>
module attributes {stable_mosaic.version = 14 : i64} {
  func.func @_segsum_body(%arg0: i32, %arg1: i32, %arg2: memref<10240x128xf32, #tpu.memory_space<hbm>>, %arg3: memref<2560x128xi32, #tpu.memory_space<hbm>>, %arg4: memref<2560x128xi32, #tpu.memory_space<hbm>>, %arg5: memref<10240x128xf32, #tpu.memory_space<hbm>>, %arg6: memref<2x10240x128xf32, #tpu.memory_space<hbm>>, %arg7: memref<32x128xi32, #tpu.memory_space<vmem>>, %arg8: memref<32x128xi32, #tpu.memory_space<vmem>>, %arg9: memref<2x128x128xf32, #tpu.memory_space<vmem>>, %arg10: memref<10240x128xf32, #tpu.memory_space<vmem_shared>>, %arg11: memref<2x!tpu.dma_semaphore, #tpu.memory_space<semaphore_mem>>) attributes {dimension_semantics = [#tpu.dimension_semantics<core_parallel>, #tpu.dimension_semantics<subcore_parallel>], iteration_bounds = array<i64: 2, 16>, scalar_prefetch = 0 : i64, scratch_operands = 5 : i64, tpu.core_type = #tpu.core_type<sc_vector_subcore>, window_params = [{transform_indices = #map}, {transform_indices = #map}, {transform_indices = #map}, {transform_indices = #map}, {transform_indices = #map1}]} {
    %mul3A = arith.constant 640 : i32
    %mul3A_0 = arith.muli %arg1, %mul3A : i32
    "tpu.region"() ({
      %run_scoped3A = tpu.sem_alloc : memref<!tpu.dma_semaphore, #tpu.memory_space<semaphore_mem>>
      %dma_start3A_39 = arith.constant 0 : i32
      %dma_start3A_40 = tpu.memref_slice %arg10[%mul3A_0, %dma_start3A_39] : memref<10240x128xf32, #tpu.memory_space<vmem_shared>> -> memref<640x128xf32, #tpu.memory_space<vmem_shared>>
      %dma_start3A_41 = arith.constant 0 : i32
      %dma_start3A_42 = tpu.memref_slice %arg5[%mul3A_0, %dma_start3A_41] : memref<10240x128xf32, #tpu.memory_space<hbm>> -> memref<640x128xf32, #tpu.memory_space<hbm>>
      tpu.enqueue_dma source(%dma_start3A_42 : memref<640x128xf32, #tpu.memory_space<hbm>>) target(%dma_start3A_40 : memref<640x128xf32, #tpu.memory_space<vmem_shared>>) target_semaphore(%run_scoped3A : memref<!tpu.dma_semaphore, #tpu.memory_space<semaphore_mem>>)
      %dma_wait3A = arith.constant 0 : i32
      %dma_wait3A_43 = tpu.memref_slice %arg10[%mul3A_0, %dma_wait3A] : memref<10240x128xf32, #tpu.memory_space<vmem_shared>> -> memref<640x128xf32, #tpu.memory_space<vmem_shared>>
      %dma_wait3A_44 = arith.constant 0 : i32
      %dma_wait3A_45 = tpu.memref_slice %arg5[%mul3A_0, %dma_wait3A_44] : memref<10240x128xf32, #tpu.memory_space<hbm>> -> memref<640x128xf32, #tpu.memory_space<hbm>>
      tpu.wait_dma2 semaphore(%run_scoped3A : memref<!tpu.dma_semaphore, #tpu.memory_space<semaphore_mem>>) src(%dma_wait3A_45 : memref<640x128xf32, #tpu.memory_space<hbm>>) dst(%dma_wait3A_43 : memref<640x128xf32, #tpu.memory_space<vmem_shared>>)
      tpu.yield
    }) : () -> ()
    %barrier3A = arith.constant 0 : index
    tpu.barrier barrier_id(%barrier3A)
    %eq3A = arith.constant 0 : i32
    %eq3A_1 = arith.cmpi eq, %arg0, %eq3A : i32
    %mul3A_2 = arith.constant 128 : i32
    %mul3A_3 = arith.muli %arg1, %mul3A_2 : i32
    %mul3A_4 = arith.constant 32 : i32
    %mul3A_5 = arith.muli %arg1, %mul3A_4 : i32
    %add3A = arith.constant 2048 : i32
    %add3A_6 = arith.addi %add3A, %mul3A_5 : i32
    %select_n3A = arith.select %eq3A_1, %mul3A_3, %add3A_6 : i32
    "tpu.region"() ({
      %run_scoped3A = tpu.sem_alloc : memref<!tpu.dma_semaphore, #tpu.memory_space<semaphore_mem>>
      %dma_start3A_39 = arith.constant 0 : i32
      %dma_start3A_40 = tpu.memref_slice %arg3[%select_n3A, %dma_start3A_39] : memref<2560x128xi32, #tpu.memory_space<hbm>> -> memref<32x128xi32, #tpu.memory_space<hbm>>
      %dma_start3A_41 = arith.constant 0 : i32
      %dma_start3A_42 = tpu.memref_slice %arg3[%select_n3A, %dma_start3A_41] : memref<2560x128xi32, #tpu.memory_space<hbm>> -> memref<32x128xi32, #tpu.memory_space<hbm>>
      tpu.enqueue_dma source(%dma_start3A_42 : memref<32x128xi32, #tpu.memory_space<hbm>>) target(%arg7 : memref<32x128xi32, #tpu.memory_space<vmem>>) target_semaphore(%run_scoped3A : memref<!tpu.dma_semaphore, #tpu.memory_space<semaphore_mem>>)
      %dma_wait3A = arith.constant 0 : i32
      %dma_wait3A_43 = tpu.memref_slice %arg3[%select_n3A, %dma_wait3A] : memref<2560x128xi32, #tpu.memory_space<hbm>> -> memref<32x128xi32, #tpu.memory_space<hbm>>
      %dma_wait3A_44 = arith.constant 0 : i32
      %dma_wait3A_45 = tpu.memref_slice %arg3[%select_n3A, %dma_wait3A_44] : memref<2560x128xi32, #tpu.memory_space<hbm>> -> memref<32x128xi32, #tpu.memory_space<hbm>>
      tpu.wait_dma2 semaphore(%run_scoped3A : memref<!tpu.dma_semaphore, #tpu.memory_space<semaphore_mem>>) src(%dma_wait3A_45 : memref<32x128xi32, #tpu.memory_space<hbm>>) dst(%arg7 : memref<32x128xi32, #tpu.memory_space<vmem>>)
      tpu.yield
    }) : () -> ()
    "tpu.region"() ({
      %run_scoped3A = tpu.sem_alloc : memref<!tpu.dma_semaphore, #tpu.memory_space<semaphore_mem>>
      %dma_start3A_39 = arith.constant 0 : i32
      %dma_start3A_40 = tpu.memref_slice %arg4[%select_n3A, %dma_start3A_39] : memref<2560x128xi32, #tpu.memory_space<hbm>> -> memref<32x128xi32, #tpu.memory_space<hbm>>
      %dma_start3A_41 = arith.constant 0 : i32
      %dma_start3A_42 = tpu.memref_slice %arg4[%select_n3A, %dma_start3A_41] : memref<2560x128xi32, #tpu.memory_space<hbm>> -> memref<32x128xi32, #tpu.memory_space<hbm>>
      tpu.enqueue_dma source(%dma_start3A_42 : memref<32x128xi32, #tpu.memory_space<hbm>>) target(%arg8 : memref<32x128xi32, #tpu.memory_space<vmem>>) target_semaphore(%run_scoped3A : memref<!tpu.dma_semaphore, #tpu.memory_space<semaphore_mem>>)
      %dma_wait3A = arith.constant 0 : i32
      %dma_wait3A_43 = tpu.memref_slice %arg4[%select_n3A, %dma_wait3A] : memref<2560x128xi32, #tpu.memory_space<hbm>> -> memref<32x128xi32, #tpu.memory_space<hbm>>
      %dma_wait3A_44 = arith.constant 0 : i32
      %dma_wait3A_45 = tpu.memref_slice %arg4[%select_n3A, %dma_wait3A_44] : memref<2560x128xi32, #tpu.memory_space<hbm>> -> memref<32x128xi32, #tpu.memory_space<hbm>>
      tpu.wait_dma2 semaphore(%run_scoped3A : memref<!tpu.dma_semaphore, #tpu.memory_space<semaphore_mem>>) src(%dma_wait3A_45 : memref<32x128xi32, #tpu.memory_space<hbm>>) dst(%arg8 : memref<32x128xi32, #tpu.memory_space<vmem>>)
      tpu.yield
    }) : () -> ()
    %dma_start3A = arith.constant 0 : i32
    %dma_start3A_7 = arith.constant 0 : i32
    %dma_start3A_8 = arith.constant 0 : i32
    %dma_start3A_9 = arith.constant 0 : i32
    %dma_start3A_10 = arith.constant 0 : i32
    %dma_start3A_11 = tpu.memref_slice %arg9[%dma_start3A_7, %dma_start3A_9, %dma_start3A_10] : memref<2x128x128xf32, #tpu.memory_space<vmem>> -> memref<1x128x128xf32, #tpu.memory_space<vmem>>
    %dma_start3A_12 = tpu.memref_squeeze %dma_start3A_11 : memref<1x128x128xf32, #tpu.memory_space<vmem>> -> memref<128x128xf32, #tpu.memory_space<vmem>>
    %dma_start3A_13 = arith.constant 0 : i32
    %dma_start3A_14 = tpu.memref_slice %arg7[%dma_start3A, %dma_start3A_13] : memref<32x128xi32, #tpu.memory_space<vmem>> -> memref<1x128xi32, #tpu.memory_space<vmem>>
    %dma_start3A_15 = tpu.memref_squeeze %dma_start3A_14 : memref<1x128xi32, #tpu.memory_space<vmem>> -> memref<128xi32, #tpu.memory_space<vmem>>
    %dma_start3A_16 = arith.constant 0 : i32
    %dma_start3A_17 = arith.constant 0 : i32
    %dma_start3A_18 = tpu.memref_slice %arg2[%dma_start3A_16, %dma_start3A_17] : memref<10240x128xf32, #tpu.memory_space<hbm>> -> memref<10240x128xf32, #tpu.memory_space<hbm>>
    %dma_start3A_19 = tpu.memref_slice %arg11[%dma_start3A_8] : memref<2x!tpu.dma_semaphore, #tpu.memory_space<semaphore_mem>> -> memref<1x!tpu.dma_semaphore, #tpu.memory_space<semaphore_mem>>
    %dma_start3A_20 = tpu.memref_squeeze %dma_start3A_19 : memref<1x!tpu.dma_semaphore, #tpu.memory_space<semaphore_mem>> -> memref<!tpu.dma_semaphore, #tpu.memory_space<semaphore_mem>>
    tpu.enqueue_indirect_dma source(%dma_start3A_18 : memref<10240x128xf32, #tpu.memory_space<hbm>>) target(%dma_start3A_12 : memref<128x128xf32, #tpu.memory_space<vmem>>) offsets(%dma_start3A_15 : memref<128xi32, #tpu.memory_space<vmem>>) semaphore(%dma_start3A_20 : memref<!tpu.dma_semaphore, #tpu.memory_space<semaphore_mem>>)
    %scan3A = arith.constant 0 : i32
    %scan3A_21 = arith.constant 32 : i32
    %scan3A_22 = arith.addi %scan3A, %scan3A_21 : i32
    %scan3A_23 = arith.constant 1 : i32
    scf.for %scan3A_39 = %scan3A to %scan3A_22 step %scan3A_23  : i32 {
      %mul3A_40 = arith.constant 1 : i32
      %mul3A_41 = arith.muli %scan3A_39, %mul3A_40 : i32
      %add3A_42 = arith.constant 0 : i32
      %add3A_43 = arith.addi %add3A_42, %mul3A_41 : i32
      %rem3A = arith.constant 2 : i32
      %rem3A_44 = arith.remsi %add3A_43, %rem3A : i32
      %sub3A = arith.constant 1 : i32
      %sub3A_45 = arith.subi %sub3A, %rem3A_44 : i32
      %add3A_46 = arith.constant 1 : i32
      %add3A_47 = arith.addi %add3A_43, %add3A_46 : i32
      %lt3A = arith.constant 32 : i32
      %lt3A_48 = arith.cmpi slt, %add3A_47, %lt3A : i32
      %convert_element_type3A_49 = arith.extui %lt3A_48 : i1 to i32
      %cond3A_50 = arith.constant 0 : i32
      %cond3A_51 = arith.cmpi ne, %convert_element_type3A_49, %cond3A_50 : i32
      scf.if %cond3A_51 {
        %add3A_63 = arith.constant 1 : i32
        %add3A_64 = arith.addi %add3A_43, %add3A_63 : i32
        %dma_start3A_65 = arith.constant 0 : i32
        %dma_start3A_66 = arith.constant 0 : i32
        %dma_start3A_67 = tpu.memref_slice %arg9[%sub3A_45, %dma_start3A_65, %dma_start3A_66] : memref<2x128x128xf32, #tpu.memory_space<vmem>> -> memref<1x128x128xf32, #tpu.memory_space<vmem>>
        %dma_start3A_68 = tpu.memref_squeeze %dma_start3A_67 : memref<1x128x128xf32, #tpu.memory_space<vmem>> -> memref<128x128xf32, #tpu.memory_space<vmem>>
        %dma_start3A_69 = arith.constant 0 : i32
        %dma_start3A_70 = tpu.memref_slice %arg7[%add3A_64, %dma_start3A_69] : memref<32x128xi32, #tpu.memory_space<vmem>> -> memref<1x128xi32, #tpu.memory_space<vmem>>
        %dma_start3A_71 = tpu.memref_squeeze %dma_start3A_70 : memref<1x128xi32, #tpu.memory_space<vmem>> -> memref<128xi32, #tpu.memory_space<vmem>>
        %dma_start3A_72 = arith.constant 0 : i32
        %dma_start3A_73 = arith.constant 0 : i32
        %dma_start3A_74 = tpu.memref_slice %arg2[%dma_start3A_72, %dma_start3A_73] : memref<10240x128xf32, #tpu.memory_space<hbm>> -> memref<10240x128xf32, #tpu.memory_space<hbm>>
        %dma_start3A_75 = tpu.memref_slice %arg11[%sub3A_45] : memref<2x!tpu.dma_semaphore, #tpu.memory_space<semaphore_mem>> -> memref<1x!tpu.dma_semaphore, #tpu.memory_space<semaphore_mem>>
        %dma_start3A_76 = tpu.memref_squeeze %dma_start3A_75 : memref<1x!tpu.dma_semaphore, #tpu.memory_space<semaphore_mem>> -> memref<!tpu.dma_semaphore, #tpu.memory_space<semaphore_mem>>
        tpu.enqueue_indirect_dma source(%dma_start3A_74 : memref<10240x128xf32, #tpu.memory_space<hbm>>) target(%dma_start3A_68 : memref<128x128xf32, #tpu.memory_space<vmem>>) offsets(%dma_start3A_71 : memref<128xi32, #tpu.memory_space<vmem>>) semaphore(%dma_start3A_76 : memref<!tpu.dma_semaphore, #tpu.memory_space<semaphore_mem>>)
      } else {
      }
      %dma_wait3A = arith.constant 0 : i32
      %dma_wait3A_52 = arith.constant 0 : i32
      %dma_wait3A_53 = tpu.memref_slice %arg9[%rem3A_44, %dma_wait3A, %dma_wait3A_52] : memref<2x128x128xf32, #tpu.memory_space<vmem>> -> memref<1x128x128xf32, #tpu.memory_space<vmem>>
      %dma_wait3A_54 = tpu.memref_squeeze %dma_wait3A_53 : memref<1x128x128xf32, #tpu.memory_space<vmem>> -> memref<128x128xf32, #tpu.memory_space<vmem>>
      %dma_wait3A_55 = arith.constant 0 : i32
      %dma_wait3A_56 = tpu.memref_slice %arg7[%add3A_43, %dma_wait3A_55] : memref<32x128xi32, #tpu.memory_space<vmem>> -> memref<1x128xi32, #tpu.memory_space<vmem>>
      %dma_wait3A_57 = tpu.memref_squeeze %dma_wait3A_56 : memref<1x128xi32, #tpu.memory_space<vmem>> -> memref<128xi32, #tpu.memory_space<vmem>>
      %dma_wait3A_58 = arith.constant 0 : i32
      %dma_wait3A_59 = arith.constant 0 : i32
      %dma_wait3A_60 = tpu.memref_slice %arg2[%dma_wait3A_58, %dma_wait3A_59] : memref<10240x128xf32, #tpu.memory_space<hbm>> -> memref<10240x128xf32, #tpu.memory_space<hbm>>
      %dma_wait3A_61 = tpu.memref_slice %arg11[%rem3A_44] : memref<2x!tpu.dma_semaphore, #tpu.memory_space<semaphore_mem>> -> memref<1x!tpu.dma_semaphore, #tpu.memory_space<semaphore_mem>>
      %dma_wait3A_62 = tpu.memref_squeeze %dma_wait3A_61 : memref<1x!tpu.dma_semaphore, #tpu.memory_space<semaphore_mem>> -> memref<!tpu.dma_semaphore, #tpu.memory_space<semaphore_mem>>
      tpu.wait_indirect_dma semaphore(%dma_wait3A_62 : memref<!tpu.dma_semaphore, #tpu.memory_space<semaphore_mem>>) src(%dma_wait3A_60 : memref<10240x128xf32, #tpu.memory_space<hbm>>) dst(%dma_wait3A_54 : memref<128x128xf32, #tpu.memory_space<vmem>>)
      "tpu.region"() ({
        %run_scoped3A = tpu.sem_alloc : memref<!tpu.dma_semaphore, #tpu.memory_space<semaphore_mem>>
        %dma_start3A_63 = arith.constant 0 : i32
        %dma_start3A_64 = arith.constant 0 : i32
        %dma_start3A_65 = tpu.memref_slice %arg9[%rem3A_44, %dma_start3A_63, %dma_start3A_64] : memref<2x128x128xf32, #tpu.memory_space<vmem>> -> memref<1x128x128xf32, #tpu.memory_space<vmem>>
        %dma_start3A_66 = tpu.memref_squeeze %dma_start3A_65 : memref<1x128x128xf32, #tpu.memory_space<vmem>> -> memref<128x128xf32, #tpu.memory_space<vmem>>
        %dma_start3A_67 = arith.constant 0 : i32
        %dma_start3A_68 = tpu.memref_slice %arg8[%add3A_43, %dma_start3A_67] : memref<32x128xi32, #tpu.memory_space<vmem>> -> memref<1x128xi32, #tpu.memory_space<vmem>>
        %dma_start3A_69 = tpu.memref_squeeze %dma_start3A_68 : memref<1x128xi32, #tpu.memory_space<vmem>> -> memref<128xi32, #tpu.memory_space<vmem>>
        %dma_start3A_70 = arith.constant 0 : i32
        %dma_start3A_71 = arith.constant 0 : i32
        %dma_start3A_72 = tpu.memref_slice %arg10[%dma_start3A_70, %dma_start3A_71] : memref<10240x128xf32, #tpu.memory_space<vmem_shared>> -> memref<10240x128xf32, #tpu.memory_space<vmem_shared>>
        tpu.enqueue_indirect_dma source(%dma_start3A_66 : memref<128x128xf32, #tpu.memory_space<vmem>>) target(%dma_start3A_72 : memref<10240x128xf32, #tpu.memory_space<vmem_shared>>) offsets(%dma_start3A_69 : memref<128xi32, #tpu.memory_space<vmem>>) semaphore(%run_scoped3A : memref<!tpu.dma_semaphore, #tpu.memory_space<semaphore_mem>>) {add = true}
        %dma_wait3A_73 = arith.constant 0 : i32
        %dma_wait3A_74 = arith.constant 0 : i32
        %dma_wait3A_75 = tpu.memref_slice %arg9[%rem3A_44, %dma_wait3A_73, %dma_wait3A_74] : memref<2x128x128xf32, #tpu.memory_space<vmem>> -> memref<1x128x128xf32, #tpu.memory_space<vmem>>
        %dma_wait3A_76 = tpu.memref_squeeze %dma_wait3A_75 : memref<1x128x128xf32, #tpu.memory_space<vmem>> -> memref<128x128xf32, #tpu.memory_space<vmem>>
        %dma_wait3A_77 = arith.constant 0 : i32
        %dma_wait3A_78 = tpu.memref_slice %arg8[%add3A_43, %dma_wait3A_77] : memref<32x128xi32, #tpu.memory_space<vmem>> -> memref<1x128xi32, #tpu.memory_space<vmem>>
        %dma_wait3A_79 = tpu.memref_squeeze %dma_wait3A_78 : memref<1x128xi32, #tpu.memory_space<vmem>> -> memref<128xi32, #tpu.memory_space<vmem>>
        %dma_wait3A_80 = arith.constant 0 : i32
        %dma_wait3A_81 = arith.constant 0 : i32
        %dma_wait3A_82 = tpu.memref_slice %arg10[%dma_wait3A_80, %dma_wait3A_81] : memref<10240x128xf32, #tpu.memory_space<vmem_shared>> -> memref<10240x128xf32, #tpu.memory_space<vmem_shared>>
        tpu.wait_indirect_dma semaphore(%run_scoped3A : memref<!tpu.dma_semaphore, #tpu.memory_space<semaphore_mem>>) src(%dma_wait3A_76 : memref<128x128xf32, #tpu.memory_space<vmem>>) dst(%dma_wait3A_82 : memref<10240x128xf32, #tpu.memory_space<vmem_shared>>)
        tpu.yield
      }) : () -> ()
    }
    %scan3A_24 = arith.constant 32 : i32
    %eq3A_25 = arith.constant 0 : i32
    %eq3A_26 = arith.cmpi eq, %arg0, %eq3A_25 : i32
    %convert_element_type3A = arith.extui %eq3A_26 : i1 to i32
    %cond3A = arith.constant 0 : i32
    %cond3A_27 = arith.cmpi ne, %convert_element_type3A, %cond3A : i32
    scf.if %cond3A_27 {
      %add3A_39 = arith.constant 32 : i32
      %add3A_40 = arith.addi %select_n3A, %add3A_39 : i32
      "tpu.region"() ({
        %run_scoped3A = tpu.sem_alloc : memref<!tpu.dma_semaphore, #tpu.memory_space<semaphore_mem>>
        %dma_start3A_61 = arith.constant 0 : i32
        %dma_start3A_62 = tpu.memref_slice %arg3[%add3A_40, %dma_start3A_61] : memref<2560x128xi32, #tpu.memory_space<hbm>> -> memref<32x128xi32, #tpu.memory_space<hbm>>
        %dma_start3A_63 = arith.constant 0 : i32
        %dma_start3A_64 = tpu.memref_slice %arg3[%add3A_40, %dma_start3A_63] : memref<2560x128xi32, #tpu.memory_space<hbm>> -> memref<32x128xi32, #tpu.memory_space<hbm>>
        tpu.enqueue_dma source(%dma_start3A_64 : memref<32x128xi32, #tpu.memory_space<hbm>>) target(%arg7 : memref<32x128xi32, #tpu.memory_space<vmem>>) target_semaphore(%run_scoped3A : memref<!tpu.dma_semaphore, #tpu.memory_space<semaphore_mem>>)
        %dma_wait3A = arith.constant 0 : i32
        %dma_wait3A_65 = tpu.memref_slice %arg3[%add3A_40, %dma_wait3A] : memref<2560x128xi32, #tpu.memory_space<hbm>> -> memref<32x128xi32, #tpu.memory_space<hbm>>
        %dma_wait3A_66 = arith.constant 0 : i32
        %dma_wait3A_67 = tpu.memref_slice %arg3[%add3A_40, %dma_wait3A_66] : memref<2560x128xi32, #tpu.memory_space<hbm>> -> memref<32x128xi32, #tpu.memory_space<hbm>>
        tpu.wait_dma2 semaphore(%run_scoped3A : memref<!tpu.dma_semaphore, #tpu.memory_space<semaphore_mem>>) src(%dma_wait3A_67 : memref<32x128xi32, #tpu.memory_space<hbm>>) dst(%arg7 : memref<32x128xi32, #tpu.memory_space<vmem>>)
        tpu.yield
      }) : () -> ()
      "tpu.region"() ({
        %run_scoped3A = tpu.sem_alloc : memref<!tpu.dma_semaphore, #tpu.memory_space<semaphore_mem>>
        %dma_start3A_61 = arith.constant 0 : i32
        %dma_start3A_62 = tpu.memref_slice %arg4[%add3A_40, %dma_start3A_61] : memref<2560x128xi32, #tpu.memory_space<hbm>> -> memref<32x128xi32, #tpu.memory_space<hbm>>
        %dma_start3A_63 = arith.constant 0 : i32
        %dma_start3A_64 = tpu.memref_slice %arg4[%add3A_40, %dma_start3A_63] : memref<2560x128xi32, #tpu.memory_space<hbm>> -> memref<32x128xi32, #tpu.memory_space<hbm>>
        tpu.enqueue_dma source(%dma_start3A_64 : memref<32x128xi32, #tpu.memory_space<hbm>>) target(%arg8 : memref<32x128xi32, #tpu.memory_space<vmem>>) target_semaphore(%run_scoped3A : memref<!tpu.dma_semaphore, #tpu.memory_space<semaphore_mem>>)
        %dma_wait3A = arith.constant 0 : i32
        %dma_wait3A_65 = tpu.memref_slice %arg4[%add3A_40, %dma_wait3A] : memref<2560x128xi32, #tpu.memory_space<hbm>> -> memref<32x128xi32, #tpu.memory_space<hbm>>
        %dma_wait3A_66 = arith.constant 0 : i32
        %dma_wait3A_67 = tpu.memref_slice %arg4[%add3A_40, %dma_wait3A_66] : memref<2560x128xi32, #tpu.memory_space<hbm>> -> memref<32x128xi32, #tpu.memory_space<hbm>>
        tpu.wait_dma2 semaphore(%run_scoped3A : memref<!tpu.dma_semaphore, #tpu.memory_space<semaphore_mem>>) src(%dma_wait3A_67 : memref<32x128xi32, #tpu.memory_space<hbm>>) dst(%arg8 : memref<32x128xi32, #tpu.memory_space<vmem>>)
        tpu.yield
      }) : () -> ()
      %dma_start3A_41 = arith.constant 0 : i32
      %dma_start3A_42 = arith.constant 0 : i32
      %dma_start3A_43 = arith.constant 0 : i32
      %dma_start3A_44 = arith.constant 0 : i32
      %dma_start3A_45 = arith.constant 0 : i32
      %dma_start3A_46 = tpu.memref_slice %arg9[%dma_start3A_42, %dma_start3A_44, %dma_start3A_45] : memref<2x128x128xf32, #tpu.memory_space<vmem>> -> memref<1x128x128xf32, #tpu.memory_space<vmem>>
      %dma_start3A_47 = tpu.memref_squeeze %dma_start3A_46 : memref<1x128x128xf32, #tpu.memory_space<vmem>> -> memref<128x128xf32, #tpu.memory_space<vmem>>
      %dma_start3A_48 = arith.constant 0 : i32
      %dma_start3A_49 = tpu.memref_slice %arg7[%dma_start3A_41, %dma_start3A_48] : memref<32x128xi32, #tpu.memory_space<vmem>> -> memref<1x128xi32, #tpu.memory_space<vmem>>
      %dma_start3A_50 = tpu.memref_squeeze %dma_start3A_49 : memref<1x128xi32, #tpu.memory_space<vmem>> -> memref<128xi32, #tpu.memory_space<vmem>>
      %dma_start3A_51 = arith.constant 0 : i32
      %dma_start3A_52 = arith.constant 0 : i32
      %dma_start3A_53 = tpu.memref_slice %arg2[%dma_start3A_51, %dma_start3A_52] : memref<10240x128xf32, #tpu.memory_space<hbm>> -> memref<10240x128xf32, #tpu.memory_space<hbm>>
      %dma_start3A_54 = tpu.memref_slice %arg11[%dma_start3A_43] : memref<2x!tpu.dma_semaphore, #tpu.memory_space<semaphore_mem>> -> memref<1x!tpu.dma_semaphore, #tpu.memory_space<semaphore_mem>>
      %dma_start3A_55 = tpu.memref_squeeze %dma_start3A_54 : memref<1x!tpu.dma_semaphore, #tpu.memory_space<semaphore_mem>> -> memref<!tpu.dma_semaphore, #tpu.memory_space<semaphore_mem>>
      tpu.enqueue_indirect_dma source(%dma_start3A_53 : memref<10240x128xf32, #tpu.memory_space<hbm>>) target(%dma_start3A_47 : memref<128x128xf32, #tpu.memory_space<vmem>>) offsets(%dma_start3A_50 : memref<128xi32, #tpu.memory_space<vmem>>) semaphore(%dma_start3A_55 : memref<!tpu.dma_semaphore, #tpu.memory_space<semaphore_mem>>)
      %scan3A_56 = arith.constant 0 : i32
      %scan3A_57 = arith.constant 32 : i32
      %scan3A_58 = arith.addi %scan3A_56, %scan3A_57 : i32
      %scan3A_59 = arith.constant 1 : i32
      scf.for %scan3A_61 = %scan3A_56 to %scan3A_58 step %scan3A_59  : i32 {
        %mul3A_62 = arith.constant 1 : i32
        %mul3A_63 = arith.muli %scan3A_61, %mul3A_62 : i32
        %add3A_64 = arith.constant 0 : i32
        %add3A_65 = arith.addi %add3A_64, %mul3A_63 : i32
        %rem3A = arith.constant 2 : i32
        %rem3A_66 = arith.remsi %add3A_65, %rem3A : i32
        %sub3A = arith.constant 1 : i32
        %sub3A_67 = arith.subi %sub3A, %rem3A_66 : i32
        %add3A_68 = arith.constant 1 : i32
        %add3A_69 = arith.addi %add3A_65, %add3A_68 : i32
        %lt3A = arith.constant 32 : i32
        %lt3A_70 = arith.cmpi slt, %add3A_69, %lt3A : i32
        %convert_element_type3A_71 = arith.extui %lt3A_70 : i1 to i32
        %cond3A_72 = arith.constant 0 : i32
        %cond3A_73 = arith.cmpi ne, %convert_element_type3A_71, %cond3A_72 : i32
        scf.if %cond3A_73 {
          %add3A_85 = arith.constant 1 : i32
          %add3A_86 = arith.addi %add3A_65, %add3A_85 : i32
          %dma_start3A_87 = arith.constant 0 : i32
          %dma_start3A_88 = arith.constant 0 : i32
          %dma_start3A_89 = tpu.memref_slice %arg9[%sub3A_67, %dma_start3A_87, %dma_start3A_88] : memref<2x128x128xf32, #tpu.memory_space<vmem>> -> memref<1x128x128xf32, #tpu.memory_space<vmem>>
          %dma_start3A_90 = tpu.memref_squeeze %dma_start3A_89 : memref<1x128x128xf32, #tpu.memory_space<vmem>> -> memref<128x128xf32, #tpu.memory_space<vmem>>
          %dma_start3A_91 = arith.constant 0 : i32
          %dma_start3A_92 = tpu.memref_slice %arg7[%add3A_86, %dma_start3A_91] : memref<32x128xi32, #tpu.memory_space<vmem>> -> memref<1x128xi32, #tpu.memory_space<vmem>>
          %dma_start3A_93 = tpu.memref_squeeze %dma_start3A_92 : memref<1x128xi32, #tpu.memory_space<vmem>> -> memref<128xi32, #tpu.memory_space<vmem>>
          %dma_start3A_94 = arith.constant 0 : i32
          %dma_start3A_95 = arith.constant 0 : i32
          %dma_start3A_96 = tpu.memref_slice %arg2[%dma_start3A_94, %dma_start3A_95] : memref<10240x128xf32, #tpu.memory_space<hbm>> -> memref<10240x128xf32, #tpu.memory_space<hbm>>
          %dma_start3A_97 = tpu.memref_slice %arg11[%sub3A_67] : memref<2x!tpu.dma_semaphore, #tpu.memory_space<semaphore_mem>> -> memref<1x!tpu.dma_semaphore, #tpu.memory_space<semaphore_mem>>
          %dma_start3A_98 = tpu.memref_squeeze %dma_start3A_97 : memref<1x!tpu.dma_semaphore, #tpu.memory_space<semaphore_mem>> -> memref<!tpu.dma_semaphore, #tpu.memory_space<semaphore_mem>>
          tpu.enqueue_indirect_dma source(%dma_start3A_96 : memref<10240x128xf32, #tpu.memory_space<hbm>>) target(%dma_start3A_90 : memref<128x128xf32, #tpu.memory_space<vmem>>) offsets(%dma_start3A_93 : memref<128xi32, #tpu.memory_space<vmem>>) semaphore(%dma_start3A_98 : memref<!tpu.dma_semaphore, #tpu.memory_space<semaphore_mem>>)
        } else {
        }
        %dma_wait3A = arith.constant 0 : i32
        %dma_wait3A_74 = arith.constant 0 : i32
        %dma_wait3A_75 = tpu.memref_slice %arg9[%rem3A_66, %dma_wait3A, %dma_wait3A_74] : memref<2x128x128xf32, #tpu.memory_space<vmem>> -> memref<1x128x128xf32, #tpu.memory_space<vmem>>
        %dma_wait3A_76 = tpu.memref_squeeze %dma_wait3A_75 : memref<1x128x128xf32, #tpu.memory_space<vmem>> -> memref<128x128xf32, #tpu.memory_space<vmem>>
        %dma_wait3A_77 = arith.constant 0 : i32
        %dma_wait3A_78 = tpu.memref_slice %arg7[%add3A_65, %dma_wait3A_77] : memref<32x128xi32, #tpu.memory_space<vmem>> -> memref<1x128xi32, #tpu.memory_space<vmem>>
        %dma_wait3A_79 = tpu.memref_squeeze %dma_wait3A_78 : memref<1x128xi32, #tpu.memory_space<vmem>> -> memref<128xi32, #tpu.memory_space<vmem>>
        %dma_wait3A_80 = arith.constant 0 : i32
        %dma_wait3A_81 = arith.constant 0 : i32
        %dma_wait3A_82 = tpu.memref_slice %arg2[%dma_wait3A_80, %dma_wait3A_81] : memref<10240x128xf32, #tpu.memory_space<hbm>> -> memref<10240x128xf32, #tpu.memory_space<hbm>>
        %dma_wait3A_83 = tpu.memref_slice %arg11[%rem3A_66] : memref<2x!tpu.dma_semaphore, #tpu.memory_space<semaphore_mem>> -> memref<1x!tpu.dma_semaphore, #tpu.memory_space<semaphore_mem>>
        %dma_wait3A_84 = tpu.memref_squeeze %dma_wait3A_83 : memref<1x!tpu.dma_semaphore, #tpu.memory_space<semaphore_mem>> -> memref<!tpu.dma_semaphore, #tpu.memory_space<semaphore_mem>>
        tpu.wait_indirect_dma semaphore(%dma_wait3A_84 : memref<!tpu.dma_semaphore, #tpu.memory_space<semaphore_mem>>) src(%dma_wait3A_82 : memref<10240x128xf32, #tpu.memory_space<hbm>>) dst(%dma_wait3A_76 : memref<128x128xf32, #tpu.memory_space<vmem>>)
        "tpu.region"() ({
          %run_scoped3A = tpu.sem_alloc : memref<!tpu.dma_semaphore, #tpu.memory_space<semaphore_mem>>
          %dma_start3A_85 = arith.constant 0 : i32
          %dma_start3A_86 = arith.constant 0 : i32
          %dma_start3A_87 = tpu.memref_slice %arg9[%rem3A_66, %dma_start3A_85, %dma_start3A_86] : memref<2x128x128xf32, #tpu.memory_space<vmem>> -> memref<1x128x128xf32, #tpu.memory_space<vmem>>
          %dma_start3A_88 = tpu.memref_squeeze %dma_start3A_87 : memref<1x128x128xf32, #tpu.memory_space<vmem>> -> memref<128x128xf32, #tpu.memory_space<vmem>>
          %dma_start3A_89 = arith.constant 0 : i32
          %dma_start3A_90 = tpu.memref_slice %arg8[%add3A_65, %dma_start3A_89] : memref<32x128xi32, #tpu.memory_space<vmem>> -> memref<1x128xi32, #tpu.memory_space<vmem>>
          %dma_start3A_91 = tpu.memref_squeeze %dma_start3A_90 : memref<1x128xi32, #tpu.memory_space<vmem>> -> memref<128xi32, #tpu.memory_space<vmem>>
          %dma_start3A_92 = arith.constant 0 : i32
          %dma_start3A_93 = arith.constant 0 : i32
          %dma_start3A_94 = tpu.memref_slice %arg10[%dma_start3A_92, %dma_start3A_93] : memref<10240x128xf32, #tpu.memory_space<vmem_shared>> -> memref<10240x128xf32, #tpu.memory_space<vmem_shared>>
          tpu.enqueue_indirect_dma source(%dma_start3A_88 : memref<128x128xf32, #tpu.memory_space<vmem>>) target(%dma_start3A_94 : memref<10240x128xf32, #tpu.memory_space<vmem_shared>>) offsets(%dma_start3A_91 : memref<128xi32, #tpu.memory_space<vmem>>) semaphore(%run_scoped3A : memref<!tpu.dma_semaphore, #tpu.memory_space<semaphore_mem>>) {add = true}
          %dma_wait3A_95 = arith.constant 0 : i32
          %dma_wait3A_96 = arith.constant 0 : i32
          %dma_wait3A_97 = tpu.memref_slice %arg9[%rem3A_66, %dma_wait3A_95, %dma_wait3A_96] : memref<2x128x128xf32, #tpu.memory_space<vmem>> -> memref<1x128x128xf32, #tpu.memory_space<vmem>>
          %dma_wait3A_98 = tpu.memref_squeeze %dma_wait3A_97 : memref<1x128x128xf32, #tpu.memory_space<vmem>> -> memref<128x128xf32, #tpu.memory_space<vmem>>
          %dma_wait3A_99 = arith.constant 0 : i32
          %dma_wait3A_100 = tpu.memref_slice %arg8[%add3A_65, %dma_wait3A_99] : memref<32x128xi32, #tpu.memory_space<vmem>> -> memref<1x128xi32, #tpu.memory_space<vmem>>
          %dma_wait3A_101 = tpu.memref_squeeze %dma_wait3A_100 : memref<1x128xi32, #tpu.memory_space<vmem>> -> memref<128xi32, #tpu.memory_space<vmem>>
          %dma_wait3A_102 = arith.constant 0 : i32
          %dma_wait3A_103 = arith.constant 0 : i32
          %dma_wait3A_104 = tpu.memref_slice %arg10[%dma_wait3A_102, %dma_wait3A_103] : memref<10240x128xf32, #tpu.memory_space<vmem_shared>> -> memref<10240x128xf32, #tpu.memory_space<vmem_shared>>
          tpu.wait_indirect_dma semaphore(%run_scoped3A : memref<!tpu.dma_semaphore, #tpu.memory_space<semaphore_mem>>) src(%dma_wait3A_98 : memref<128x128xf32, #tpu.memory_space<vmem>>) dst(%dma_wait3A_104 : memref<10240x128xf32, #tpu.memory_space<vmem_shared>>)
          tpu.yield
        }) : () -> ()
      }
      %scan3A_60 = arith.constant 32 : i32
    } else {
    }
    %eq3A_28 = arith.constant 0 : i32
    %eq3A_29 = arith.cmpi eq, %arg0, %eq3A_28 : i32
    %convert_element_type3A_30 = arith.extui %eq3A_29 : i1 to i32
    %cond3A_31 = arith.constant 0 : i32
    %cond3A_32 = arith.cmpi ne, %convert_element_type3A_30, %cond3A_31 : i32
    scf.if %cond3A_32 {
      %add3A_39 = arith.constant 64 : i32
      %add3A_40 = arith.addi %select_n3A, %add3A_39 : i32
      "tpu.region"() ({
        %run_scoped3A = tpu.sem_alloc : memref<!tpu.dma_semaphore, #tpu.memory_space<semaphore_mem>>
        %dma_start3A_61 = arith.constant 0 : i32
        %dma_start3A_62 = tpu.memref_slice %arg3[%add3A_40, %dma_start3A_61] : memref<2560x128xi32, #tpu.memory_space<hbm>> -> memref<32x128xi32, #tpu.memory_space<hbm>>
        %dma_start3A_63 = arith.constant 0 : i32
        %dma_start3A_64 = tpu.memref_slice %arg3[%add3A_40, %dma_start3A_63] : memref<2560x128xi32, #tpu.memory_space<hbm>> -> memref<32x128xi32, #tpu.memory_space<hbm>>
        tpu.enqueue_dma source(%dma_start3A_64 : memref<32x128xi32, #tpu.memory_space<hbm>>) target(%arg7 : memref<32x128xi32, #tpu.memory_space<vmem>>) target_semaphore(%run_scoped3A : memref<!tpu.dma_semaphore, #tpu.memory_space<semaphore_mem>>)
        %dma_wait3A = arith.constant 0 : i32
        %dma_wait3A_65 = tpu.memref_slice %arg3[%add3A_40, %dma_wait3A] : memref<2560x128xi32, #tpu.memory_space<hbm>> -> memref<32x128xi32, #tpu.memory_space<hbm>>
        %dma_wait3A_66 = arith.constant 0 : i32
        %dma_wait3A_67 = tpu.memref_slice %arg3[%add3A_40, %dma_wait3A_66] : memref<2560x128xi32, #tpu.memory_space<hbm>> -> memref<32x128xi32, #tpu.memory_space<hbm>>
        tpu.wait_dma2 semaphore(%run_scoped3A : memref<!tpu.dma_semaphore, #tpu.memory_space<semaphore_mem>>) src(%dma_wait3A_67 : memref<32x128xi32, #tpu.memory_space<hbm>>) dst(%arg7 : memref<32x128xi32, #tpu.memory_space<vmem>>)
        tpu.yield
      }) : () -> ()
      "tpu.region"() ({
        %run_scoped3A = tpu.sem_alloc : memref<!tpu.dma_semaphore, #tpu.memory_space<semaphore_mem>>
        %dma_start3A_61 = arith.constant 0 : i32
        %dma_start3A_62 = tpu.memref_slice %arg4[%add3A_40, %dma_start3A_61] : memref<2560x128xi32, #tpu.memory_space<hbm>> -> memref<32x128xi32, #tpu.memory_space<hbm>>
        %dma_start3A_63 = arith.constant 0 : i32
        %dma_start3A_64 = tpu.memref_slice %arg4[%add3A_40, %dma_start3A_63] : memref<2560x128xi32, #tpu.memory_space<hbm>> -> memref<32x128xi32, #tpu.memory_space<hbm>>
        tpu.enqueue_dma source(%dma_start3A_64 : memref<32x128xi32, #tpu.memory_space<hbm>>) target(%arg8 : memref<32x128xi32, #tpu.memory_space<vmem>>) target_semaphore(%run_scoped3A : memref<!tpu.dma_semaphore, #tpu.memory_space<semaphore_mem>>)
        %dma_wait3A = arith.constant 0 : i32
        %dma_wait3A_65 = tpu.memref_slice %arg4[%add3A_40, %dma_wait3A] : memref<2560x128xi32, #tpu.memory_space<hbm>> -> memref<32x128xi32, #tpu.memory_space<hbm>>
        %dma_wait3A_66 = arith.constant 0 : i32
        %dma_wait3A_67 = tpu.memref_slice %arg4[%add3A_40, %dma_wait3A_66] : memref<2560x128xi32, #tpu.memory_space<hbm>> -> memref<32x128xi32, #tpu.memory_space<hbm>>
        tpu.wait_dma2 semaphore(%run_scoped3A : memref<!tpu.dma_semaphore, #tpu.memory_space<semaphore_mem>>) src(%dma_wait3A_67 : memref<32x128xi32, #tpu.memory_space<hbm>>) dst(%arg8 : memref<32x128xi32, #tpu.memory_space<vmem>>)
        tpu.yield
      }) : () -> ()
      %dma_start3A_41 = arith.constant 0 : i32
      %dma_start3A_42 = arith.constant 0 : i32
      %dma_start3A_43 = arith.constant 0 : i32
      %dma_start3A_44 = arith.constant 0 : i32
      %dma_start3A_45 = arith.constant 0 : i32
      %dma_start3A_46 = tpu.memref_slice %arg9[%dma_start3A_42, %dma_start3A_44, %dma_start3A_45] : memref<2x128x128xf32, #tpu.memory_space<vmem>> -> memref<1x128x128xf32, #tpu.memory_space<vmem>>
      %dma_start3A_47 = tpu.memref_squeeze %dma_start3A_46 : memref<1x128x128xf32, #tpu.memory_space<vmem>> -> memref<128x128xf32, #tpu.memory_space<vmem>>
      %dma_start3A_48 = arith.constant 0 : i32
      %dma_start3A_49 = tpu.memref_slice %arg7[%dma_start3A_41, %dma_start3A_48] : memref<32x128xi32, #tpu.memory_space<vmem>> -> memref<1x128xi32, #tpu.memory_space<vmem>>
      %dma_start3A_50 = tpu.memref_squeeze %dma_start3A_49 : memref<1x128xi32, #tpu.memory_space<vmem>> -> memref<128xi32, #tpu.memory_space<vmem>>
      %dma_start3A_51 = arith.constant 0 : i32
      %dma_start3A_52 = arith.constant 0 : i32
      %dma_start3A_53 = tpu.memref_slice %arg2[%dma_start3A_51, %dma_start3A_52] : memref<10240x128xf32, #tpu.memory_space<hbm>> -> memref<10240x128xf32, #tpu.memory_space<hbm>>
      %dma_start3A_54 = tpu.memref_slice %arg11[%dma_start3A_43] : memref<2x!tpu.dma_semaphore, #tpu.memory_space<semaphore_mem>> -> memref<1x!tpu.dma_semaphore, #tpu.memory_space<semaphore_mem>>
      %dma_start3A_55 = tpu.memref_squeeze %dma_start3A_54 : memref<1x!tpu.dma_semaphore, #tpu.memory_space<semaphore_mem>> -> memref<!tpu.dma_semaphore, #tpu.memory_space<semaphore_mem>>
      tpu.enqueue_indirect_dma source(%dma_start3A_53 : memref<10240x128xf32, #tpu.memory_space<hbm>>) target(%dma_start3A_47 : memref<128x128xf32, #tpu.memory_space<vmem>>) offsets(%dma_start3A_50 : memref<128xi32, #tpu.memory_space<vmem>>) semaphore(%dma_start3A_55 : memref<!tpu.dma_semaphore, #tpu.memory_space<semaphore_mem>>)
      %scan3A_56 = arith.constant 0 : i32
      %scan3A_57 = arith.constant 32 : i32
      %scan3A_58 = arith.addi %scan3A_56, %scan3A_57 : i32
      %scan3A_59 = arith.constant 1 : i32
      scf.for %scan3A_61 = %scan3A_56 to %scan3A_58 step %scan3A_59  : i32 {
        %mul3A_62 = arith.constant 1 : i32
        %mul3A_63 = arith.muli %scan3A_61, %mul3A_62 : i32
        %add3A_64 = arith.constant 0 : i32
        %add3A_65 = arith.addi %add3A_64, %mul3A_63 : i32
        %rem3A = arith.constant 2 : i32
        %rem3A_66 = arith.remsi %add3A_65, %rem3A : i32
        %sub3A = arith.constant 1 : i32
        %sub3A_67 = arith.subi %sub3A, %rem3A_66 : i32
        %add3A_68 = arith.constant 1 : i32
        %add3A_69 = arith.addi %add3A_65, %add3A_68 : i32
        %lt3A = arith.constant 32 : i32
        %lt3A_70 = arith.cmpi slt, %add3A_69, %lt3A : i32
        %convert_element_type3A_71 = arith.extui %lt3A_70 : i1 to i32
        %cond3A_72 = arith.constant 0 : i32
        %cond3A_73 = arith.cmpi ne, %convert_element_type3A_71, %cond3A_72 : i32
        scf.if %cond3A_73 {
          %add3A_85 = arith.constant 1 : i32
          %add3A_86 = arith.addi %add3A_65, %add3A_85 : i32
          %dma_start3A_87 = arith.constant 0 : i32
          %dma_start3A_88 = arith.constant 0 : i32
          %dma_start3A_89 = tpu.memref_slice %arg9[%sub3A_67, %dma_start3A_87, %dma_start3A_88] : memref<2x128x128xf32, #tpu.memory_space<vmem>> -> memref<1x128x128xf32, #tpu.memory_space<vmem>>
          %dma_start3A_90 = tpu.memref_squeeze %dma_start3A_89 : memref<1x128x128xf32, #tpu.memory_space<vmem>> -> memref<128x128xf32, #tpu.memory_space<vmem>>
          %dma_start3A_91 = arith.constant 0 : i32
          %dma_start3A_92 = tpu.memref_slice %arg7[%add3A_86, %dma_start3A_91] : memref<32x128xi32, #tpu.memory_space<vmem>> -> memref<1x128xi32, #tpu.memory_space<vmem>>
          %dma_start3A_93 = tpu.memref_squeeze %dma_start3A_92 : memref<1x128xi32, #tpu.memory_space<vmem>> -> memref<128xi32, #tpu.memory_space<vmem>>
          %dma_start3A_94 = arith.constant 0 : i32
          %dma_start3A_95 = arith.constant 0 : i32
          %dma_start3A_96 = tpu.memref_slice %arg2[%dma_start3A_94, %dma_start3A_95] : memref<10240x128xf32, #tpu.memory_space<hbm>> -> memref<10240x128xf32, #tpu.memory_space<hbm>>
          %dma_start3A_97 = tpu.memref_slice %arg11[%sub3A_67] : memref<2x!tpu.dma_semaphore, #tpu.memory_space<semaphore_mem>> -> memref<1x!tpu.dma_semaphore, #tpu.memory_space<semaphore_mem>>
          %dma_start3A_98 = tpu.memref_squeeze %dma_start3A_97 : memref<1x!tpu.dma_semaphore, #tpu.memory_space<semaphore_mem>> -> memref<!tpu.dma_semaphore, #tpu.memory_space<semaphore_mem>>
          tpu.enqueue_indirect_dma source(%dma_start3A_96 : memref<10240x128xf32, #tpu.memory_space<hbm>>) target(%dma_start3A_90 : memref<128x128xf32, #tpu.memory_space<vmem>>) offsets(%dma_start3A_93 : memref<128xi32, #tpu.memory_space<vmem>>) semaphore(%dma_start3A_98 : memref<!tpu.dma_semaphore, #tpu.memory_space<semaphore_mem>>)
        } else {
        }
        %dma_wait3A = arith.constant 0 : i32
        %dma_wait3A_74 = arith.constant 0 : i32
        %dma_wait3A_75 = tpu.memref_slice %arg9[%rem3A_66, %dma_wait3A, %dma_wait3A_74] : memref<2x128x128xf32, #tpu.memory_space<vmem>> -> memref<1x128x128xf32, #tpu.memory_space<vmem>>
        %dma_wait3A_76 = tpu.memref_squeeze %dma_wait3A_75 : memref<1x128x128xf32, #tpu.memory_space<vmem>> -> memref<128x128xf32, #tpu.memory_space<vmem>>
        %dma_wait3A_77 = arith.constant 0 : i32
        %dma_wait3A_78 = tpu.memref_slice %arg7[%add3A_65, %dma_wait3A_77] : memref<32x128xi32, #tpu.memory_space<vmem>> -> memref<1x128xi32, #tpu.memory_space<vmem>>
        %dma_wait3A_79 = tpu.memref_squeeze %dma_wait3A_78 : memref<1x128xi32, #tpu.memory_space<vmem>> -> memref<128xi32, #tpu.memory_space<vmem>>
        %dma_wait3A_80 = arith.constant 0 : i32
        %dma_wait3A_81 = arith.constant 0 : i32
        %dma_wait3A_82 = tpu.memref_slice %arg2[%dma_wait3A_80, %dma_wait3A_81] : memref<10240x128xf32, #tpu.memory_space<hbm>> -> memref<10240x128xf32, #tpu.memory_space<hbm>>
        %dma_wait3A_83 = tpu.memref_slice %arg11[%rem3A_66] : memref<2x!tpu.dma_semaphore, #tpu.memory_space<semaphore_mem>> -> memref<1x!tpu.dma_semaphore, #tpu.memory_space<semaphore_mem>>
        %dma_wait3A_84 = tpu.memref_squeeze %dma_wait3A_83 : memref<1x!tpu.dma_semaphore, #tpu.memory_space<semaphore_mem>> -> memref<!tpu.dma_semaphore, #tpu.memory_space<semaphore_mem>>
        tpu.wait_indirect_dma semaphore(%dma_wait3A_84 : memref<!tpu.dma_semaphore, #tpu.memory_space<semaphore_mem>>) src(%dma_wait3A_82 : memref<10240x128xf32, #tpu.memory_space<hbm>>) dst(%dma_wait3A_76 : memref<128x128xf32, #tpu.memory_space<vmem>>)
        "tpu.region"() ({
          %run_scoped3A = tpu.sem_alloc : memref<!tpu.dma_semaphore, #tpu.memory_space<semaphore_mem>>
          %dma_start3A_85 = arith.constant 0 : i32
          %dma_start3A_86 = arith.constant 0 : i32
          %dma_start3A_87 = tpu.memref_slice %arg9[%rem3A_66, %dma_start3A_85, %dma_start3A_86] : memref<2x128x128xf32, #tpu.memory_space<vmem>> -> memref<1x128x128xf32, #tpu.memory_space<vmem>>
          %dma_start3A_88 = tpu.memref_squeeze %dma_start3A_87 : memref<1x128x128xf32, #tpu.memory_space<vmem>> -> memref<128x128xf32, #tpu.memory_space<vmem>>
          %dma_start3A_89 = arith.constant 0 : i32
          %dma_start3A_90 = tpu.memref_slice %arg8[%add3A_65, %dma_start3A_89] : memref<32x128xi32, #tpu.memory_space<vmem>> -> memref<1x128xi32, #tpu.memory_space<vmem>>
          %dma_start3A_91 = tpu.memref_squeeze %dma_start3A_90 : memref<1x128xi32, #tpu.memory_space<vmem>> -> memref<128xi32, #tpu.memory_space<vmem>>
          %dma_start3A_92 = arith.constant 0 : i32
          %dma_start3A_93 = arith.constant 0 : i32
          %dma_start3A_94 = tpu.memref_slice %arg10[%dma_start3A_92, %dma_start3A_93] : memref<10240x128xf32, #tpu.memory_space<vmem_shared>> -> memref<10240x128xf32, #tpu.memory_space<vmem_shared>>
          tpu.enqueue_indirect_dma source(%dma_start3A_88 : memref<128x128xf32, #tpu.memory_space<vmem>>) target(%dma_start3A_94 : memref<10240x128xf32, #tpu.memory_space<vmem_shared>>) offsets(%dma_start3A_91 : memref<128xi32, #tpu.memory_space<vmem>>) semaphore(%run_scoped3A : memref<!tpu.dma_semaphore, #tpu.memory_space<semaphore_mem>>) {add = true}
          %dma_wait3A_95 = arith.constant 0 : i32
          %dma_wait3A_96 = arith.constant 0 : i32
          %dma_wait3A_97 = tpu.memref_slice %arg9[%rem3A_66, %dma_wait3A_95, %dma_wait3A_96] : memref<2x128x128xf32, #tpu.memory_space<vmem>> -> memref<1x128x128xf32, #tpu.memory_space<vmem>>
          %dma_wait3A_98 = tpu.memref_squeeze %dma_wait3A_97 : memref<1x128x128xf32, #tpu.memory_space<vmem>> -> memref<128x128xf32, #tpu.memory_space<vmem>>
          %dma_wait3A_99 = arith.constant 0 : i32
          %dma_wait3A_100 = tpu.memref_slice %arg8[%add3A_65, %dma_wait3A_99] : memref<32x128xi32, #tpu.memory_space<vmem>> -> memref<1x128xi32, #tpu.memory_space<vmem>>
          %dma_wait3A_101 = tpu.memref_squeeze %dma_wait3A_100 : memref<1x128xi32, #tpu.memory_space<vmem>> -> memref<128xi32, #tpu.memory_space<vmem>>
          %dma_wait3A_102 = arith.constant 0 : i32
          %dma_wait3A_103 = arith.constant 0 : i32
          %dma_wait3A_104 = tpu.memref_slice %arg10[%dma_wait3A_102, %dma_wait3A_103] : memref<10240x128xf32, #tpu.memory_space<vmem_shared>> -> memref<10240x128xf32, #tpu.memory_space<vmem_shared>>
          tpu.wait_indirect_dma semaphore(%run_scoped3A : memref<!tpu.dma_semaphore, #tpu.memory_space<semaphore_mem>>) src(%dma_wait3A_98 : memref<128x128xf32, #tpu.memory_space<vmem>>) dst(%dma_wait3A_104 : memref<10240x128xf32, #tpu.memory_space<vmem_shared>>)
          tpu.yield
        }) : () -> ()
      }
      %scan3A_60 = arith.constant 32 : i32
    } else {
    }
    %eq3A_33 = arith.constant 0 : i32
    %eq3A_34 = arith.cmpi eq, %arg0, %eq3A_33 : i32
    %convert_element_type3A_35 = arith.extui %eq3A_34 : i1 to i32
    %cond3A_36 = arith.constant 0 : i32
    %cond3A_37 = arith.cmpi ne, %convert_element_type3A_35, %cond3A_36 : i32
    scf.if %cond3A_37 {
      %add3A_39 = arith.constant 96 : i32
      %add3A_40 = arith.addi %select_n3A, %add3A_39 : i32
      "tpu.region"() ({
        %run_scoped3A = tpu.sem_alloc : memref<!tpu.dma_semaphore, #tpu.memory_space<semaphore_mem>>
        %dma_start3A_61 = arith.constant 0 : i32
        %dma_start3A_62 = tpu.memref_slice %arg3[%add3A_40, %dma_start3A_61] : memref<2560x128xi32, #tpu.memory_space<hbm>> -> memref<32x128xi32, #tpu.memory_space<hbm>>
        %dma_start3A_63 = arith.constant 0 : i32
        %dma_start3A_64 = tpu.memref_slice %arg3[%add3A_40, %dma_start3A_63] : memref<2560x128xi32, #tpu.memory_space<hbm>> -> memref<32x128xi32, #tpu.memory_space<hbm>>
        tpu.enqueue_dma source(%dma_start3A_64 : memref<32x128xi32, #tpu.memory_space<hbm>>) target(%arg7 : memref<32x128xi32, #tpu.memory_space<vmem>>) target_semaphore(%run_scoped3A : memref<!tpu.dma_semaphore, #tpu.memory_space<semaphore_mem>>)
        %dma_wait3A = arith.constant 0 : i32
        %dma_wait3A_65 = tpu.memref_slice %arg3[%add3A_40, %dma_wait3A] : memref<2560x128xi32, #tpu.memory_space<hbm>> -> memref<32x128xi32, #tpu.memory_space<hbm>>
        %dma_wait3A_66 = arith.constant 0 : i32
        %dma_wait3A_67 = tpu.memref_slice %arg3[%add3A_40, %dma_wait3A_66] : memref<2560x128xi32, #tpu.memory_space<hbm>> -> memref<32x128xi32, #tpu.memory_space<hbm>>
        tpu.wait_dma2 semaphore(%run_scoped3A : memref<!tpu.dma_semaphore, #tpu.memory_space<semaphore_mem>>) src(%dma_wait3A_67 : memref<32x128xi32, #tpu.memory_space<hbm>>) dst(%arg7 : memref<32x128xi32, #tpu.memory_space<vmem>>)
        tpu.yield
      }) : () -> ()
      "tpu.region"() ({
        %run_scoped3A = tpu.sem_alloc : memref<!tpu.dma_semaphore, #tpu.memory_space<semaphore_mem>>
        %dma_start3A_61 = arith.constant 0 : i32
        %dma_start3A_62 = tpu.memref_slice %arg4[%add3A_40, %dma_start3A_61] : memref<2560x128xi32, #tpu.memory_space<hbm>> -> memref<32x128xi32, #tpu.memory_space<hbm>>
        %dma_start3A_63 = arith.constant 0 : i32
        %dma_start3A_64 = tpu.memref_slice %arg4[%add3A_40, %dma_start3A_63] : memref<2560x128xi32, #tpu.memory_space<hbm>> -> memref<32x128xi32, #tpu.memory_space<hbm>>
        tpu.enqueue_dma source(%dma_start3A_64 : memref<32x128xi32, #tpu.memory_space<hbm>>) target(%arg8 : memref<32x128xi32, #tpu.memory_space<vmem>>) target_semaphore(%run_scoped3A : memref<!tpu.dma_semaphore, #tpu.memory_space<semaphore_mem>>)
        %dma_wait3A = arith.constant 0 : i32
        %dma_wait3A_65 = tpu.memref_slice %arg4[%add3A_40, %dma_wait3A] : memref<2560x128xi32, #tpu.memory_space<hbm>> -> memref<32x128xi32, #tpu.memory_space<hbm>>
        %dma_wait3A_66 = arith.constant 0 : i32
        %dma_wait3A_67 = tpu.memref_slice %arg4[%add3A_40, %dma_wait3A_66] : memref<2560x128xi32, #tpu.memory_space<hbm>> -> memref<32x128xi32, #tpu.memory_space<hbm>>
        tpu.wait_dma2 semaphore(%run_scoped3A : memref<!tpu.dma_semaphore, #tpu.memory_space<semaphore_mem>>) src(%dma_wait3A_67 : memref<32x128xi32, #tpu.memory_space<hbm>>) dst(%arg8 : memref<32x128xi32, #tpu.memory_space<vmem>>)
        tpu.yield
      }) : () -> ()
      %dma_start3A_41 = arith.constant 0 : i32
      %dma_start3A_42 = arith.constant 0 : i32
      %dma_start3A_43 = arith.constant 0 : i32
      %dma_start3A_44 = arith.constant 0 : i32
      %dma_start3A_45 = arith.constant 0 : i32
      %dma_start3A_46 = tpu.memref_slice %arg9[%dma_start3A_42, %dma_start3A_44, %dma_start3A_45] : memref<2x128x128xf32, #tpu.memory_space<vmem>> -> memref<1x128x128xf32, #tpu.memory_space<vmem>>
      %dma_start3A_47 = tpu.memref_squeeze %dma_start3A_46 : memref<1x128x128xf32, #tpu.memory_space<vmem>> -> memref<128x128xf32, #tpu.memory_space<vmem>>
      %dma_start3A_48 = arith.constant 0 : i32
      %dma_start3A_49 = tpu.memref_slice %arg7[%dma_start3A_41, %dma_start3A_48] : memref<32x128xi32, #tpu.memory_space<vmem>> -> memref<1x128xi32, #tpu.memory_space<vmem>>
      %dma_start3A_50 = tpu.memref_squeeze %dma_start3A_49 : memref<1x128xi32, #tpu.memory_space<vmem>> -> memref<128xi32, #tpu.memory_space<vmem>>
      %dma_start3A_51 = arith.constant 0 : i32
      %dma_start3A_52 = arith.constant 0 : i32
      %dma_start3A_53 = tpu.memref_slice %arg2[%dma_start3A_51, %dma_start3A_52] : memref<10240x128xf32, #tpu.memory_space<hbm>> -> memref<10240x128xf32, #tpu.memory_space<hbm>>
      %dma_start3A_54 = tpu.memref_slice %arg11[%dma_start3A_43] : memref<2x!tpu.dma_semaphore, #tpu.memory_space<semaphore_mem>> -> memref<1x!tpu.dma_semaphore, #tpu.memory_space<semaphore_mem>>
      %dma_start3A_55 = tpu.memref_squeeze %dma_start3A_54 : memref<1x!tpu.dma_semaphore, #tpu.memory_space<semaphore_mem>> -> memref<!tpu.dma_semaphore, #tpu.memory_space<semaphore_mem>>
      tpu.enqueue_indirect_dma source(%dma_start3A_53 : memref<10240x128xf32, #tpu.memory_space<hbm>>) target(%dma_start3A_47 : memref<128x128xf32, #tpu.memory_space<vmem>>) offsets(%dma_start3A_50 : memref<128xi32, #tpu.memory_space<vmem>>) semaphore(%dma_start3A_55 : memref<!tpu.dma_semaphore, #tpu.memory_space<semaphore_mem>>)
      %scan3A_56 = arith.constant 0 : i32
      %scan3A_57 = arith.constant 32 : i32
      %scan3A_58 = arith.addi %scan3A_56, %scan3A_57 : i32
      %scan3A_59 = arith.constant 1 : i32
      scf.for %scan3A_61 = %scan3A_56 to %scan3A_58 step %scan3A_59  : i32 {
        %mul3A_62 = arith.constant 1 : i32
        %mul3A_63 = arith.muli %scan3A_61, %mul3A_62 : i32
        %add3A_64 = arith.constant 0 : i32
        %add3A_65 = arith.addi %add3A_64, %mul3A_63 : i32
        %rem3A = arith.constant 2 : i32
        %rem3A_66 = arith.remsi %add3A_65, %rem3A : i32
        %sub3A = arith.constant 1 : i32
        %sub3A_67 = arith.subi %sub3A, %rem3A_66 : i32
        %add3A_68 = arith.constant 1 : i32
        %add3A_69 = arith.addi %add3A_65, %add3A_68 : i32
        %lt3A = arith.constant 32 : i32
        %lt3A_70 = arith.cmpi slt, %add3A_69, %lt3A : i32
        %convert_element_type3A_71 = arith.extui %lt3A_70 : i1 to i32
        %cond3A_72 = arith.constant 0 : i32
        %cond3A_73 = arith.cmpi ne, %convert_element_type3A_71, %cond3A_72 : i32
        scf.if %cond3A_73 {
          %add3A_85 = arith.constant 1 : i32
          %add3A_86 = arith.addi %add3A_65, %add3A_85 : i32
          %dma_start3A_87 = arith.constant 0 : i32
          %dma_start3A_88 = arith.constant 0 : i32
          %dma_start3A_89 = tpu.memref_slice %arg9[%sub3A_67, %dma_start3A_87, %dma_start3A_88] : memref<2x128x128xf32, #tpu.memory_space<vmem>> -> memref<1x128x128xf32, #tpu.memory_space<vmem>>
          %dma_start3A_90 = tpu.memref_squeeze %dma_start3A_89 : memref<1x128x128xf32, #tpu.memory_space<vmem>> -> memref<128x128xf32, #tpu.memory_space<vmem>>
          %dma_start3A_91 = arith.constant 0 : i32
          %dma_start3A_92 = tpu.memref_slice %arg7[%add3A_86, %dma_start3A_91] : memref<32x128xi32, #tpu.memory_space<vmem>> -> memref<1x128xi32, #tpu.memory_space<vmem>>
          %dma_start3A_93 = tpu.memref_squeeze %dma_start3A_92 : memref<1x128xi32, #tpu.memory_space<vmem>> -> memref<128xi32, #tpu.memory_space<vmem>>
          %dma_start3A_94 = arith.constant 0 : i32
          %dma_start3A_95 = arith.constant 0 : i32
          %dma_start3A_96 = tpu.memref_slice %arg2[%dma_start3A_94, %dma_start3A_95] : memref<10240x128xf32, #tpu.memory_space<hbm>> -> memref<10240x128xf32, #tpu.memory_space<hbm>>
          %dma_start3A_97 = tpu.memref_slice %arg11[%sub3A_67] : memref<2x!tpu.dma_semaphore, #tpu.memory_space<semaphore_mem>> -> memref<1x!tpu.dma_semaphore, #tpu.memory_space<semaphore_mem>>
          %dma_start3A_98 = tpu.memref_squeeze %dma_start3A_97 : memref<1x!tpu.dma_semaphore, #tpu.memory_space<semaphore_mem>> -> memref<!tpu.dma_semaphore, #tpu.memory_space<semaphore_mem>>
          tpu.enqueue_indirect_dma source(%dma_start3A_96 : memref<10240x128xf32, #tpu.memory_space<hbm>>) target(%dma_start3A_90 : memref<128x128xf32, #tpu.memory_space<vmem>>) offsets(%dma_start3A_93 : memref<128xi32, #tpu.memory_space<vmem>>) semaphore(%dma_start3A_98 : memref<!tpu.dma_semaphore, #tpu.memory_space<semaphore_mem>>)
        } else {
        }
        %dma_wait3A = arith.constant 0 : i32
        %dma_wait3A_74 = arith.constant 0 : i32
        %dma_wait3A_75 = tpu.memref_slice %arg9[%rem3A_66, %dma_wait3A, %dma_wait3A_74] : memref<2x128x128xf32, #tpu.memory_space<vmem>> -> memref<1x128x128xf32, #tpu.memory_space<vmem>>
        %dma_wait3A_76 = tpu.memref_squeeze %dma_wait3A_75 : memref<1x128x128xf32, #tpu.memory_space<vmem>> -> memref<128x128xf32, #tpu.memory_space<vmem>>
        %dma_wait3A_77 = arith.constant 0 : i32
        %dma_wait3A_78 = tpu.memref_slice %arg7[%add3A_65, %dma_wait3A_77] : memref<32x128xi32, #tpu.memory_space<vmem>> -> memref<1x128xi32, #tpu.memory_space<vmem>>
        %dma_wait3A_79 = tpu.memref_squeeze %dma_wait3A_78 : memref<1x128xi32, #tpu.memory_space<vmem>> -> memref<128xi32, #tpu.memory_space<vmem>>
        %dma_wait3A_80 = arith.constant 0 : i32
        %dma_wait3A_81 = arith.constant 0 : i32
        %dma_wait3A_82 = tpu.memref_slice %arg2[%dma_wait3A_80, %dma_wait3A_81] : memref<10240x128xf32, #tpu.memory_space<hbm>> -> memref<10240x128xf32, #tpu.memory_space<hbm>>
        %dma_wait3A_83 = tpu.memref_slice %arg11[%rem3A_66] : memref<2x!tpu.dma_semaphore, #tpu.memory_space<semaphore_mem>> -> memref<1x!tpu.dma_semaphore, #tpu.memory_space<semaphore_mem>>
        %dma_wait3A_84 = tpu.memref_squeeze %dma_wait3A_83 : memref<1x!tpu.dma_semaphore, #tpu.memory_space<semaphore_mem>> -> memref<!tpu.dma_semaphore, #tpu.memory_space<semaphore_mem>>
        tpu.wait_indirect_dma semaphore(%dma_wait3A_84 : memref<!tpu.dma_semaphore, #tpu.memory_space<semaphore_mem>>) src(%dma_wait3A_82 : memref<10240x128xf32, #tpu.memory_space<hbm>>) dst(%dma_wait3A_76 : memref<128x128xf32, #tpu.memory_space<vmem>>)
        "tpu.region"() ({
          %run_scoped3A = tpu.sem_alloc : memref<!tpu.dma_semaphore, #tpu.memory_space<semaphore_mem>>
          %dma_start3A_85 = arith.constant 0 : i32
          %dma_start3A_86 = arith.constant 0 : i32
          %dma_start3A_87 = tpu.memref_slice %arg9[%rem3A_66, %dma_start3A_85, %dma_start3A_86] : memref<2x128x128xf32, #tpu.memory_space<vmem>> -> memref<1x128x128xf32, #tpu.memory_space<vmem>>
          %dma_start3A_88 = tpu.memref_squeeze %dma_start3A_87 : memref<1x128x128xf32, #tpu.memory_space<vmem>> -> memref<128x128xf32, #tpu.memory_space<vmem>>
          %dma_start3A_89 = arith.constant 0 : i32
          %dma_start3A_90 = tpu.memref_slice %arg8[%add3A_65, %dma_start3A_89] : memref<32x128xi32, #tpu.memory_space<vmem>> -> memref<1x128xi32, #tpu.memory_space<vmem>>
          %dma_start3A_91 = tpu.memref_squeeze %dma_start3A_90 : memref<1x128xi32, #tpu.memory_space<vmem>> -> memref<128xi32, #tpu.memory_space<vmem>>
          %dma_start3A_92 = arith.constant 0 : i32
          %dma_start3A_93 = arith.constant 0 : i32
          %dma_start3A_94 = tpu.memref_slice %arg10[%dma_start3A_92, %dma_start3A_93] : memref<10240x128xf32, #tpu.memory_space<vmem_shared>> -> memref<10240x128xf32, #tpu.memory_space<vmem_shared>>
          tpu.enqueue_indirect_dma source(%dma_start3A_88 : memref<128x128xf32, #tpu.memory_space<vmem>>) target(%dma_start3A_94 : memref<10240x128xf32, #tpu.memory_space<vmem_shared>>) offsets(%dma_start3A_91 : memref<128xi32, #tpu.memory_space<vmem>>) semaphore(%run_scoped3A : memref<!tpu.dma_semaphore, #tpu.memory_space<semaphore_mem>>) {add = true}
          %dma_wait3A_95 = arith.constant 0 : i32
          %dma_wait3A_96 = arith.constant 0 : i32
          %dma_wait3A_97 = tpu.memref_slice %arg9[%rem3A_66, %dma_wait3A_95, %dma_wait3A_96] : memref<2x128x128xf32, #tpu.memory_space<vmem>> -> memref<1x128x128xf32, #tpu.memory_space<vmem>>
          %dma_wait3A_98 = tpu.memref_squeeze %dma_wait3A_97 : memref<1x128x128xf32, #tpu.memory_space<vmem>> -> memref<128x128xf32, #tpu.memory_space<vmem>>
          %dma_wait3A_99 = arith.constant 0 : i32
          %dma_wait3A_100 = tpu.memref_slice %arg8[%add3A_65, %dma_wait3A_99] : memref<32x128xi32, #tpu.memory_space<vmem>> -> memref<1x128xi32, #tpu.memory_space<vmem>>
          %dma_wait3A_101 = tpu.memref_squeeze %dma_wait3A_100 : memref<1x128xi32, #tpu.memory_space<vmem>> -> memref<128xi32, #tpu.memory_space<vmem>>
          %dma_wait3A_102 = arith.constant 0 : i32
          %dma_wait3A_103 = arith.constant 0 : i32
          %dma_wait3A_104 = tpu.memref_slice %arg10[%dma_wait3A_102, %dma_wait3A_103] : memref<10240x128xf32, #tpu.memory_space<vmem_shared>> -> memref<10240x128xf32, #tpu.memory_space<vmem_shared>>
          tpu.wait_indirect_dma semaphore(%run_scoped3A : memref<!tpu.dma_semaphore, #tpu.memory_space<semaphore_mem>>) src(%dma_wait3A_98 : memref<128x128xf32, #tpu.memory_space<vmem>>) dst(%dma_wait3A_104 : memref<10240x128xf32, #tpu.memory_space<vmem_shared>>)
          tpu.yield
        }) : () -> ()
      }
      %scan3A_60 = arith.constant 32 : i32
    } else {
    }
    %barrier3A_38 = arith.constant 0 : index
    tpu.barrier barrier_id(%barrier3A_38)
    "tpu.region"() ({
      %run_scoped3A = tpu.sem_alloc : memref<!tpu.dma_semaphore, #tpu.memory_space<semaphore_mem>>
      %dma_start3A_39 = arith.constant 0 : i32
      %dma_start3A_40 = tpu.memref_slice %arg6[%arg0, %mul3A_0, %dma_start3A_39] : memref<2x10240x128xf32, #tpu.memory_space<hbm>> -> memref<1x640x128xf32, #tpu.memory_space<hbm>>
      %dma_start3A_41 = tpu.memref_squeeze %dma_start3A_40 : memref<1x640x128xf32, #tpu.memory_space<hbm>> -> memref<640x128xf32, #tpu.memory_space<hbm>>
      %dma_start3A_42 = arith.constant 0 : i32
      %dma_start3A_43 = tpu.memref_slice %arg10[%mul3A_0, %dma_start3A_42] : memref<10240x128xf32, #tpu.memory_space<vmem_shared>> -> memref<640x128xf32, #tpu.memory_space<vmem_shared>>
      tpu.enqueue_dma source(%dma_start3A_43 : memref<640x128xf32, #tpu.memory_space<vmem_shared>>) target(%dma_start3A_41 : memref<640x128xf32, #tpu.memory_space<hbm>>) target_semaphore(%run_scoped3A : memref<!tpu.dma_semaphore, #tpu.memory_space<semaphore_mem>>)
      %dma_wait3A = arith.constant 0 : i32
      %dma_wait3A_44 = tpu.memref_slice %arg6[%arg0, %mul3A_0, %dma_wait3A] : memref<2x10240x128xf32, #tpu.memory_space<hbm>> -> memref<1x640x128xf32, #tpu.memory_space<hbm>>
      %dma_wait3A_45 = tpu.memref_squeeze %dma_wait3A_44 : memref<1x640x128xf32, #tpu.memory_space<hbm>> -> memref<640x128xf32, #tpu.memory_space<hbm>>
      %dma_wait3A_46 = arith.constant 0 : i32
      %dma_wait3A_47 = tpu.memref_slice %arg10[%mul3A_0, %dma_wait3A_46] : memref<10240x128xf32, #tpu.memory_space<vmem_shared>> -> memref<640x128xf32, #tpu.memory_space<vmem_shared>>
      tpu.wait_dma2 semaphore(%run_scoped3A : memref<!tpu.dma_semaphore, #tpu.memory_space<semaphore_mem>>) src(%dma_wait3A_47 : memref<640x128xf32, #tpu.memory_space<vmem_shared>>) dst(%dma_wait3A_45 : memref<640x128xf32, #tpu.memory_space<hbm>>)
      tpu.yield
    }) : () -> ()
    return
  }
}

module attributes {stable_mosaic.version = 14 : i64} {
  func.func @_deg_body(%arg0: i32, %arg1: memref<4000x1xf32, #tpu.memory_space<vmem>>, %arg2: memref<4000x1xi32, #tpu.memory_space<vmem>>, %arg3: memref<2x80x128xf32, #tpu.memory_space<vmem>>) attributes {dimension_semantics = [#tpu.dimension_semantics<arbitrary>], iteration_bounds = array<i64: 80>, scalar_prefetch = 0 : i64, scratch_operands = 0 : i64, tpu.core_type = #tpu.core_type<tc>, window_params = [{transform_indices = @transform_0, window_bounds = array<i64: 4000, 1>}, {transform_indices = @transform_1, window_bounds = array<i64: 4000, 1>}, {pipeline_mode = #tpu.pipeline_mode<synchronous>, transform_indices = @transform_2, window_bounds = array<i64: 2, 80, 128>}]} {
    %get3A = arith.constant 0 : index
    %get3A_0 = arith.constant 0 : index
    %get3A_1 = vector.load %arg2[%get3A, %get3A_0] : memref<4000x1xi32, #tpu.memory_space<vmem>>, vector<4000x1xi32>
    %jit3A = arith.constant 128 : i32
    %div3A = vector.broadcast %jit3A : i32 to vector<4000x1xi32>
    %div3A_2 = arith.divsi %get3A_1, %div3A : vector<4000x1xi32>
    %sign3A = arith.constant 0 : i32
    %sign3A_3 = vector.broadcast %sign3A : i32 to vector<4000x1xi32>
    %sign3A_4 = arith.cmpi sgt, %get3A_1, %sign3A_3 : vector<4000x1xi32>
    %sign3A_5 = arith.extui %sign3A_4 : vector<4000x1xi1> to vector<4000x1xi32>
    %sign3A_6 = arith.constant 0 : i32
    %sign3A_7 = vector.broadcast %sign3A_6 : i32 to vector<4000x1xi32>
    %sign3A_8 = arith.cmpi slt, %get3A_1, %sign3A_7 : vector<4000x1xi32>
    %sign3A_9 = arith.extui %sign3A_8 : vector<4000x1xi1> to vector<4000x1xi32>
    %sign3A_10 = arith.subi %sign3A_5, %sign3A_9 : vector<4000x1xi32>
    %sign3A_11 = arith.constant 0 : i32
    %sign3A_12 = arith.cmpi sgt, %jit3A, %sign3A_11 : i32
    %sign3A_13 = arith.extui %sign3A_12 : i1 to i32
    %sign3A_14 = arith.constant 0 : i32
    %sign3A_15 = arith.cmpi slt, %jit3A, %sign3A_14 : i32
    %sign3A_16 = arith.extui %sign3A_15 : i1 to i32
    %sign3A_17 = arith.subi %sign3A_13, %sign3A_16 : i32
    %ne3A = vector.broadcast %sign3A_17 : i32 to vector<4000x1xi32>
    %ne3A_18 = arith.cmpi ne, %sign3A_10, %ne3A : vector<4000x1xi32>
    %rem3A = vector.broadcast %jit3A : i32 to vector<4000x1xi32>
    %rem3A_19 = arith.remsi %get3A_1, %rem3A : vector<4000x1xi32>
    %ne3A_20 = arith.constant 0 : i32
    %ne3A_21 = vector.broadcast %ne3A_20 : i32 to vector<4000x1xi32>
    %ne3A_22 = arith.cmpi ne, %rem3A_19, %ne3A_21 : vector<4000x1xi32>
    %and3A = arith.andi %ne3A_18, %ne3A_22 : vector<4000x1xi1>
    %sub3A = arith.constant 1 : i32
    %sub3A_23 = vector.broadcast %sub3A : i32 to vector<4000x1xi32>
    %sub3A_24 = arith.subi %div3A_2, %sub3A_23 : vector<4000x1xi32>
    %select_n3A = arith.select %and3A, %sub3A_24, %div3A_2 : vector<4000x1xi1>, vector<4000x1xi32>
    %jit3A_25 = arith.constant 128 : i32
    %eq3A = arith.constant 0 : i32
    %eq3A_26 = arith.cmpi eq, %jit3A_25, %eq3A : i32
    %jit3A_27 = arith.constant 1 : i32
    %select_n3A_28 = arith.select %eq3A_26, %jit3A_27, %jit3A_25 : i32
    %rem3A_29 = vector.broadcast %select_n3A_28 : i32 to vector<4000x1xi32>
    %rem3A_30 = arith.remsi %get3A_1, %rem3A_29 : vector<4000x1xi32>
    %ne3A_31 = arith.constant 0 : i32
    %ne3A_32 = vector.broadcast %ne3A_31 : i32 to vector<4000x1xi32>
    %ne3A_33 = arith.cmpi ne, %rem3A_30, %ne3A_32 : vector<4000x1xi32>
    %lt3A = arith.constant 0 : i32
    %lt3A_34 = vector.broadcast %lt3A : i32 to vector<4000x1xi32>
    %lt3A_35 = arith.cmpi slt, %rem3A_30, %lt3A_34 : vector<4000x1xi32>
    %lt3A_36 = arith.constant 0 : i32
    %lt3A_37 = arith.cmpi slt, %select_n3A_28, %lt3A_36 : i32
    %ne3A_38 = vector.broadcast %lt3A_37 : i1 to vector<4000x1xi1>
    %ne3A_39 = vector.broadcast %ne3A_38 : vector<4000x1xi1> to vector<4000x1xi1>
    %ne3A_40 = arith.xori %lt3A_35, %ne3A_39 : vector<4000x1xi1>
    %and3A_41 = arith.andi %ne3A_40, %ne3A_33 : vector<4000x1xi1>
    %add3A = vector.broadcast %select_n3A_28 : i32 to vector<4000x1xi32>
    %add3A_42 = arith.addi %rem3A_30, %add3A : vector<4000x1xi32>
    %select_n3A_43 = arith.select %and3A_41, %add3A_42, %rem3A_30 : vector<4000x1xi1>, vector<4000x1xi32>
    %iota3A = tpu.iota {dimensions = array<i32: 1>} : vector<1x80xi32>
    %eq3A_44 = vector.broadcast %select_n3A : vector<4000x1xi32> to vector<4000x80xi32>
    %eq3A_45 = vector.broadcast %iota3A : vector<1x80xi32> to vector<4000x80xi32>
    %eq3A_46 = arith.cmpi eq, %eq3A_44, %eq3A_45 : vector<4000x80xi32>
    %convert_element_type3A = arith.extui %eq3A_46 : vector<4000x80xi1> to vector<4000x80xi32>
    %convert_element_type3A_47 = arith.sitofp %convert_element_type3A : vector<4000x80xi32> to vector<4000x80xf32>
    %iota3A_48 = tpu.iota {dimensions = array<i32: 1>} : vector<1x128xi32>
    %eq3A_49 = vector.broadcast %select_n3A_43 : vector<4000x1xi32> to vector<4000x128xi32>
    %eq3A_50 = vector.broadcast %iota3A_48 : vector<1x128xi32> to vector<4000x128xi32>
    %eq3A_51 = arith.cmpi eq, %eq3A_49, %eq3A_50 : vector<4000x128xi32>
    %convert_element_type3A_52 = arith.extui %eq3A_51 : vector<4000x128xi1> to vector<4000x128xi32>
    %convert_element_type3A_53 = arith.sitofp %convert_element_type3A_52 : vector<4000x128xi32> to vector<4000x128xf32>
    %get3A_54 = arith.constant 0 : index
    %get3A_55 = arith.constant 0 : index
    %get3A_56 = vector.load %arg1[%get3A_54, %get3A_55] : memref<4000x1xf32, #tpu.memory_space<vmem>>, vector<4000x1xf32>
    %max3A = arith.constant 0.000000e+00 : f32
    %max3A_57 = vector.broadcast %max3A : f32 to vector<4000x1xf32>
    %max3A_58 = arith.maximumf %get3A_56, %max3A_57 : vector<4000x1xf32>
    %mul3A = vector.broadcast %max3A_58 : vector<4000x1xf32> to vector<4000x128xf32>
    %mul3A_59 = arith.mulf %convert_element_type3A_53, %mul3A : vector<4000x128xf32>
    %neg3A = arith.constant 0.000000e+00 : f32
    %neg3A_60 = vector.broadcast %neg3A : f32 to vector<4000x1xf32>
    %neg3A_61 = arith.subf %neg3A_60, %get3A_56 : vector<4000x1xf32>
    %max3A_62 = arith.constant 0.000000e+00 : f32
    %max3A_63 = vector.broadcast %max3A_62 : f32 to vector<4000x1xf32>
    %max3A_64 = arith.maximumf %neg3A_61, %max3A_63 : vector<4000x1xf32>
    %mul3A_65 = vector.broadcast %max3A_64 : vector<4000x1xf32> to vector<4000x128xf32>
    %mul3A_66 = arith.mulf %convert_element_type3A_53, %mul3A_65 : vector<4000x128xf32>
    %concatenate3A = tpu.concatenate %mul3A_59, %mul3A_66 in 1 : vector<4000x128xf32>, vector<4000x128xf32> -> vector<4000x256xf32>
    %broadcast_in_dim3A = arith.constant 0.000000e+00 : f32
    %broadcast_in_dim3A_67 = vector.broadcast %broadcast_in_dim3A : f32 to vector<80x256xf32>
    %convert_element_type3A_68 = arith.truncf %concatenate3A : vector<4000x256xf32> to vector<4000x256xbf16>
    %convert_element_type3A_69 = arith.extf %convert_element_type3A_68 : vector<4000x256xbf16> to vector<4000x256xf32>
    %dot_general3A = arith.constant dense<0.000000e+00> : vector<80x256xf32>
    %dot_general3A_70 = tpu.matmul %convert_element_type3A_47, %convert_element_type3A_69, %dot_general3A {dimension_numbers = #tpu.dot_dimension_numbers<[0], [0], [1], [1], [0, 1, 1, 1], [], []>, transpose_lhs_hint = false} : vector<4000x80xf32>, vector<4000x256xf32>, vector<80x256xf32> -> vector<80x256xf32>
    %add3A_71 = arith.addf %broadcast_in_dim3A_67, %dot_general3A_70 : vector<80x256xf32>
    %sub3A_72 = arith.subf %concatenate3A, %convert_element_type3A_69 : vector<4000x256xf32>
    %convert_element_type3A_73 = arith.truncf %sub3A_72 : vector<4000x256xf32> to vector<4000x256xbf16>
    %convert_element_type3A_74 = arith.extf %convert_element_type3A_73 : vector<4000x256xbf16> to vector<4000x256xf32>
    %dot_general3A_75 = arith.constant dense<0.000000e+00> : vector<80x256xf32>
    %dot_general3A_76 = tpu.matmul %convert_element_type3A_47, %convert_element_type3A_74, %dot_general3A_75 {dimension_numbers = #tpu.dot_dimension_numbers<[0], [0], [1], [1], [0, 1, 1, 1], [], []>, transpose_lhs_hint = false} : vector<4000x80xf32>, vector<4000x256xf32>, vector<80x256xf32> -> vector<80x256xf32>
    %add3A_77 = arith.addf %add3A_71, %dot_general3A_76 : vector<80x256xf32>
    %sub3A_78 = arith.subf %sub3A_72, %convert_element_type3A_74 : vector<4000x256xf32>
    %convert_element_type3A_79 = arith.truncf %sub3A_78 : vector<4000x256xf32> to vector<4000x256xbf16>
    %convert_element_type3A_80 = arith.extf %convert_element_type3A_79 : vector<4000x256xbf16> to vector<4000x256xf32>
    %dot_general3A_81 = arith.constant dense<0.000000e+00> : vector<80x256xf32>
    %dot_general3A_82 = tpu.matmul %convert_element_type3A_47, %convert_element_type3A_80, %dot_general3A_81 {dimension_numbers = #tpu.dot_dimension_numbers<[0], [0], [1], [1], [0, 1, 1, 1], [], []>, transpose_lhs_hint = false} : vector<4000x80xf32>, vector<4000x256xf32>, vector<80x256xf32> -> vector<80x256xf32>
    %add3A_83 = arith.addf %add3A_77, %dot_general3A_82 : vector<80x256xf32>
    %eq3A_84 = arith.constant 0 : i32
    %eq3A_85 = arith.cmpi eq, %arg0, %eq3A_84 : i32
    %convert_element_type3A_86 = arith.extui %eq3A_85 : i1 to i32
    %cond3A = arith.constant 0 : i32
    %cond3A_87 = arith.cmpi ne, %convert_element_type3A_86, %cond3A : i32
    scf.if %cond3A_87 {
      %broadcast_in_dim3A_112 = arith.constant 0.000000e+00 : f32
      %broadcast_in_dim3A_113 = vector.broadcast %broadcast_in_dim3A_112 : f32 to vector<2x80x128xf32>
      %swap3A_114 = arith.constant 0 : index
      %swap3A_115 = arith.constant 0 : index
      %swap3A_116 = arith.constant 0 : index
      %swap3A_117 = vector.load %arg3[%swap3A_114, %swap3A_115, %swap3A_116] : memref<2x80x128xf32, #tpu.memory_space<vmem>>, vector<2x80x128xf32>
      tpu.vector_store %arg3[%swap3A_114, %swap3A_115, %swap3A_116], %broadcast_in_dim3A_113 {strides = array<i32>} : memref<2x80x128xf32, #tpu.memory_space<vmem>>, vector<2x80x128xf32>,
    } else {
    }
    %get3A_88 = arith.constant 0 : index
    %get3A_89 = arith.constant 0 : index
    %get3A_90 = arith.constant 0 : index
    %get3A_91 = vector.load %arg3[%get3A_88, %get3A_89, %get3A_90] : memref<2x80x128xf32, #tpu.memory_space<vmem>>, vector<1x80x128xf32>
    %get3A_92 = vector.shape_cast %get3A_91 : vector<1x80x128xf32> to vector<80x128xf32>
    %slice3A = vector.extract_strided_slice %add3A_83 {offsets = [0, 0], sizes = [80, 128], strides = [1, 1]} : vector<80x256xf32> to vector<80x128xf32>
    %add3A_93 = arith.addf %get3A_92, %slice3A : vector<80x128xf32>
    %swap3A = arith.constant 0 : index
    %swap3A_94 = arith.constant 0 : index
    %swap3A_95 = arith.constant 0 : index
    %swap3A_96 = vector.load %arg3[%swap3A, %swap3A_94, %swap3A_95] : memref<2x80x128xf32, #tpu.memory_space<vmem>>, vector<1x80x128xf32>
    %swap3A_97 = vector.shape_cast %swap3A_96 : vector<1x80x128xf32> to vector<80x128xf32>
    %swap3A_98 = vector.shape_cast %add3A_93 : vector<80x128xf32> to vector<1x80x128xf32>
    tpu.vector_store %arg3[%swap3A, %swap3A_94, %swap3A_95], %swap3A_98 {strides = array<i32>} : memref<2x80x128xf32, #tpu.memory_space<vmem>>, vector<1x80x128xf32>,
    %get3A_99 = arith.constant 1 : index
    %get3A_100 = arith.constant 0 : index
    %get3A_101 = arith.constant 0 : index
    %get3A_102 = vector.load %arg3[%get3A_99, %get3A_100, %get3A_101] : memref<2x80x128xf32, #tpu.memory_space<vmem>>, vector<1x80x128xf32>
    %get3A_103 = vector.shape_cast %get3A_102 : vector<1x80x128xf32> to vector<80x128xf32>
    %slice3A_104 = vector.extract_strided_slice %add3A_83 {offsets = [0, 128], sizes = [80, 128], strides = [1, 1]} : vector<80x256xf32> to vector<80x128xf32>
    %add3A_105 = arith.addf %get3A_103, %slice3A_104 : vector<80x128xf32>
    %swap3A_106 = arith.constant 1 : index
    %swap3A_107 = arith.constant 0 : index
    %swap3A_108 = arith.constant 0 : index
    %swap3A_109 = vector.load %arg3[%swap3A_106, %swap3A_107, %swap3A_108] : memref<2x80x128xf32, #tpu.memory_space<vmem>>, vector<1x80x128xf32>
    %swap3A_110 = vector.shape_cast %swap3A_109 : vector<1x80x128xf32> to vector<80x128xf32>
    %swap3A_111 = vector.shape_cast %add3A_105 : vector<80x128xf32> to vector<1x80x128xf32>
    tpu.vector_store %arg3[%swap3A_106, %swap3A_107, %swap3A_108], %swap3A_111 {strides = array<i32>} : memref<2x80x128xf32, #tpu.memory_space<vmem>>, vector<1x80x128xf32>,
    return
  }
  func.func @transform_0(%arg0: i32) -> (i32, i32) {
    %c0_i32 = arith.constant 0 : i32
    %c0_i32_0 = arith.constant 0 : i32
    return %arg0, %c0_i32 : i32, i32
  }
  func.func @transform_1(%arg0: i32) -> (i32, i32) {
    %c0_i32 = arith.constant 0 : i32
    %c0_i32_0 = arith.constant 0 : i32
    return %arg0, %c0_i32 : i32, i32
  }
  func.func @transform_2(%arg0: i32) -> (i32, i32, i32) {
    %c0_i32 = arith.constant 0 : i32
    %c0_i32_0 = arith.constant 0 : i32
    %c0_i32_1 = arith.constant 0 : i32
    %c0_i32_2 = arith.constant 0 : i32
    return %c0_i32, %c0_i32_0, %c0_i32_1 : i32, i32, i32
  }
}

module attributes {stable_mosaic.version = 14 : i64} {
  func.func @_round0_body(%arg0: i32, %arg1: memref<2048x1xf32, #tpu.memory_space<vmem>>, %arg2: memref<2048x2xf32, #tpu.memory_space<vmem>>, %arg3: memref<128x1xf32, #tpu.memory_space<vmem>>, %arg4: memref<128x128xf32, #tpu.memory_space<vmem>>, %arg5: memref<128x1xf32, #tpu.memory_space<vmem>>, %arg6: memref<2048x128xf32, #tpu.memory_space<vmem>>) attributes {dimension_semantics = [#tpu.dimension_semantics<arbitrary>], iteration_bounds = array<i64: 5>, scalar_prefetch = 0 : i64, scratch_operands = 0 : i64, tpu.core_type = #tpu.core_type<tc>, window_params = [{transform_indices = @transform_0, window_bounds = array<i64: 2048, 1>}, {transform_indices = @transform_1, window_bounds = array<i64: 2048, 2>}, {pipeline_mode = #tpu.pipeline_mode<synchronous>, transform_indices = @transform_2, window_bounds = array<i64: 128, 1>}, {pipeline_mode = #tpu.pipeline_mode<synchronous>, transform_indices = @transform_3, window_bounds = array<i64: 128, 128>}, {pipeline_mode = #tpu.pipeline_mode<synchronous>, transform_indices = @transform_4, window_bounds = array<i64: 128, 1>}, {transform_indices = @transform_5, window_bounds = array<i64: 2048, 128>}]} {
    %get3A = arith.constant 0 : index
    %get3A_0 = arith.constant 0 : index
    %get3A_1 = vector.load %arg1[%get3A, %get3A_0] : memref<2048x1xf32, #tpu.memory_space<vmem>>, vector<2048x1xf32>
    %get3A_2 = arith.constant 0 : index
    %get3A_3 = arith.constant 0 : index
    %get3A_4 = vector.load %arg3[%get3A_2, %get3A_3] : memref<128x1xf32, #tpu.memory_space<vmem>>, vector<128x1xf32>
    %squeeze3A = vector.shape_cast %get3A_4 : vector<128x1xf32> to vector<128xf32>
    %broadcast_in_dim3A = vector.shape_cast %squeeze3A : vector<128xf32> to vector<1x128xf32>
    %mul3A = vector.broadcast %get3A_1 : vector<2048x1xf32> to vector<2048x128xf32>
    %mul3A_5 = vector.broadcast %broadcast_in_dim3A : vector<1x128xf32> to vector<2048x128xf32>
    %mul3A_6 = arith.mulf %mul3A, %mul3A_5 : vector<2048x128xf32>
    %get3A_7 = arith.constant 0 : index
    %get3A_8 = arith.constant 0 : index
    %get3A_9 = vector.load %arg5[%get3A_7, %get3A_8] : memref<128x1xf32, #tpu.memory_space<vmem>>, vector<128x1xf32>
    %squeeze3A_10 = vector.shape_cast %get3A_9 : vector<128x1xf32> to vector<128xf32>
    %max3A = arith.constant 0.000000e+00 : f32
    %max3A_11 = vector.broadcast %max3A : f32 to vector<128xf32>
    %max3A_12 = arith.maximumf %squeeze3A_10, %max3A_11 : vector<128xf32>
    %neg3A = arith.constant 0.000000e+00 : f32
    %neg3A_13 = vector.broadcast %neg3A : f32 to vector<128xf32>
    %neg3A_14 = arith.subf %neg3A_13, %squeeze3A_10 : vector<128xf32>
    %max3A_15 = arith.constant 0.000000e+00 : f32
    %max3A_16 = vector.broadcast %max3A_15 : f32 to vector<128xf32>
    %max3A_17 = arith.maximumf %neg3A_14, %max3A_16 : vector<128xf32>
    %get3A_18 = arith.constant 0 : index
    %get3A_19 = arith.constant 0 : index
    %get3A_20 = vector.load %arg2[%get3A_18, %get3A_19] : memref<2048x2xf32, #tpu.memory_space<vmem>>, vector<2048x2xf32>
    %slice3A = vector.extract_strided_slice %get3A_20 {offsets = [0, 0], sizes = [2048, 1], strides = [1, 1]} : vector<2048x2xf32> to vector<2048x1xf32>
    %squeeze3A_21 = vector.shape_cast %slice3A : vector<2048x1xf32> to vector<2048xf32>
    %get3A_22 = arith.constant 0 : index
    %get3A_23 = arith.constant 0 : index
    %get3A_24 = vector.load %arg2[%get3A_22, %get3A_23] : memref<2048x2xf32, #tpu.memory_space<vmem>>, vector<2048x2xf32>
    %slice3A_25 = vector.extract_strided_slice %get3A_24 {offsets = [0, 1], sizes = [2048, 1], strides = [1, 1]} : vector<2048x2xf32> to vector<2048x1xf32>
    %squeeze3A_26 = vector.shape_cast %slice3A_25 : vector<2048x1xf32> to vector<2048xf32>
    %broadcast_in_dim3A_27 = vector.shape_cast %squeeze3A_21 : vector<2048xf32> to vector<2048x1xf32>
    %broadcast_in_dim3A_28 = vector.shape_cast %max3A_12 : vector<128xf32> to vector<1x128xf32>
    %mul3A_29 = vector.broadcast %broadcast_in_dim3A_27 : vector<2048x1xf32> to vector<2048x128xf32>
    %mul3A_30 = vector.broadcast %broadcast_in_dim3A_28 : vector<1x128xf32> to vector<2048x128xf32>
    %mul3A_31 = arith.mulf %mul3A_29, %mul3A_30 : vector<2048x128xf32>
    %broadcast_in_dim3A_32 = vector.shape_cast %squeeze3A_26 : vector<2048xf32> to vector<2048x1xf32>
    %broadcast_in_dim3A_33 = vector.shape_cast %max3A_17 : vector<128xf32> to vector<1x128xf32>
    %mul3A_34 = vector.broadcast %broadcast_in_dim3A_32 : vector<2048x1xf32> to vector<2048x128xf32>
    %mul3A_35 = vector.broadcast %broadcast_in_dim3A_33 : vector<1x128xf32> to vector<2048x128xf32>
    %mul3A_36 = arith.mulf %mul3A_34, %mul3A_35 : vector<2048x128xf32>
    %add3A = arith.addf %mul3A_31, %mul3A_36 : vector<2048x128xf32>
    %get3A_37 = arith.constant 0 : index
    %get3A_38 = arith.constant 0 : index
    %get3A_39 = vector.load %arg4[%get3A_37, %get3A_38] : memref<128x128xf32, #tpu.memory_space<vmem>>, vector<128x128xf32>
    %convert_element_type3A = arith.truncf %add3A : vector<2048x128xf32> to vector<2048x128xbf16>
    %convert_element_type3A_40 = arith.extf %convert_element_type3A : vector<2048x128xbf16> to vector<2048x128xf32>
    %convert_element_type3A_41 = arith.truncf %get3A_39 : vector<128x128xf32> to vector<128x128xbf16>
    %convert_element_type3A_42 = arith.extf %convert_element_type3A_41 : vector<128x128xbf16> to vector<128x128xf32>
    %dot_general3A = arith.constant dense<0.000000e+00> : vector<2048x128xf32>
    %dot_general3A_43 = tpu.matmul %convert_element_type3A_40, %convert_element_type3A_42, %dot_general3A {dimension_numbers = #tpu.dot_dimension_numbers<[1], [1], [0], [0], [0, 0, 1, 0], [], []>, precision = #tpu.contract_precision<fp32>, transpose_lhs_hint = false} : vector<2048x128xf32>, vector<128x128xf32>, vector<2048x128xf32> -> vector<2048x128xf32>
    %add3A_44 = arith.addf %mul3A_6, %dot_general3A_43 : vector<2048x128xf32>
    %max3A_45 = arith.constant 0.000000e+00 : f32
    %max3A_46 = vector.broadcast %max3A_45 : f32 to vector<2048x128xf32>
    %max3A_47 = arith.maximumf %add3A_44, %max3A_46 : vector<2048x128xf32>
    %swap3A = arith.constant 0 : index
    %swap3A_48 = arith.constant 0 : index
    %swap3A_49 = vector.load %arg6[%swap3A, %swap3A_48] : memref<2048x128xf32, #tpu.memory_space<vmem>>, vector<2048x128xf32>
    tpu.vector_store %arg6[%swap3A, %swap3A_48], %max3A_47 {strides = array<i32>} : memref<2048x128xf32, #tpu.memory_space<vmem>>, vector<2048x128xf32>,
    return
  }
  func.func @transform_0(%arg0: i32) -> (i32, i32) {
    %c0_i32 = arith.constant 0 : i32
    %c0_i32_0 = arith.constant 0 : i32
    return %arg0, %c0_i32 : i32, i32
  }
  func.func @transform_1(%arg0: i32) -> (i32, i32) {
    %c0_i32 = arith.constant 0 : i32
    %c0_i32_0 = arith.constant 0 : i32
    return %arg0, %c0_i32 : i32, i32
  }
  func.func @transform_2(%arg0: i32) -> (i32, i32) {
    %c0_i32 = arith.constant 0 : i32
    %c0_i32_0 = arith.constant 0 : i32
    %c0_i32_1 = arith.constant 0 : i32
    return %c0_i32, %c0_i32_0 : i32, i32
  }
  func.func @transform_3(%arg0: i32) -> (i32, i32) {
    %c0_i32 = arith.constant 0 : i32
    %c0_i32_0 = arith.constant 0 : i32
    %c0_i32_1 = arith.constant 0 : i32
    return %c0_i32, %c0_i32_0 : i32, i32
  }
  func.func @transform_4(%arg0: i32) -> (i32, i32) {
    %c0_i32 = arith.constant 0 : i32
    %c0_i32_0 = arith.constant 0 : i32
    %c0_i32_1 = arith.constant 0 : i32
    return %c0_i32, %c0_i32_0 : i32, i32
  }
  func.func @transform_5(%arg0: i32) -> (i32, i32) {
    %c0_i32 = arith.constant 0 : i32
    %c0_i32_0 = arith.constant 0 : i32
    return %arg0, %c0_i32 : i32, i32
  }
}

module attributes {stable_mosaic.version = 14 : i64} {
  func.func @_round_body(%arg0: i32, %arg1: memref<2x2048x128xf32, #tpu.memory_space<vmem>>, %arg2: memref<2048x1xf32, #tpu.memory_space<vmem>>, %arg3: memref<2048x2xf32, #tpu.memory_space<vmem>>, %arg4: memref<128x1xf32, #tpu.memory_space<vmem>>, %arg5: memref<128x128xf32, #tpu.memory_space<vmem>>, %arg6: memref<128x128xf32, #tpu.memory_space<vmem>>, %arg7: memref<128x1xf32, #tpu.memory_space<vmem>>, %arg8: memref<2048x128xf32, #tpu.memory_space<vmem>>) attributes {dimension_semantics = [#tpu.dimension_semantics<arbitrary>], iteration_bounds = array<i64: 5>, scalar_prefetch = 0 : i64, scratch_operands = 0 : i64, tpu.core_type = #tpu.core_type<tc>, window_params = [{transform_indices = @transform_0, window_bounds = array<i64: 2, 2048, 128>}, {transform_indices = @transform_1, window_bounds = array<i64: 2048, 1>}, {transform_indices = @transform_2, window_bounds = array<i64: 2048, 2>}, {pipeline_mode = #tpu.pipeline_mode<synchronous>, transform_indices = @transform_3, window_bounds = array<i64: 128, 1>}, {pipeline_mode = #tpu.pipeline_mode<synchronous>, transform_indices = @transform_4, window_bounds = array<i64: 128, 128>}, {pipeline_mode = #tpu.pipeline_mode<synchronous>, transform_indices = @transform_5, window_bounds = array<i64: 128, 128>}, {pipeline_mode = #tpu.pipeline_mode<synchronous>, transform_indices = @transform_6, window_bounds = array<i64: 128, 1>}, {transform_indices = @transform_7, window_bounds = array<i64: 2048, 128>}]} {
    %get3A = arith.constant 0 : index
    %get3A_0 = arith.constant 0 : index
    %get3A_1 = arith.constant 0 : index
    %get3A_2 = vector.load %arg1[%get3A, %get3A_0, %get3A_1] : memref<2x2048x128xf32, #tpu.memory_space<vmem>>, vector<1x2048x128xf32>
    %get3A_3 = vector.shape_cast %get3A_2 : vector<1x2048x128xf32> to vector<2048x128xf32>
    %get3A_4 = arith.constant 1 : index
    %get3A_5 = arith.constant 0 : index
    %get3A_6 = arith.constant 0 : index
    %get3A_7 = vector.load %arg1[%get3A_4, %get3A_5, %get3A_6] : memref<2x2048x128xf32, #tpu.memory_space<vmem>>, vector<1x2048x128xf32>
    %get3A_8 = vector.shape_cast %get3A_7 : vector<1x2048x128xf32> to vector<2048x128xf32>
    %add3A = arith.addf %get3A_3, %get3A_8 : vector<2048x128xf32>
    %get3A_9 = arith.constant 0 : index
    %get3A_10 = arith.constant 0 : index
    %get3A_11 = vector.load %arg5[%get3A_9, %get3A_10] : memref<128x128xf32, #tpu.memory_space<vmem>>, vector<128x128xf32>
    %convert_element_type3A = arith.truncf %add3A : vector<2048x128xf32> to vector<2048x128xbf16>
    %convert_element_type3A_12 = arith.extf %convert_element_type3A : vector<2048x128xbf16> to vector<2048x128xf32>
    %convert_element_type3A_13 = arith.truncf %get3A_11 : vector<128x128xf32> to vector<128x128xbf16>
    %convert_element_type3A_14 = arith.extf %convert_element_type3A_13 : vector<128x128xbf16> to vector<128x128xf32>
    %dot_general3A = arith.constant dense<0.000000e+00> : vector<2048x128xf32>
    %dot_general3A_15 = tpu.matmul %convert_element_type3A_12, %convert_element_type3A_14, %dot_general3A {dimension_numbers = #tpu.dot_dimension_numbers<[1], [1], [0], [0], [0, 0, 1, 0], [], []>, precision = #tpu.contract_precision<fp32>, transpose_lhs_hint = false} : vector<2048x128xf32>, vector<128x128xf32>, vector<2048x128xf32> -> vector<2048x128xf32>
    %get3A_16 = arith.constant 0 : index
    %get3A_17 = arith.constant 0 : index
    %get3A_18 = vector.load %arg2[%get3A_16, %get3A_17] : memref<2048x1xf32, #tpu.memory_space<vmem>>, vector<2048x1xf32>
    %get3A_19 = arith.constant 0 : index
    %get3A_20 = arith.constant 0 : index
    %get3A_21 = vector.load %arg4[%get3A_19, %get3A_20] : memref<128x1xf32, #tpu.memory_space<vmem>>, vector<128x1xf32>
    %squeeze3A = vector.shape_cast %get3A_21 : vector<128x1xf32> to vector<128xf32>
    %broadcast_in_dim3A = vector.shape_cast %squeeze3A : vector<128xf32> to vector<1x128xf32>
    %mul3A = vector.broadcast %get3A_18 : vector<2048x1xf32> to vector<2048x128xf32>
    %mul3A_22 = vector.broadcast %broadcast_in_dim3A : vector<1x128xf32> to vector<2048x128xf32>
    %mul3A_23 = arith.mulf %mul3A, %mul3A_22 : vector<2048x128xf32>
    %get3A_24 = arith.constant 0 : index
    %get3A_25 = arith.constant 0 : index
    %get3A_26 = vector.load %arg7[%get3A_24, %get3A_25] : memref<128x1xf32, #tpu.memory_space<vmem>>, vector<128x1xf32>
    %squeeze3A_27 = vector.shape_cast %get3A_26 : vector<128x1xf32> to vector<128xf32>
    %max3A = arith.constant 0.000000e+00 : f32
    %max3A_28 = vector.broadcast %max3A : f32 to vector<128xf32>
    %max3A_29 = arith.maximumf %squeeze3A_27, %max3A_28 : vector<128xf32>
    %neg3A = arith.constant 0.000000e+00 : f32
    %neg3A_30 = vector.broadcast %neg3A : f32 to vector<128xf32>
    %neg3A_31 = arith.subf %neg3A_30, %squeeze3A_27 : vector<128xf32>
    %max3A_32 = arith.constant 0.000000e+00 : f32
    %max3A_33 = vector.broadcast %max3A_32 : f32 to vector<128xf32>
    %max3A_34 = arith.maximumf %neg3A_31, %max3A_33 : vector<128xf32>
    %get3A_35 = arith.constant 0 : index
    %get3A_36 = arith.constant 0 : index
    %get3A_37 = vector.load %arg3[%get3A_35, %get3A_36] : memref<2048x2xf32, #tpu.memory_space<vmem>>, vector<2048x2xf32>
    %slice3A = vector.extract_strided_slice %get3A_37 {offsets = [0, 0], sizes = [2048, 1], strides = [1, 1]} : vector<2048x2xf32> to vector<2048x1xf32>
    %squeeze3A_38 = vector.shape_cast %slice3A : vector<2048x1xf32> to vector<2048xf32>
    %get3A_39 = arith.constant 0 : index
    %get3A_40 = arith.constant 0 : index
    %get3A_41 = vector.load %arg3[%get3A_39, %get3A_40] : memref<2048x2xf32, #tpu.memory_space<vmem>>, vector<2048x2xf32>
    %slice3A_42 = vector.extract_strided_slice %get3A_41 {offsets = [0, 1], sizes = [2048, 1], strides = [1, 1]} : vector<2048x2xf32> to vector<2048x1xf32>
    %squeeze3A_43 = vector.shape_cast %slice3A_42 : vector<2048x1xf32> to vector<2048xf32>
    %broadcast_in_dim3A_44 = vector.shape_cast %squeeze3A_38 : vector<2048xf32> to vector<2048x1xf32>
    %broadcast_in_dim3A_45 = vector.shape_cast %max3A_29 : vector<128xf32> to vector<1x128xf32>
    %mul3A_46 = vector.broadcast %broadcast_in_dim3A_44 : vector<2048x1xf32> to vector<2048x128xf32>
    %mul3A_47 = vector.broadcast %broadcast_in_dim3A_45 : vector<1x128xf32> to vector<2048x128xf32>
    %mul3A_48 = arith.mulf %mul3A_46, %mul3A_47 : vector<2048x128xf32>
    %broadcast_in_dim3A_49 = vector.shape_cast %squeeze3A_43 : vector<2048xf32> to vector<2048x1xf32>
    %broadcast_in_dim3A_50 = vector.shape_cast %max3A_34 : vector<128xf32> to vector<1x128xf32>
    %mul3A_51 = vector.broadcast %broadcast_in_dim3A_49 : vector<2048x1xf32> to vector<2048x128xf32>
    %mul3A_52 = vector.broadcast %broadcast_in_dim3A_50 : vector<1x128xf32> to vector<2048x128xf32>
    %mul3A_53 = arith.mulf %mul3A_51, %mul3A_52 : vector<2048x128xf32>
    %add3A_54 = arith.addf %mul3A_48, %mul3A_53 : vector<2048x128xf32>
    %get3A_55 = arith.constant 0 : index
    %get3A_56 = arith.constant 0 : index
    %get3A_57 = vector.load %arg6[%get3A_55, %get3A_56] : memref<128x128xf32, #tpu.memory_space<vmem>>, vector<128x128xf32>
    %convert_element_type3A_58 = arith.truncf %add3A_54 : vector<2048x128xf32> to vector<2048x128xbf16>
    %convert_element_type3A_59 = arith.extf %convert_element_type3A_58 : vector<2048x128xbf16> to vector<2048x128xf32>
    %convert_element_type3A_60 = arith.truncf %get3A_57 : vector<128x128xf32> to vector<128x128xbf16>
    %convert_element_type3A_61 = arith.extf %convert_element_type3A_60 : vector<128x128xbf16> to vector<128x128xf32>
    %dot_general3A_62 = arith.constant dense<0.000000e+00> : vector<2048x128xf32>
    %dot_general3A_63 = tpu.matmul %convert_element_type3A_59, %convert_element_type3A_61, %dot_general3A_62 {dimension_numbers = #tpu.dot_dimension_numbers<[1], [1], [0], [0], [0, 0, 1, 0], [], []>, precision = #tpu.contract_precision<fp32>, transpose_lhs_hint = false} : vector<2048x128xf32>, vector<128x128xf32>, vector<2048x128xf32> -> vector<2048x128xf32>
    %add3A_64 = arith.addf %mul3A_23, %dot_general3A_15 : vector<2048x128xf32>
    %add3A_65 = arith.addf %add3A_64, %dot_general3A_63 : vector<2048x128xf32>
    %max3A_66 = arith.constant 0.000000e+00 : f32
    %max3A_67 = vector.broadcast %max3A_66 : f32 to vector<2048x128xf32>
    %max3A_68 = arith.maximumf %add3A_65, %max3A_67 : vector<2048x128xf32>
    %swap3A = arith.constant 0 : index
    %swap3A_69 = arith.constant 0 : index
    %swap3A_70 = vector.load %arg8[%swap3A, %swap3A_69] : memref<2048x128xf32, #tpu.memory_space<vmem>>, vector<2048x128xf32>
    tpu.vector_store %arg8[%swap3A, %swap3A_69], %max3A_68 {strides = array<i32>} : memref<2048x128xf32, #tpu.memory_space<vmem>>, vector<2048x128xf32>,
    return
  }
  func.func @transform_0(%arg0: i32) -> (i32, i32, i32) {
    %c0_i32 = arith.constant 0 : i32
    %c0_i32_0 = arith.constant 0 : i32
    %c0_i32_1 = arith.constant 0 : i32
    return %c0_i32, %arg0, %c0_i32_0 : i32, i32, i32
  }
  func.func @transform_1(%arg0: i32) -> (i32, i32) {
    %c0_i32 = arith.constant 0 : i32
    %c0_i32_0 = arith.constant 0 : i32
    return %arg0, %c0_i32 : i32, i32
  }
  func.func @transform_2(%arg0: i32) -> (i32, i32) {
    %c0_i32 = arith.constant 0 : i32
    %c0_i32_0 = arith.constant 0 : i32
    return %arg0, %c0_i32 : i32, i32
  }
  func.func @transform_3(%arg0: i32) -> (i32, i32) {
    %c0_i32 = arith.constant 0 : i32
    %c0_i32_0 = arith.constant 0 : i32
    %c0_i32_1 = arith.constant 0 : i32
    return %c0_i32, %c0_i32_0 : i32, i32
  }
  func.func @transform_4(%arg0: i32) -> (i32, i32) {
    %c0_i32 = arith.constant 0 : i32
    %c0_i32_0 = arith.constant 0 : i32
    %c0_i32_1 = arith.constant 0 : i32
    return %c0_i32, %c0_i32_0 : i32, i32
  }
  func.func @transform_5(%arg0: i32) -> (i32, i32) {
    %c0_i32 = arith.constant 0 : i32
    %c0_i32_0 = arith.constant 0 : i32
    %c0_i32_1 = arith.constant 0 : i32
    return %c0_i32, %c0_i32_0 : i32, i32
  }
  func.func @transform_6(%arg0: i32) -> (i32, i32) {
    %c0_i32 = arith.constant 0 : i32
    %c0_i32_0 = arith.constant 0 : i32
    %c0_i32_1 = arith.constant 0 : i32
    return %c0_i32, %c0_i32_0 : i32, i32
  }
  func.func @transform_7(%arg0: i32) -> (i32, i32) {
    %c0_i32 = arith.constant 0 : i32
    %c0_i32_0 = arith.constant 0 : i32
    return %arg0, %c0_i32 : i32, i32
  }
}

module attributes {stable_mosaic.version = 14 : i64} {
  func.func @_pool_body(%arg0: i32, %arg1: memref<2048x1xi32, #tpu.memory_space<vmem>>, %arg2: memref<2048x128xf32, #tpu.memory_space<vmem>>, %arg3: memref<16x128xf32, #tpu.memory_space<vmem>>) attributes {dimension_semantics = [#tpu.dimension_semantics<arbitrary>], iteration_bounds = array<i64: 5>, scalar_prefetch = 0 : i64, scratch_operands = 0 : i64, tpu.core_type = #tpu.core_type<tc>, window_params = [{transform_indices = @transform_0, window_bounds = array<i64: 2048, 1>}, {transform_indices = @transform_1, window_bounds = array<i64: 2048, 128>}, {pipeline_mode = #tpu.pipeline_mode<synchronous>, transform_indices = @transform_2, window_bounds = array<i64: 16, 128>}]} {
    %get3A = arith.constant 0 : index
    %get3A_0 = arith.constant 0 : index
    %get3A_1 = vector.load %arg1[%get3A, %get3A_0] : memref<2048x1xi32, #tpu.memory_space<vmem>>, vector<2048x1xi32>
    %iota3A = tpu.iota {dimensions = array<i32: 1>} : vector<1x16xi32>
    %eq3A = vector.broadcast %get3A_1 : vector<2048x1xi32> to vector<2048x16xi32>
    %eq3A_2 = vector.broadcast %iota3A : vector<1x16xi32> to vector<2048x16xi32>
    %eq3A_3 = arith.cmpi eq, %eq3A, %eq3A_2 : vector<2048x16xi32>
    %convert_element_type3A = arith.extui %eq3A_3 : vector<2048x16xi1> to vector<2048x16xi32>
    %convert_element_type3A_4 = arith.sitofp %convert_element_type3A : vector<2048x16xi32> to vector<2048x16xf32>
    %get3A_5 = arith.constant 0 : index
    %get3A_6 = arith.constant 0 : index
    %get3A_7 = vector.load %arg2[%get3A_5, %get3A_6] : memref<2048x128xf32, #tpu.memory_space<vmem>>, vector<2048x128xf32>
    %dot_general3A = arith.constant dense<0.000000e+00> : vector<16x128xf32>
    %dot_general3A_8 = tpu.matmul %convert_element_type3A_4, %get3A_7, %dot_general3A {dimension_numbers = #tpu.dot_dimension_numbers<[0], [0], [1], [1], [0, 1, 1, 1], [], []>, precision = #tpu.contract_precision<fp32>, transpose_lhs_hint = false} : vector<2048x16xf32>, vector<2048x128xf32>, vector<16x128xf32> -> vector<16x128xf32>
    %eq3A_9 = arith.constant 0 : i32
    %eq3A_10 = arith.cmpi eq, %arg0, %eq3A_9 : i32
    %convert_element_type3A_11 = arith.extui %eq3A_10 : i1 to i32
    %cond3A = arith.constant 0 : i32
    %cond3A_12 = arith.cmpi ne, %convert_element_type3A_11, %cond3A : i32
    scf.if %cond3A_12 {
      %broadcast_in_dim3A = arith.constant 0.000000e+00 : f32
      %broadcast_in_dim3A_18 = vector.broadcast %broadcast_in_dim3A : f32 to vector<16x128xf32>
      %swap3A_19 = arith.constant 0 : index
      %swap3A_20 = arith.constant 0 : index
      %swap3A_21 = vector.load %arg3[%swap3A_19, %swap3A_20] : memref<16x128xf32, #tpu.memory_space<vmem>>, vector<16x128xf32>
      tpu.vector_store %arg3[%swap3A_19, %swap3A_20], %broadcast_in_dim3A_18 {strides = array<i32>} : memref<16x128xf32, #tpu.memory_space<vmem>>, vector<16x128xf32>,
    } else {
    }
    %get3A_13 = arith.constant 0 : index
    %get3A_14 = arith.constant 0 : index
    %get3A_15 = vector.load %arg3[%get3A_13, %get3A_14] : memref<16x128xf32, #tpu.memory_space<vmem>>, vector<16x128xf32>
    %add3A = arith.addf %get3A_15, %dot_general3A_8 : vector<16x128xf32>
    %swap3A = arith.constant 0 : index
    %swap3A_16 = arith.constant 0 : index
    %swap3A_17 = vector.load %arg3[%swap3A, %swap3A_16] : memref<16x128xf32, #tpu.memory_space<vmem>>, vector<16x128xf32>
    tpu.vector_store %arg3[%swap3A, %swap3A_16], %add3A {strides = array<i32>} : memref<16x128xf32, #tpu.memory_space<vmem>>, vector<16x128xf32>,
    return
  }
  func.func @transform_0(%arg0: i32) -> (i32, i32) {
    %c0_i32 = arith.constant 0 : i32
    %c0_i32_0 = arith.constant 0 : i32
    return %arg0, %c0_i32 : i32, i32
  }
  func.func @transform_1(%arg0: i32) -> (i32, i32) {
    %c0_i32 = arith.constant 0 : i32
    %c0_i32_0 = arith.constant 0 : i32
    return %arg0, %c0_i32 : i32, i32
  }
  func.func @transform_2(%arg0: i32) -> (i32, i32) {
    %c0_i32 = arith.constant 0 : i32
    %c0_i32_0 = arith.constant 0 : i32
    %c0_i32_1 = arith.constant 0 : i32
    return %c0_i32, %c0_i32_0 : i32, i32
  }
}

module attributes {stable_mosaic.version = 14 : i64} {
  func.func @_head_body(%arg0: i32, %arg1: memref<16x128xf32, #tpu.memory_space<vmem>>, %arg2: memref<2048x1xi32, #tpu.memory_space<vmem>>, %arg3: memref<2048x128xf32, #tpu.memory_space<vmem>>, %arg4: memref<128x128xf32, #tpu.memory_space<vmem>>, %arg5: memref<128x128xf32, #tpu.memory_space<vmem>>, %arg6: memref<1x256xf32, #tpu.memory_space<vmem>>, %arg7: memref<2048x1xf32, #tpu.memory_space<vmem>>) attributes {dimension_semantics = [#tpu.dimension_semantics<arbitrary>], iteration_bounds = array<i64: 5>, scalar_prefetch = 0 : i64, scratch_operands = 0 : i64, tpu.core_type = #tpu.core_type<tc>, window_params = [{pipeline_mode = #tpu.pipeline_mode<synchronous>, transform_indices = @transform_0, window_bounds = array<i64: 16, 128>}, {transform_indices = @transform_1, window_bounds = array<i64: 2048, 1>}, {transform_indices = @transform_2, window_bounds = array<i64: 2048, 128>}, {pipeline_mode = #tpu.pipeline_mode<synchronous>, transform_indices = @transform_3, window_bounds = array<i64: 128, 128>}, {pipeline_mode = #tpu.pipeline_mode<synchronous>, transform_indices = @transform_4, window_bounds = array<i64: 128, 128>}, {pipeline_mode = #tpu.pipeline_mode<synchronous>, transform_indices = @transform_5, window_bounds = array<i64: 1, 256>}, {transform_indices = @transform_6, window_bounds = array<i64: 2048, 1>}]} {
    %get3A = arith.constant 0 : index
    %get3A_0 = arith.constant 0 : index
    %get3A_1 = vector.load %arg1[%get3A, %get3A_0] : memref<16x128xf32, #tpu.memory_space<vmem>>, vector<16x128xf32>
    %get3A_2 = arith.constant 0 : index
    %get3A_3 = arith.constant 0 : index
    %get3A_4 = vector.load %arg4[%get3A_2, %get3A_3] : memref<128x128xf32, #tpu.memory_space<vmem>>, vector<128x128xf32>
    %convert_element_type3A = arith.truncf %get3A_1 : vector<16x128xf32> to vector<16x128xbf16>
    %convert_element_type3A_5 = arith.extf %convert_element_type3A : vector<16x128xbf16> to vector<16x128xf32>
    %convert_element_type3A_6 = arith.truncf %get3A_4 : vector<128x128xf32> to vector<128x128xbf16>
    %convert_element_type3A_7 = arith.extf %convert_element_type3A_6 : vector<128x128xbf16> to vector<128x128xf32>
    %dot_general3A = arith.constant dense<0.000000e+00> : vector<16x128xf32>
    %dot_general3A_8 = tpu.matmul %convert_element_type3A_5, %convert_element_type3A_7, %dot_general3A {dimension_numbers = #tpu.dot_dimension_numbers<[1], [1], [0], [0], [0, 0, 1, 0], [], []>, precision = #tpu.contract_precision<fp32>, transpose_lhs_hint = false} : vector<16x128xf32>, vector<128x128xf32>, vector<16x128xf32> -> vector<16x128xf32>
    %get3A_9 = arith.constant 0 : index
    %get3A_10 = arith.constant 0 : index
    %get3A_11 = vector.load %arg2[%get3A_9, %get3A_10] : memref<2048x1xi32, #tpu.memory_space<vmem>>, vector<2048x1xi32>
    %iota3A = tpu.iota {dimensions = array<i32: 1>} : vector<1x16xi32>
    %eq3A = vector.broadcast %get3A_11 : vector<2048x1xi32> to vector<2048x16xi32>
    %eq3A_12 = vector.broadcast %iota3A : vector<1x16xi32> to vector<2048x16xi32>
    %eq3A_13 = arith.cmpi eq, %eq3A, %eq3A_12 : vector<2048x16xi32>
    %convert_element_type3A_14 = arith.extui %eq3A_13 : vector<2048x16xi1> to vector<2048x16xi32>
    %convert_element_type3A_15 = arith.sitofp %convert_element_type3A_14 : vector<2048x16xi32> to vector<2048x16xf32>
    %dot_general3A_16 = arith.constant dense<0.000000e+00> : vector<2048x128xf32>
    %dot_general3A_17 = tpu.matmul %convert_element_type3A_15, %dot_general3A_8, %dot_general3A_16 {dimension_numbers = #tpu.dot_dimension_numbers<[1], [0], [0], [1], [0, 0, 1, 1], [], []>, precision = #tpu.contract_precision<fp32>, transpose_lhs_hint = false} : vector<2048x16xf32>, vector<16x128xf32>, vector<2048x128xf32> -> vector<2048x128xf32>
    %get3A_18 = arith.constant 0 : index
    %get3A_19 = arith.constant 0 : index
    %get3A_20 = vector.load %arg3[%get3A_18, %get3A_19] : memref<2048x128xf32, #tpu.memory_space<vmem>>, vector<2048x128xf32>
    %get3A_21 = arith.constant 0 : index
    %get3A_22 = arith.constant 0 : index
    %get3A_23 = vector.load %arg5[%get3A_21, %get3A_22] : memref<128x128xf32, #tpu.memory_space<vmem>>, vector<128x128xf32>
    %convert_element_type3A_24 = arith.truncf %get3A_20 : vector<2048x128xf32> to vector<2048x128xbf16>
    %convert_element_type3A_25 = arith.extf %convert_element_type3A_24 : vector<2048x128xbf16> to vector<2048x128xf32>
    %convert_element_type3A_26 = arith.truncf %get3A_23 : vector<128x128xf32> to vector<128x128xbf16>
    %convert_element_type3A_27 = arith.extf %convert_element_type3A_26 : vector<128x128xbf16> to vector<128x128xf32>
    %dot_general3A_28 = arith.constant dense<0.000000e+00> : vector<2048x128xf32>
    %dot_general3A_29 = tpu.matmul %convert_element_type3A_25, %convert_element_type3A_27, %dot_general3A_28 {dimension_numbers = #tpu.dot_dimension_numbers<[1], [1], [0], [0], [0, 0, 1, 0], [], []>, precision = #tpu.contract_precision<fp32>, transpose_lhs_hint = false} : vector<2048x128xf32>, vector<128x128xf32>, vector<2048x128xf32> -> vector<2048x128xf32>
    %get3A_30 = arith.constant 0 : index
    %get3A_31 = arith.constant 0 : index
    %get3A_32 = vector.load %arg6[%get3A_30, %get3A_31] : memref<1x256xf32, #tpu.memory_space<vmem>>, vector<1x256xf32>
    %convert_element_type3A_33 = arith.truncf %get3A_32 : vector<1x256xf32> to vector<1x256xbf16>
    %convert_element_type3A_34 = arith.extf %convert_element_type3A_33 : vector<1x256xbf16> to vector<1x256xf32>
    %slice3A = vector.extract_strided_slice %convert_element_type3A_34 {offsets = [0, 0], sizes = [1, 128], strides = [1, 1]} : vector<1x256xf32> to vector<1x128xf32>
    %squeeze3A = vector.shape_cast %slice3A : vector<1x128xf32> to vector<128xf32>
    %slice3A_35 = vector.extract_strided_slice %convert_element_type3A_34 {offsets = [0, 128], sizes = [1, 128], strides = [1, 1]} : vector<1x256xf32> to vector<1x128xf32>
    %squeeze3A_36 = vector.shape_cast %slice3A_35 : vector<1x128xf32> to vector<128xf32>
    %max3A = arith.constant 0.000000e+00 : f32
    %max3A_37 = vector.broadcast %max3A : f32 to vector<2048x128xf32>
    %max3A_38 = arith.maximumf %dot_general3A_17, %max3A_37 : vector<2048x128xf32>
    %convert_element_type3A_39 = arith.truncf %max3A_38 : vector<2048x128xf32> to vector<2048x128xbf16>
    %convert_element_type3A_40 = arith.extf %convert_element_type3A_39 : vector<2048x128xbf16> to vector<2048x128xf32>
    %dot_general3A_41 = arith.constant dense<0.000000e+00> : vector<2048xf32>
    %dot_general3A_42 = tpu.matmul %convert_element_type3A_40, %squeeze3A, %dot_general3A_41 {dimension_numbers = #tpu.dot_dimension_numbers<[1], [0], [0], [], [0, 0], [], []>, precision = #tpu.contract_precision<fp32>, transpose_lhs_hint = false} : vector<2048x128xf32>, vector<128xf32>, vector<2048xf32> -> vector<2048xf32>
    %max3A_43 = arith.constant 0.000000e+00 : f32
    %max3A_44 = vector.broadcast %max3A_43 : f32 to vector<2048x128xf32>
    %max3A_45 = arith.maximumf %dot_general3A_29, %max3A_44 : vector<2048x128xf32>
    %convert_element_type3A_46 = arith.truncf %max3A_45 : vector<2048x128xf32> to vector<2048x128xbf16>
    %convert_element_type3A_47 = arith.extf %convert_element_type3A_46 : vector<2048x128xbf16> to vector<2048x128xf32>
    %dot_general3A_48 = arith.constant dense<0.000000e+00> : vector<2048xf32>
    %dot_general3A_49 = tpu.matmul %convert_element_type3A_47, %squeeze3A_36, %dot_general3A_48 {dimension_numbers = #tpu.dot_dimension_numbers<[1], [0], [0], [], [0, 0], [], []>, precision = #tpu.contract_precision<fp32>, transpose_lhs_hint = false} : vector<2048x128xf32>, vector<128xf32>, vector<2048xf32> -> vector<2048xf32>
    %add3A = arith.addf %dot_general3A_42, %dot_general3A_49 : vector<2048xf32>
    %broadcast_in_dim3A = vector.shape_cast %add3A : vector<2048xf32> to vector<2048x1xf32>
    %swap3A = arith.constant 0 : index
    %swap3A_50 = arith.constant 0 : index
    %swap3A_51 = vector.load %arg7[%swap3A, %swap3A_50] : memref<2048x1xf32, #tpu.memory_space<vmem>>, vector<2048x1xf32>
    tpu.vector_store %arg7[%swap3A, %swap3A_50], %broadcast_in_dim3A {strides = array<i32>} : memref<2048x1xf32, #tpu.memory_space<vmem>>, vector<2048x1xf32>,
    return
  }
  func.func @transform_0(%arg0: i32) -> (i32, i32) {
    %c0_i32 = arith.constant 0 : i32
    %c0_i32_0 = arith.constant 0 : i32
    %c0_i32_1 = arith.constant 0 : i32
    return %c0_i32, %c0_i32_0 : i32, i32
  }
  func.func @transform_1(%arg0: i32) -> (i32, i32) {
    %c0_i32 = arith.constant 0 : i32
    %c0_i32_0 = arith.constant 0 : i32
    return %arg0, %c0_i32 : i32, i32
  }
  func.func @transform_2(%arg0: i32) -> (i32, i32) {
    %c0_i32 = arith.constant 0 : i32
    %c0_i32_0 = arith.constant 0 : i32
    return %arg0, %c0_i32 : i32, i32
  }
  func.func @transform_3(%arg0: i32) -> (i32, i32) {
    %c0_i32 = arith.constant 0 : i32
    %c0_i32_0 = arith.constant 0 : i32
    %c0_i32_1 = arith.constant 0 : i32
    return %c0_i32, %c0_i32_0 : i32, i32
  }
  func.func @transform_4(%arg0: i32) -> (i32, i32) {
    %c0_i32 = arith.constant 0 : i32
    %c0_i32_0 = arith.constant 0 : i32
    %c0_i32_1 = arith.constant 0 : i32
    return %c0_i32, %c0_i32_0 : i32, i32
  }
  func.func @transform_5(%arg0: i32) -> (i32, i32) {
    %c0_i32 = arith.constant 0 : i32
    %c0_i32_0 = arith.constant 0 : i32
    %c0_i32_1 = arith.constant 0 : i32
    return %c0_i32, %c0_i32_0 : i32, i32
  }
  func.func @transform_6(%arg0: i32) -> (i32, i32) {
    %c0_i32 = arith.constant 0 : i32
    %c0_i32_0 = arith.constant 0 : i32
    return %arg0, %c0_i32 : i32, i32
  }
}

</mosaic_0001>

<sc_bundles>
// kernel: kernel.12.cloned.1.call-start
scs
__scs_entry_jumppad:
0x0: {  	(pc) =	sbr.rel $0x88, $3  }
0x1: {  	(tag) =	ssettag $0x0;
	lr =	simm.s32 $0x1  }
0x2: {  	[smem:$0x3F96] =	sst lr;
	_ =	strace $0xD0000000  }
0x3: {  	_ = 	snop  }
0x4: {  	_ = 	snop  }
0x5: {  	_ = 	snop  }
0x6: {  	_ = 	snop  }
0x7: {  	_ = 	snop  }
__scs_overlays_trampoline_lowered:
0x8: {  	[smem:$0x3FA5] =	sst s0  }
0x9: {  	[smem:$0x3FA6] =	sst s1  }
0xa: {  	[smem:$0x3FA7] =	sst s2  }
0xb: {  	[smem:$0x3FA8] =	sst s3  }
0xc: {  	[smem:$0x3FA9] =	sst s4  }
0xd: {  	[smem:$0x3FAA] =	sst s5  }
0xe: {  	[smem:$0x3FAB] =	sst s6  }
0xf: {  	[smem:$0x3FAC] =	sst s7  }
0x10: {  	[smem:$0x3FAD] =	sst s8  }
0x11: {  	[smem:$0x3FAE] =	sst s9;
	s0 =	simm.s32 @!p0 $0x0  }
0x12: {  	s1 =	sld [smem:$0x3F94];
	s0 =	simm.s32 @p0 $0x1  }
0x13: {  	[smem:$0x3FAF] =	sst s0;
	s0 =	simm.s32 @!p1 $0x0  }
0x14: {  	s2 =	sld [smem:$0x3F93];
	s0 =	simm.s32 @p1 $0x1  }
0x15: {  	[smem:$0x3FB0] =	sst s0;
	s0 =	simm.s32 @!p2 $0x0  }
0x16: {  	s3 =	sld [smem:$0x3FDB];
	s0 =	simm.s32 @p2 $0x1  }
0x17: {  	s4 =	simm.s32 $0x1BF5;
	[smem:$0x3FB2] =	sst s0  }
0x18: {  	s0 =	sld [smem:$0x3F95];
	_ =	swait.ge [sflag:s4], $0x0  }
0x19: {  	s7 =	sld [smem:$0x3F96]  }
0x1a: {  	s8 =	sadd.s32 $0xFFFFE003, lr  }
0x1b: {  	s9 =	sadd.s32 $0xFFFFFEF7, lr;
	s5 =	simm.s32 $0xFFFFFFFF;
	p2 =	slt.u32 s8, $0xFFFFF086  }
0x1c: {  	p1 =	slt.u32 s9, $0xF7A;
	s5 =	simm.s32 @!p2 $0x0  }
0x1d: {  	s5 =	simm.s32 @p1 $0x1;
	p0 =	seq.s32 s7, s2  }
0x1e: {  	s7 =	smul.u32 @!p0 $0xF7A, s2;
	p2 =	seq.s32 @!p0 s5, $0x0  }
0x1f: {  	s9 =	smul.u32 $0xF7A, s1;
	s8 =	simm.s32 @!p0 $0x1BF5;
	p2 =	por !p2, p0  }
0x20: {  	[sflag:s8] =	ssyncset.s32 @!p0 $0xFFFFF086;
	s6 =	sadd.s32 @!p0 s3, s7;
	s7 =	simm.s32 @!p0 $0x108  }
0x21: {  	s3 =	sadd.s32 s3, s9;
	s6 =	sadd.s32 @!p0 $0x88, s6;
	s7 =	simm.s32 @p2 $0x1082  }
0x22: {  	[simem:s7], [sflag:s8] =	dma.local @!p0 [hbm:s6], $0xF7A  }
0x23: {  	s9 =	sor.u32 $0xD0000000, s2;
	s6 =	simm.s32 $0x108;
	_ =	swait.ge @!p0 [sflag:s8], $0x0  }
0x24: {  	s3 =	sadd.s32 $0x88, s3;
	s6 =	simm.s32 @!p1 $0x1082;
	[sflag:s4] =	ssyncset.s32 $0xFFFFF086  }
0x25: {  	[simem:s6], [sflag:s4] =	dma.local [hbm:s3], $0xF7A  }
0x26: {  	[smem:$0x3F96] =	sst s1;
	(tag) =	ssettag s2;
	_ =	strace s9  }
0x27: {  	s1 =	sld [smem:$0x3FA6]  }
0x28: {  	s2 =	sld [smem:$0x3FA7]  }
0x29: {  	s4 =	sld [smem:$0x3FA9]  }
0x2a: {  	p0 =	seq.s32 s5, $0x0;
	s5 =	sld [smem:$0x3FAA]  }
0x2b: {  	s6 =	sld [smem:$0x3FAB]  }
0x2c: {  	s7 =	sld [smem:$0x3FAC]  }
0x2d: {  	s3 =	simm.s32 $0x108;
	s8 =	sld [smem:$0x3FAD]  }
0x2e: {  	s3 =	simm.s32 @!p0 $0x1082;
	s9 =	sld [smem:$0x3FAE]  }
0x2f: {  	lr =	sadd.s32 s0, s3;
	s0 =	sld [smem:$0x3FA5]  }
0x30: {  	s3 =	sld [smem:$0x3FA8]  }
0x31: {  	[smem:$0x3FB1] =	sst s10  }
0x32: {  	s10 =	sld [smem:$0x3FAF];
	_ =	sdelay $0x3  }
0x33: {  	p0 =	seq.s32 s10, $0x1;
	s10 =	sld [smem:$0x3FB1];
	_ =	sdelay $0x3  }
0x34: {  	[smem:$0x3FB1] =	sst s10  }
0x35: {  	s10 =	sld [smem:$0x3FB0];
	_ =	sdelay $0x3  }
0x36: {  	p1 =	seq.s32 s10, $0x1;
	s10 =	sld [smem:$0x3FB1];
	_ =	sdelay $0x3  }
0x37: {  	[smem:$0x3FB1] =	sst s10  }
0x38: {  	s10 =	sld [smem:$0x3FB2]  }
0x39: {  	_ = 	snop;
	(pc) =	sbr.ind lr, $3  }
0x3a: {  	_ = 	snop  }
0x3b: {  	_ = 	snop  }
0x3c: {  	p2 =	seq.s32 s10, $0x1;
	s10 =	sld [smem:$0x3FB1]  }
0x3d: {  	_ =	shalt  }
0x3e: {  	_ =	shalt  }
0x3f: {  	_ =	shalt  }
0x40: {  	_ =	shalt  }
0x41: {  	_ =	shalt  }
0x42: {  	_ =	shalt  }
0x43: {  	_ =	shalt  }
0x44: {  	_ =	shalt  }
0x45: {  	_ =	shalt  }
0x46: {  	_ =	shalt  }
0x47: {  	_ =	shalt  }
0x48: {  	_ =	shalt  }
0x49: {  	_ =	shalt  }
0x4a: {  	_ =	shalt  }
0x4b: {  	_ =	shalt  }
0x4c: {  	_ =	shalt  }
0x4d: {  	_ =	shalt  }
0x4e: {  	_ =	shalt  }
0x4f: {  	_ =	shalt  }
0x50: {  	_ =	shalt  }
0x51: {  	_ =	shalt  }
0x52: {  	_ =	shalt  }
0x53: {  	_ =	shalt  }
0x54: {  	_ =	shalt  }
0x55: {  	_ =	shalt  }
0x56: {  	_ =	shalt  }
0x57: {  	_ =	shalt  }
0x58: {  	_ =	shalt  }
0x59: {  	_ =	shalt  }
0x5a: {  	_ =	shalt  }
0x5b: {  	_ =	shalt  }
0x5c: {  	_ =	shalt  }
0x5d: {  	_ =	shalt  }
0x5e: {  	_ =	shalt  }
0x5f: {  	_ =	shalt  }
0x60: {  	_ =	shalt  }
0x61: {  	_ =	shalt  }
0x62: {  	_ =	shalt  }
0x63: {  	_ =	shalt  }
0x64: {  	_ =	shalt  }
0x65: {  	_ =	shalt  }
0x66: {  	_ =	shalt  }
0x67: {  	_ =	shalt  }
0x68: {  	_ =	shalt  }
0x69: {  	_ =	shalt  }
0x6a: {  	_ =	shalt  }
0x6b: {  	_ =	shalt  }
0x6c: {  	_ =	shalt  }
0x6d: {  	_ =	shalt  }
0x6e: {  	_ =	shalt  }
0x6f: {  	_ =	shalt  }
0x70: {  	_ =	shalt  }
0x71: {  	_ =	shalt  }
0x72: {  	_ =	shalt  }
0x73: {  	_ =	shalt  }
0x74: {  	_ =	shalt  }
0x75: {  	_ =	shalt  }
0x76: {  	_ =	shalt  }
0x77: {  	_ =	shalt  }
0x78: {  	_ =	shalt  }
0x79: {  	_ =	shalt  }
0x7a: {  	_ =	shalt  }
0x7b: {  	_ =	shalt  }
0x7c: {  	_ =	shalt  }
0x7d: {  	_ =	shalt  }
0x7e: {  	_ =	shalt  }
0x7f: {  	_ =	shalt  }
0x80: {  	_ =	shalt  }
0x81: {  	_ =	shalt  }
0x82: {  	_ =	shalt  }
0x83: {  	_ =	shalt  }
0x84: {  	_ =	shalt  }
0x85: {  	_ =	shalt  }
0x86: {  	_ =	shalt  }
0x87: {  	_ =	shalt  }
.Lfunc_end0:
.L_simem_size_0:
called_computation_lowered:
.L_overlay_start_0:
0x88: {  	s2 =	sld [smem:$0x3FD9]  }
0x89: {  	s3 =	sld [smem:$0x3FFE];
	_ =	sdelay $0x1  }
0x8a: {  	s1 =	srdreg.scid  }
0x8b: {  	s0 =	sand.u32 $0x1, s1  }
0x8c: {  	s16 =	sshll.u32 s0, $0xA;
	s2 =	sadd.s32 s3, s2  }
0x8d: {  	s2 =	sadd.s32 s2, s16  }
0x8e: {  	[smem:$0x3FBD] =	sst s2  }
0x8f: {  	_ = 	snop  }
0x90: {  	(tm) =	ssettm $0x1  }
0x91: {  	s17 =	sld [smem:$0x3FFB];
	_ =	sdelay $0x3  }
0x92: {  	_ =	strace s17  }
0x93: {  	s2 =	sld [smem:$0x3FFC];
	_ =	sdelay $0x3  }
0x94: {  	_ =	strace s2  }
0x95: {  	s2 =	sld [smem:$0x3FFD];
	_ =	sdelay $0x3  }
0x96: {  	_ =	strace s2  }
0x97: {  	_ =	strace $0x8FFFFFFF  }
0x98: {  	s18 =	sld [smem:$0x3FDB];
	_ =	sdelay $0x1  }
0x99: {  	s19 =	simm.s32 $_scs_section_size  }
0x9a: {  	s4 =	simm.s32 $_size__tile_overlayer_lowered;
	s5 =	simm.s32 $_tile_overlayer_lowered  }
0x9b: {  	s22 =	simm.s32 $0x1BFF;
	s21 =	sshll.u32 s5, $0x1;
	s2 =	sadd.s32 s19, s18  }
0x9c: {  	s6 =	simm.s32 $0x0;
	s20 =	sshll.u32 s4, $0x1;
	s4 =	sadd.s32 s21, s2  }
0x9d: {  	[timem:s6], [sflag:s22] =	dma.local [hbm:s4], s20  }
0x9e: {  	_ =	swait.ge [sflag:s22], s20  }
0x9f: {  	s3 =	ssub.s32 $0x0, s20;
	[sflag:s22] =	ssyncset.done $0x0  }
0xa0: {  	[sflag:s22] =	ssyncadd.s32 s3;
	_ =	sdelay $0x1  }
0xa1: {  	s23 =	simm.s32 $0x1B8B  }
0xa2: {  	_ =	swait.ge [sflag:s23], $0x1  }
0xa3: {  	[sflag:s23] =	ssyncset.done $0x0  }
0xa4: {  	s25 =	simm.s32 $0x1B8E;
	s24 =	sld [smem:$0x3FFE];
	[sflag:s23] =	ssyncadd.s32 $0xFFFFFFFF  }
0xa5: {  	s26 =	simm.s32 $execute0_lowered;
	[smem:$0x3FD2] =	sst s25  }
0xa6: {  	s4 =	sshll.u32 s26, $0x1;
	_ =	strace $0x80000046;
	[dreg:$0x1] =	wrdreg $0xFFFFFFFF  }
0xa7: {  	s28 =	simm.s32 $_size_execute0_lowered;
	s2 =	sadd.s32 s2, s4;
	[dreg:$0x0] =	wrdreg $0x0  }
0xa8: {  	s4 =	sshll.u32 s28, $0x1;
	[dreg:$0x2] =	wrdreg s2  }
0xa9: {  	[dreg:$0x3] =	wrdreg s4  }
0xaa: {  	[dreg:$0x4] =	wrdreg $0xC0  }
0xab: {  	_ =	task [dreg:s6], $0x5FFFF  }
0xac: {  	[dreg:$0x1] =	wrdreg $0xFFFFFFFF  }
0xad: {  	[dreg:$0x0] =	wrdreg $0x60  }
0xae: {  	[dreg:$0x2] =	wrdreg s24  }
0xaf: {  	[dreg:$0x3] =	wrdreg $0xA0000  }
0xb0: {  	[dreg:$0x4] =	wrdreg $0x9  }
0xb1: {  	_ =	task.clear_ibuf [dreg:s6], $0x5FFFF;
	_ =	strace $0x90000046  }
0xb2: {  	s29 =	simm.s32 $0x9;
	_ =	strace $0x80000048  }
0xb3: {  	_ =	swait.ge [sflag:s29], $0x1  }
0xb4: {  	[sflag:s29] =	ssyncadd.s32 $0xFFFFFFFF  }
0xb5: {  	_ =	strace $0x90000048  }
0xb6: {  	_ =	sfence  }
0xb7: {  	s30 =	sld [smem:$0x0];
	_ =	sdelay $0x2  }
0xb8: {  	s31 =	sshll.u32 s1, $0xD;
	s1 =	sshrl.u32 s1, $0x2  }
0xb9: {  	s3 =	sand.u32 $0x4000, s31;
	s1 =	sadd.s32 s1, s30  }
0xba: {  	s0 =	sor.u32 s3, s0;
	s1 =	sshll.u32 s1, $0x11  }
0xbb: {  	s0 =	sor.u32 s1, s0  }
0xbc: {  	s0 =	sadd.s32 $0x8F2B, s0  }
0xbd: {  	[sflag:s0] =	ssyncadd.remote.s32 $0x1  }
0xbe: {  	_ =	sfence.sel $0xFFFF  }
0xbf: {  	[dreg:$0x0] =	wrdreg $0xFFFFFFFF;
	(pc) =	sbr.abs _section_cstart, $3  }
0xc0: {  	[dreg:$0x1] =	wrdreg $0xFFFFFFFF  }
0xc1: {  	_ =	task.clear_ibuf [dreg:s6], $0x2FFFF;
	_ =	strace $0x9FFFFFFF  }
0xc2: {  	(tm) =	ssettm $0x7FFFFFFF  }
0xc3: {  	_ =	shalt  }
tec
execute0_lowered:
.L_overlay_start_1:
0x0: {  	(tag) =	ssettag $0x1  }
0x1: {  	s5 =	rddreg [dreg:$0x0]  }
0x2: {  	s2 =	rddreg [dreg:$0x1]  }
0x3: {  	s3 =	simm.s32 $0x0;
	s0 =	stileid.u32;
	s4 =	srdreg.scid  }
0x4: {  	s19 =	simm.s32 $0x2000;
	s20 =	simm.s32 $0x80;
	s22 =	simm.s32 $0x1F80  }
0x5: {  	s23 =	simm.s32 $0x6000;
	s24 =	simm.s32 $0x0;
	[smem:$0x7FF] =	sst s3  }
0x6: {  	s6 =	smul.u32 $0x14000, s0;
	s21 =	sand.u32 $0x1, s4;
	s4 =	sadd.s32 $0x16A00, s5  }
0x7: {  	s13 =	sadd.s32 $0xCA00, s5;
	s14 =	sadd.s32 $0x2A00, s5;
	s9 =	smul.u32 $0x50000, s0  }
0x8: {  	s28 =	sshll.u32 s0, $0x6;
	s29 =	sshll.u32 s0, $0x9;
	s11 =	sshll.u32 s0, $0xB  }
0x9: {  	_ =	strace $0x80000047;
	s7 =	smul.u32 $0x140000, s21;
	s26 =	ssub.s32 $0x2, s21  }
0xa: {  	p0 =	seq.s32 s21, $0x0;
	s30 =	sor.u32 $0x200, s11;
	s12 =	sor.u32 $0x400, s11  }
0xb: {  	s18 =	sor.u32 $0x600, s11;
	s8 =	sshrl.u32 s6, $0x3;
	s10 =	sshrl.u32 s26, $0x1  }
0xc: {  	s9 =	sshrl.u32 s9, $0x2;
	s31 =	sadd.s32 s13, s30;
	s8 =	sadd.s32 s8, s5  }
0xd: {  	s6 =	sadd.s32 s6, s7;
	s16 =	ssub.s32 s26, s10;
	s17 =	sadd.s32 s9, s2  }
0xe: {  	[dreg:$0x3] =	wrdreg s31;
	s10 =	sadd.s32 s14, s30;
	s6 =	sshrl.u32 s6, $0x3  }
0xf: {  	s16 =	smax.u32 s16, $0x1;
	s17 =	sshrl.u32 s17, $0x3;
	s15 =	sadd.s32 s6, s5  }
.Ltmp0:
0x10: {  	s5 =	sadd.s32 $0x3EA00, s8;
	s8 =	sor.u32 $0x8000, s29;
	(pc) =	sbr.rel .LBB2_1-.Ltmp0, $4  }
0x11: {  	s6 =	sor.u32 $0x1C03, s28;
	s8 =	smov.u32 @p0 s11;
	s11 =	sadd.s32 s13, s12  }
0x12: {  	s12 =	sadd.s32 s14, s12;
	s15 =	sadd.s32 $0x66A00, s15;
	p0 =	sne.s32 s21, $0x0  }
0x13: {  	s21 =	simm.s32 $0x2;
	s7 =	sadd.s32 s13, s8;
	s8 =	sadd.s32 s14, s8  }
0x14: {  	s13 =	sadd.s32 s13, s18;
	s14 =	sadd.s32 s14, s18;
	s18 =	simm.s32 $0x3  }
.LBB2_10:
0x15: {  	s0 =	sshll.u32 s31, $0xE;
	[sflag:s18] =	ssyncadd.s32 $0xFFFFC000  }
0x16: {  	s1 =	sadd.s32 $0x1, s31;
	s9 =	sadd.s32 $0x1, s29;
	s0 =	sor.u32 $0x2000, s0  }
0x17: {  	[tilespmem:s0], [sflag:s1] =	stream.indirect.gather [hbm4b:s4+s20], $0x80, s26, s20, $0xb8;
	[tilespmem:$0x1E000] =	vst v63  }
0x18: {  	_ =	swait.ge [sflag:s9], $0x4000  }
0x19: {  	[sflag:s9] =	ssyncset.done $0x0  }
0x1a: {  	s31 =	sor.u32 $0x2000, s28;
	[sflag:s9] =	ssyncadd.s32 $0xFFFFC000  }
0x1b: {  	[spmem:s2] =	stream.indirect.scatter.add.f32 [tilespmem:s31], [sflag:$0x3], $0x80, s25, s20, $0xb8;
	[tilespmem:$0x1E000] =	vst v63  }
0x1c: {  	_ =	swait.ge [sflag:s18], $0x4000  }
0x1d: {  	[sflag:s18] =	ssyncset.done $0x0  }
0x1e: {  	[sflag:s18] =	ssyncadd.s32 $0xFFFFC000  }
0x1f: {  	_ =	swait.ge [sflag:s21], $0x4000  }
0x20: {  	[sflag:s21] =	ssyncset.done $0x0  }
0x21: {  	[sflag:s21] =	ssyncadd.s32 $0xFFFFC000  }
0x22: {  	[spmem:s2] =	stream.indirect.scatter.add.f32 [tilespmem:s23], [sflag:$0x3], $0x80, s22, s20, $0xb8;
	[tilespmem:$0x1E000] =	vst v63  }
0x23: {  	_ =	swait.ge [sflag:s18], $0x4000  }
0x24: {  	[sflag:s18] =	ssyncset.done $0x0  }
0x25: {  	[sflag:s18] =	ssyncadd.s32 $0xFFFFC000  }
.LBB2_11:
0x26: {  	s24 =	sadd.s32 $0x1, s24  }
0x27: {  	p1 =	sne.s32 s24, s16  }
.Ltmp1:
0x28: {  	[bflag:$0x0] =	sbarrier.arrive $0xFFFF;
	(pc) =	sbr.rel @!p1 .LBB2_12-.Ltmp1, $4  }
0x29: {  	[hbm:s15], [sflag:s6] =	dma.local [spmem:s17], $0x2800  }
0x2a: {  	_ =	swait.ge [sflag:s18], $0x2800  }
0x2b: {  	[sflag:s18] =	ssyncset.done $0x0  }
0x2c: {  	[sflag:s18] =	ssyncadd.s32 $0xFFFFD800  }
.LBB2_1:
0x2d: {  	[spmem:s17], [sflag:s6] =	dma.local [hbm:s5], $0x2800  }
0x2e: {  	_ =	swait.ge [sflag:s18], $0x2800  }
0x2f: {  	[sflag:s18] =	ssyncset.done $0x0  }
0x30: {  	[sflag:s18] =	ssyncadd.s32 $0xFFFFD800  }
0x31: {  	[bflag:$0x0] =	sbarrier.arrive $0xFFFF  }
0x32: {  	[tilespmem:s3], [sflag:$0x3] =	stream.linear.gather [hbm4b:s7+s3], $0x1000, $0x38;
	[tilespmem:$0x1E000] =	vst v63  }
0x33: {  	_ =	swait.ge [sflag:s18], $0x1000  }
0x34: {  	[sflag:s18] =	ssyncset.done $0x0  }
0x35: {  	s25 =	simm.s32 $0x1000;
	[sflag:s18] =	ssyncadd.s32 $0xFFFFF000  }
0x36: {  	[tilespmem:s25], [sflag:$0x3] =	stream.linear.gather [hbm4b:s8+s3], $0x1000, $0x38;
	[tilespmem:$0x1E000] =	vst v63  }
0x37: {  	s26 =	sand.u32 $0x1, s3;
	_ =	swait.ge [sflag:s18], $0x1000  }
0x38: {  	s28 =	sxor.u32 $0x1, s26;
	[sflag:s18] =	ssyncset.done $0x0  }
0x39: {  	s29 =	sshll.u32 s28, $0xE;
	[sflag:s18] =	ssyncadd.s32 $0xFFFFF000  }
0x3a: {  	[tilespmem:s19], [sflag:$0x1] =	stream.indirect.gather [hbm4b:s4+s20], $0x80, s3, s20, $0xb8;
	[tilespmem:$0x1E000] =	vst v63  }
0x3b: {  	s31 =	sadd.s32 $0x1, s26;
	s28 =	sadd.s32 $0x1, s28;
	s29 =	sor.u32 $0x2000, s29  }
0x3c: {  	[tilespmem:s29], [sflag:s28] =	stream.indirect.gather [hbm4b:s4+s20], $0x80, s20, s20, $0xb8;
	[tilespmem:$0x1E000] =	vst v63  }
0x3d: {  	s30 =	simm.s32 $0x2;
	_ =	swait.ge [sflag:s31], $0x4000  }
0x3e: {  	s26 =	sshll.u32 s26, $0xE;
	s28 =	simm.s32 $0x1;
	[sflag:s31] =	ssyncset.done $0x0  }
0x3f: {  	s29 =	sor.u32 $0x2000, s26;
	s26 =	simm.s32 $0x100;
	[sflag:s31] =	ssyncadd.s32 $0xFFFFC000  }
0x40: {  	[spmem:s2] =	stream.indirect.scatter.add.f32 [tilespmem:s29], [sflag:$0x3], $0x80, s25, s20, $0xb8;
	[tilespmem:$0x1E000] =	vst v63  }
0x41: {  	s29 =	sand.u32 $0x1, s28;
	s25 =	simm.s32 $0x1080;
	_ =	swait.ge [sflag:s18], $0x4000  }
0x42: {  	s31 =	sxor.u32 $0x1, s29;
	s28 =	sshll.u32 s29, $0xE;
	[sflag:s18] =	ssyncset.done $0x0  }
.LBB2_2:
0x43: {  	s0 =	sshll.u32 s31, $0xE  }
0x44: {  	[sflag:s18] =	ssyncadd.s32 $0xFFFFC000;
	s1 =	smov.u32 s30;
	s9 =	sadd.s32 $0x1, s30  }
0x45: {  	s31 =	sadd.s32 $0x1, s31;
	s29 =	sadd.s32 $0x1, s29;
	s0 =	sor.u32 $0x2000, s0  }
0x46: {  	[tilespmem:s0], [sflag:s31] =	stream.indirect.gather [hbm4b:s4+s20], $0x80, s26, s20, $0xb8;
	[tilespmem:$0x1E000] =	vst v63  }
0x47: {  	p1 =	sne.s32 s30, $0x1E;
	_ =	swait.ge [sflag:s29], $0x4000  }
.Ltmp2:
0x48: {  	s30 =	smov.u32 s9;
	[sflag:s29] =	ssyncset.done $0x0;
	(pc) =	sbr.rel @p1 .LBB2_2-.Ltmp2, $4  }
0x49: {  	s0 =	sor.u32 $0x2000, s28;
	s26 =	sadd.s32 $0x80, s26;
	[sflag:s29] =	ssyncadd.s32 $0xFFFFC000  }
0x4a: {  	[spmem:s2] =	stream.indirect.scatter.add.f32 [tilespmem:s0], [sflag:$0x3], $0x80, s25, s20, $0xb8;
	[tilespmem:$0x1E000] =	vst v63  }
0x4b: {  	s29 =	sand.u32 $0x1, s1;
	s25 =	sadd.s32 $0x80, s25;
	_ =	swait.ge [sflag:s18], $0x4000  }
0x4c: {  	s31 =	sxor.u32 $0x1, s29;
	s28 =	sshll.u32 s29, $0xE;
	[sflag:s18] =	ssyncset.done $0x0  }
0x4d: {  	s0 =	sshll.u32 s31, $0xE;
	[sflag:s18] =	ssyncadd.s32 $0xFFFFC000  }
0x4e: {  	s1 =	sadd.s32 $0x1, s31;
	s9 =	sadd.s32 $0x1, s29;
	s0 =	sor.u32 $0x2000, s0  }
0x4f: {  	[tilespmem:s0], [sflag:s1] =	stream.indirect.gather [hbm4b:s4+s20], $0x80, s26, s20, $0xb8;
	[tilespmem:$0x1E000] =	vst v63  }
0x50: {  	_ =	swait.ge [sflag:s9], $0x4000  }
0x51: {  	[sflag:s9] =	ssyncset.done $0x0  }
0x52: {  	s31 =	sor.u32 $0x2000, s28;
	[sflag:s9] =	ssyncadd.s32 $0xFFFFC000  }
0x53: {  	[spmem:s2] =	stream.indirect.scatter.add.f32 [tilespmem:s31], [sflag:$0x3], $0x80, s25, s20, $0xb8;
	[tilespmem:$0x1E000] =	vst v63  }
0x54: {  	_ =	swait.ge [sflag:s18], $0x4000  }
0x55: {  	[sflag:s18] =	ssyncset.done $0x0  }
0x56: {  	[sflag:s18] =	ssyncadd.s32 $0xFFFFC000  }
0x57: {  	_ =	swait.ge [sflag:s21], $0x4000  }
0x58: {  	[sflag:s21] =	ssyncset.done $0x0  }
.Ltmp3:
0x59: {  	[sflag:s21] =	ssyncadd.s32 $0xFFFFC000;
	(pc) =	sbr.rel @p0 .LBB2_11-.Ltmp3, $4  }
0x5a: {  	[spmem:s2] =	stream.indirect.scatter.add.f32 [tilespmem:s23], [sflag:$0x3], $0x80, s22, s20, $0xb8;
	[tilespmem:$0x1E000] =	vst v63  }
0x5b: {  	_ =	swait.ge [sflag:s18], $0x4000  }
0x5c: {  	[sflag:s18] =	ssyncset.done $0x0  }
0x5d: {  	[sflag:s18] =	ssyncadd.s32 $0xFFFFC000  }
0x5e: {  	s0 =	simm.s32 $0x0;
	s1 =	rddreg [dreg:$0x3]  }
0x5f: {  	[tilespmem:s0], [sflag:$0x3] =	stream.linear.gather [hbm4b:s1+s0], $0x1000, $0x38;
	[tilespmem:$0x1E000] =	vst v63  }
0x60: {  	_ =	swait.ge [sflag:s18], $0x1000  }
0x61: {  	[sflag:s18] =	ssyncset.done $0x0  }
0x62: {  	s1 =	simm.s32 $0x1000;
	[sflag:s18] =	ssyncadd.s32 $0xFFFFF000  }
0x63: {  	[tilespmem:s1], [sflag:$0x3] =	stream.linear.gather [hbm4b:s10+s0], $0x1000, $0x38;
	[tilespmem:$0x1E000] =	vst v63  }
0x64: {  	_ =	swait.ge [sflag:s18], $0x1000  }
0x65: {  	[sflag:s18] =	ssyncset.done $0x0  }
0x66: {  	s9 =	simm.s32 $0x80;
	[sflag:s18] =	ssyncadd.s32 $0xFFFFF000  }
0x67: {  	[tilespmem:s19], [sflag:$0x1] =	stream.indirect.gather [hbm4b:s4+s9], $0x80, s0, s9, $0xb8;
	[tilespmem:$0x1E000] =	vst v63  }
0x68: {  	s0 =	sand.u32 $0x1, s0  }
0x69: {  	s25 =	sxor.u32 $0x1, s0  }
0x6a: {  	s26 =	sshll.u32 s25, $0xE  }
0x6b: {  	s28 =	sadd.s32 $0x1, s0;
	s25 =	sadd.s32 $0x1, s25;
	s26 =	sor.u32 $0x2000, s26  }
0x6c: {  	[tilespmem:s26], [sflag:s25] =	stream.indirect.gather [hbm4b:s4+s20], $0x80, s9, s20, $0xb8;
	[tilespmem:$0x1E000] =	vst v63  }
0x6d: {  	s0 =	sshll.u32 s0, $0xE;
	_ =	swait.ge [sflag:s28], $0x4000  }
0x6e: {  	s30 =	simm.s32 $0x2;
	s0 =	sor.u32 $0x2000, s0;
	[sflag:s28] =	ssyncset.done $0x0  }
0x6f: {  	s25 =	simm.s32 $0x1;
	s26 =	simm.s32 $0x100;
	[sflag:s28] =	ssyncadd.s32 $0xFFFFC000  }
0x70: {  	[spmem:s2] =	stream.indirect.scatter.add.f32 [tilespmem:s0], [sflag:$0x3], $0x80, s1, s20, $0xb8;
	[tilespmem:$0x1E000] =	vst v63  }
0x71: {  	s29 =	sand.u32 $0x1, s25;
	s25 =	simm.s32 $0x1080;
	_ =	swait.ge [sflag:s18], $0x4000  }
0x72: {  	s31 =	sxor.u32 $0x1, s29;
	s28 =	sshll.u32 s29, $0xE;
	[sflag:s18] =	ssyncset.done $0x0  }
.LBB2_5:
0x73: {  	s0 =	sshll.u32 s31, $0xE  }
0x74: {  	[sflag:s18] =	ssyncadd.s32 $0xFFFFC000;
	s1 =	smov.u32 s30;
	s9 =	sadd.s32 $0x1, s30  }
0x75: {  	s31 =	sadd.s32 $0x1, s31;
	s29 =	sadd.s32 $0x1, s29;
	s0 =	sor.u32 $0x2000, s0  }
0x76: {  	[tilespmem:s0], [sflag:s31] =	stream.indirect.gather [hbm4b:s4+s20], $0x80, s26, s20, $0xb8;
	[tilespmem:$0x1E000] =	vst v63  }
0x77: {  	p1 =	sne.s32 s30, $0x1E;
	_ =	swait.ge [sflag:s29], $0x4000  }
.Ltmp4:
0x78: {  	s30 =	smov.u32 s9;
	[sflag:s29] =	ssyncset.done $0x0;
	(pc) =	sbr.rel @p1 .LBB2_5-.Ltmp4, $4  }
0x79: {  	s0 =	sor.u32 $0x2000, s28;
	s26 =	sadd.s32 $0x80, s26;
	[sflag:s29] =	ssyncadd.s32 $0xFFFFC000  }
0x7a: {  	[spmem:s2] =	stream.indirect.scatter.add.f32 [tilespmem:s0], [sflag:$0x3], $0x80, s25, s20, $0xb8;
	[tilespmem:$0x1E000] =	vst v63  }
0x7b: {  	s29 =	sand.u32 $0x1, s1;
	s25 =	sadd.s32 $0x80, s25;
	_ =	swait.ge [sflag:s18], $0x4000  }
0x7c: {  	s31 =	sxor.u32 $0x1, s29;
	s28 =	sshll.u32 s29, $0xE;
	[sflag:s18] =	ssyncset.done $0x0  }
0x7d: {  	s0 =	sshll.u32 s31, $0xE;
	[sflag:s18] =	ssyncadd.s32 $0xFFFFC000  }
0x7e: {  	s1 =	sadd.s32 $0x1, s31;
	s9 =	sadd.s32 $0x1, s29;
	s0 =	sor.u32 $0x2000, s0  }
0x7f: {  	[tilespmem:s0], [sflag:s1] =	stream.indirect.gather [hbm4b:s4+s20], $0x80, s26, s20, $0xb8;
	[tilespmem:$0x1E000] =	vst v63  }
0x80: {  	_ =	swait.ge [sflag:s9], $0x4000  }
0x81: {  	[sflag:s9] =	ssyncset.done $0x0  }
0x82: {  	s1 =	sor.u32 $0x2000, s28;
	[sflag:s9] =	ssyncadd.s32 $0xFFFFC000  }
0x83: {  	[spmem:s2] =	stream.indirect.scatter.add.f32 [tilespmem:s1], [sflag:$0x3], $0x80, s25, s20, $0xb8;
	[tilespmem:$0x1E000] =	vst v63  }
0x84: {  	_ =	swait.ge [sflag:s18], $0x4000  }
0x85: {  	[sflag:s18] =	ssyncset.done $0x0  }
0x86: {  	[sflag:s18] =	ssyncadd.s32 $0xFFFFC000  }
0x87: {  	_ =	swait.ge [sflag:s21], $0x4000  }
0x88: {  	[sflag:s21] =	ssyncset.done $0x0  }
0x89: {  	s0 =	simm.s32 $0x80;
	[sflag:s21] =	ssyncadd.s32 $0xFFFFC000  }
0x8a: {  	[spmem:s2] =	stream.indirect.scatter.add.f32 [tilespmem:s23], [sflag:$0x3], $0x80, s22, s0, $0xb8;
	[tilespmem:$0x1E000] =	vst v63  }
0x8b: {  	_ =	swait.ge [sflag:s18], $0x4000  }
0x8c: {  	[sflag:s18] =	ssyncset.done $0x0  }
0x8d: {  	s26 =	simm.s32 $0x0;
	[sflag:s18] =	ssyncadd.s32 $0xFFFFC000  }
0x8e: {  	[tilespmem:s26], [sflag:$0x3] =	stream.linear.gather [hbm4b:s11+s26], $0x1000, $0x38;
	[tilespmem:$0x1E000] =	vst v63  }
0x8f: {  	_ =	swait.ge [sflag:s18], $0x1000  }
0x90: {  	[sflag:s18] =	ssyncset.done $0x0  }
0x91: {  	s9 =	simm.s32 $0x1000;
	[sflag:s18] =	ssyncadd.s32 $0xFFFFF000  }
0x92: {  	[tilespmem:s9], [sflag:$0x3] =	stream.linear.gather [hbm4b:s12+s26], $0x1000, $0x38;
	[tilespmem:$0x1E000] =	vst v63  }
0x93: {  	_ =	swait.ge [sflag:s18], $0x1000  }
0x94: {  	s1 =	sand.u32 $0x1, s26;
	[sflag:s18] =	ssyncset.done $0x0  }
0x95: {  	s25 =	sxor.u32 $0x1, s1;
	[sflag:s18] =	ssyncadd.s32 $0xFFFFF000  }
0x96: {  	[tilespmem:s19], [sflag:$0x1] =	stream.indirect.gather [hbm4b:s4+s0], $0x80, s26, s0, $0xb8;
	[tilespmem:$0x1E000] =	vst v63  }
0x97: {  	s26 =	sshll.u32 s25, $0xE  }
0x98: {  	s28 =	sadd.s32 $0x1, s1;
	s25 =	sadd.s32 $0x1, s25;
	s26 =	sor.u32 $0x2000, s26  }
0x99: {  	[tilespmem:s26], [sflag:s25] =	stream.indirect.gather [hbm4b:s4+s20], $0x80, s0, s20, $0xb8;
	[tilespmem:$0x1E000] =	vst v63  }
0x9a: {  	s1 =	sshll.u32 s1, $0xE;
	_ =	swait.ge [sflag:s28], $0x4000  }
0x9b: {  	s30 =	simm.s32 $0x2;
	s1 =	sor.u32 $0x2000, s1;
	[sflag:s28] =	ssyncset.done $0x0  }
0x9c: {  	s25 =	simm.s32 $0x1;
	s26 =	simm.s32 $0x100;
	[sflag:s28] =	ssyncadd.s32 $0xFFFFC000  }
0x9d: {  	[spmem:s2] =	stream.indirect.scatter.add.f32 [tilespmem:s1], [sflag:$0x3], $0x80, s9, s20, $0xb8;
	[tilespmem:$0x1E000] =	vst v63  }
0x9e: {  	s29 =	sand.u32 $0x1, s25;
	s25 =	simm.s32 $0x1080;
	_ =	swait.ge [sflag:s18], $0x4000  }
0x9f: {  	s31 =	sxor.u32 $0x1, s29;
	s28 =	sshll.u32 s29, $0xE;
	[sflag:s18] =	ssyncset.done $0x0  }
.LBB2_7:
0xa0: {  	s0 =	sshll.u32 s31, $0xE  }
0xa1: {  	[sflag:s18] =	ssyncadd.s32 $0xFFFFC000;
	s1 =	smov.u32 s30;
	s9 =	sadd.s32 $0x1, s30  }
0xa2: {  	s31 =	sadd.s32 $0x1, s31;
	s29 =	sadd.s32 $0x1, s29;
	s0 =	sor.u32 $0x2000, s0  }
0xa3: {  	[tilespmem:s0], [sflag:s31] =	stream.indirect.gather [hbm4b:s4+s20], $0x80, s26, s20, $0xb8;
	[tilespmem:$0x1E000] =	vst v63  }
0xa4: {  	p1 =	sne.s32 s30, $0x1E;
	_ =	swait.ge [sflag:s29], $0x4000  }
.Ltmp5:
0xa5: {  	s30 =	smov.u32 s9;
	[sflag:s29] =	ssyncset.done $0x0;
	(pc) =	sbr.rel @p1 .LBB2_7-.Ltmp5, $4  }
0xa6: {  	s0 =	sor.u32 $0x2000, s28;
	s26 =	sadd.s32 $0x80, s26;
	[sflag:s29] =	ssyncadd.s32 $0xFFFFC000  }
0xa7: {  	[spmem:s2] =	stream.indirect.scatter.add.f32 [tilespmem:s0], [sflag:$0x3], $0x80, s25, s20, $0xb8;
	[tilespmem:$0x1E000] =	vst v63  }
0xa8: {  	s29 =	sand.u32 $0x1, s1;
	s25 =	sadd.s32 $0x80, s25;
	_ =	swait.ge [sflag:s18], $0x4000  }
0xa9: {  	s31 =	sxor.u32 $0x1, s29;
	s28 =	sshll.u32 s29, $0xE;
	[sflag:s18] =	ssyncset.done $0x0  }
0xaa: {  	s0 =	sshll.u32 s31, $0xE;
	[sflag:s18] =	ssyncadd.s32 $0xFFFFC000  }
0xab: {  	s1 =	sadd.s32 $0x1, s31;
	s9 =	sadd.s32 $0x1, s29;
	s0 =	sor.u32 $0x2000, s0  }
0xac: {  	[tilespmem:s0], [sflag:s1] =	stream.indirect.gather [hbm4b:s4+s20], $0x80, s26, s20, $0xb8;
	[tilespmem:$0x1E000] =	vst v63  }
0xad: {  	_ =	swait.ge [sflag:s9], $0x4000  }
0xae: {  	[sflag:s9] =	ssyncset.done $0x0  }
0xaf: {  	s1 =	sor.u32 $0x2000, s28;
	[sflag:s9] =	ssyncadd.s32 $0xFFFFC000  }
0xb0: {  	[spmem:s2] =	stream.indirect.scatter.add.f32 [tilespmem:s1], [sflag:$0x3], $0x80, s25, s20, $0xb8;
	[tilespmem:$0x1E000] =	vst v63  }
0xb1: {  	_ =	swait.ge [sflag:s18], $0x4000  }
0xb2: {  	[sflag:s18] =	ssyncset.done $0x0  }
0xb3: {  	[sflag:s18] =	ssyncadd.s32 $0xFFFFC000  }
0xb4: {  	_ =	swait.ge [sflag:s21], $0x4000  }
0xb5: {  	[sflag:s21] =	ssyncset.done $0x0  }
0xb6: {  	s0 =	simm.s32 $0x80;
	[sflag:s21] =	ssyncadd.s32 $0xFFFFC000  }
0xb7: {  	[spmem:s2] =	stream.indirect.scatter.add.f32 [tilespmem:s23], [sflag:$0x3], $0x80, s22, s0, $0xb8;
	[tilespmem:$0x1E000] =	vst v63  }
0xb8: {  	_ =	swait.ge [sflag:s18], $0x4000  }
0xb9: {  	[sflag:s18] =	ssyncset.done $0x0  }
0xba: {  	s26 =	simm.s32 $0x0;
	[sflag:s18] =	ssyncadd.s32 $0xFFFFC000  }
0xbb: {  	[tilespmem:s26], [sflag:$0x3] =	stream.linear.gather [hbm4b:s13+s26], $0x1000, $0x38;
	[tilespmem:$0x1E000] =	vst v63  }
0xbc: {  	_ =	swait.ge [sflag:s18], $0x1000  }
0xbd: {  	[sflag:s18] =	ssyncset.done $0x0  }
0xbe: {  	s9 =	simm.s32 $0x1000;
	[sflag:s18] =	ssyncadd.s32 $0xFFFFF000  }
0xbf: {  	[tilespmem:s9], [sflag:$0x3] =	stream.linear.gather [hbm4b:s14+s26], $0x1000, $0x38;
	[tilespmem:$0x1E000] =	vst v63  }
0xc0: {  	_ =	swait.ge [sflag:s18], $0x1000  }
0xc1: {  	s1 =	sand.u32 $0x1, s26;
	[sflag:s18] =	ssyncset.done $0x0  }
0xc2: {  	s25 =	sxor.u32 $0x1, s1;
	[sflag:s18] =	ssyncadd.s32 $0xFFFFF000  }
0xc3: {  	[tilespmem:s19], [sflag:$0x1] =	stream.indirect.gather [hbm4b:s4+s0], $0x80, s26, s0, $0xb8;
	[tilespmem:$0x1E000] =	vst v63  }
0xc4: {  	s26 =	sshll.u32 s25, $0xE  }
0xc5: {  	s28 =	sadd.s32 $0x1, s1;
	s25 =	sadd.s32 $0x1, s25;
	s26 =	sor.u32 $0x2000, s26  }
0xc6: {  	[tilespmem:s26], [sflag:s25] =	stream.indirect.gather [hbm4b:s4+s20], $0x80, s0, s20, $0xb8;
	[tilespmem:$0x1E000] =	vst v63  }
0xc7: {  	s1 =	sshll.u32 s1, $0xE;
	_ =	swait.ge [sflag:s28], $0x4000  }
0xc8: {  	s30 =	simm.s32 $0x2;
	s1 =	sor.u32 $0x2000, s1;
	[sflag:s28] =	ssyncset.done $0x0  }
0xc9: {  	s25 =	simm.s32 $0x1;
	s26 =	simm.s32 $0x100;
	[sflag:s28] =	ssyncadd.s32 $0xFFFFC000  }
0xca: {  	[spmem:s2] =	stream.indirect.scatter.add.f32 [tilespmem:s1], [sflag:$0x3], $0x80, s9, s20, $0xb8;
	[tilespmem:$0x1E000] =	vst v63  }
0xcb: {  	s29 =	sand.u32 $0x1, s25;
	s25 =	simm.s32 $0x1080;
	_ =	swait.ge [sflag:s18], $0x4000  }
0xcc: {  	s31 =	sxor.u32 $0x1, s29;
	s28 =	sshll.u32 s29, $0xE;
	[sflag:s18] =	ssyncset.done $0x0  }
.LBB2_9:
0xcd: {  	s0 =	sshll.u32 s31, $0xE  }
0xce: {  	[sflag:s18] =	ssyncadd.s32 $0xFFFFC000;
	s1 =	smov.u32 s30;
	s9 =	sadd.s32 $0x1, s30  }
0xcf: {  	s31 =	sadd.s32 $0x1, s31;
	s29 =	sadd.s32 $0x1, s29;
	s0 =	sor.u32 $0x2000, s0  }
0xd0: {  	[tilespmem:s0], [sflag:s31] =	stream.indirect.gather [hbm4b:s4+s20], $0x80, s26, s20, $0xb8;
	[tilespmem:$0x1E000] =	vst v63  }
0xd1: {  	p1 =	sne.s32 s30, $0x1E;
	_ =	swait.ge [sflag:s29], $0x4000  }
.Ltmp6:
0xd2: {  	s30 =	smov.u32 s9;
	[sflag:s29] =	ssyncset.done $0x0;
	(pc) =	sbr.rel @p1 .LBB2_9-.Ltmp6, $4  }
0xd3: {  	s0 =	sor.u32 $0x2000, s28;
	s26 =	sadd.s32 $0x80, s26;
	[sflag:s29] =	ssyncadd.s32 $0xFFFFC000  }
0xd4: {  	[spmem:s2] =	stream.indirect.scatter.add.f32 [tilespmem:s0], [sflag:$0x3], $0x80, s25, s20, $0xb8;
	[tilespmem:$0x1E000] =	vst v63  }
0xd5: {  	s29 =	sand.u32 $0x1, s1;
	s25 =	sadd.s32 $0x80, s25;
	_ =	swait.ge [sflag:s18], $0x4000  }
0xd6: {  	s31 =	sxor.u32 $0x1, s29;
	s28 =	sshll.u32 s29, $0xE;
	[sflag:s18] =	ssyncset.done $0x0  }
.Ltmp7:
0xd7: {  	_ = 	snop;
	(pc) =	sbr.rel .LBB2_10-.Ltmp7, $1  }
0xd8: {  	_ =	sdelay $0x3  }
.LBB2_12:
0xd9: {  	_ =	sfence.sel $0x180000  }
0xda: {  	[bflag:$0x0] =	sbarrier.arrive $0xFFFF  }
0xdb: {  	_ =	strace $0x90000047  }
0xdc: {  	s0 =	stileid.u32;
	[bflag:$0x2] =	sbarrier.arrive $0xFFFF  }
0xdd: {  	p0 =	sne.s32 s0, $0x0;
	s0 =	rddreg [dreg:$0x2]  }
0xde: {  	s0 =	sadd.s32 @!p0 $0x100000, s0  }
0xdf: {  	[sflag:s0] =	ssyncadd.tile.s32 @!p0 $0x1;
	_ =	shalt  }
.Lfunc_end2:
_tile_overlayer_lowered:
.L_overlay_start_2:
0xe0: {  	(tag) =	ssettag $0x2  }
0xe1: {  	s0 =	rddreg [dreg:$0x0];
	s2 =	stileid.u32  }
0xe2: {  	s1 =	rddreg [dreg:$0x1];
	p0 =	sne.s32 s2, $0x0  }
0xe3: {  	s3 =	rddreg [dreg:$0x2];
	[bflag:$0x3] =	sbarrier.arrive $0xFFFF;
	s2 =	simm.s32 @!p0 $0x1C03  }
0xe4: {  	[timem:s3], [sflag:s2] =	dma.local @!p0 [hbm:s0], s1  }
0xe5: {  	s0 =	simm.s32 @!p0 $0x3  }
0xe6: {  	_ =	swait.ge @!p0 [sflag:s0], s1  }
0xe7: {  	s1 =	ssub.s32 @!p0 $0x0, s1;
	[sflag:s0] =	ssyncset.done @!p0 $0x0  }
0xe8: {  	[sflag:s0] =	ssyncadd.s32 @!p0 s1  }
0xe9: {  	[bflag:$0x3] =	sbarrier.arrive $0xFFFF  }
0xea: {  	_ =	shalt  }

// kernel: kernel.15.cloned.1.call-start
scs
__scs_entry_jumppad:
0x0: {  	(pc) =	sbr.rel $0x88, $3  }
0x1: {  	(tag) =	ssettag $0x0;
	lr =	simm.s32 $0x1  }
0x2: {  	[smem:$0x3F96] =	sst lr;
	_ =	strace $0xD0000000  }
0x3: {  	_ = 	snop  }
0x4: {  	_ = 	snop  }
0x5: {  	_ = 	snop  }
0x6: {  	_ = 	snop  }
0x7: {  	_ = 	snop  }
__scs_overlays_trampoline_lowered:
0x8: {  	[smem:$0x3FA5] =	sst s0  }
0x9: {  	[smem:$0x3FA6] =	sst s1  }
0xa: {  	[smem:$0x3FA7] =	sst s2  }
0xb: {  	[smem:$0x3FA8] =	sst s3  }
0xc: {  	[smem:$0x3FA9] =	sst s4  }
0xd: {  	[smem:$0x3FAA] =	sst s5  }
0xe: {  	[smem:$0x3FAB] =	sst s6  }
0xf: {  	[smem:$0x3FAC] =	sst s7  }
0x10: {  	[smem:$0x3FAD] =	sst s8  }
0x11: {  	[smem:$0x3FAE] =	sst s9;
	s0 =	simm.s32 @!p0 $0x0  }
0x12: {  	s1 =	sld [smem:$0x3F94];
	s0 =	simm.s32 @p0 $0x1  }
0x13: {  	[smem:$0x3FAF] =	sst s0;
	s0 =	simm.s32 @!p1 $0x0  }
0x14: {  	s2 =	sld [smem:$0x3F93];
	s0 =	simm.s32 @p1 $0x1  }
0x15: {  	[smem:$0x3FB0] =	sst s0;
	s0 =	simm.s32 @!p2 $0x0  }
0x16: {  	s3 =	sld [smem:$0x3FDB];
	s0 =	simm.s32 @p2 $0x1  }
0x17: {  	s4 =	simm.s32 $0x1BF5;
	[smem:$0x3FB2] =	sst s0  }
0x18: {  	s0 =	sld [smem:$0x3F95];
	_ =	swait.ge [sflag:s4], $0x0  }
0x19: {  	s7 =	sld [smem:$0x3F96]  }
0x1a: {  	s8 =	sadd.s32 $0xFFFFE003, lr  }
0x1b: {  	s9 =	sadd.s32 $0xFFFFFEF7, lr;
	s5 =	simm.s32 $0xFFFFFFFF;
	p2 =	slt.u32 s8, $0xFFFFF086  }
0x1c: {  	p1 =	slt.u32 s9, $0xF7A;
	s5 =	simm.s32 @!p2 $0x0  }
0x1d: {  	s5 =	simm.s32 @p1 $0x1;
	p0 =	seq.s32 s7, s2  }
0x1e: {  	s7 =	smul.u32 @!p0 $0xF7A, s2;
	p2 =	seq.s32 @!p0 s5, $0x0  }
0x1f: {  	s9 =	smul.u32 $0xF7A, s1;
	s8 =	simm.s32 @!p0 $0x1BF5;
	p2 =	por !p2, p0  }
0x20: {  	[sflag:s8] =	ssyncset.s32 @!p0 $0xFFFFF086;
	s6 =	sadd.s32 @!p0 s3, s7;
	s7 =	simm.s32 @!p0 $0x108  }
0x21: {  	s3 =	sadd.s32 s3, s9;
	s6 =	sadd.s32 @!p0 $0x88, s6;
	s7 =	simm.s32 @p2 $0x1082  }
0x22: {  	[simem:s7], [sflag:s8] =	dma.local @!p0 [hbm:s6], $0xF7A  }
0x23: {  	s9 =	sor.u32 $0xD0000000, s2;
	s6 =	simm.s32 $0x108;
	_ =	swait.ge @!p0 [sflag:s8], $0x0  }
0x24: {  	s3 =	sadd.s32 $0x88, s3;
	s6 =	simm.s32 @!p1 $0x1082;
	[sflag:s4] =	ssyncset.s32 $0xFFFFF086  }
0x25: {  	[simem:s6], [sflag:s4] =	dma.local [hbm:s3], $0xF7A  }
0x26: {  	[smem:$0x3F96] =	sst s1;
	(tag) =	ssettag s2;
	_ =	strace s9  }
0x27: {  	s1 =	sld [smem:$0x3FA6]  }
0x28: {  	s2 =	sld [smem:$0x3FA7]  }
0x29: {  	s4 =	sld [smem:$0x3FA9]  }
0x2a: {  	p0 =	seq.s32 s5, $0x0;
	s5 =	sld [smem:$0x3FAA]  }
0x2b: {  	s6 =	sld [smem:$0x3FAB]  }
0x2c: {  	s7 =	sld [smem:$0x3FAC]  }
0x2d: {  	s3 =	simm.s32 $0x108;
	s8 =	sld [smem:$0x3FAD]  }
0x2e: {  	s3 =	simm.s32 @!p0 $0x1082;
	s9 =	sld [smem:$0x3FAE]  }
0x2f: {  	lr =	sadd.s32 s0, s3;
	s0 =	sld [smem:$0x3FA5]  }
0x30: {  	s3 =	sld [smem:$0x3FA8]  }
0x31: {  	[smem:$0x3FB1] =	sst s10  }
0x32: {  	s10 =	sld [smem:$0x3FAF];
	_ =	sdelay $0x3  }
0x33: {  	p0 =	seq.s32 s10, $0x1;
	s10 =	sld [smem:$0x3FB1];
	_ =	sdelay $0x3  }
0x34: {  	[smem:$0x3FB1] =	sst s10  }
0x35: {  	s10 =	sld [smem:$0x3FB0];
	_ =	sdelay $0x3  }
0x36: {  	p1 =	seq.s32 s10, $0x1;
	s10 =	sld [smem:$0x3FB1];
	_ =	sdelay $0x3  }
0x37: {  	[smem:$0x3FB1] =	sst s10  }
0x38: {  	s10 =	sld [smem:$0x3FB2]  }
0x39: {  	_ = 	snop;
	(pc) =	sbr.ind lr, $3  }
0x3a: {  	_ = 	snop  }
0x3b: {  	_ = 	snop  }
0x3c: {  	p2 =	seq.s32 s10, $0x1;
	s10 =	sld [smem:$0x3FB1]  }
0x3d: {  	_ =	shalt  }
0x3e: {  	_ =	shalt  }
0x3f: {  	_ =	shalt  }
0x40: {  	_ =	shalt  }
0x41: {  	_ =	shalt  }
0x42: {  	_ =	shalt  }
0x43: {  	_ =	shalt  }
0x44: {  	_ =	shalt  }
0x45: {  	_ =	shalt  }
0x46: {  	_ =	shalt  }
0x47: {  	_ =	shalt  }
0x48: {  	_ =	shalt  }
0x49: {  	_ =	shalt  }
0x4a: {  	_ =	shalt  }
0x4b: {  	_ =	shalt  }
0x4c: {  	_ =	shalt  }
0x4d: {  	_ =	shalt  }
0x4e: {  	_ =	shalt  }
0x4f: {  	_ =	shalt  }
0x50: {  	_ =	shalt  }
0x51: {  	_ =	shalt  }
0x52: {  	_ =	shalt  }
0x53: {  	_ =	shalt  }
0x54: {  	_ =	shalt  }
0x55: {  	_ =	shalt  }
0x56: {  	_ =	shalt  }
0x57: {  	_ =	shalt  }
0x58: {  	_ =	shalt  }
0x59: {  	_ =	shalt  }
0x5a: {  	_ =	shalt  }
0x5b: {  	_ =	shalt  }
0x5c: {  	_ =	shalt  }
0x5d: {  	_ =	shalt  }
0x5e: {  	_ =	shalt  }
0x5f: {  	_ =	shalt  }
0x60: {  	_ =	shalt  }
0x61: {  	_ =	shalt  }
0x62: {  	_ =	shalt  }
0x63: {  	_ =	shalt  }
0x64: {  	_ =	shalt  }
0x65: {  	_ =	shalt  }
0x66: {  	_ =	shalt  }
0x67: {  	_ =	shalt  }
0x68: {  	_ =	shalt  }
0x69: {  	_ =	shalt  }
0x6a: {  	_ =	shalt  }
0x6b: {  	_ =	shalt  }
0x6c: {  	_ =	shalt  }
0x6d: {  	_ =	shalt  }
0x6e: {  	_ =	shalt  }
0x6f: {  	_ =	shalt  }
0x70: {  	_ =	shalt  }
0x71: {  	_ =	shalt  }
0x72: {  	_ =	shalt  }
0x73: {  	_ =	shalt  }
0x74: {  	_ =	shalt  }
0x75: {  	_ =	shalt  }
0x76: {  	_ =	shalt  }
0x77: {  	_ =	shalt  }
0x78: {  	_ =	shalt  }
0x79: {  	_ =	shalt  }
0x7a: {  	_ =	shalt  }
0x7b: {  	_ =	shalt  }
0x7c: {  	_ =	shalt  }
0x7d: {  	_ =	shalt  }
0x7e: {  	_ =	shalt  }
0x7f: {  	_ =	shalt  }
0x80: {  	_ =	shalt  }
0x81: {  	_ =	shalt  }
0x82: {  	_ =	shalt  }
0x83: {  	_ =	shalt  }
0x84: {  	_ =	shalt  }
0x85: {  	_ =	shalt  }
0x86: {  	_ =	shalt  }
0x87: {  	_ =	shalt  }
.Lfunc_end0:
.L_simem_size_0:
called_computation.1_lowered:
.L_overlay_start_0:
0x88: {  	s2 =	sld [smem:$0x3FD9]  }
0x89: {  	s3 =	sld [smem:$0x3FFE];
	_ =	sdelay $0x1  }
0x8a: {  	s1 =	srdreg.scid  }
0x8b: {  	s0 =	sand.u32 $0x1, s1  }
0x8c: {  	s16 =	sshll.u32 s0, $0xA;
	s2 =	sadd.s32 s3, s2  }
0x8d: {  	s2 =	sadd.s32 s2, s16  }
0x8e: {  	[smem:$0x3FBD] =	sst s2  }
0x8f: {  	_ = 	snop  }
0x90: {  	(tm) =	ssettm $0x1  }
0x91: {  	s17 =	sld [smem:$0x3FFB];
	_ =	sdelay $0x3  }
0x92: {  	_ =	strace s17  }
0x93: {  	s2 =	sld [smem:$0x3FFC];
	_ =	sdelay $0x3  }
0x94: {  	_ =	strace s2  }
0x95: {  	s2 =	sld [smem:$0x3FFD];
	_ =	sdelay $0x3  }
0x96: {  	_ =	strace s2  }
0x97: {  	_ =	strace $0x8FFFFFFF  }
0x98: {  	s18 =	sld [smem:$0x3FDB];
	_ =	sdelay $0x1  }
0x99: {  	s19 =	simm.s32 $_scs_section_size  }
0x9a: {  	s4 =	simm.s32 $_size__tile_overlayer_lowered;
	s5 =	simm.s32 $_tile_overlayer_lowered  }
0x9b: {  	s22 =	simm.s32 $0x1BFF;
	s21 =	sshll.u32 s5, $0x1;
	s2 =	sadd.s32 s19, s18  }
0x9c: {  	s6 =	simm.s32 $0x0;
	s20 =	sshll.u32 s4, $0x1;
	s4 =	sadd.s32 s21, s2  }
0x9d: {  	[timem:s6], [sflag:s22] =	dma.local [hbm:s4], s20  }
0x9e: {  	_ =	swait.ge [sflag:s22], s20  }
0x9f: {  	s3 =	ssub.s32 $0x0, s20;
	[sflag:s22] =	ssyncset.done $0x0  }
0xa0: {  	[sflag:s22] =	ssyncadd.s32 s3;
	_ =	sdelay $0x1  }
0xa1: {  	s23 =	simm.s32 $0x1B8B  }
0xa2: {  	_ =	swait.ge [sflag:s23], $0x1  }
0xa3: {  	[sflag:s23] =	ssyncset.done $0x0  }
0xa4: {  	s25 =	simm.s32 $0x1B8E;
	s24 =	sld [smem:$0x3FFE];
	[sflag:s23] =	ssyncadd.s32 $0xFFFFFFFF  }
0xa5: {  	s26 =	simm.s32 $execute0_lowered;
	[smem:$0x3FD2] =	sst s25  }
0xa6: {  	s4 =	sshll.u32 s26, $0x1;
	_ =	strace $0x80000049;
	[dreg:$0x1] =	wrdreg $0xFFFFFFFF  }
0xa7: {  	s28 =	simm.s32 $_size_execute0_lowered;
	s2 =	sadd.s32 s2, s4;
	[dreg:$0x0] =	wrdreg $0x0  }
0xa8: {  	s4 =	sshll.u32 s28, $0x1;
	[dreg:$0x2] =	wrdreg s2  }
0xa9: {  	[dreg:$0x3] =	wrdreg s4  }
0xaa: {  	[dreg:$0x4] =	wrdreg $0xC0  }
0xab: {  	_ =	task [dreg:s6], $0x5FFFF  }
0xac: {  	[dreg:$0x1] =	wrdreg $0xFFFFFFFF  }
0xad: {  	[dreg:$0x0] =	wrdreg $0x60  }
0xae: {  	[dreg:$0x2] =	wrdreg s24  }
0xaf: {  	[dreg:$0x3] =	wrdreg $0xA0000  }
0xb0: {  	[dreg:$0x4] =	wrdreg $0x9  }
0xb1: {  	_ =	task.clear_ibuf [dreg:s6], $0x5FFFF;
	_ =	strace $0x90000049  }
0xb2: {  	s29 =	simm.s32 $0x9;
	_ =	strace $0x8000004B  }
0xb3: {  	_ =	swait.ge [sflag:s29], $0x1  }
0xb4: {  	[sflag:s29] =	ssyncadd.s32 $0xFFFFFFFF  }
0xb5: {  	_ =	strace $0x9000004B  }
0xb6: {  	_ =	sfence  }
0xb7: {  	s30 =	sld [smem:$0x0];
	_ =	sdelay $0x2  }
0xb8: {  	s31 =	sshll.u32 s1, $0xD;
	s1 =	sshrl.u32 s1, $0x2  }
0xb9: {  	s3 =	sand.u32 $0x4000, s31;
	s1 =	sadd.s32 s1, s30  }
0xba: {  	s0 =	sor.u32 s3, s0;
	s1 =	sshll.u32 s1, $0x11  }
0xbb: {  	s0 =	sor.u32 s1, s0  }
0xbc: {  	s0 =	sadd.s32 $0x8F2B, s0  }
0xbd: {  	[sflag:s0] =	ssyncadd.remote.s32 $0x1  }
0xbe: {  	_ =	sfence.sel $0xFFFF  }
0xbf: {  	[dreg:$0x0] =	wrdreg $0xFFFFFFFF;
	(pc) =	sbr.abs _section_cstart, $3  }
0xc0: {  	[dreg:$0x1] =	wrdreg $0xFFFFFFFF  }
0xc1: {  	_ =	task.clear_ibuf [dreg:s6], $0x2FFFF;
	_ =	strace $0x9FFFFFFF  }
0xc2: {  	(tm) =	ssettm $0x7FFFFFFF  }
0xc3: {  	_ =	shalt  }
tec
execute0_lowered:
.L_overlay_start_1:
0x0: {  	(tag) =	ssettag $0x1  }
0x1: {  	s5 =	rddreg [dreg:$0x0]  }
0x2: {  	s2 =	rddreg [dreg:$0x1]  }
0x3: {  	s3 =	simm.s32 $0x0;
	s0 =	stileid.u32;
	s4 =	srdreg.scid  }
0x4: {  	s19 =	simm.s32 $0x2000;
	s20 =	simm.s32 $0x80;
	s22 =	simm.s32 $0x1F80  }
0x5: {  	s23 =	simm.s32 $0x6000;
	s24 =	simm.s32 $0x0;
	[smem:$0x7FF] =	sst s3  }
0x6: {  	s6 =	smul.u32 $0x14000, s0;
	s21 =	sand.u32 $0x1, s4;
	s4 =	sadd.s32 $0x16A00, s5  }
0x7: {  	s13 =	sadd.s32 $0xCA00, s5;
	s14 =	sadd.s32 $0x2A00, s5;
	s9 =	smul.u32 $0x50000, s0  }
0x8: {  	s28 =	sshll.u32 s0, $0x6;
	s29 =	sshll.u32 s0, $0x9;
	s11 =	sshll.u32 s0, $0xB  }
0x9: {  	_ =	strace $0x8000004A;
	s7 =	smul.u32 $0x140000, s21;
	s26 =	ssub.s32 $0x2, s21  }
0xa: {  	p0 =	seq.s32 s21, $0x0;
	s30 =	sor.u32 $0x200, s11;
	s12 =	sor.u32 $0x400, s11  }
0xb: {  	s18 =	sor.u32 $0x600, s11;
	s8 =	sshrl.u32 s6, $0x3;
	s10 =	sshrl.u32 s26, $0x1  }
0xc: {  	s9 =	sshrl.u32 s9, $0x2;
	s31 =	sadd.s32 s13, s30;
	s8 =	sadd.s32 s8, s5  }
0xd: {  	s6 =	sadd.s32 s6, s7;
	s16 =	ssub.s32 s26, s10;
	s17 =	sadd.s32 s9, s2  }
0xe: {  	[dreg:$0x3] =	wrdreg s31;
	s10 =	sadd.s32 s14, s30;
	s6 =	sshrl.u32 s6, $0x3  }
0xf: {  	s16 =	smax.u32 s16, $0x1;
	s17 =	sshrl.u32 s17, $0x3;
	s15 =	sadd.s32 s6, s5  }
.Ltmp0:
0x10: {  	s5 =	sadd.s32 $0x3EA00, s8;
	s8 =	sor.u32 $0x8000, s29;
	(pc) =	sbr.rel .LBB2_1-.Ltmp0, $4  }
0x11: {  	s6 =	sor.u32 $0x1C03, s28;
	s8 =	smov.u32 @p0 s11;
	s11 =	sadd.s32 s13, s12  }
0x12: {  	s12 =	sadd.s32 s14, s12;
	s15 =	sadd.s32 $0x66A00, s15;
	p0 =	sne.s32 s21, $0x0  }
0x13: {  	s21 =	simm.s32 $0x2;
	s7 =	sadd.s32 s13, s8;
	s8 =	sadd.s32 s14, s8  }
0x14: {  	s13 =	sadd.s32 s13, s18;
	s14 =	sadd.s32 s14, s18;
	s18 =	simm.s32 $0x3  }
.LBB2_10:
0x15: {  	s0 =	sshll.u32 s31, $0xE;
	[sflag:s18] =	ssyncadd.s32 $0xFFFFC000  }
0x16: {  	s1 =	sadd.s32 $0x1, s31;
	s9 =	sadd.s32 $0x1, s29;
	s0 =	sor.u32 $0x2000, s0  }
0x17: {  	[tilespmem:s0], [sflag:s1] =	stream.indirect.gather [hbm4b:s4+s20], $0x80, s26, s20, $0xb8;
	[tilespmem:$0x1E000] =	vst v63  }
0x18: {  	_ =	swait.ge [sflag:s9], $0x4000  }
0x19: {  	[sflag:s9] =	ssyncset.done $0x0  }
0x1a: {  	s31 =	sor.u32 $0x2000, s28;
	[sflag:s9] =	ssyncadd.s32 $0xFFFFC000  }
0x1b: {  	[spmem:s2] =	stream.indirect.scatter.add.f32 [tilespmem:s31], [sflag:$0x3], $0x80, s25, s20, $0xb8;
	[tilespmem:$0x1E000] =	vst v63  }
0x1c: {  	_ =	swait.ge [sflag:s18], $0x4000  }
0x1d: {  	[sflag:s18] =	ssyncset.done $0x0  }
0x1e: {  	[sflag:s18] =	ssyncadd.s32 $0xFFFFC000  }
0x1f: {  	_ =	swait.ge [sflag:s21], $0x4000  }
0x20: {  	[sflag:s21] =	ssyncset.done $0x0  }
0x21: {  	[sflag:s21] =	ssyncadd.s32 $0xFFFFC000  }
0x22: {  	[spmem:s2] =	stream.indirect.scatter.add.f32 [tilespmem:s23], [sflag:$0x3], $0x80, s22, s20, $0xb8;
	[tilespmem:$0x1E000] =	vst v63  }
0x23: {  	_ =	swait.ge [sflag:s18], $0x4000  }
0x24: {  	[sflag:s18] =	ssyncset.done $0x0  }
0x25: {  	[sflag:s18] =	ssyncadd.s32 $0xFFFFC000  }
.LBB2_11:
0x26: {  	s24 =	sadd.s32 $0x1, s24  }
0x27: {  	p1 =	sne.s32 s24, s16  }
.Ltmp1:
0x28: {  	[bflag:$0x0] =	sbarrier.arrive $0xFFFF;
	(pc) =	sbr.rel @!p1 .LBB2_12-.Ltmp1, $4  }
0x29: {  	[hbm:s15], [sflag:s6] =	dma.local [spmem:s17], $0x2800  }
0x2a: {  	_ =	swait.ge [sflag:s18], $0x2800  }
0x2b: {  	[sflag:s18] =	ssyncset.done $0x0  }
0x2c: {  	[sflag:s18] =	ssyncadd.s32 $0xFFFFD800  }
.LBB2_1:
0x2d: {  	[spmem:s17], [sflag:s6] =	dma.local [hbm:s5], $0x2800  }
0x2e: {  	_ =	swait.ge [sflag:s18], $0x2800  }
0x2f: {  	[sflag:s18] =	ssyncset.done $0x0  }
0x30: {  	[sflag:s18] =	ssyncadd.s32 $0xFFFFD800  }
0x31: {  	[bflag:$0x0] =	sbarrier.arrive $0xFFFF  }
0x32: {  	[tilespmem:s3], [sflag:$0x3] =	stream.linear.gather [hbm4b:s7+s3], $0x1000, $0x38;
	[tilespmem:$0x1E000] =	vst v63  }
0x33: {  	_ =	swait.ge [sflag:s18], $0x1000  }
0x34: {  	[sflag:s18] =	ssyncset.done $0x0  }
0x35: {  	s25 =	simm.s32 $0x1000;
	[sflag:s18] =	ssyncadd.s32 $0xFFFFF000  }
0x36: {  	[tilespmem:s25], [sflag:$0x3] =	stream.linear.gather [hbm4b:s8+s3], $0x1000, $0x38;
	[tilespmem:$0x1E000] =	vst v63  }
0x37: {  	s26 =	sand.u32 $0x1, s3;
	_ =	swait.ge [sflag:s18], $0x1000  }
0x38: {  	s28 =	sxor.u32 $0x1, s26;
	[sflag:s18] =	ssyncset.done $0x0  }
0x39: {  	s29 =	sshll.u32 s28, $0xE;
	[sflag:s18] =	ssyncadd.s32 $0xFFFFF000  }
0x3a: {  	[tilespmem:s19], [sflag:$0x1] =	stream.indirect.gather [hbm4b:s4+s20], $0x80, s3, s20, $0xb8;
	[tilespmem:$0x1E000] =	vst v63  }
0x3b: {  	s31 =	sadd.s32 $0x1, s26;
	s28 =	sadd.s32 $0x1, s28;
	s29 =	sor.u32 $0x2000, s29  }
0x3c: {  	[tilespmem:s29], [sflag:s28] =	stream.indirect.gather [hbm4b:s4+s20], $0x80, s20, s20, $0xb8;
	[tilespmem:$0x1E000] =	vst v63  }
0x3d: {  	s30 =	simm.s32 $0x2;
	_ =	swait.ge [sflag:s31], $0x4000  }
0x3e: {  	s26 =	sshll.u32 s26, $0xE;
	s28 =	simm.s32 $0x1;
	[sflag:s31] =	ssyncset.done $0x0  }
0x3f: {  	s29 =	sor.u32 $0x2000, s26;
	s26 =	simm.s32 $0x100;
	[sflag:s31] =	ssyncadd.s32 $0xFFFFC000  }
0x40: {  	[spmem:s2] =	stream.indirect.scatter.add.f32 [tilespmem:s29], [sflag:$0x3], $0x80, s25, s20, $0xb8;
	[tilespmem:$0x1E000] =	vst v63  }
0x41: {  	s29 =	sand.u32 $0x1, s28;
	s25 =	simm.s32 $0x1080;
	_ =	swait.ge [sflag:s18], $0x4000  }
0x42: {  	s31 =	sxor.u32 $0x1, s29;
	s28 =	sshll.u32 s29, $0xE;
	[sflag:s18] =	ssyncset.done $0x0  }
.LBB2_2:
0x43: {  	s0 =	sshll.u32 s31, $0xE  }
0x44: {  	[sflag:s18] =	ssyncadd.s32 $0xFFFFC000;
	s1 =	smov.u32 s30;
	s9 =	sadd.s32 $0x1, s30  }
0x45: {  	s31 =	sadd.s32 $0x1, s31;
	s29 =	sadd.s32 $0x1, s29;
	s0 =	sor.u32 $0x2000, s0  }
0x46: {  	[tilespmem:s0], [sflag:s31] =	stream.indirect.gather [hbm4b:s4+s20], $0x80, s26, s20, $0xb8;
	[tilespmem:$0x1E000] =	vst v63  }
0x47: {  	p1 =	sne.s32 s30, $0x1E;
	_ =	swait.ge [sflag:s29], $0x4000  }
.Ltmp2:
0x48: {  	s30 =	smov.u32 s9;
	[sflag:s29] =	ssyncset.done $0x0;
	(pc) =	sbr.rel @p1 .LBB2_2-.Ltmp2, $4  }
0x49: {  	s0 =	sor.u32 $0x2000, s28;
	s26 =	sadd.s32 $0x80, s26;
	[sflag:s29] =	ssyncadd.s32 $0xFFFFC000  }
0x4a: {  	[spmem:s2] =	stream.indirect.scatter.add.f32 [tilespmem:s0], [sflag:$0x3], $0x80, s25, s20, $0xb8;
	[tilespmem:$0x1E000] =	vst v63  }
0x4b: {  	s29 =	sand.u32 $0x1, s1;
	s25 =	sadd.s32 $0x80, s25;
	_ =	swait.ge [sflag:s18], $0x4000  }
0x4c: {  	s31 =	sxor.u32 $0x1, s29;
	s28 =	sshll.u32 s29, $0xE;
	[sflag:s18] =	ssyncset.done $0x0  }
0x4d: {  	s0 =	sshll.u32 s31, $0xE;
	[sflag:s18] =	ssyncadd.s32 $0xFFFFC000  }
0x4e: {  	s1 =	sadd.s32 $0x1, s31;
	s9 =	sadd.s32 $0x1, s29;
	s0 =	sor.u32 $0x2000, s0  }
0x4f: {  	[tilespmem:s0], [sflag:s1] =	stream.indirect.gather [hbm4b:s4+s20], $0x80, s26, s20, $0xb8;
	[tilespmem:$0x1E000] =	vst v63  }
0x50: {  	_ =	swait.ge [sflag:s9], $0x4000  }
0x51: {  	[sflag:s9] =	ssyncset.done $0x0  }
0x52: {  	s31 =	sor.u32 $0x2000, s28;
	[sflag:s9] =	ssyncadd.s32 $0xFFFFC000  }
0x53: {  	[spmem:s2] =	stream.indirect.scatter.add.f32 [tilespmem:s31], [sflag:$0x3], $0x80, s25, s20, $0xb8;
	[tilespmem:$0x1E000] =	vst v63  }
0x54: {  	_ =	swait.ge [sflag:s18], $0x4000  }
0x55: {  	[sflag:s18] =	ssyncset.done $0x0  }
0x56: {  	[sflag:s18] =	ssyncadd.s32 $0xFFFFC000  }
0x57: {  	_ =	swait.ge [sflag:s21], $0x4000  }
0x58: {  	[sflag:s21] =	ssyncset.done $0x0  }
.Ltmp3:
0x59: {  	[sflag:s21] =	ssyncadd.s32 $0xFFFFC000;
	(pc) =	sbr.rel @p0 .LBB2_11-.Ltmp3, $4  }
0x5a: {  	[spmem:s2] =	stream.indirect.scatter.add.f32 [tilespmem:s23], [sflag:$0x3], $0x80, s22, s20, $0xb8;
	[tilespmem:$0x1E000] =	vst v63  }
0x5b: {  	_ =	swait.ge [sflag:s18], $0x4000  }
0x5c: {  	[sflag:s18] =	ssyncset.done $0x0  }
0x5d: {  	[sflag:s18] =	ssyncadd.s32 $0xFFFFC000  }
0x5e: {  	s0 =	simm.s32 $0x0;
	s1 =	rddreg [dreg:$0x3]  }
0x5f: {  	[tilespmem:s0], [sflag:$0x3] =	stream.linear.gather [hbm4b:s1+s0], $0x1000, $0x38;
	[tilespmem:$0x1E000] =	vst v63  }
0x60: {  	_ =	swait.ge [sflag:s18], $0x1000  }
0x61: {  	[sflag:s18] =	ssyncset.done $0x0  }
0x62: {  	s1 =	simm.s32 $0x1000;
	[sflag:s18] =	ssyncadd.s32 $0xFFFFF000  }
0x63: {  	[tilespmem:s1], [sflag:$0x3] =	stream.linear.gather [hbm4b:s10+s0], $0x1000, $0x38;
	[tilespmem:$0x1E000] =	vst v63  }
0x64: {  	_ =	swait.ge [sflag:s18], $0x1000  }
0x65: {  	[sflag:s18] =	ssyncset.done $0x0  }
0x66: {  	s9 =	simm.s32 $0x80;
	[sflag:s18] =	ssyncadd.s32 $0xFFFFF000  }
0x67: {  	[tilespmem:s19], [sflag:$0x1] =	stream.indirect.gather [hbm4b:s4+s9], $0x80, s0, s9, $0xb8;
	[tilespmem:$0x1E000] =	vst v63  }
0x68: {  	s0 =	sand.u32 $0x1, s0  }
0x69: {  	s25 =	sxor.u32 $0x1, s0  }
0x6a: {  	s26 =	sshll.u32 s25, $0xE  }
0x6b: {  	s28 =	sadd.s32 $0x1, s0;
	s25 =	sadd.s32 $0x1, s25;
	s26 =	sor.u32 $0x2000, s26  }
0x6c: {  	[tilespmem:s26], [sflag:s25] =	stream.indirect.gather [hbm4b:s4+s20], $0x80, s9, s20, $0xb8;
	[tilespmem:$0x1E000] =	vst v63  }
0x6d: {  	s0 =	sshll.u32 s0, $0xE;
	_ =	swait.ge [sflag:s28], $0x4000  }
0x6e: {  	s30 =	simm.s32 $0x2;
	s0 =	sor.u32 $0x2000, s0;
	[sflag:s28] =	ssyncset.done $0x0  }
0x6f: {  	s25 =	simm.s32 $0x1;
	s26 =	simm.s32 $0x100;
	[sflag:s28] =	ssyncadd.s32 $0xFFFFC000  }
0x70: {  	[spmem:s2] =	stream.indirect.scatter.add.f32 [tilespmem:s0], [sflag:$0x3], $0x80, s1, s20, $0xb8;
	[tilespmem:$0x1E000] =	vst v63  }
0x71: {  	s29 =	sand.u32 $0x1, s25;
	s25 =	simm.s32 $0x1080;
	_ =	swait.ge [sflag:s18], $0x4000  }
0x72: {  	s31 =	sxor.u32 $0x1, s29;
	s28 =	sshll.u32 s29, $0xE;
	[sflag:s18] =	ssyncset.done $0x0  }
.LBB2_5:
0x73: {  	s0 =	sshll.u32 s31, $0xE  }
0x74: {  	[sflag:s18] =	ssyncadd.s32 $0xFFFFC000;
	s1 =	smov.u32 s30;
	s9 =	sadd.s32 $0x1, s30  }
0x75: {  	s31 =	sadd.s32 $0x1, s31;
	s29 =	sadd.s32 $0x1, s29;
	s0 =	sor.u32 $0x2000, s0  }
0x76: {  	[tilespmem:s0], [sflag:s31] =	stream.indirect.gather [hbm4b:s4+s20], $0x80, s26, s20, $0xb8;
	[tilespmem:$0x1E000] =	vst v63  }
0x77: {  	p1 =	sne.s32 s30, $0x1E;
	_ =	swait.ge [sflag:s29], $0x4000  }
.Ltmp4:
0x78: {  	s30 =	smov.u32 s9;
	[sflag:s29] =	ssyncset.done $0x0;
	(pc) =	sbr.rel @p1 .LBB2_5-.Ltmp4, $4  }
0x79: {  	s0 =	sor.u32 $0x2000, s28;
	s26 =	sadd.s32 $0x80, s26;
	[sflag:s29] =	ssyncadd.s32 $0xFFFFC000  }
0x7a: {  	[spmem:s2] =	stream.indirect.scatter.add.f32 [tilespmem:s0], [sflag:$0x3], $0x80, s25, s20, $0xb8;
	[tilespmem:$0x1E000] =	vst v63  }
0x7b: {  	s29 =	sand.u32 $0x1, s1;
	s25 =	sadd.s32 $0x80, s25;
	_ =	swait.ge [sflag:s18], $0x4000  }
0x7c: {  	s31 =	sxor.u32 $0x1, s29;
	s28 =	sshll.u32 s29, $0xE;
	[sflag:s18] =	ssyncset.done $0x0  }
0x7d: {  	s0 =	sshll.u32 s31, $0xE;
	[sflag:s18] =	ssyncadd.s32 $0xFFFFC000  }
0x7e: {  	s1 =	sadd.s32 $0x1, s31;
	s9 =	sadd.s32 $0x1, s29;
	s0 =	sor.u32 $0x2000, s0  }
0x7f: {  	[tilespmem:s0], [sflag:s1] =	stream.indirect.gather [hbm4b:s4+s20], $0x80, s26, s20, $0xb8;
	[tilespmem:$0x1E000] =	vst v63  }
0x80: {  	_ =	swait.ge [sflag:s9], $0x4000  }
0x81: {  	[sflag:s9] =	ssyncset.done $0x0  }
0x82: {  	s1 =	sor.u32 $0x2000, s28;
	[sflag:s9] =	ssyncadd.s32 $0xFFFFC000  }
0x83: {  	[spmem:s2] =	stream.indirect.scatter.add.f32 [tilespmem:s1], [sflag:$0x3], $0x80, s25, s20, $0xb8;
	[tilespmem:$0x1E000] =	vst v63  }
0x84: {  	_ =	swait.ge [sflag:s18], $0x4000  }
0x85: {  	[sflag:s18] =	ssyncset.done $0x0  }
0x86: {  	[sflag:s18] =	ssyncadd.s32 $0xFFFFC000  }
0x87: {  	_ =	swait.ge [sflag:s21], $0x4000  }
0x88: {  	[sflag:s21] =	ssyncset.done $0x0  }
0x89: {  	s0 =	simm.s32 $0x80;
	[sflag:s21] =	ssyncadd.s32 $0xFFFFC000  }
0x8a: {  	[spmem:s2] =	stream.indirect.scatter.add.f32 [tilespmem:s23], [sflag:$0x3], $0x80, s22, s0, $0xb8;
	[tilespmem:$0x1E000] =	vst v63  }
0x8b: {  	_ =	swait.ge [sflag:s18], $0x4000  }
0x8c: {  	[sflag:s18] =	ssyncset.done $0x0  }
0x8d: {  	s26 =	simm.s32 $0x0;
	[sflag:s18] =	ssyncadd.s32 $0xFFFFC000  }
0x8e: {  	[tilespmem:s26], [sflag:$0x3] =	stream.linear.gather [hbm4b:s11+s26], $0x1000, $0x38;
	[tilespmem:$0x1E000] =	vst v63  }
0x8f: {  	_ =	swait.ge [sflag:s18], $0x1000  }
0x90: {  	[sflag:s18] =	ssyncset.done $0x0  }
0x91: {  	s9 =	simm.s32 $0x1000;
	[sflag:s18] =	ssyncadd.s32 $0xFFFFF000  }
0x92: {  	[tilespmem:s9], [sflag:$0x3] =	stream.linear.gather [hbm4b:s12+s26], $0x1000, $0x38;
	[tilespmem:$0x1E000] =	vst v63  }
0x93: {  	_ =	swait.ge [sflag:s18], $0x1000  }
0x94: {  	s1 =	sand.u32 $0x1, s26;
	[sflag:s18] =	ssyncset.done $0x0  }
0x95: {  	s25 =	sxor.u32 $0x1, s1;
	[sflag:s18] =	ssyncadd.s32 $0xFFFFF000  }
0x96: {  	[tilespmem:s19], [sflag:$0x1] =	stream.indirect.gather [hbm4b:s4+s0], $0x80, s26, s0, $0xb8;
	[tilespmem:$0x1E000] =	vst v63  }
0x97: {  	s26 =	sshll.u32 s25, $0xE  }
0x98: {  	s28 =	sadd.s32 $0x1, s1;
	s25 =	sadd.s32 $0x1, s25;
	s26 =	sor.u32 $0x2000, s26  }
0x99: {  	[tilespmem:s26], [sflag:s25] =	stream.indirect.gather [hbm4b:s4+s20], $0x80, s0, s20, $0xb8;
	[tilespmem:$0x1E000] =	vst v63  }
0x9a: {  	s1 =	sshll.u32 s1, $0xE;
	_ =	swait.ge [sflag:s28], $0x4000  }
0x9b: {  	s30 =	simm.s32 $0x2;
	s1 =	sor.u32 $0x2000, s1;
	[sflag:s28] =	ssyncset.done $0x0  }
0x9c: {  	s25 =	simm.s32 $0x1;
	s26 =	simm.s32 $0x100;
	[sflag:s28] =	ssyncadd.s32 $0xFFFFC000  }
0x9d: {  	[spmem:s2] =	stream.indirect.scatter.add.f32 [tilespmem:s1], [sflag:$0x3], $0x80, s9, s20, $0xb8;
	[tilespmem:$0x1E000] =	vst v63  }
0x9e: {  	s29 =	sand.u32 $0x1, s25;
	s25 =	simm.s32 $0x1080;
	_ =	swait.ge [sflag:s18], $0x4000  }
0x9f: {  	s31 =	sxor.u32 $0x1, s29;
	s28 =	sshll.u32 s29, $0xE;
	[sflag:s18] =	ssyncset.done $0x0  }
.LBB2_7:
0xa0: {  	s0 =	sshll.u32 s31, $0xE  }
0xa1: {  	[sflag:s18] =	ssyncadd.s32 $0xFFFFC000;
	s1 =	smov.u32 s30;
	s9 =	sadd.s32 $0x1, s30  }
0xa2: {  	s31 =	sadd.s32 $0x1, s31;
	s29 =	sadd.s32 $0x1, s29;
	s0 =	sor.u32 $0x2000, s0  }
0xa3: {  	[tilespmem:s0], [sflag:s31] =	stream.indirect.gather [hbm4b:s4+s20], $0x80, s26, s20, $0xb8;
	[tilespmem:$0x1E000] =	vst v63  }
0xa4: {  	p1 =	sne.s32 s30, $0x1E;
	_ =	swait.ge [sflag:s29], $0x4000  }
.Ltmp5:
0xa5: {  	s30 =	smov.u32 s9;
	[sflag:s29] =	ssyncset.done $0x0;
	(pc) =	sbr.rel @p1 .LBB2_7-.Ltmp5, $4  }
0xa6: {  	s0 =	sor.u32 $0x2000, s28;
	s26 =	sadd.s32 $0x80, s26;
	[sflag:s29] =	ssyncadd.s32 $0xFFFFC000  }
0xa7: {  	[spmem:s2] =	stream.indirect.scatter.add.f32 [tilespmem:s0], [sflag:$0x3], $0x80, s25, s20, $0xb8;
	[tilespmem:$0x1E000] =	vst v63  }
0xa8: {  	s29 =	sand.u32 $0x1, s1;
	s25 =	sadd.s32 $0x80, s25;
	_ =	swait.ge [sflag:s18], $0x4000  }
0xa9: {  	s31 =	sxor.u32 $0x1, s29;
	s28 =	sshll.u32 s29, $0xE;
	[sflag:s18] =	ssyncset.done $0x0  }
0xaa: {  	s0 =	sshll.u32 s31, $0xE;
	[sflag:s18] =	ssyncadd.s32 $0xFFFFC000  }
0xab: {  	s1 =	sadd.s32 $0x1, s31;
	s9 =	sadd.s32 $0x1, s29;
	s0 =	sor.u32 $0x2000, s0  }
0xac: {  	[tilespmem:s0], [sflag:s1] =	stream.indirect.gather [hbm4b:s4+s20], $0x80, s26, s20, $0xb8;
	[tilespmem:$0x1E000] =	vst v63  }
0xad: {  	_ =	swait.ge [sflag:s9], $0x4000  }
0xae: {  	[sflag:s9] =	ssyncset.done $0x0  }
0xaf: {  	s1 =	sor.u32 $0x2000, s28;
	[sflag:s9] =	ssyncadd.s32 $0xFFFFC000  }
0xb0: {  	[spmem:s2] =	stream.indirect.scatter.add.f32 [tilespmem:s1], [sflag:$0x3], $0x80, s25, s20, $0xb8;
	[tilespmem:$0x1E000] =	vst v63  }
0xb1: {  	_ =	swait.ge [sflag:s18], $0x4000  }
0xb2: {  	[sflag:s18] =	ssyncset.done $0x0  }
0xb3: {  	[sflag:s18] =	ssyncadd.s32 $0xFFFFC000  }
0xb4: {  	_ =	swait.ge [sflag:s21], $0x4000  }
0xb5: {  	[sflag:s21] =	ssyncset.done $0x0  }
0xb6: {  	s0 =	simm.s32 $0x80;
	[sflag:s21] =	ssyncadd.s32 $0xFFFFC000  }
0xb7: {  	[spmem:s2] =	stream.indirect.scatter.add.f32 [tilespmem:s23], [sflag:$0x3], $0x80, s22, s0, $0xb8;
	[tilespmem:$0x1E000] =	vst v63  }
0xb8: {  	_ =	swait.ge [sflag:s18], $0x4000  }
0xb9: {  	[sflag:s18] =	ssyncset.done $0x0  }
0xba: {  	s26 =	simm.s32 $0x0;
	[sflag:s18] =	ssyncadd.s32 $0xFFFFC000  }
0xbb: {  	[tilespmem:s26], [sflag:$0x3] =	stream.linear.gather [hbm4b:s13+s26], $0x1000, $0x38;
	[tilespmem:$0x1E000] =	vst v63  }
0xbc: {  	_ =	swait.ge [sflag:s18], $0x1000  }
0xbd: {  	[sflag:s18] =	ssyncset.done $0x0  }
0xbe: {  	s9 =	simm.s32 $0x1000;
	[sflag:s18] =	ssyncadd.s32 $0xFFFFF000  }
0xbf: {  	[tilespmem:s9], [sflag:$0x3] =	stream.linear.gather [hbm4b:s14+s26], $0x1000, $0x38;
	[tilespmem:$0x1E000] =	vst v63  }
0xc0: {  	_ =	swait.ge [sflag:s18], $0x1000  }
0xc1: {  	s1 =	sand.u32 $0x1, s26;
	[sflag:s18] =	ssyncset.done $0x0  }
0xc2: {  	s25 =	sxor.u32 $0x1, s1;
	[sflag:s18] =	ssyncadd.s32 $0xFFFFF000  }
0xc3: {  	[tilespmem:s19], [sflag:$0x1] =	stream.indirect.gather [hbm4b:s4+s0], $0x80, s26, s0, $0xb8;
	[tilespmem:$0x1E000] =	vst v63  }
0xc4: {  	s26 =	sshll.u32 s25, $0xE  }
0xc5: {  	s28 =	sadd.s32 $0x1, s1;
	s25 =	sadd.s32 $0x1, s25;
	s26 =	sor.u32 $0x2000, s26  }
0xc6: {  	[tilespmem:s26], [sflag:s25] =	stream.indirect.gather [hbm4b:s4+s20], $0x80, s0, s20, $0xb8;
	[tilespmem:$0x1E000] =	vst v63  }
0xc7: {  	s1 =	sshll.u32 s1, $0xE;
	_ =	swait.ge [sflag:s28], $0x4000  }
0xc8: {  	s30 =	simm.s32 $0x2;
	s1 =	sor.u32 $0x2000, s1;
	[sflag:s28] =	ssyncset.done $0x0  }
0xc9: {  	s25 =	simm.s32 $0x1;
	s26 =	simm.s32 $0x100;
	[sflag:s28] =	ssyncadd.s32 $0xFFFFC000  }
0xca: {  	[spmem:s2] =	stream.indirect.scatter.add.f32 [tilespmem:s1], [sflag:$0x3], $0x80, s9, s20, $0xb8;
	[tilespmem:$0x1E000] =	vst v63  }
0xcb: {  	s29 =	sand.u32 $0x1, s25;
	s25 =	simm.s32 $0x1080;
	_ =	swait.ge [sflag:s18], $0x4000  }
0xcc: {  	s31 =	sxor.u32 $0x1, s29;
	s28 =	sshll.u32 s29, $0xE;
	[sflag:s18] =	ssyncset.done $0x0  }
.LBB2_9:
0xcd: {  	s0 =	sshll.u32 s31, $0xE  }
0xce: {  	[sflag:s18] =	ssyncadd.s32 $0xFFFFC000;
	s1 =	smov.u32 s30;
	s9 =	sadd.s32 $0x1, s30  }
0xcf: {  	s31 =	sadd.s32 $0x1, s31;
	s29 =	sadd.s32 $0x1, s29;
	s0 =	sor.u32 $0x2000, s0  }
0xd0: {  	[tilespmem:s0], [sflag:s31] =	stream.indirect.gather [hbm4b:s4+s20], $0x80, s26, s20, $0xb8;
	[tilespmem:$0x1E000] =	vst v63  }
0xd1: {  	p1 =	sne.s32 s30, $0x1E;
	_ =	swait.ge [sflag:s29], $0x4000  }
.Ltmp6:
0xd2: {  	s30 =	smov.u32 s9;
	[sflag:s29] =	ssyncset.done $0x0;
	(pc) =	sbr.rel @p1 .LBB2_9-.Ltmp6, $4  }
0xd3: {  	s0 =	sor.u32 $0x2000, s28;
	s26 =	sadd.s32 $0x80, s26;
	[sflag:s29] =	ssyncadd.s32 $0xFFFFC000  }
0xd4: {  	[spmem:s2] =	stream.indirect.scatter.add.f32 [tilespmem:s0], [sflag:$0x3], $0x80, s25, s20, $0xb8;
	[tilespmem:$0x1E000] =	vst v63  }
0xd5: {  	s29 =	sand.u32 $0x1, s1;
	s25 =	sadd.s32 $0x80, s25;
	_ =	swait.ge [sflag:s18], $0x4000  }
0xd6: {  	s31 =	sxor.u32 $0x1, s29;
	s28 =	sshll.u32 s29, $0xE;
	[sflag:s18] =	ssyncset.done $0x0  }
.Ltmp7:
0xd7: {  	_ = 	snop;
	(pc) =	sbr.rel .LBB2_10-.Ltmp7, $1  }
0xd8: {  	_ =	sdelay $0x3  }
.LBB2_12:
0xd9: {  	_ =	sfence.sel $0x180000  }
0xda: {  	[bflag:$0x0] =	sbarrier.arrive $0xFFFF  }
0xdb: {  	_ =	strace $0x9000004A  }
0xdc: {  	s0 =	stileid.u32;
	[bflag:$0x2] =	sbarrier.arrive $0xFFFF  }
0xdd: {  	p0 =	sne.s32 s0, $0x0;
	s0 =	rddreg [dreg:$0x2]  }
0xde: {  	s0 =	sadd.s32 @!p0 $0x100000, s0  }
0xdf: {  	[sflag:s0] =	ssyncadd.tile.s32 @!p0 $0x1;
	_ =	shalt  }
.Lfunc_end2:
_tile_overlayer_lowered:
.L_overlay_start_2:
0xe0: {  	(tag) =	ssettag $0x2  }
0xe1: {  	s0 =	rddreg [dreg:$0x0];
	s2 =	stileid.u32  }
0xe2: {  	s1 =	rddreg [dreg:$0x1];
	p0 =	sne.s32 s2, $0x0  }
0xe3: {  	s3 =	rddreg [dreg:$0x2];
	[bflag:$0x3] =	sbarrier.arrive $0xFFFF;
	s2 =	simm.s32 @!p0 $0x1C03  }
0xe4: {  	[timem:s3], [sflag:s2] =	dma.local @!p0 [hbm:s0], s1  }
0xe5: {  	s0 =	simm.s32 @!p0 $0x3  }
0xe6: {  	_ =	swait.ge @!p0 [sflag:s0], s1  }
0xe7: {  	s1 =	ssub.s32 @!p0 $0x0, s1;
	[sflag:s0] =	ssyncset.done @!p0 $0x0  }
0xe8: {  	[sflag:s0] =	ssyncadd.s32 @!p0 s1  }
0xe9: {  	[bflag:$0x3] =	sbarrier.arrive $0xFFFF  }
0xea: {  	_ =	shalt  }

// kernel: kernel.18.cloned.1.call-start
scs
__scs_entry_jumppad:
0x0: {  	(pc) =	sbr.rel $0x88, $3  }
0x1: {  	(tag) =	ssettag $0x0;
	lr =	simm.s32 $0x1  }
0x2: {  	[smem:$0x3F96] =	sst lr;
	_ =	strace $0xD0000000  }
0x3: {  	_ = 	snop  }
0x4: {  	_ = 	snop  }
0x5: {  	_ = 	snop  }
0x6: {  	_ = 	snop  }
0x7: {  	_ = 	snop  }
__scs_overlays_trampoline_lowered:
0x8: {  	[smem:$0x3FA5] =	sst s0  }
0x9: {  	[smem:$0x3FA6] =	sst s1  }
0xa: {  	[smem:$0x3FA7] =	sst s2  }
0xb: {  	[smem:$0x3FA8] =	sst s3  }
0xc: {  	[smem:$0x3FA9] =	sst s4  }
0xd: {  	[smem:$0x3FAA] =	sst s5  }
0xe: {  	[smem:$0x3FAB] =	sst s6  }
0xf: {  	[smem:$0x3FAC] =	sst s7  }
0x10: {  	[smem:$0x3FAD] =	sst s8  }
0x11: {  	[smem:$0x3FAE] =	sst s9;
	s0 =	simm.s32 @!p0 $0x0  }
0x12: {  	s1 =	sld [smem:$0x3F94];
	s0 =	simm.s32 @p0 $0x1  }
0x13: {  	[smem:$0x3FAF] =	sst s0;
	s0 =	simm.s32 @!p1 $0x0  }
0x14: {  	s2 =	sld [smem:$0x3F93];
	s0 =	simm.s32 @p1 $0x1  }
0x15: {  	[smem:$0x3FB0] =	sst s0;
	s0 =	simm.s32 @!p2 $0x0  }
0x16: {  	s3 =	sld [smem:$0x3FDB];
	s0 =	simm.s32 @p2 $0x1  }
0x17: {  	s4 =	simm.s32 $0x1BF5;
	[smem:$0x3FB2] =	sst s0  }
0x18: {  	s0 =	sld [smem:$0x3F95];
	_ =	swait.ge [sflag:s4], $0x0  }
0x19: {  	s7 =	sld [smem:$0x3F96]  }
0x1a: {  	s8 =	sadd.s32 $0xFFFFE003, lr  }
0x1b: {  	s9 =	sadd.s32 $0xFFFFFEF7, lr;
	s5 =	simm.s32 $0xFFFFFFFF;
	p2 =	slt.u32 s8, $0xFFFFF086  }
0x1c: {  	p1 =	slt.u32 s9, $0xF7A;
	s5 =	simm.s32 @!p2 $0x0  }
0x1d: {  	s5 =	simm.s32 @p1 $0x1;
	p0 =	seq.s32 s7, s2  }
0x1e: {  	s7 =	smul.u32 @!p0 $0xF7A, s2;
	p2 =	seq.s32 @!p0 s5, $0x0  }
0x1f: {  	s9 =	smul.u32 $0xF7A, s1;
	s8 =	simm.s32 @!p0 $0x1BF5;
	p2 =	por !p2, p0  }
0x20: {  	[sflag:s8] =	ssyncset.s32 @!p0 $0xFFFFF086;
	s6 =	sadd.s32 @!p0 s3, s7;
	s7 =	simm.s32 @!p0 $0x108  }
0x21: {  	s3 =	sadd.s32 s3, s9;
	s6 =	sadd.s32 @!p0 $0x88, s6;
	s7 =	simm.s32 @p2 $0x1082  }
0x22: {  	[simem:s7], [sflag:s8] =	dma.local @!p0 [hbm:s6], $0xF7A  }
0x23: {  	s9 =	sor.u32 $0xD0000000, s2;
	s6 =	simm.s32 $0x108;
	_ =	swait.ge @!p0 [sflag:s8], $0x0  }
0x24: {  	s3 =	sadd.s32 $0x88, s3;
	s6 =	simm.s32 @!p1 $0x1082;
	[sflag:s4] =	ssyncset.s32 $0xFFFFF086  }
0x25: {  	[simem:s6], [sflag:s4] =	dma.local [hbm:s3], $0xF7A  }
0x26: {  	[smem:$0x3F96] =	sst s1;
	(tag) =	ssettag s2;
	_ =	strace s9  }
0x27: {  	s1 =	sld [smem:$0x3FA6]  }
0x28: {  	s2 =	sld [smem:$0x3FA7]  }
0x29: {  	s4 =	sld [smem:$0x3FA9]  }
0x2a: {  	p0 =	seq.s32 s5, $0x0;
	s5 =	sld [smem:$0x3FAA]  }
0x2b: {  	s6 =	sld [smem:$0x3FAB]  }
0x2c: {  	s7 =	sld [smem:$0x3FAC]  }
0x2d: {  	s3 =	simm.s32 $0x108;
	s8 =	sld [smem:$0x3FAD]  }
0x2e: {  	s3 =	simm.s32 @!p0 $0x1082;
	s9 =	sld [smem:$0x3FAE]  }
0x2f: {  	lr =	sadd.s32 s0, s3;
	s0 =	sld [smem:$0x3FA5]  }
0x30: {  	s3 =	sld [smem:$0x3FA8]  }
0x31: {  	[smem:$0x3FB1] =	sst s10  }
0x32: {  	s10 =	sld [smem:$0x3FAF];
	_ =	sdelay $0x3  }
0x33: {  	p0 =	seq.s32 s10, $0x1;
	s10 =	sld [smem:$0x3FB1];
	_ =	sdelay $0x3  }
0x34: {  	[smem:$0x3FB1] =	sst s10  }
0x35: {  	s10 =	sld [smem:$0x3FB0];
	_ =	sdelay $0x3  }
0x36: {  	p1 =	seq.s32 s10, $0x1;
	s10 =	sld [smem:$0x3FB1];
	_ =	sdelay $0x3  }
0x37: {  	[smem:$0x3FB1] =	sst s10  }
0x38: {  	s10 =	sld [smem:$0x3FB2]  }
0x39: {  	_ = 	snop;
	(pc) =	sbr.ind lr, $3  }
0x3a: {  	_ = 	snop  }
0x3b: {  	_ = 	snop  }
0x3c: {  	p2 =	seq.s32 s10, $0x1;
	s10 =	sld [smem:$0x3FB1]  }
0x3d: {  	_ =	shalt  }
0x3e: {  	_ =	shalt  }
0x3f: {  	_ =	shalt  }
0x40: {  	_ =	shalt  }
0x41: {  	_ =	shalt  }
0x42: {  	_ =	shalt  }
0x43: {  	_ =	shalt  }
0x44: {  	_ =	shalt  }
0x45: {  	_ =	shalt  }
0x46: {  	_ =	shalt  }
0x47: {  	_ =	shalt  }
0x48: {  	_ =	shalt  }
0x49: {  	_ =	shalt  }
0x4a: {  	_ =	shalt  }
0x4b: {  	_ =	shalt  }
0x4c: {  	_ =	shalt  }
0x4d: {  	_ =	shalt  }
0x4e: {  	_ =	shalt  }
0x4f: {  	_ =	shalt  }
0x50: {  	_ =	shalt  }
0x51: {  	_ =	shalt  }
0x52: {  	_ =	shalt  }
0x53: {  	_ =	shalt  }
0x54: {  	_ =	shalt  }
0x55: {  	_ =	shalt  }
0x56: {  	_ =	shalt  }
0x57: {  	_ =	shalt  }
0x58: {  	_ =	shalt  }
0x59: {  	_ =	shalt  }
0x5a: {  	_ =	shalt  }
0x5b: {  	_ =	shalt  }
0x5c: {  	_ =	shalt  }
0x5d: {  	_ =	shalt  }
0x5e: {  	_ =	shalt  }
0x5f: {  	_ =	shalt  }
0x60: {  	_ =	shalt  }
0x61: {  	_ =	shalt  }
0x62: {  	_ =	shalt  }
0x63: {  	_ =	shalt  }
0x64: {  	_ =	shalt  }
0x65: {  	_ =	shalt  }
0x66: {  	_ =	shalt  }
0x67: {  	_ =	shalt  }
0x68: {  	_ =	shalt  }
0x69: {  	_ =	shalt  }
0x6a: {  	_ =	shalt  }
0x6b: {  	_ =	shalt  }
0x6c: {  	_ =	shalt  }
0x6d: {  	_ =	shalt  }
0x6e: {  	_ =	shalt  }
0x6f: {  	_ =	shalt  }
0x70: {  	_ =	shalt  }
0x71: {  	_ =	shalt  }
0x72: {  	_ =	shalt  }
0x73: {  	_ =	shalt  }
0x74: {  	_ =	shalt  }
0x75: {  	_ =	shalt  }
0x76: {  	_ =	shalt  }
0x77: {  	_ =	shalt  }
0x78: {  	_ =	shalt  }
0x79: {  	_ =	shalt  }
0x7a: {  	_ =	shalt  }
0x7b: {  	_ =	shalt  }
0x7c: {  	_ =	shalt  }
0x7d: {  	_ =	shalt  }
0x7e: {  	_ =	shalt  }
0x7f: {  	_ =	shalt  }
0x80: {  	_ =	shalt  }
0x81: {  	_ =	shalt  }
0x82: {  	_ =	shalt  }
0x83: {  	_ =	shalt  }
0x84: {  	_ =	shalt  }
0x85: {  	_ =	shalt  }
0x86: {  	_ =	shalt  }
0x87: {  	_ =	shalt  }
.Lfunc_end0:
.L_simem_size_0:
called_computation.2_lowered:
.L_overlay_start_0:
0x88: {  	s2 =	sld [smem:$0x3FD9]  }
0x89: {  	s3 =	sld [smem:$0x3FFE];
	_ =	sdelay $0x1  }
0x8a: {  	s1 =	srdreg.scid  }
0x8b: {  	s0 =	sand.u32 $0x1, s1  }
0x8c: {  	s16 =	sshll.u32 s0, $0xA;
	s2 =	sadd.s32 s3, s2  }
0x8d: {  	s2 =	sadd.s32 s2, s16  }
0x8e: {  	[smem:$0x3FBD] =	sst s2  }
0x8f: {  	_ = 	snop  }
0x90: {  	(tm) =	ssettm $0x1  }
0x91: {  	s17 =	sld [smem:$0x3FFB];
	_ =	sdelay $0x3  }
0x92: {  	_ =	strace s17  }
0x93: {  	s2 =	sld [smem:$0x3FFC];
	_ =	sdelay $0x3  }
0x94: {  	_ =	strace s2  }
0x95: {  	s2 =	sld [smem:$0x3FFD];
	_ =	sdelay $0x3  }
0x96: {  	_ =	strace s2  }
0x97: {  	_ =	strace $0x8FFFFFFF  }
0x98: {  	s18 =	sld [smem:$0x3FDB];
	_ =	sdelay $0x1  }
0x99: {  	s19 =	simm.s32 $_scs_section_size  }
0x9a: {  	s4 =	simm.s32 $_size__tile_overlayer_lowered;
	s5 =	simm.s32 $_tile_overlayer_lowered  }
0x9b: {  	s22 =	simm.s32 $0x1BFF;
	s21 =	sshll.u32 s5, $0x1;
	s2 =	sadd.s32 s19, s18  }
0x9c: {  	s6 =	simm.s32 $0x0;
	s20 =	sshll.u32 s4, $0x1;
	s4 =	sadd.s32 s21, s2  }
0x9d: {  	[timem:s6], [sflag:s22] =	dma.local [hbm:s4], s20  }
0x9e: {  	_ =	swait.ge [sflag:s22], s20  }
0x9f: {  	s3 =	ssub.s32 $0x0, s20;
	[sflag:s22] =	ssyncset.done $0x0  }
0xa0: {  	[sflag:s22] =	ssyncadd.s32 s3;
	_ =	sdelay $0x1  }
0xa1: {  	s23 =	simm.s32 $0x1B8B  }
0xa2: {  	_ =	swait.ge [sflag:s23], $0x1  }
0xa3: {  	[sflag:s23] =	ssyncset.done $0x0  }
0xa4: {  	s25 =	simm.s32 $0x1B8E;
	s24 =	sld [smem:$0x3FFE];
	[sflag:s23] =	ssyncadd.s32 $0xFFFFFFFF  }
0xa5: {  	s26 =	simm.s32 $execute0_lowered;
	[smem:$0x3FD2] =	sst s25  }
0xa6: {  	s4 =	sshll.u32 s26, $0x1;
	_ =	strace $0x8000004C;
	[dreg:$0x1] =	wrdreg $0xFFFFFFFF  }
0xa7: {  	s28 =	simm.s32 $_size_execute0_lowered;
	s2 =	sadd.s32 s2, s4;
	[dreg:$0x0] =	wrdreg $0x0  }
0xa8: {  	s4 =	sshll.u32 s28, $0x1;
	[dreg:$0x2] =	wrdreg s2  }
0xa9: {  	[dreg:$0x3] =	wrdreg s4  }
0xaa: {  	[dreg:$0x4] =	wrdreg $0xC0  }
0xab: {  	_ =	task [dreg:s6], $0x5FFFF  }
0xac: {  	[dreg:$0x1] =	wrdreg $0xFFFFFFFF  }
0xad: {  	[dreg:$0x0] =	wrdreg $0x60  }
0xae: {  	[dreg:$0x2] =	wrdreg s24  }
0xaf: {  	[dreg:$0x3] =	wrdreg $0xA0000  }
0xb0: {  	[dreg:$0x4] =	wrdreg $0x9  }
0xb1: {  	_ =	task.clear_ibuf [dreg:s6], $0x5FFFF;
	_ =	strace $0x9000004C  }
0xb2: {  	s29 =	simm.s32 $0x9;
	_ =	strace $0x8000004E  }
0xb3: {  	_ =	swait.ge [sflag:s29], $0x1  }
0xb4: {  	[sflag:s29] =	ssyncadd.s32 $0xFFFFFFFF  }
0xb5: {  	_ =	strace $0x9000004E  }
0xb6: {  	_ =	sfence  }
0xb7: {  	s30 =	sld [smem:$0x0];
	_ =	sdelay $0x2  }
0xb8: {  	s31 =	sshll.u32 s1, $0xD;
	s1 =	sshrl.u32 s1, $0x2  }
0xb9: {  	s3 =	sand.u32 $0x4000, s31;
	s1 =	sadd.s32 s1, s30  }
0xba: {  	s0 =	sor.u32 s3, s0;
	s1 =	sshll.u32 s1, $0x11  }
0xbb: {  	s0 =	sor.u32 s1, s0  }
0xbc: {  	s0 =	sadd.s32 $0x8F2B, s0  }
0xbd: {  	[sflag:s0] =	ssyncadd.remote.s32 $0x1  }
0xbe: {  	_ =	sfence.sel $0xFFFF  }
0xbf: {  	[dreg:$0x0] =	wrdreg $0xFFFFFFFF;
	(pc) =	sbr.abs _section_cstart, $3  }
0xc0: {  	[dreg:$0x1] =	wrdreg $0xFFFFFFFF  }
0xc1: {  	_ =	task.clear_ibuf [dreg:s6], $0x2FFFF;
	_ =	strace $0x9FFFFFFF  }
0xc2: {  	(tm) =	ssettm $0x7FFFFFFF  }
0xc3: {  	_ =	shalt  }
tec
execute0_lowered:
.L_overlay_start_1:
0x0: {  	(tag) =	ssettag $0x1  }
0x1: {  	s5 =	rddreg [dreg:$0x0]  }
0x2: {  	s2 =	rddreg [dreg:$0x1]  }
0x3: {  	s3 =	simm.s32 $0x0;
	s0 =	stileid.u32;
	s4 =	srdreg.scid  }
0x4: {  	s19 =	simm.s32 $0x2000;
	s20 =	simm.s32 $0x80;
	s22 =	simm.s32 $0x1F80  }
0x5: {  	s23 =	simm.s32 $0x6000;
	s24 =	simm.s32 $0x0;
	[smem:$0x7FF] =	sst s3  }
0x6: {  	s6 =	smul.u32 $0x14000, s0;
	s21 =	sand.u32 $0x1, s4;
	s4 =	sadd.s32 $0x16A00, s5  }
0x7: {  	s13 =	sadd.s32 $0xCA00, s5;
	s14 =	sadd.s32 $0x2A00, s5;
	s9 =	smul.u32 $0x50000, s0  }
0x8: {  	s28 =	sshll.u32 s0, $0x6;
	s29 =	sshll.u32 s0, $0x9;
	s11 =	sshll.u32 s0, $0xB  }
0x9: {  	_ =	strace $0x8000004D;
	s7 =	smul.u32 $0x140000, s21;
	s26 =	ssub.s32 $0x2, s21  }
0xa: {  	p0 =	seq.s32 s21, $0x0;
	s30 =	sor.u32 $0x200, s11;
	s12 =	sor.u32 $0x400, s11  }
0xb: {  	s18 =	sor.u32 $0x600, s11;
	s8 =	sshrl.u32 s6, $0x3;
	s10 =	sshrl.u32 s26, $0x1  }
0xc: {  	s9 =	sshrl.u32 s9, $0x2;
	s31 =	sadd.s32 s13, s30;
	s8 =	sadd.s32 s8, s5  }
0xd: {  	s6 =	sadd.s32 s6, s7;
	s16 =	ssub.s32 s26, s10;
	s17 =	sadd.s32 s9, s2  }
0xe: {  	[dreg:$0x3] =	wrdreg s31;
	s10 =	sadd.s32 s14, s30;
	s6 =	sshrl.u32 s6, $0x3  }
0xf: {  	s16 =	smax.u32 s16, $0x1;
	s17 =	sshrl.u32 s17, $0x3;
	s15 =	sadd.s32 s6, s5  }
.Ltmp0:
0x10: {  	s5 =	sadd.s32 $0x3EA00, s8;
	s8 =	sor.u32 $0x8000, s29;
	(pc) =	sbr.rel .LBB2_1-.Ltmp0, $4  }
0x11: {  	s6 =	sor.u32 $0x1C03, s28;
	s8 =	smov.u32 @p0 s11;
	s11 =	sadd.s32 s13, s12  }
0x12: {  	s12 =	sadd.s32 s14, s12;
	s15 =	sadd.s32 $0x66A00, s15;
	p0 =	sne.s32 s21, $0x0  }
0x13: {  	s21 =	simm.s32 $0x2;
	s7 =	sadd.s32 s13, s8;
	s8 =	sadd.s32 s14, s8  }
0x14: {  	s13 =	sadd.s32 s13, s18;
	s14 =	sadd.s32 s14, s18;
	s18 =	simm.s32 $0x3  }
.LBB2_10:
0x15: {  	s0 =	sshll.u32 s31, $0xE;
	[sflag:s18] =	ssyncadd.s32 $0xFFFFC000  }
0x16: {  	s1 =	sadd.s32 $0x1, s31;
	s9 =	sadd.s32 $0x1, s29;
	s0 =	sor.u32 $0x2000, s0  }
0x17: {  	[tilespmem:s0], [sflag:s1] =	stream.indirect.gather [hbm4b:s4+s20], $0x80, s26, s20, $0xb8;
	[tilespmem:$0x1E000] =	vst v63  }
0x18: {  	_ =	swait.ge [sflag:s9], $0x4000  }
0x19: {  	[sflag:s9] =	ssyncset.done $0x0  }
0x1a: {  	s31 =	sor.u32 $0x2000, s28;
	[sflag:s9] =	ssyncadd.s32 $0xFFFFC000  }
0x1b: {  	[spmem:s2] =	stream.indirect.scatter.add.f32 [tilespmem:s31], [sflag:$0x3], $0x80, s25, s20, $0xb8;
	[tilespmem:$0x1E000] =	vst v63  }
0x1c: {  	_ =	swait.ge [sflag:s18], $0x4000  }
0x1d: {  	[sflag:s18] =	ssyncset.done $0x0  }
0x1e: {  	[sflag:s18] =	ssyncadd.s32 $0xFFFFC000  }
0x1f: {  	_ =	swait.ge [sflag:s21], $0x4000  }
0x20: {  	[sflag:s21] =	ssyncset.done $0x0  }
0x21: {  	[sflag:s21] =	ssyncadd.s32 $0xFFFFC000  }
0x22: {  	[spmem:s2] =	stream.indirect.scatter.add.f32 [tilespmem:s23], [sflag:$0x3], $0x80, s22, s20, $0xb8;
	[tilespmem:$0x1E000] =	vst v63  }
0x23: {  	_ =	swait.ge [sflag:s18], $0x4000  }
0x24: {  	[sflag:s18] =	ssyncset.done $0x0  }
0x25: {  	[sflag:s18] =	ssyncadd.s32 $0xFFFFC000  }
.LBB2_11:
0x26: {  	s24 =	sadd.s32 $0x1, s24  }
0x27: {  	p1 =	sne.s32 s24, s16  }
.Ltmp1:
0x28: {  	[bflag:$0x0] =	sbarrier.arrive $0xFFFF;
	(pc) =	sbr.rel @!p1 .LBB2_12-.Ltmp1, $4  }
0x29: {  	[hbm:s15], [sflag:s6] =	dma.local [spmem:s17], $0x2800  }
0x2a: {  	_ =	swait.ge [sflag:s18], $0x2800  }
0x2b: {  	[sflag:s18] =	ssyncset.done $0x0  }
0x2c: {  	[sflag:s18] =	ssyncadd.s32 $0xFFFFD800  }
.LBB2_1:
0x2d: {  	[spmem:s17], [sflag:s6] =	dma.local [hbm:s5], $0x2800  }
0x2e: {  	_ =	swait.ge [sflag:s18], $0x2800  }
0x2f: {  	[sflag:s18] =	ssyncset.done $0x0  }
0x30: {  	[sflag:s18] =	ssyncadd.s32 $0xFFFFD800  }
0x31: {  	[bflag:$0x0] =	sbarrier.arrive $0xFFFF  }
0x32: {  	[tilespmem:s3], [sflag:$0x3] =	stream.linear.gather [hbm4b:s7+s3], $0x1000, $0x38;
	[tilespmem:$0x1E000] =	vst v63  }
0x33: {  	_ =	swait.ge [sflag:s18], $0x1000  }
0x34: {  	[sflag:s18] =	ssyncset.done $0x0  }
0x35: {  	s25 =	simm.s32 $0x1000;
	[sflag:s18] =	ssyncadd.s32 $0xFFFFF000  }
0x36: {  	[tilespmem:s25], [sflag:$0x3] =	stream.linear.gather [hbm4b:s8+s3], $0x1000, $0x38;
	[tilespmem:$0x1E000] =	vst v63  }
0x37: {  	s26 =	sand.u32 $0x1, s3;
	_ =	swait.ge [sflag:s18], $0x1000  }
0x38: {  	s28 =	sxor.u32 $0x1, s26;
	[sflag:s18] =	ssyncset.done $0x0  }
0x39: {  	s29 =	sshll.u32 s28, $0xE;
	[sflag:s18] =	ssyncadd.s32 $0xFFFFF000  }
0x3a: {  	[tilespmem:s19], [sflag:$0x1] =	stream.indirect.gather [hbm4b:s4+s20], $0x80, s3, s20, $0xb8;
	[tilespmem:$0x1E000] =	vst v63  }
0x3b: {  	s31 =	sadd.s32 $0x1, s26;
	s28 =	sadd.s32 $0x1, s28;
	s29 =	sor.u32 $0x2000, s29  }
0x3c: {  	[tilespmem:s29], [sflag:s28] =	stream.indirect.gather [hbm4b:s4+s20], $0x80, s20, s20, $0xb8;
	[tilespmem:$0x1E000] =	vst v63  }
0x3d: {  	s30 =	simm.s32 $0x2;
	_ =	swait.ge [sflag:s31], $0x4000  }
0x3e: {  	s26 =	sshll.u32 s26, $0xE;
	s28 =	simm.s32 $0x1;
	[sflag:s31] =	ssyncset.done $0x0  }
0x3f: {  	s29 =	sor.u32 $0x2000, s26;
	s26 =	simm.s32 $0x100;
	[sflag:s31] =	ssyncadd.s32 $0xFFFFC000  }
0x40: {  	[spmem:s2] =	stream.indirect.scatter.add.f32 [tilespmem:s29], [sflag:$0x3], $0x80, s25, s20, $0xb8;
	[tilespmem:$0x1E000] =	vst v63  }
0x41: {  	s29 =	sand.u32 $0x1, s28;
	s25 =	simm.s32 $0x1080;
	_ =	swait.ge [sflag:s18], $0x4000  }
0x42: {  	s31 =	sxor.u32 $0x1, s29;
	s28 =	sshll.u32 s29, $0xE;
	[sflag:s18] =	ssyncset.done $0x0  }
.LBB2_2:
0x43: {  	s0 =	sshll.u32 s31, $0xE  }
0x44: {  	[sflag:s18] =	ssyncadd.s32 $0xFFFFC000;
	s1 =	smov.u32 s30;
	s9 =	sadd.s32 $0x1, s30  }
0x45: {  	s31 =	sadd.s32 $0x1, s31;
	s29 =	sadd.s32 $0x1, s29;
	s0 =	sor.u32 $0x2000, s0  }
0x46: {  	[tilespmem:s0], [sflag:s31] =	stream.indirect.gather [hbm4b:s4+s20], $0x80, s26, s20, $0xb8;
	[tilespmem:$0x1E000] =	vst v63  }
0x47: {  	p1 =	sne.s32 s30, $0x1E;
	_ =	swait.ge [sflag:s29], $0x4000  }
.Ltmp2:
0x48: {  	s30 =	smov.u32 s9;
	[sflag:s29] =	ssyncset.done $0x0;
	(pc) =	sbr.rel @p1 .LBB2_2-.Ltmp2, $4  }
0x49: {  	s0 =	sor.u32 $0x2000, s28;
	s26 =	sadd.s32 $0x80, s26;
	[sflag:s29] =	ssyncadd.s32 $0xFFFFC000  }
0x4a: {  	[spmem:s2] =	stream.indirect.scatter.add.f32 [tilespmem:s0], [sflag:$0x3], $0x80, s25, s20, $0xb8;
	[tilespmem:$0x1E000] =	vst v63  }
0x4b: {  	s29 =	sand.u32 $0x1, s1;
	s25 =	sadd.s32 $0x80, s25;
	_ =	swait.ge [sflag:s18], $0x4000  }
0x4c: {  	s31 =	sxor.u32 $0x1, s29;
	s28 =	sshll.u32 s29, $0xE;
	[sflag:s18] =	ssyncset.done $0x0  }
0x4d: {  	s0 =	sshll.u32 s31, $0xE;
	[sflag:s18] =	ssyncadd.s32 $0xFFFFC000  }
0x4e: {  	s1 =	sadd.s32 $0x1, s31;
	s9 =	sadd.s32 $0x1, s29;
	s0 =	sor.u32 $0x2000, s0  }
0x4f: {  	[tilespmem:s0], [sflag:s1] =	stream.indirect.gather [hbm4b:s4+s20], $0x80, s26, s20, $0xb8;
	[tilespmem:$0x1E000] =	vst v63  }
0x50: {  	_ =	swait.ge [sflag:s9], $0x4000  }
0x51: {  	[sflag:s9] =	ssyncset.done $0x0  }
0x52: {  	s31 =	sor.u32 $0x2000, s28;
	[sflag:s9] =	ssyncadd.s32 $0xFFFFC000  }
0x53: {  	[spmem:s2] =	stream.indirect.scatter.add.f32 [tilespmem:s31], [sflag:$0x3], $0x80, s25, s20, $0xb8;
	[tilespmem:$0x1E000] =	vst v63  }
0x54: {  	_ =	swait.ge [sflag:s18], $0x4000  }
0x55: {  	[sflag:s18] =	ssyncset.done $0x0  }
0x56: {  	[sflag:s18] =	ssyncadd.s32 $0xFFFFC000  }
0x57: {  	_ =	swait.ge [sflag:s21], $0x4000  }
0x58: {  	[sflag:s21] =	ssyncset.done $0x0  }
.Ltmp3:
0x59: {  	[sflag:s21] =	ssyncadd.s32 $0xFFFFC000;
	(pc) =	sbr.rel @p0 .LBB2_11-.Ltmp3, $4  }
0x5a: {  	[spmem:s2] =	stream.indirect.scatter.add.f32 [tilespmem:s23], [sflag:$0x3], $0x80, s22, s20, $0xb8;
	[tilespmem:$0x1E000] =	vst v63  }
0x5b: {  	_ =	swait.ge [sflag:s18], $0x4000  }
0x5c: {  	[sflag:s18] =	ssyncset.done $0x0  }
0x5d: {  	[sflag:s18] =	ssyncadd.s32 $0xFFFFC000  }
0x5e: {  	s0 =	simm.s32 $0x0;
	s1 =	rddreg [dreg:$0x3]  }
0x5f: {  	[tilespmem:s0], [sflag:$0x3] =	stream.linear.gather [hbm4b:s1+s0], $0x1000, $0x38;
	[tilespmem:$0x1E000] =	vst v63  }
0x60: {  	_ =	swait.ge [sflag:s18], $0x1000  }
0x61: {  	[sflag:s18] =	ssyncset.done $0x0  }
0x62: {  	s1 =	simm.s32 $0x1000;
	[sflag:s18] =	ssyncadd.s32 $0xFFFFF000  }
0x63: {  	[tilespmem:s1], [sflag:$0x3] =	stream.linear.gather [hbm4b:s10+s0], $0x1000, $0x38;
	[tilespmem:$0x1E000] =	vst v63  }
0x64: {  	_ =	swait.ge [sflag:s18], $0x1000  }
0x65: {  	[sflag:s18] =	ssyncset.done $0x0  }
0x66: {  	s9 =	simm.s32 $0x80;
	[sflag:s18] =	ssyncadd.s32 $0xFFFFF000  }
0x67: {  	[tilespmem:s19], [sflag:$0x1] =	stream.indirect.gather [hbm4b:s4+s9], $0x80, s0, s9, $0xb8;
	[tilespmem:$0x1E000] =	vst v63  }
0x68: {  	s0 =	sand.u32 $0x1, s0  }
0x69: {  	s25 =	sxor.u32 $0x1, s0  }
0x6a: {  	s26 =	sshll.u32 s25, $0xE  }
0x6b: {  	s28 =	sadd.s32 $0x1, s0;
	s25 =	sadd.s32 $0x1, s25;
	s26 =	sor.u32 $0x2000, s26  }
0x6c: {  	[tilespmem:s26], [sflag:s25] =	stream.indirect.gather [hbm4b:s4+s20], $0x80, s9, s20, $0xb8;
	[tilespmem:$0x1E000] =	vst v63  }
0x6d: {  	s0 =	sshll.u32 s0, $0xE;
	_ =	swait.ge [sflag:s28], $0x4000  }
0x6e: {  	s30 =	simm.s32 $0x2;
	s0 =	sor.u32 $0x2000, s0;
	[sflag:s28] =	ssyncset.done $0x0  }
0x6f: {  	s25 =	simm.s32 $0x1;
	s26 =	simm.s32 $0x100;
	[sflag:s28] =	ssyncadd.s32 $0xFFFFC000  }
0x70: {  	[spmem:s2] =	stream.indirect.scatter.add.f32 [tilespmem:s0], [sflag:$0x3], $0x80, s1, s20, $0xb8;
	[tilespmem:$0x1E000] =	vst v63  }
0x71: {  	s29 =	sand.u32 $0x1, s25;
	s25 =	simm.s32 $0x1080;
	_ =	swait.ge [sflag:s18], $0x4000  }
0x72: {  	s31 =	sxor.u32 $0x1, s29;
	s28 =	sshll.u32 s29, $0xE;
	[sflag:s18] =	ssyncset.done $0x0  }
.LBB2_5:
0x73: {  	s0 =	sshll.u32 s31, $0xE  }
0x74: {  	[sflag:s18] =	ssyncadd.s32 $0xFFFFC000;
	s1 =	smov.u32 s30;
	s9 =	sadd.s32 $0x1, s30  }
0x75: {  	s31 =	sadd.s32 $0x1, s31;
	s29 =	sadd.s32 $0x1, s29;
	s0 =	sor.u32 $0x2000, s0  }
0x76: {  	[tilespmem:s0], [sflag:s31] =	stream.indirect.gather [hbm4b:s4+s20], $0x80, s26, s20, $0xb8;
	[tilespmem:$0x1E000] =	vst v63  }
0x77: {  	p1 =	sne.s32 s30, $0x1E;
	_ =	swait.ge [sflag:s29], $0x4000  }
.Ltmp4:
0x78: {  	s30 =	smov.u32 s9;
	[sflag:s29] =	ssyncset.done $0x0;
	(pc) =	sbr.rel @p1 .LBB2_5-.Ltmp4, $4  }
0x79: {  	s0 =	sor.u32 $0x2000, s28;
	s26 =	sadd.s32 $0x80, s26;
	[sflag:s29] =	ssyncadd.s32 $0xFFFFC000  }
0x7a: {  	[spmem:s2] =	stream.indirect.scatter.add.f32 [tilespmem:s0], [sflag:$0x3], $0x80, s25, s20, $0xb8;
	[tilespmem:$0x1E000] =	vst v63  }
0x7b: {  	s29 =	sand.u32 $0x1, s1;
	s25 =	sadd.s32 $0x80, s25;
	_ =	swait.ge [sflag:s18], $0x4000  }
0x7c: {  	s31 =	sxor.u32 $0x1, s29;
	s28 =	sshll.u32 s29, $0xE;
	[sflag:s18] =	ssyncset.done $0x0  }
0x7d: {  	s0 =	sshll.u32 s31, $0xE;
	[sflag:s18] =	ssyncadd.s32 $0xFFFFC000  }
0x7e: {  	s1 =	sadd.s32 $0x1, s31;
	s9 =	sadd.s32 $0x1, s29;
	s0 =	sor.u32 $0x2000, s0  }
0x7f: {  	[tilespmem:s0], [sflag:s1] =	stream.indirect.gather [hbm4b:s4+s20], $0x80, s26, s20, $0xb8;
	[tilespmem:$0x1E000] =	vst v63  }
0x80: {  	_ =	swait.ge [sflag:s9], $0x4000  }
0x81: {  	[sflag:s9] =	ssyncset.done $0x0  }
0x82: {  	s1 =	sor.u32 $0x2000, s28;
	[sflag:s9] =	ssyncadd.s32 $0xFFFFC000  }
0x83: {  	[spmem:s2] =	stream.indirect.scatter.add.f32 [tilespmem:s1], [sflag:$0x3], $0x80, s25, s20, $0xb8;
	[tilespmem:$0x1E000] =	vst v63  }
0x84: {  	_ =	swait.ge [sflag:s18], $0x4000  }
0x85: {  	[sflag:s18] =	ssyncset.done $0x0  }
0x86: {  	[sflag:s18] =	ssyncadd.s32 $0xFFFFC000  }
0x87: {  	_ =	swait.ge [sflag:s21], $0x4000  }
0x88: {  	[sflag:s21] =	ssyncset.done $0x0  }
0x89: {  	s0 =	simm.s32 $0x80;
	[sflag:s21] =	ssyncadd.s32 $0xFFFFC000  }
0x8a: {  	[spmem:s2] =	stream.indirect.scatter.add.f32 [tilespmem:s23], [sflag:$0x3], $0x80, s22, s0, $0xb8;
	[tilespmem:$0x1E000] =	vst v63  }
0x8b: {  	_ =	swait.ge [sflag:s18], $0x4000  }
0x8c: {  	[sflag:s18] =	ssyncset.done $0x0  }
0x8d: {  	s26 =	simm.s32 $0x0;
	[sflag:s18] =	ssyncadd.s32 $0xFFFFC000  }
0x8e: {  	[tilespmem:s26], [sflag:$0x3] =	stream.linear.gather [hbm4b:s11+s26], $0x1000, $0x38;
	[tilespmem:$0x1E000] =	vst v63  }
0x8f: {  	_ =	swait.ge [sflag:s18], $0x1000  }
0x90: {  	[sflag:s18] =	ssyncset.done $0x0  }
0x91: {  	s9 =	simm.s32 $0x1000;
	[sflag:s18] =	ssyncadd.s32 $0xFFFFF000  }
0x92: {  	[tilespmem:s9], [sflag:$0x3] =	stream.linear.gather [hbm4b:s12+s26], $0x1000, $0x38;
	[tilespmem:$0x1E000] =	vst v63  }
0x93: {  	_ =	swait.ge [sflag:s18], $0x1000  }
0x94: {  	s1 =	sand.u32 $0x1, s26;
	[sflag:s18] =	ssyncset.done $0x0  }
0x95: {  	s25 =	sxor.u32 $0x1, s1;
	[sflag:s18] =	ssyncadd.s32 $0xFFFFF000  }
0x96: {  	[tilespmem:s19], [sflag:$0x1] =	stream.indirect.gather [hbm4b:s4+s0], $0x80, s26, s0, $0xb8;
	[tilespmem:$0x1E000] =	vst v63  }
0x97: {  	s26 =	sshll.u32 s25, $0xE  }
0x98: {  	s28 =	sadd.s32 $0x1, s1;
	s25 =	sadd.s32 $0x1, s25;
	s26 =	sor.u32 $0x2000, s26  }
0x99: {  	[tilespmem:s26], [sflag:s25] =	stream.indirect.gather [hbm4b:s4+s20], $0x80, s0, s20, $0xb8;
	[tilespmem:$0x1E000] =	vst v63  }
0x9a: {  	s1 =	sshll.u32 s1, $0xE;
	_ =	swait.ge [sflag:s28], $0x4000  }
0x9b: {  	s30 =	simm.s32 $0x2;
	s1 =	sor.u32 $0x2000, s1;
	[sflag:s28] =	ssyncset.done $0x0  }
0x9c: {  	s25 =	simm.s32 $0x1;
	s26 =	simm.s32 $0x100;
	[sflag:s28] =	ssyncadd.s32 $0xFFFFC000  }
0x9d: {  	[spmem:s2] =	stream.indirect.scatter.add.f32 [tilespmem:s1], [sflag:$0x3], $0x80, s9, s20, $0xb8;
	[tilespmem:$0x1E000] =	vst v63  }
0x9e: {  	s29 =	sand.u32 $0x1, s25;
	s25 =	simm.s32 $0x1080;
	_ =	swait.ge [sflag:s18], $0x4000  }
0x9f: {  	s31 =	sxor.u32 $0x1, s29;
	s28 =	sshll.u32 s29, $0xE;
	[sflag:s18] =	ssyncset.done $0x0  }
.LBB2_7:
0xa0: {  	s0 =	sshll.u32 s31, $0xE  }
0xa1: {  	[sflag:s18] =	ssyncadd.s32 $0xFFFFC000;
	s1 =	smov.u32 s30;
	s9 =	sadd.s32 $0x1, s30  }
0xa2: {  	s31 =	sadd.s32 $0x1, s31;
	s29 =	sadd.s32 $0x1, s29;
	s0 =	sor.u32 $0x2000, s0  }
0xa3: {  	[tilespmem:s0], [sflag:s31] =	stream.indirect.gather [hbm4b:s4+s20], $0x80, s26, s20, $0xb8;
	[tilespmem:$0x1E000] =	vst v63  }
0xa4: {  	p1 =	sne.s32 s30, $0x1E;
	_ =	swait.ge [sflag:s29], $0x4000  }
.Ltmp5:
0xa5: {  	s30 =	smov.u32 s9;
	[sflag:s29] =	ssyncset.done $0x0;
	(pc) =	sbr.rel @p1 .LBB2_7-.Ltmp5, $4  }
0xa6: {  	s0 =	sor.u32 $0x2000, s28;
	s26 =	sadd.s32 $0x80, s26;
	[sflag:s29] =	ssyncadd.s32 $0xFFFFC000  }
0xa7: {  	[spmem:s2] =	stream.indirect.scatter.add.f32 [tilespmem:s0], [sflag:$0x3], $0x80, s25, s20, $0xb8;
	[tilespmem:$0x1E000] =	vst v63  }
0xa8: {  	s29 =	sand.u32 $0x1, s1;
	s25 =	sadd.s32 $0x80, s25;
	_ =	swait.ge [sflag:s18], $0x4000  }
0xa9: {  	s31 =	sxor.u32 $0x1, s29;
	s28 =	sshll.u32 s29, $0xE;
	[sflag:s18] =	ssyncset.done $0x0  }
0xaa: {  	s0 =	sshll.u32 s31, $0xE;
	[sflag:s18] =	ssyncadd.s32 $0xFFFFC000  }
0xab: {  	s1 =	sadd.s32 $0x1, s31;
	s9 =	sadd.s32 $0x1, s29;
	s0 =	sor.u32 $0x2000, s0  }
0xac: {  	[tilespmem:s0], [sflag:s1] =	stream.indirect.gather [hbm4b:s4+s20], $0x80, s26, s20, $0xb8;
	[tilespmem:$0x1E000] =	vst v63  }
0xad: {  	_ =	swait.ge [sflag:s9], $0x4000  }
0xae: {  	[sflag:s9] =	ssyncset.done $0x0  }
0xaf: {  	s1 =	sor.u32 $0x2000, s28;
	[sflag:s9] =	ssyncadd.s32 $0xFFFFC000  }
0xb0: {  	[spmem:s2] =	stream.indirect.scatter.add.f32 [tilespmem:s1], [sflag:$0x3], $0x80, s25, s20, $0xb8;
	[tilespmem:$0x1E000] =	vst v63  }
0xb1: {  	_ =	swait.ge [sflag:s18], $0x4000  }
0xb2: {  	[sflag:s18] =	ssyncset.done $0x0  }
0xb3: {  	[sflag:s18] =	ssyncadd.s32 $0xFFFFC000  }
0xb4: {  	_ =	swait.ge [sflag:s21], $0x4000  }
0xb5: {  	[sflag:s21] =	ssyncset.done $0x0  }
0xb6: {  	s0 =	simm.s32 $0x80;
	[sflag:s21] =	ssyncadd.s32 $0xFFFFC000  }
0xb7: {  	[spmem:s2] =	stream.indirect.scatter.add.f32 [tilespmem:s23], [sflag:$0x3], $0x80, s22, s0, $0xb8;
	[tilespmem:$0x1E000] =	vst v63  }
0xb8: {  	_ =	swait.ge [sflag:s18], $0x4000  }
0xb9: {  	[sflag:s18] =	ssyncset.done $0x0  }
0xba: {  	s26 =	simm.s32 $0x0;
	[sflag:s18] =	ssyncadd.s32 $0xFFFFC000  }
0xbb: {  	[tilespmem:s26], [sflag:$0x3] =	stream.linear.gather [hbm4b:s13+s26], $0x1000, $0x38;
	[tilespmem:$0x1E000] =	vst v63  }
0xbc: {  	_ =	swait.ge [sflag:s18], $0x1000  }
0xbd: {  	[sflag:s18] =	ssyncset.done $0x0  }
0xbe: {  	s9 =	simm.s32 $0x1000;
	[sflag:s18] =	ssyncadd.s32 $0xFFFFF000  }
0xbf: {  	[tilespmem:s9], [sflag:$0x3] =	stream.linear.gather [hbm4b:s14+s26], $0x1000, $0x38;
	[tilespmem:$0x1E000] =	vst v63  }
0xc0: {  	_ =	swait.ge [sflag:s18], $0x1000  }
0xc1: {  	s1 =	sand.u32 $0x1, s26;
	[sflag:s18] =	ssyncset.done $0x0  }
0xc2: {  	s25 =	sxor.u32 $0x1, s1;
	[sflag:s18] =	ssyncadd.s32 $0xFFFFF000  }
0xc3: {  	[tilespmem:s19], [sflag:$0x1] =	stream.indirect.gather [hbm4b:s4+s0], $0x80, s26, s0, $0xb8;
	[tilespmem:$0x1E000] =	vst v63  }
0xc4: {  	s26 =	sshll.u32 s25, $0xE  }
0xc5: {  	s28 =	sadd.s32 $0x1, s1;
	s25 =	sadd.s32 $0x1, s25;
	s26 =	sor.u32 $0x2000, s26  }
0xc6: {  	[tilespmem:s26], [sflag:s25] =	stream.indirect.gather [hbm4b:s4+s20], $0x80, s0, s20, $0xb8;
	[tilespmem:$0x1E000] =	vst v63  }
0xc7: {  	s1 =	sshll.u32 s1, $0xE;
	_ =	swait.ge [sflag:s28], $0x4000  }
0xc8: {  	s30 =	simm.s32 $0x2;
	s1 =	sor.u32 $0x2000, s1;
	[sflag:s28] =	ssyncset.done $0x0  }
0xc9: {  	s25 =	simm.s32 $0x1;
	s26 =	simm.s32 $0x100;
	[sflag:s28] =	ssyncadd.s32 $0xFFFFC000  }
0xca: {  	[spmem:s2] =	stream.indirect.scatter.add.f32 [tilespmem:s1], [sflag:$0x3], $0x80, s9, s20, $0xb8;
	[tilespmem:$0x1E000] =	vst v63  }
0xcb: {  	s29 =	sand.u32 $0x1, s25;
	s25 =	simm.s32 $0x1080;
	_ =	swait.ge [sflag:s18], $0x4000  }
0xcc: {  	s31 =	sxor.u32 $0x1, s29;
	s28 =	sshll.u32 s29, $0xE;
	[sflag:s18] =	ssyncset.done $0x0  }
.LBB2_9:
0xcd: {  	s0 =	sshll.u32 s31, $0xE  }
0xce: {  	[sflag:s18] =	ssyncadd.s32 $0xFFFFC000;
	s1 =	smov.u32 s30;
	s9 =	sadd.s32 $0x1, s30  }
0xcf: {  	s31 =	sadd.s32 $0x1, s31;
	s29 =	sadd.s32 $0x1, s29;
	s0 =	sor.u32 $0x2000, s0  }
0xd0: {  	[tilespmem:s0], [sflag:s31] =	stream.indirect.gather [hbm4b:s4+s20], $0x80, s26, s20, $0xb8;
	[tilespmem:$0x1E000] =	vst v63  }
0xd1: {  	p1 =	sne.s32 s30, $0x1E;
	_ =	swait.ge [sflag:s29], $0x4000  }
.Ltmp6:
0xd2: {  	s30 =	smov.u32 s9;
	[sflag:s29] =	ssyncset.done $0x0;
	(pc) =	sbr.rel @p1 .LBB2_9-.Ltmp6, $4  }
0xd3: {  	s0 =	sor.u32 $0x2000, s28;
	s26 =	sadd.s32 $0x80, s26;
	[sflag:s29] =	ssyncadd.s32 $0xFFFFC000  }
0xd4: {  	[spmem:s2] =	stream.indirect.scatter.add.f32 [tilespmem:s0], [sflag:$0x3], $0x80, s25, s20, $0xb8;
	[tilespmem:$0x1E000] =	vst v63  }
0xd5: {  	s29 =	sand.u32 $0x1, s1;
	s25 =	sadd.s32 $0x80, s25;
	_ =	swait.ge [sflag:s18], $0x4000  }
0xd6: {  	s31 =	sxor.u32 $0x1, s29;
	s28 =	sshll.u32 s29, $0xE;
	[sflag:s18] =	ssyncset.done $0x0  }
.Ltmp7:
0xd7: {  	_ = 	snop;
	(pc) =	sbr.rel .LBB2_10-.Ltmp7, $1  }
0xd8: {  	_ =	sdelay $0x3  }
.LBB2_12:
0xd9: {  	_ =	sfence.sel $0x180000  }
0xda: {  	[bflag:$0x0] =	sbarrier.arrive $0xFFFF  }
0xdb: {  	_ =	strace $0x9000004D  }
0xdc: {  	s0 =	stileid.u32;
	[bflag:$0x2] =	sbarrier.arrive $0xFFFF  }
0xdd: {  	p0 =	sne.s32 s0, $0x0;
	s0 =	rddreg [dreg:$0x2]  }
0xde: {  	s0 =	sadd.s32 @!p0 $0x100000, s0  }
0xdf: {  	[sflag:s0] =	ssyncadd.tile.s32 @!p0 $0x1;
	_ =	shalt  }
.Lfunc_end2:
_tile_overlayer_lowered:
.L_overlay_start_2:
0xe0: {  	(tag) =	ssettag $0x2  }
0xe1: {  	s0 =	rddreg [dreg:$0x0];
	s2 =	stileid.u32  }
0xe2: {  	s1 =	rddreg [dreg:$0x1];
	p0 =	sne.s32 s2, $0x0  }
0xe3: {  	s3 =	rddreg [dreg:$0x2];
	[bflag:$0x3] =	sbarrier.arrive $0xFFFF;
	s2 =	simm.s32 @!p0 $0x1C03  }
0xe4: {  	[timem:s3], [sflag:s2] =	dma.local @!p0 [hbm:s0], s1  }
0xe5: {  	s0 =	simm.s32 @!p0 $0x3  }
0xe6: {  	_ =	swait.ge @!p0 [sflag:s0], s1  }
0xe7: {  	s1 =	ssub.s32 @!p0 $0x0, s1;
	[sflag:s0] =	ssyncset.done @!p0 $0x0  }
0xe8: {  	[sflag:s0] =	ssyncadd.s32 @!p0 s1  }
0xe9: {  	[bflag:$0x3] =	sbarrier.arrive $0xFFFF  }
0xea: {  	_ =	shalt  }

</sc_bundles>
